<compile_context>
chip_gen: v7x
topology: tpu7x:2x2x1
jax: 0.10.2.dev20260603
libtpu: 0.0.44.dev20260713+nightly
codegen_flags: <defaults>
</compile_context>

<pallas_src>
import dataclasses
import functools
import math

import jax
import jax.numpy as jnp
import numpy as np
from jax import lax
from jax.experimental import pallas as pl
from jax.experimental.pallas import tpu as pltpu
from jax.experimental.pallas import tpu_sc as plsc

N = 10000
NE = 320000
D = 128
H = 4
DK = D // H
INV_SQRT_DK = 1.0 / math.sqrt(DK)

BN = 1000
BE = 4000

NSC = 2
NSUB = 16
EPT = NE // NSUB
CB = 80
NCH = EPT // CB
NP = 10240
NROW = NP // NSUB



def _qkv_body(h_ref, wq_ref, wk_ref, wv_ref, q_ref, kv_ref):
    hb = h_ref[...].astype(jnp.bfloat16)
    qb = jnp.dot(hb, wq_ref[...].astype(jnp.bfloat16),
                 preferred_element_type=jnp.float32)
    kb = jnp.dot(hb, wk_ref[...].astype(jnp.bfloat16),
                 preferred_element_type=jnp.float32)
    vb = jnp.dot(hb, wv_ref[...].astype(jnp.bfloat16),
                 preferred_element_type=jnp.float32)
    q_ref[0] = qb[:, :64]
    q_ref[1] = qb[:, 64:]
    kv_ref[0] = jnp.concatenate([kb[:, :64], vb[:, :64]], axis=1)
    kv_ref[1] = jnp.concatenate([kb[:, 64:], vb[:, 64:]], axis=1)


def _qkv(h, Wq, Wk, Wv):
    wspec = lambda: pl.BlockSpec((D, D), lambda i: (0, 0))
    return pl.pallas_call(
        _qkv_body,
        grid=(N // BN,),
        in_specs=[pl.BlockSpec((BN, D), lambda i: (i, 0)),
                  wspec(), wspec(), wspec()],
        out_specs=[pl.BlockSpec((2, BN, 64), lambda i: (0, i, 0)),
                   pl.BlockSpec((2, BN, 128), lambda i: (0, i, 0))],
        out_shape=[jax.ShapeDtypeStruct((2, N, 64), jnp.float32),
                   jax.ShapeDtypeStruct((2, N, 128), jnp.float32)],
    )(h, Wq, Wk, Wv)



def _ee_body(e_ref, we_ref, o_ref):
    eb = jnp.dot(e_ref[...].astype(jnp.bfloat16),
                 we_ref[...].astype(jnp.bfloat16),
                 preferred_element_type=jnp.float32)
    eb16 = eb.astype(jnp.bfloat16)
    o_ref[0] = eb16[:, :64]
    o_ref[1] = eb16[:, 64:]


def _ee(e, We):
    return pl.pallas_call(
        _ee_body,
        grid=(NE // BE,),
        in_specs=[pl.BlockSpec((BE, D), lambda i: (i, 0)),
                  pl.BlockSpec((D, D), lambda i: (0, 0))],
        out_specs=pl.BlockSpec((2, BE, 64), lambda i: (0, i, 0)),
        out_shape=jax.ShapeDtypeStruct((2, NE, 64), jnp.bfloat16),
    )(e, We)



def _edge_body(kvt, qt, eet, src_hbm, dst_hbm, acc_hbm,
               srcv0, srcv1, dstv0, dstv1, dsts,
               kvg0, kvg1, qg0, qg1, eev, stage, acc,
               skv0, skv1, sq0, sq1, ssi0, ssi1, sdi0, sdi1, ssc):
    c = lax.axis_index("c")
    s_ = lax.axis_index("s")
    base0 = s_ * EPT

    srcv = (srcv0, srcv1)
    dstv = (dstv0, dstv1)
    kvg = (kvg0, kvg1)
    qg = (qg0, qg1)
    skv = (skv0, skv1)
    sq = (sq0, sq1)
    ssi = (ssi0, ssi1)
    sdi = (sdi0, sdi1)

    def issue_gathers(sl):
        pltpu.async_copy(kvt.at[c].at[srcv[sl]], kvg[sl], skv[sl])
        pltpu.async_copy(qt.at[c].at[dstv[sl]], qg[sl], sq[sl])

    def wait_gathers(sl):
        pltpu.make_async_copy(kvt.at[c].at[srcv[sl]], kvg[sl], skv[sl]).wait()
        pltpu.make_async_copy(qt.at[c].at[dstv[sl]], qg[sl], sq[sl]).wait()

    def issue_idx(sl, base):
        pltpu.async_copy(src_hbm.at[pl.ds(base, CB)], srcv[sl], ssi[sl])
        pltpu.async_copy(dst_hbm.at[pl.ds(base, CB)], dstv[sl], sdi[sl])

    def wait_idx(sl, base):
        pltpu.make_async_copy(src_hbm.at[pl.ds(base, CB)], srcv[sl], ssi[sl]).wait()
        pltpu.make_async_copy(dst_hbm.at[pl.ds(base, CB)], dstv[sl], sdi[sl]).wait()

    pltpu.sync_copy(src_hbm.at[pl.ds(base0, CB)], srcv0)
    pltpu.sync_copy(dst_hbm.at[pl.ds(base0, CB)], dstv0)
    issue_gathers(0)
    issue_idx(1, base0 + CB)

    zvec = jnp.zeros((16,), jnp.float32)

    @pl.loop(0, CB)
    def _zrow(i):
        @pl.loop(0, 8)
        def _zcol(j):
            stage[i, pl.ds(j * 16, 16)] = zvec

    @pl.loop(0, NROW // CB)
    def _zcp(t):
        pltpu.sync_copy(stage, acc.at[pl.ds(s_ * NROW + t * CB, CB)])

    plsc.subcore_barrier()

    @pl.loop(0, NCH, step=2)
    def _pair(ii):
        for sl in (0, 1):
            osl = 1 - sl
            chunk = ii + sl
            base = base0 + chunk * CB

            @pl.when(chunk + 1 < NCH)
            def _a():
                wait_idx(osl, base + CB)
                issue_gathers(osl)

            wait_gathers(sl)
            pltpu.sync_copy(eet.at[c, pl.ds(base, CB)], eev)

            @pl.when(chunk > 0)
            def _e():
                pltpu.make_async_copy(stage, acc.at[dsts], ssc).wait()

            @pl.loop(0, CB // 16)
            def _cp(j):
                dsts[pl.ds(j * 16, 16)] = dstv[sl][pl.ds(j * 16, 16)]

            @pl.when(chunk + 2 < NCH)
            def _g():
                issue_idx(sl, base + 2 * CB)

            @plsc.parallel_loop(0, CB, unroll=8)
            def _edge(j):
                p0 = (kvg[sl][j, pl.ds(0, 16)] * qg[sl][j, pl.ds(0, 16)]
                      + kvg[sl][j, pl.ds(16, 16)] * qg[sl][j, pl.ds(16, 16)])
                s0 = jnp.sum(p0) * INV_SQRT_DK
                p1 = (kvg[sl][j, pl.ds(32, 16)] * qg[sl][j, pl.ds(32, 16)]
                      + kvg[sl][j, pl.ds(48, 16)] * qg[sl][j, pl.ds(48, 16)])
                s1 = jnp.sum(p1) * INV_SQRT_DK
                for t in range(2):
                    sc_ = s0 if t == 0 else s1
                    xi = plsc.bitcast(eev[j, pl.ds(t * 32, 32)], jnp.int32)
                    elo = plsc.bitcast(jnp.left_shift(xi, 16), jnp.float32)
                    ehi = plsc.bitcast(jnp.bitwise_and(xi, jnp.int32(-65536)),
                                       jnp.float32)
                    a0 = jnp.exp(sc_ * (1.0 + elo))
                    a1 = jnp.exp(sc_ * (1.0 + ehi))
                    stage[j, pl.ds(t * 32, 16)] = a0
                    stage[j, pl.ds(t * 32 + 16, 16)] = a1
                    stage[j, pl.ds(64 + t * 32, 16)] = (
                        kvg[sl][j, pl.ds(64 + t * 32, 16)] * a0)
                    stage[j, pl.ds(64 + t * 32 + 16, 16)] = (
                        kvg[sl][j, pl.ds(64 + t * 32 + 16, 16)] * a1)

            pltpu.async_copy(stage, acc.at[dsts], ssc, add=True)

    pltpu.make_async_copy(stage, acc.at[dsts], ssc).wait()
    plsc.subcore_barrier()

    r0 = s_ * NROW
    pltpu.sync_copy(acc.at[pl.ds(r0, NROW)], acc_hbm.at[c, pl.ds(r0, NROW)])


def _edge_stage_sc(KV2, Q2, Ee2, src, dst):
    mesh = plsc.VectorSubcoreMesh(core_axis_name="c", subcore_axis_name="s")
    cp = pltpu.CompilerParams()
    if "needs_layout_passes" in pltpu.CompilerParams.__dataclass_fields__:
        cp = dataclasses.replace(cp, needs_layout_passes=False)
    if "use_tc_tiling_on_sc" in pltpu.CompilerParams.__dataclass_fields__:
        cp = dataclasses.replace(cp, use_tc_tiling_on_sc=False)
    run = pl.kernel(
        _edge_body,
        compiler_params=cp,
        out_type=jax.ShapeDtypeStruct((2, NP, 128), jnp.float32),
        mesh=mesh,
        scratch_types=[
            pltpu.VMEM((CB,), jnp.int32),
            pltpu.VMEM((CB,), jnp.int32),
            pltpu.VMEM((CB,), jnp.int32),
            pltpu.VMEM((CB,), jnp.int32),
            pltpu.VMEM((CB,), jnp.int32),
            pltpu.VMEM((CB, 128), jnp.float32),
            pltpu.VMEM((CB, 128), jnp.float32),
            pltpu.VMEM((CB, 64), jnp.float32),
            pltpu.VMEM((CB, 64), jnp.float32),
            pltpu.VMEM((CB, 64), jnp.bfloat16),
            pltpu.VMEM((CB, 128), jnp.float32),
            pltpu.VMEM_SHARED((NP, 128), jnp.float32),
            pltpu.SemaphoreType.DMA,
            pltpu.SemaphoreType.DMA,
            pltpu.SemaphoreType.DMA,
            pltpu.SemaphoreType.DMA,
            pltpu.SemaphoreType.DMA,
            pltpu.SemaphoreType.DMA,
            pltpu.SemaphoreType.DMA,
            pltpu.SemaphoreType.DMA,
            pltpu.SemaphoreType.DMA,
        ],
    )
    return run(KV2, Q2, Ee2, src, dst)



def _layer_norm(x, g, b):
    mu = jnp.mean(x, axis=-1, keepdims=True)
    xc = x - mu
    var = jnp.mean(xc * xc, axis=-1, keepdims=True)
    return xc * jax.lax.rsqrt(var + 1e-5) * g + b


def _epi_body(h_ref, a_ref, wlin_ref, blin_ref, g1_ref, b1_ref,
              wf1_ref, bf1_ref, wf2_ref, bf2_ref, g2_ref, b2_ref, o_ref):
    z = jnp.concatenate([a_ref[0][:, :64], a_ref[1][:, :64]], axis=-1)
    s = jnp.concatenate([a_ref[0][:, 64:], a_ref[1][:, 64:]], axis=-1)
    h_out = s / jnp.maximum(z, 1e-6)
    hb = h_ref[...]
    hr = hb + jnp.dot(h_out, wlin_ref[...], preferred_element_type=jnp.float32) + blin_ref[...]
    hr = _layer_norm(hr, g1_ref[...], b1_ref[...])
    t = jnp.dot(hr, wf1_ref[...], preferred_element_type=jnp.float32) + bf1_ref[...]
    t = jnp.maximum(t, 0.0)
    h2 = jnp.dot(t, wf2_ref[...], preferred_element_type=jnp.float32) + bf2_ref[...]
    o_ref[...] = _layer_norm(hr + h2, g2_ref[...], b2_ref[...])


def _epilogue(h, A2, Wlin, blin, g1, b1, Wf1, bf1, Wf2, bf2, g2, b2):
    full = lambda r, c: pl.BlockSpec((r, c), lambda i: (0, 0))
    vec = lambda c: pl.BlockSpec((c,), lambda i: (0,))
    return pl.pallas_call(
        _epi_body,
        grid=(N // BN,),
        in_specs=[
            pl.BlockSpec((BN, D), lambda i: (i, 0)),
            pl.BlockSpec((2, BN, 128), lambda i: (0, i, 0)),
            full(D, D), vec(D), vec(D), vec(D),
            full(D, 2 * D), vec(2 * D), full(2 * D, D), vec(D),
            vec(D), vec(D),
        ],
        out_specs=pl.BlockSpec((BN, D), lambda i: (i, 0)),
        out_shape=jax.ShapeDtypeStruct((N, D), jnp.float32),
    )(h, A2, Wlin, blin, g1, b1, Wf1, bf1, Wf2, bf2, g2, b2)


_EE_PERM = np.asarray(
    [32 * (j // 32) + (j % 2) * 16 + (j // 2) % 16 for j in range(128)],
    dtype=np.int32)


def kernel(h, e, edge_index, Wq, Wk, Wv, We, Wlin, blin, g1, b1,
           Wf1, bf1, Wf2, bf2, g2, b2):
    src = edge_index[0]
    dst = edge_index[1]
    We = We[:, _EE_PERM]
    Q2, KV2 = _qkv(h, Wq, Wk, Wv)
    Ee2 = _ee(e, We)
    A2 = _edge_stage_sc(KV2, Q2, Ee2, src, dst)
    return _epilogue(h, A2, Wlin, blin, g1, b1, Wf1, bf1, Wf2, bf2, g2, b2)

# --- scband reference (transcript-rebuilt; emitter-appended) ---
"""Pipeline reference for scband-graph-transformer-layer-61718680043592 (READ-ONLY COPY).

The authoritative reference and input builder live on the scoring server;
editing this copy changes nothing except your own understanding.
"""

import jax, jax.numpy as jnp
import numpy as np
import math

N = 10000
NE = 320000
D = 128
H = 4
DK = D // H


def layer_norm(x, g, b):
    mu = x.mean(-1, keepdims=True)
    var = x.var(-1, keepdims=True)
    return (x - mu) / jnp.sqrt(var + 1e-5) * g + b


def setup_inputs(seed: int = 0):
    key = jax.random.key(seed)
    ks = jax.random.split(key, 12)

    def w(i, shape, s=0.05):
        return jax.random.normal(ks[i], shape, dtype=jnp.float32) * s

    return {
        "h": jax.random.normal(ks[0], (N, D), dtype=jnp.float32),
        "e": jax.random.normal(ks[1], (NE, D), dtype=jnp.float32),
        "edge_index": jax.random.randint(ks[2], (2, NE), 0, N, dtype=jnp.int32),
        "Wq": w(3, (D, D)),
        "Wk": w(4, (D, D)),
        "Wv": w(5, (D, D)),
        "We": w(6, (D, D)),
        "Wlin": w(7, (D, D)),
        "blin": jnp.zeros((D,), jnp.float32),
        "g1": jnp.ones((D,), jnp.float32),
        "b1": jnp.zeros((D,), jnp.float32),
        "Wf1": w(8, (D, 2 * D)),
        "bf1": jnp.zeros((2 * D,), jnp.float32),
        "Wf2": w(9, (2 * D, D)),
        "bf2": jnp.zeros((D,), jnp.float32),
        "g2": jnp.ones((D,), jnp.float32),
        "b2": jnp.zeros((D,), jnp.float32),
    }


def reference(h, e, edge_index, Wq, Wk, Wv, We, Wlin, blin, g1, b1, Wf1, bf1, Wf2, bf2, g2, b2):
    src = edge_index[0]
    dst = edge_index[1]
    Q = (h @ Wq).reshape(N, H, DK)
    K = (h @ Wk).reshape(N, H, DK)
    V = (h @ Wv).reshape(N, H, DK)
    Ee = (e @ We).reshape(NE, H, DK)
    # per-edge score: dot(K_src, Q_dst) / sqrt(dk), broadcast-multiplied by (1 + E)
    score = (K[src] * Q[dst]).sum(-1, keepdims=True) / math.sqrt(DK)
    score = score * (1.0 + Ee)
    # den computed (and clamped) in the original but never used downstream; kept for parity
    den = jnp.clip(jax.ops.segment_sum(score, dst, num_segments=N), 1e-6, None)
    alpha = jnp.exp(score)
    Z = jnp.clip(jax.ops.segment_sum(alpha, dst, num_segments=N), 1e-6, None)
    m = V[src] * alpha
    h_out = jax.ops.segment_sum(m, dst, num_segments=N) / Z
    h_out = h_out.reshape(N, D)
    hr = h + (h_out @ Wlin + blin)
    hr = layer_norm(hr, g1, b1)
    h2 = jax.nn.relu(hr @ Wf1 + bf1) @ Wf2 + bf2
    out = layer_norm(hr + h2, g2, b2)
    return out

if __name__ == "__main__":
    import jax
    _d = setup_inputs()
    print(jax.jit(kernel)(*tuple(_d.values())))

</pallas_src>

<mosaic_0001>
#map = affine_map<(d0, d1) -> (0, 0, 0)>
#map1 = affine_map<(d0, d1) -> (0)>
module attributes {stable_mosaic.version = 14 : i64} {
  func.func @_edge_body(%arg0: i32, %arg1: i32, %arg2: memref<2x10000x128xf32, #tpu.memory_space<hbm>>, %arg3: memref<2x10000x64xf32, #tpu.memory_space<hbm>>, %arg4: memref<2x320000x64xbf16, #tpu.memory_space<hbm>>, %arg5: memref<320000xi32, #tpu.memory_space<hbm>>, %arg6: memref<320000xi32, #tpu.memory_space<hbm>>, %arg7: memref<2x10240x128xf32, #tpu.memory_space<hbm>>, %arg8: memref<80xi32, #tpu.memory_space<vmem>>, %arg9: memref<80xi32, #tpu.memory_space<vmem>>, %arg10: memref<80xi32, #tpu.memory_space<vmem>>, %arg11: memref<80xi32, #tpu.memory_space<vmem>>, %arg12: memref<80xi32, #tpu.memory_space<vmem>>, %arg13: memref<80x128xf32, #tpu.memory_space<vmem>>, %arg14: memref<80x128xf32, #tpu.memory_space<vmem>>, %arg15: memref<80x64xf32, #tpu.memory_space<vmem>>, %arg16: memref<80x64xf32, #tpu.memory_space<vmem>>, %arg17: memref<80x64xbf16, #tpu.memory_space<vmem>>, %arg18: memref<80x128xf32, #tpu.memory_space<vmem>>, %arg19: memref<10240x128xf32, #tpu.memory_space<vmem_shared>>, %arg20: memref<!tpu.dma_semaphore, #tpu.memory_space<semaphore_mem>>, %arg21: memref<!tpu.dma_semaphore, #tpu.memory_space<semaphore_mem>>, %arg22: memref<!tpu.dma_semaphore, #tpu.memory_space<semaphore_mem>>, %arg23: memref<!tpu.dma_semaphore, #tpu.memory_space<semaphore_mem>>, %arg24: memref<!tpu.dma_semaphore, #tpu.memory_space<semaphore_mem>>, %arg25: memref<!tpu.dma_semaphore, #tpu.memory_space<semaphore_mem>>, %arg26: memref<!tpu.dma_semaphore, #tpu.memory_space<semaphore_mem>>, %arg27: memref<!tpu.dma_semaphore, #tpu.memory_space<semaphore_mem>>, %arg28: memref<!tpu.dma_semaphore, #tpu.memory_space<semaphore_mem>>) attributes {dimension_semantics = [#tpu.dimension_semantics<core_parallel>, #tpu.dimension_semantics<subcore_parallel>], iteration_bounds = array<i64: 2, 16>, scalar_prefetch = 0 : i64, scratch_operands = 21 : i64, tpu.core_type = #tpu.core_type<sc_vector_subcore>, window_params = [{transform_indices = #map}, {transform_indices = #map}, {transform_indices = #map}, {transform_indices = #map1}, {transform_indices = #map1}, {transform_indices = #map}]} {
    %mul3A = arith.constant 20000 : i32
    %mul3A_0 = arith.muli %arg1, %mul3A : i32
    "tpu.region"() ({
      %run_scoped3A = tpu.sem_alloc : memref<!tpu.dma_semaphore, #tpu.memory_space<semaphore_mem>>
      %dma_start3A_39 = tpu.memref_slice %arg5[%mul3A_0] : memref<320000xi32, #tpu.memory_space<hbm>> -> memref<80xi32, #tpu.memory_space<hbm>>
      %dma_start3A_40 = tpu.memref_slice %arg5[%mul3A_0] : memref<320000xi32, #tpu.memory_space<hbm>> -> memref<80xi32, #tpu.memory_space<hbm>>
      tpu.enqueue_dma source(%dma_start3A_40 : memref<80xi32, #tpu.memory_space<hbm>>) target(%arg8 : memref<80xi32, #tpu.memory_space<vmem>>) target_semaphore(%run_scoped3A : memref<!tpu.dma_semaphore, #tpu.memory_space<semaphore_mem>>)
      %dma_wait3A_41 = tpu.memref_slice %arg5[%mul3A_0] : memref<320000xi32, #tpu.memory_space<hbm>> -> memref<80xi32, #tpu.memory_space<hbm>>
      %dma_wait3A_42 = tpu.memref_slice %arg5[%mul3A_0] : memref<320000xi32, #tpu.memory_space<hbm>> -> memref<80xi32, #tpu.memory_space<hbm>>
      tpu.wait_dma2 semaphore(%run_scoped3A : memref<!tpu.dma_semaphore, #tpu.memory_space<semaphore_mem>>) src(%dma_wait3A_42 : memref<80xi32, #tpu.memory_space<hbm>>) dst(%arg8 : memref<80xi32, #tpu.memory_space<vmem>>)
      tpu.yield
    }) : () -> ()
    "tpu.region"() ({
      %run_scoped3A = tpu.sem_alloc : memref<!tpu.dma_semaphore, #tpu.memory_space<semaphore_mem>>
      %dma_start3A_39 = tpu.memref_slice %arg6[%mul3A_0] : memref<320000xi32, #tpu.memory_space<hbm>> -> memref<80xi32, #tpu.memory_space<hbm>>
      %dma_start3A_40 = tpu.memref_slice %arg6[%mul3A_0] : memref<320000xi32, #tpu.memory_space<hbm>> -> memref<80xi32, #tpu.memory_space<hbm>>
      tpu.enqueue_dma source(%dma_start3A_40 : memref<80xi32, #tpu.memory_space<hbm>>) target(%arg10 : memref<80xi32, #tpu.memory_space<vmem>>) target_semaphore(%run_scoped3A : memref<!tpu.dma_semaphore, #tpu.memory_space<semaphore_mem>>)
      %dma_wait3A_41 = tpu.memref_slice %arg6[%mul3A_0] : memref<320000xi32, #tpu.memory_space<hbm>> -> memref<80xi32, #tpu.memory_space<hbm>>
      %dma_wait3A_42 = tpu.memref_slice %arg6[%mul3A_0] : memref<320000xi32, #tpu.memory_space<hbm>> -> memref<80xi32, #tpu.memory_space<hbm>>
      tpu.wait_dma2 semaphore(%run_scoped3A : memref<!tpu.dma_semaphore, #tpu.memory_space<semaphore_mem>>) src(%dma_wait3A_42 : memref<80xi32, #tpu.memory_space<hbm>>) dst(%arg10 : memref<80xi32, #tpu.memory_space<vmem>>)
      tpu.yield
    }) : () -> ()
    %dma_start3A = arith.constant 0 : i32
    %dma_start3A_1 = arith.constant 0 : i32
    %dma_start3A_2 = tpu.memref_slice %arg2[%arg0, %dma_start3A, %dma_start3A_1] : memref<2x10000x128xf32, #tpu.memory_space<hbm>> -> memref<1x10000x128xf32, #tpu.memory_space<hbm>>
    %dma_start3A_3 = tpu.memref_squeeze %dma_start3A_2 : memref<1x10000x128xf32, #tpu.memory_space<hbm>> -> memref<10000x128xf32, #tpu.memory_space<hbm>>
    %dma_start3A_4 = arith.constant 0 : i32
    %dma_start3A_5 = arith.constant 0 : i32
    %dma_start3A_6 = tpu.memref_slice %dma_start3A_3[%dma_start3A_4, %dma_start3A_5] : memref<10000x128xf32, #tpu.memory_space<hbm>> -> memref<10000x128xf32, #tpu.memory_space<hbm>>
    tpu.enqueue_indirect_dma source(%dma_start3A_6 : memref<10000x128xf32, #tpu.memory_space<hbm>>) target(%arg13 : memref<80x128xf32, #tpu.memory_space<vmem>>) offsets(%arg8 : memref<80xi32, #tpu.memory_space<vmem>>) semaphore(%arg20 : memref<!tpu.dma_semaphore, #tpu.memory_space<semaphore_mem>>)
    %dma_start3A_7 = arith.constant 0 : i32
    %dma_start3A_8 = arith.constant 0 : i32
    %dma_start3A_9 = tpu.memref_slice %arg3[%arg0, %dma_start3A_7, %dma_start3A_8] : memref<2x10000x64xf32, #tpu.memory_space<hbm>> -> memref<1x10000x64xf32, #tpu.memory_space<hbm>>
    %dma_start3A_10 = tpu.memref_squeeze %dma_start3A_9 : memref<1x10000x64xf32, #tpu.memory_space<hbm>> -> memref<10000x64xf32, #tpu.memory_space<hbm>>
    %dma_start3A_11 = arith.constant 0 : i32
    %dma_start3A_12 = arith.constant 0 : i32
    %dma_start3A_13 = tpu.memref_slice %dma_start3A_10[%dma_start3A_11, %dma_start3A_12] : memref<10000x64xf32, #tpu.memory_space<hbm>> -> memref<10000x64xf32, #tpu.memory_space<hbm>>
    tpu.enqueue_indirect_dma source(%dma_start3A_13 : memref<10000x64xf32, #tpu.memory_space<hbm>>) target(%arg15 : memref<80x64xf32, #tpu.memory_space<vmem>>) offsets(%arg10 : memref<80xi32, #tpu.memory_space<vmem>>) semaphore(%arg22 : memref<!tpu.dma_semaphore, #tpu.memory_space<semaphore_mem>>)
    %add3A = arith.constant 80 : i32
    %add3A_14 = arith.addi %mul3A_0, %add3A : i32
    %dma_start3A_15 = tpu.memref_slice %arg5[%add3A_14] : memref<320000xi32, #tpu.memory_space<hbm>> -> memref<80xi32, #tpu.memory_space<hbm>>
    %dma_start3A_16 = tpu.memref_slice %arg5[%add3A_14] : memref<320000xi32, #tpu.memory_space<hbm>> -> memref<80xi32, #tpu.memory_space<hbm>>
    tpu.enqueue_dma source(%dma_start3A_16 : memref<80xi32, #tpu.memory_space<hbm>>) target(%arg9 : memref<80xi32, #tpu.memory_space<vmem>>) target_semaphore(%arg25 : memref<!tpu.dma_semaphore, #tpu.memory_space<semaphore_mem>>)
    %dma_start3A_17 = tpu.memref_slice %arg6[%add3A_14] : memref<320000xi32, #tpu.memory_space<hbm>> -> memref<80xi32, #tpu.memory_space<hbm>>
    %dma_start3A_18 = tpu.memref_slice %arg6[%add3A_14] : memref<320000xi32, #tpu.memory_space<hbm>> -> memref<80xi32, #tpu.memory_space<hbm>>
    tpu.enqueue_dma source(%dma_start3A_18 : memref<80xi32, #tpu.memory_space<hbm>>) target(%arg11 : memref<80xi32, #tpu.memory_space<vmem>>) target_semaphore(%arg27 : memref<!tpu.dma_semaphore, #tpu.memory_space<semaphore_mem>>)
    %broadcast_in_dim3A = arith.constant 0.000000e+00 : f32
    %broadcast_in_dim3A_19 = vector.broadcast %broadcast_in_dim3A : f32 to vector<16xf32>
    %scan3A = arith.constant 0 : i32
    %scan3A_20 = arith.constant 80 : i32
    %scan3A_21 = arith.addi %scan3A, %scan3A_20 : i32
    %scan3A_22 = arith.constant 1 : i32
    scf.for %scan3A_39 = %scan3A to %scan3A_21 step %scan3A_22  : i32 {
      %mul3A_40 = arith.constant 1 : i32
      %mul3A_41 = arith.muli %scan3A_39, %mul3A_40 : i32
      %add3A_42 = arith.constant 0 : i32
      %add3A_43 = arith.addi %add3A_42, %mul3A_41 : i32
      %scan3A_44 = arith.constant 0 : i32
      %scan3A_45 = arith.constant 8 : i32
      %scan3A_46 = arith.addi %scan3A_44, %scan3A_45 : i32
      %scan3A_47 = arith.constant 1 : i32
      scf.for %scan3A_49 = %scan3A_44 to %scan3A_46 step %scan3A_47  : i32 {
        %mul3A_50 = arith.constant 1 : i32
        %mul3A_51 = arith.muli %scan3A_49, %mul3A_50 : i32
        %add3A_52 = arith.constant 0 : i32
        %add3A_53 = arith.addi %add3A_52, %mul3A_51 : i32
        %mul3A_54 = arith.constant 16 : i32
        %mul3A_55 = arith.muli %add3A_53, %mul3A_54 : i32
        %swap3A = arith.index_cast %add3A_43 : i32 to index
        %swap3A_56 = arith.index_cast %mul3A_55 : i32 to index
        %swap3A_57 = tpu.vector_load %arg18[%swap3A, %swap3A_56] {strides = array<i32>} : memref<80x128xf32, #tpu.memory_space<vmem>>, vector<16xf32>,
        tpu.vector_store %arg18[%swap3A, %swap3A_56], %broadcast_in_dim3A_19 {strides = array<i32>} : memref<80x128xf32, #tpu.memory_space<vmem>>, vector<16xf32>,
      }
      %scan3A_48 = arith.constant 8 : i32
    }
    %scan3A_23 = arith.constant 80 : i32
    %scan3A_24 = arith.constant 0 : i32
    %scan3A_25 = arith.constant 8 : i32
    %scan3A_26 = arith.addi %scan3A_24, %scan3A_25 : i32
    %scan3A_27 = arith.constant 1 : i32
    scf.for %scan3A_39 = %scan3A_24 to %scan3A_26 step %scan3A_27  : i32 {
      %mul3A_40 = arith.constant 1 : i32
      %mul3A_41 = arith.muli %scan3A_39, %mul3A_40 : i32
      %add3A_42 = arith.constant 0 : i32
      %add3A_43 = arith.addi %add3A_42, %mul3A_41 : i32
      %mul3A_44 = arith.constant 640 : i32
      %mul3A_45 = arith.muli %arg1, %mul3A_44 : i32
      %mul3A_46 = arith.constant 80 : i32
      %mul3A_47 = arith.muli %add3A_43, %mul3A_46 : i32
      %add3A_48 = arith.addi %mul3A_45, %mul3A_47 : i32
      "tpu.region"() ({
        %run_scoped3A = tpu.sem_alloc : memref<!tpu.dma_semaphore, #tpu.memory_space<semaphore_mem>>
        %dma_start3A_49 = arith.constant 0 : i32
        %dma_start3A_50 = tpu.memref_slice %arg19[%add3A_48, %dma_start3A_49] : memref<10240x128xf32, #tpu.memory_space<vmem_shared>> -> memref<80x128xf32, #tpu.memory_space<vmem_shared>>
        %dma_start3A_51 = arith.constant 0 : i32
        %dma_start3A_52 = tpu.memref_slice %arg19[%add3A_48, %dma_start3A_51] : memref<10240x128xf32, #tpu.memory_space<vmem_shared>> -> memref<80x128xf32, #tpu.memory_space<vmem_shared>>
        tpu.enqueue_dma source(%arg18 : memref<80x128xf32, #tpu.memory_space<vmem>>) target(%dma_start3A_52 : memref<80x128xf32, #tpu.memory_space<vmem_shared>>) target_semaphore(%run_scoped3A : memref<!tpu.dma_semaphore, #tpu.memory_space<semaphore_mem>>)
        %dma_wait3A_53 = arith.constant 0 : i32
        %dma_wait3A_54 = tpu.memref_slice %arg19[%add3A_48, %dma_wait3A_53] : memref<10240x128xf32, #tpu.memory_space<vmem_shared>> -> memref<80x128xf32, #tpu.memory_space<vmem_shared>>
        %dma_wait3A_55 = arith.constant 0 : i32
        %dma_wait3A_56 = tpu.memref_slice %arg19[%add3A_48, %dma_wait3A_55] : memref<10240x128xf32, #tpu.memory_space<vmem_shared>> -> memref<80x128xf32, #tpu.memory_space<vmem_shared>>
        tpu.wait_dma2 semaphore(%run_scoped3A : memref<!tpu.dma_semaphore, #tpu.memory_space<semaphore_mem>>) src(%arg18 : memref<80x128xf32, #tpu.memory_space<vmem>>) dst(%dma_wait3A_56 : memref<80x128xf32, #tpu.memory_space<vmem_shared>>)
        tpu.yield
      }) : () -> ()
    }
    %scan3A_28 = arith.constant 8 : i32
    %barrier3A = arith.constant 0 : index
    tpu.barrier barrier_id(%barrier3A)
    %scan3A_29 = arith.constant 0 : i32
    %scan3A_30 = arith.constant 125 : i32
    %scan3A_31 = arith.addi %scan3A_29, %scan3A_30 : i32
    %scan3A_32 = arith.constant 1 : i32
    scf.for %scan3A_39 = %scan3A_29 to %scan3A_31 step %scan3A_32  : i32 {
      %mul3A_40 = arith.constant 2 : i32
      %mul3A_41 = arith.muli %scan3A_39, %mul3A_40 : i32
      %add3A_42 = arith.constant 0 : i32
      %add3A_43 = arith.addi %add3A_42, %mul3A_41 : i32
      %add3A_44 = arith.constant 0 : i32
      %add3A_45 = arith.addi %add3A_43, %add3A_44 : i32
      %mul3A_46 = arith.constant 80 : i32
      %mul3A_47 = arith.muli %add3A_45, %mul3A_46 : i32
      %add3A_48 = arith.addi %mul3A_0, %mul3A_47 : i32
      %add3A_49 = arith.constant 1 : i32
      %add3A_50 = arith.addi %add3A_45, %add3A_49 : i32
      %lt3A = arith.constant 250 : i32
      %lt3A_51 = arith.cmpi slt, %add3A_50, %lt3A : i32
      %convert_element_type3A = arith.extui %lt3A_51 : i1 to i32
      %cond3A = arith.constant 0 : i32
      %cond3A_52 = arith.cmpi ne, %convert_element_type3A, %cond3A : i32
      scf.if %cond3A_52 {
        %add3A_137 = arith.constant 80 : i32
        %add3A_138 = arith.addi %add3A_48, %add3A_137 : i32
        %dma_wait3A_139 = tpu.memref_slice %arg5[%add3A_138] : memref<320000xi32, #tpu.memory_space<hbm>> -> memref<80xi32, #tpu.memory_space<hbm>>
        %dma_wait3A_140 = tpu.memref_slice %arg5[%add3A_138] : memref<320000xi32, #tpu.memory_space<hbm>> -> memref<80xi32, #tpu.memory_space<hbm>>
        tpu.wait_dma2 semaphore(%arg25 : memref<!tpu.dma_semaphore, #tpu.memory_space<semaphore_mem>>) src(%dma_wait3A_140 : memref<80xi32, #tpu.memory_space<hbm>>) dst(%arg9 : memref<80xi32, #tpu.memory_space<vmem>>)
        %dma_wait3A_141 = tpu.memref_slice %arg6[%add3A_138] : memref<320000xi32, #tpu.memory_space<hbm>> -> memref<80xi32, #tpu.memory_space<hbm>>
        %dma_wait3A_142 = tpu.memref_slice %arg6[%add3A_138] : memref<320000xi32, #tpu.memory_space<hbm>> -> memref<80xi32, #tpu.memory_space<hbm>>
        tpu.wait_dma2 semaphore(%arg27 : memref<!tpu.dma_semaphore, #tpu.memory_space<semaphore_mem>>) src(%dma_wait3A_142 : memref<80xi32, #tpu.memory_space<hbm>>) dst(%arg11 : memref<80xi32, #tpu.memory_space<vmem>>)
        %dma_start3A_143 = arith.constant 0 : i32
        %dma_start3A_144 = arith.constant 0 : i32
        %dma_start3A_145 = tpu.memref_slice %arg2[%arg0, %dma_start3A_143, %dma_start3A_144] : memref<2x10000x128xf32, #tpu.memory_space<hbm>> -> memref<1x10000x128xf32, #tpu.memory_space<hbm>>
        %dma_start3A_146 = tpu.memref_squeeze %dma_start3A_145 : memref<1x10000x128xf32, #tpu.memory_space<hbm>> -> memref<10000x128xf32, #tpu.memory_space<hbm>>
        %dma_start3A_147 = arith.constant 0 : i32
        %dma_start3A_148 = arith.constant 0 : i32
        %dma_start3A_149 = tpu.memref_slice %dma_start3A_146[%dma_start3A_147, %dma_start3A_148] : memref<10000x128xf32, #tpu.memory_space<hbm>> -> memref<10000x128xf32, #tpu.memory_space<hbm>>
        tpu.enqueue_indirect_dma source(%dma_start3A_149 : memref<10000x128xf32, #tpu.memory_space<hbm>>) target(%arg14 : memref<80x128xf32, #tpu.memory_space<vmem>>) offsets(%arg9 : memref<80xi32, #tpu.memory_space<vmem>>) semaphore(%arg21 : memref<!tpu.dma_semaphore, #tpu.memory_space<semaphore_mem>>)
        %dma_start3A_150 = arith.constant 0 : i32
        %dma_start3A_151 = arith.constant 0 : i32
        %dma_start3A_152 = tpu.memref_slice %arg3[%arg0, %dma_start3A_150, %dma_start3A_151] : memref<2x10000x64xf32, #tpu.memory_space<hbm>> -> memref<1x10000x64xf32, #tpu.memory_space<hbm>>
        %dma_start3A_153 = tpu.memref_squeeze %dma_start3A_152 : memref<1x10000x64xf32, #tpu.memory_space<hbm>> -> memref<10000x64xf32, #tpu.memory_space<hbm>>
        %dma_start3A_154 = arith.constant 0 : i32
        %dma_start3A_155 = arith.constant 0 : i32
        %dma_start3A_156 = tpu.memref_slice %dma_start3A_153[%dma_start3A_154, %dma_start3A_155] : memref<10000x64xf32, #tpu.memory_space<hbm>> -> memref<10000x64xf32, #tpu.memory_space<hbm>>
        tpu.enqueue_indirect_dma source(%dma_start3A_156 : memref<10000x64xf32, #tpu.memory_space<hbm>>) target(%arg16 : memref<80x64xf32, #tpu.memory_space<vmem>>) offsets(%arg11 : memref<80xi32, #tpu.memory_space<vmem>>) semaphore(%arg23 : memref<!tpu.dma_semaphore, #tpu.memory_space<semaphore_mem>>)
      } else {
      }
      %dma_wait3A_53 = arith.constant 0 : i32
      %dma_wait3A_54 = arith.constant 0 : i32
      %dma_wait3A_55 = tpu.memref_slice %arg2[%arg0, %dma_wait3A_53, %dma_wait3A_54] : memref<2x10000x128xf32, #tpu.memory_space<hbm>> -> memref<1x10000x128xf32, #tpu.memory_space<hbm>>
      %dma_wait3A_56 = tpu.memref_squeeze %dma_wait3A_55 : memref<1x10000x128xf32, #tpu.memory_space<hbm>> -> memref<10000x128xf32, #tpu.memory_space<hbm>>
      %dma_wait3A_57 = arith.constant 0 : i32
      %dma_wait3A_58 = arith.constant 0 : i32
      %dma_wait3A_59 = tpu.memref_slice %dma_wait3A_56[%dma_wait3A_57, %dma_wait3A_58] : memref<10000x128xf32, #tpu.memory_space<hbm>> -> memref<10000x128xf32, #tpu.memory_space<hbm>>
      tpu.wait_indirect_dma semaphore(%arg20 : memref<!tpu.dma_semaphore, #tpu.memory_space<semaphore_mem>>) src(%dma_wait3A_59 : memref<10000x128xf32, #tpu.memory_space<hbm>>) dst(%arg13 : memref<80x128xf32, #tpu.memory_space<vmem>>)
      %dma_wait3A_60 = arith.constant 0 : i32
      %dma_wait3A_61 = arith.constant 0 : i32
      %dma_wait3A_62 = tpu.memref_slice %arg3[%arg0, %dma_wait3A_60, %dma_wait3A_61] : memref<2x10000x64xf32, #tpu.memory_space<hbm>> -> memref<1x10000x64xf32, #tpu.memory_space<hbm>>
      %dma_wait3A_63 = tpu.memref_squeeze %dma_wait3A_62 : memref<1x10000x64xf32, #tpu.memory_space<hbm>> -> memref<10000x64xf32, #tpu.memory_space<hbm>>
      %dma_wait3A_64 = arith.constant 0 : i32
      %dma_wait3A_65 = arith.constant 0 : i32
      %dma_wait3A_66 = tpu.memref_slice %dma_wait3A_63[%dma_wait3A_64, %dma_wait3A_65] : memref<10000x64xf32, #tpu.memory_space<hbm>> -> memref<10000x64xf32, #tpu.memory_space<hbm>>
      tpu.wait_indirect_dma semaphore(%arg22 : memref<!tpu.dma_semaphore, #tpu.memory_space<semaphore_mem>>) src(%dma_wait3A_66 : memref<10000x64xf32, #tpu.memory_space<hbm>>) dst(%arg15 : memref<80x64xf32, #tpu.memory_space<vmem>>)
      "tpu.region"() ({
        %run_scoped3A = tpu.sem_alloc : memref<!tpu.dma_semaphore, #tpu.memory_space<semaphore_mem>>
        %dma_start3A_137 = arith.constant 0 : i32
        %dma_start3A_138 = tpu.memref_slice %arg4[%arg0, %add3A_48, %dma_start3A_137] : memref<2x320000x64xbf16, #tpu.memory_space<hbm>> -> memref<1x80x64xbf16, #tpu.memory_space<hbm>>
        %dma_start3A_139 = tpu.memref_squeeze %dma_start3A_138 : memref<1x80x64xbf16, #tpu.memory_space<hbm>> -> memref<80x64xbf16, #tpu.memory_space<hbm>>
        %dma_start3A_140 = arith.constant 0 : i32
        %dma_start3A_141 = tpu.memref_slice %arg4[%arg0, %add3A_48, %dma_start3A_140] : memref<2x320000x64xbf16, #tpu.memory_space<hbm>> -> memref<1x80x64xbf16, #tpu.memory_space<hbm>>
        %dma_start3A_142 = tpu.memref_squeeze %dma_start3A_141 : memref<1x80x64xbf16, #tpu.memory_space<hbm>> -> memref<80x64xbf16, #tpu.memory_space<hbm>>
        tpu.enqueue_dma source(%dma_start3A_142 : memref<80x64xbf16, #tpu.memory_space<hbm>>) target(%arg17 : memref<80x64xbf16, #tpu.memory_space<vmem>>) target_semaphore(%run_scoped3A : memref<!tpu.dma_semaphore, #tpu.memory_space<semaphore_mem>>)
        %dma_wait3A_143 = arith.constant 0 : i32
        %dma_wait3A_144 = tpu.memref_slice %arg4[%arg0, %add3A_48, %dma_wait3A_143] : memref<2x320000x64xbf16, #tpu.memory_space<hbm>> -> memref<1x80x64xbf16, #tpu.memory_space<hbm>>
        %dma_wait3A_145 = tpu.memref_squeeze %dma_wait3A_144 : memref<1x80x64xbf16, #tpu.memory_space<hbm>> -> memref<80x64xbf16, #tpu.memory_space<hbm>>
        %dma_wait3A_146 = arith.constant 0 : i32
        %dma_wait3A_147 = tpu.memref_slice %arg4[%arg0, %add3A_48, %dma_wait3A_146] : memref<2x320000x64xbf16, #tpu.memory_space<hbm>> -> memref<1x80x64xbf16, #tpu.memory_space<hbm>>
        %dma_wait3A_148 = tpu.memref_squeeze %dma_wait3A_147 : memref<1x80x64xbf16, #tpu.memory_space<hbm>> -> memref<80x64xbf16, #tpu.memory_space<hbm>>
        tpu.wait_dma2 semaphore(%run_scoped3A : memref<!tpu.dma_semaphore, #tpu.memory_space<semaphore_mem>>) src(%dma_wait3A_148 : memref<80x64xbf16, #tpu.memory_space<hbm>>) dst(%arg17 : memref<80x64xbf16, #tpu.memory_space<vmem>>)
        tpu.yield
      }) : () -> ()
      %gt3A = arith.constant 0 : i32
      %gt3A_67 = arith.cmpi sgt, %add3A_45, %gt3A : i32
      %convert_element_type3A_68 = arith.extui %gt3A_67 : i1 to i32
      %cond3A_69 = arith.constant 0 : i32
      %cond3A_70 = arith.cmpi ne, %convert_element_type3A_68, %cond3A_69 : i32
      scf.if %cond3A_70 {
        %dma_wait3A_137 = arith.constant 0 : i32
        %dma_wait3A_138 = arith.constant 0 : i32
        %dma_wait3A_139 = tpu.memref_slice %arg19[%dma_wait3A_137, %dma_wait3A_138] : memref<10240x128xf32, #tpu.memory_space<vmem_shared>> -> memref<10240x128xf32, #tpu.memory_space<vmem_shared>>
        tpu.wait_indirect_dma semaphore(%arg28 : memref<!tpu.dma_semaphore, #tpu.memory_space<semaphore_mem>>) src(%arg18 : memref<80x128xf32, #tpu.memory_space<vmem>>) dst(%dma_wait3A_139 : memref<10240x128xf32, #tpu.memory_space<vmem_shared>>)
      } else {
      }
      %scan3A_71 = arith.constant 0 : i32
      %scan3A_72 = arith.constant 5 : i32
      %scan3A_73 = arith.addi %scan3A_71, %scan3A_72 : i32
      %scan3A_74 = arith.constant 1 : i32
      scf.for %scan3A_137 = %scan3A_71 to %scan3A_73 step %scan3A_74  : i32 {
        %mul3A_138 = arith.constant 1 : i32
        %mul3A_139 = arith.muli %scan3A_137, %mul3A_138 : i32
        %add3A_140 = arith.constant 0 : i32
        %add3A_141 = arith.addi %add3A_140, %mul3A_139 : i32
        %mul3A_142 = arith.constant 16 : i32
        %mul3A_143 = arith.muli %add3A_141, %mul3A_142 : i32
        %get3A = arith.index_cast %mul3A_143 : i32 to index
        %get3A_144 = tpu.vector_load %arg10[%get3A] {strides = array<i32>} : memref<80xi32, #tpu.memory_space<vmem>>, vector<16xi32>,
        %mul3A_145 = arith.constant 16 : i32
        %mul3A_146 = arith.muli %add3A_141, %mul3A_145 : i32
        %swap3A = arith.index_cast %mul3A_146 : i32 to index
        %swap3A_147 = tpu.vector_load %arg12[%swap3A] {strides = array<i32>} : memref<80xi32, #tpu.memory_space<vmem>>, vector<16xi32>,
        tpu.vector_store %arg12[%swap3A], %get3A_144 {strides = array<i32>} : memref<80xi32, #tpu.memory_space<vmem>>, vector<16xi32>,
      }
      %scan3A_75 = arith.constant 5 : i32
      %add3A_76 = arith.constant 2 : i32
      %add3A_77 = arith.addi %add3A_45, %add3A_76 : i32
      %lt3A_78 = arith.constant 250 : i32
      %lt3A_79 = arith.cmpi slt, %add3A_77, %lt3A_78 : i32
      %convert_element_type3A_80 = arith.extui %lt3A_79 : i1 to i32
      %cond3A_81 = arith.constant 0 : i32
      %cond3A_82 = arith.cmpi ne, %convert_element_type3A_80, %cond3A_81 : i32
      scf.if %cond3A_82 {
        %add3A_137 = arith.constant 160 : i32
        %add3A_138 = arith.addi %add3A_48, %add3A_137 : i32
        %dma_start3A_139 = tpu.memref_slice %arg5[%add3A_138] : memref<320000xi32, #tpu.memory_space<hbm>> -> memref<80xi32, #tpu.memory_space<hbm>>
        %dma_start3A_140 = tpu.memref_slice %arg5[%add3A_138] : memref<320000xi32, #tpu.memory_space<hbm>> -> memref<80xi32, #tpu.memory_space<hbm>>
        tpu.enqueue_dma source(%dma_start3A_140 : memref<80xi32, #tpu.memory_space<hbm>>) target(%arg8 : memref<80xi32, #tpu.memory_space<vmem>>) target_semaphore(%arg24 : memref<!tpu.dma_semaphore, #tpu.memory_space<semaphore_mem>>)
        %dma_start3A_141 = tpu.memref_slice %arg6[%add3A_138] : memref<320000xi32, #tpu.memory_space<hbm>> -> memref<80xi32, #tpu.memory_space<hbm>>
        %dma_start3A_142 = tpu.memref_slice %arg6[%add3A_138] : memref<320000xi32, #tpu.memory_space<hbm>> -> memref<80xi32, #tpu.memory_space<hbm>>
        tpu.enqueue_dma source(%dma_start3A_142 : memref<80xi32, #tpu.memory_space<hbm>>) target(%arg10 : memref<80xi32, #tpu.memory_space<vmem>>) target_semaphore(%arg26 : memref<!tpu.dma_semaphore, #tpu.memory_space<semaphore_mem>>)
      } else {
      }
      %parallel_loop3A = arith.constant 0 : i32
      %parallel_loop3A_83 = arith.constant 80 : i32
      %parallel_loop3A_84 = arith.constant 1 : i32
      scf.for %parallel_loop3A_137 = %parallel_loop3A to %parallel_loop3A_83 step %parallel_loop3A_84  : i32 {
        %parallel_loop3A_138 = arith.index_cast %parallel_loop3A_137 : i32 to index
        %parallel_loop3A_139 = arith.constant 0 : index
        %parallel_loop3A_140 = tpu.vector_load %arg13[%parallel_loop3A_138, %parallel_loop3A_139] {strides = array<i32>} : memref<80x128xf32, #tpu.memory_space<vmem>>, vector<16xf32>,
        %parallel_loop3A_141 = arith.index_cast %parallel_loop3A_137 : i32 to index
        %parallel_loop3A_142 = arith.constant 0 : index
        %parallel_loop3A_143 = tpu.vector_load %arg15[%parallel_loop3A_141, %parallel_loop3A_142] {strides = array<i32>} : memref<80x64xf32, #tpu.memory_space<vmem>>, vector<16xf32>,
        %parallel_loop3A_144 = arith.mulf %parallel_loop3A_140, %parallel_loop3A_143 : vector<16xf32>
        %parallel_loop3A_145 = arith.index_cast %parallel_loop3A_137 : i32 to index
        %parallel_loop3A_146 = arith.constant 16 : index
        %parallel_loop3A_147 = tpu.vector_load %arg13[%parallel_loop3A_145, %parallel_loop3A_146] {strides = array<i32>} : memref<80x128xf32, #tpu.memory_space<vmem>>, vector<16xf32>,
        %parallel_loop3A_148 = arith.index_cast %parallel_loop3A_137 : i32 to index
        %parallel_loop3A_149 = arith.constant 16 : index
        %parallel_loop3A_150 = tpu.vector_load %arg15[%parallel_loop3A_148, %parallel_loop3A_149] {strides = array<i32>} : memref<80x64xf32, #tpu.memory_space<vmem>>, vector<16xf32>,
        %parallel_loop3A_151 = arith.mulf %parallel_loop3A_147, %parallel_loop3A_150 : vector<16xf32>
        %parallel_loop3A_152 = arith.addf %parallel_loop3A_144, %parallel_loop3A_151 : vector<16xf32>
        %parallel_loop3A_153 = arith.constant true
        %parallel_loop3A_154 = vector.broadcast %parallel_loop3A_153 : i1 to vector<16xi1>
        %parallel_loop3A_155 = tpu.scan <sum>, %parallel_loop3A_152 masked %parallel_loop3A_154 : vector<16xf32>, vector<16xi1> -> vector<16xf32>
        %parallel_loop3A_156 = vector.extract %parallel_loop3A_155[15] : f32 from vector<16xf32>
        %parallel_loop3A_157 = arith.constant 0.176776692 : f32
        %parallel_loop3A_158 = arith.mulf %parallel_loop3A_156, %parallel_loop3A_157 : f32
        %parallel_loop3A_159 = arith.index_cast %parallel_loop3A_137 : i32 to index
        %parallel_loop3A_160 = arith.constant 32 : index
        %parallel_loop3A_161 = tpu.vector_load %arg13[%parallel_loop3A_159, %parallel_loop3A_160] {strides = array<i32>} : memref<80x128xf32, #tpu.memory_space<vmem>>, vector<16xf32>,
        %parallel_loop3A_162 = arith.index_cast %parallel_loop3A_137 : i32 to index
        %parallel_loop3A_163 = arith.constant 32 : index
        %parallel_loop3A_164 = tpu.vector_load %arg15[%parallel_loop3A_162, %parallel_loop3A_163] {strides = array<i32>} : memref<80x64xf32, #tpu.memory_space<vmem>>, vector<16xf32>,
        %parallel_loop3A_165 = arith.mulf %parallel_loop3A_161, %parallel_loop3A_164 : vector<16xf32>
        %parallel_loop3A_166 = arith.index_cast %parallel_loop3A_137 : i32 to index
        %parallel_loop3A_167 = arith.constant 48 : index
        %parallel_loop3A_168 = tpu.vector_load %arg13[%parallel_loop3A_166, %parallel_loop3A_167] {strides = array<i32>} : memref<80x128xf32, #tpu.memory_space<vmem>>, vector<16xf32>,
        %parallel_loop3A_169 = arith.index_cast %parallel_loop3A_137 : i32 to index
        %parallel_loop3A_170 = arith.constant 48 : index
        %parallel_loop3A_171 = tpu.vector_load %arg15[%parallel_loop3A_169, %parallel_loop3A_170] {strides = array<i32>} : memref<80x64xf32, #tpu.memory_space<vmem>>, vector<16xf32>,
        %parallel_loop3A_172 = arith.mulf %parallel_loop3A_168, %parallel_loop3A_171 : vector<16xf32>
        %parallel_loop3A_173 = arith.addf %parallel_loop3A_165, %parallel_loop3A_172 : vector<16xf32>
        %parallel_loop3A_174 = arith.constant true
        %parallel_loop3A_175 = vector.broadcast %parallel_loop3A_174 : i1 to vector<16xi1>
        %parallel_loop3A_176 = tpu.scan <sum>, %parallel_loop3A_173 masked %parallel_loop3A_175 : vector<16xf32>, vector<16xi1> -> vector<16xf32>
        %parallel_loop3A_177 = vector.extract %parallel_loop3A_176[15] : f32 from vector<16xf32>
        %parallel_loop3A_178 = arith.constant 0.176776692 : f32
        %parallel_loop3A_179 = arith.mulf %parallel_loop3A_177, %parallel_loop3A_178 : f32
        %parallel_loop3A_180 = arith.index_cast %parallel_loop3A_137 : i32 to index
        %parallel_loop3A_181 = arith.constant 0 : index
        %parallel_loop3A_182 = tpu.vector_load %arg17[%parallel_loop3A_180, %parallel_loop3A_181] {strides = array<i32>} : memref<80x64xbf16, #tpu.memory_space<vmem>>, vector<32xbf16>,
        %parallel_loop3A_183 = vector.bitcast %parallel_loop3A_182 : vector<32xbf16> to vector<16xi32>
        %parallel_loop3A_184 = arith.constant 16 : i32
        %parallel_loop3A_185 = vector.broadcast %parallel_loop3A_184 : i32 to vector<16xi32>
        %parallel_loop3A_186 = arith.shli %parallel_loop3A_183, %parallel_loop3A_185 : vector<16xi32>
        %parallel_loop3A_187 = vector.bitcast %parallel_loop3A_186 : vector<16xi32> to vector<16xf32>
        %parallel_loop3A_188 = arith.constant -65536 : i32
        %parallel_loop3A_189 = vector.broadcast %parallel_loop3A_188 : i32 to vector<16xi32>
        %parallel_loop3A_190 = arith.andi %parallel_loop3A_183, %parallel_loop3A_189 : vector<16xi32>
        %parallel_loop3A_191 = vector.bitcast %parallel_loop3A_190 : vector<16xi32> to vector<16xf32>
        %parallel_loop3A_192 = arith.constant 1.000000e+00 : f32
        %parallel_loop3A_193 = vector.broadcast %parallel_loop3A_192 : f32 to vector<16xf32>
        %parallel_loop3A_194 = arith.addf %parallel_loop3A_193, %parallel_loop3A_187 : vector<16xf32>
        %parallel_loop3A_195 = vector.broadcast %parallel_loop3A_158 : f32 to vector<16xf32>
        %parallel_loop3A_196 = arith.mulf %parallel_loop3A_195, %parallel_loop3A_194 : vector<16xf32>
        %parallel_loop3A_197 = math.exp %parallel_loop3A_196 : vector<16xf32>
        %parallel_loop3A_198 = arith.constant 1.000000e+00 : f32
        %parallel_loop3A_199 = vector.broadcast %parallel_loop3A_198 : f32 to vector<16xf32>
        %parallel_loop3A_200 = arith.addf %parallel_loop3A_199, %parallel_loop3A_191 : vector<16xf32>
        %parallel_loop3A_201 = vector.broadcast %parallel_loop3A_158 : f32 to vector<16xf32>
        %parallel_loop3A_202 = arith.mulf %parallel_loop3A_201, %parallel_loop3A_200 : vector<16xf32>
        %parallel_loop3A_203 = math.exp %parallel_loop3A_202 : vector<16xf32>
        %parallel_loop3A_204 = arith.index_cast %parallel_loop3A_137 : i32 to index
        %parallel_loop3A_205 = arith.constant 0 : index
        %parallel_loop3A_206 = tpu.vector_load %arg18[%parallel_loop3A_204, %parallel_loop3A_205] {strides = array<i32>} : memref<80x128xf32, #tpu.memory_space<vmem>>, vector<16xf32>,
        tpu.vector_store %arg18[%parallel_loop3A_204, %parallel_loop3A_205], %parallel_loop3A_197 {strides = array<i32>} : memref<80x128xf32, #tpu.memory_space<vmem>>, vector<16xf32>,
        %parallel_loop3A_207 = arith.index_cast %parallel_loop3A_137 : i32 to index
        %parallel_loop3A_208 = arith.constant 16 : index
        %parallel_loop3A_209 = tpu.vector_load %arg18[%parallel_loop3A_207, %parallel_loop3A_208] {strides = array<i32>} : memref<80x128xf32, #tpu.memory_space<vmem>>, vector<16xf32>,
        tpu.vector_store %arg18[%parallel_loop3A_207, %parallel_loop3A_208], %parallel_loop3A_203 {strides = array<i32>} : memref<80x128xf32, #tpu.memory_space<vmem>>, vector<16xf32>,
        %parallel_loop3A_210 = arith.index_cast %parallel_loop3A_137 : i32 to index
        %parallel_loop3A_211 = arith.constant 64 : index
        %parallel_loop3A_212 = tpu.vector_load %arg13[%parallel_loop3A_210, %parallel_loop3A_211] {strides = array<i32>} : memref<80x128xf32, #tpu.memory_space<vmem>>, vector<16xf32>,
        %parallel_loop3A_213 = arith.mulf %parallel_loop3A_212, %parallel_loop3A_197 : vector<16xf32>
        %parallel_loop3A_214 = arith.index_cast %parallel_loop3A_137 : i32 to index
        %parallel_loop3A_215 = arith.constant 64 : index
        %parallel_loop3A_216 = tpu.vector_load %arg18[%parallel_loop3A_214, %parallel_loop3A_215] {strides = array<i32>} : memref<80x128xf32, #tpu.memory_space<vmem>>, vector<16xf32>,
        tpu.vector_store %arg18[%parallel_loop3A_214, %parallel_loop3A_215], %parallel_loop3A_213 {strides = array<i32>} : memref<80x128xf32, #tpu.memory_space<vmem>>, vector<16xf32>,
        %parallel_loop3A_217 = arith.index_cast %parallel_loop3A_137 : i32 to index
        %parallel_loop3A_218 = arith.constant 80 : index
        %parallel_loop3A_219 = tpu.vector_load %arg13[%parallel_loop3A_217, %parallel_loop3A_218] {strides = array<i32>} : memref<80x128xf32, #tpu.memory_space<vmem>>, vector<16xf32>,
        %parallel_loop3A_220 = arith.mulf %parallel_loop3A_219, %parallel_loop3A_203 : vector<16xf32>
        %parallel_loop3A_221 = arith.index_cast %parallel_loop3A_137 : i32 to index
        %parallel_loop3A_222 = arith.constant 80 : index
        %parallel_loop3A_223 = tpu.vector_load %arg18[%parallel_loop3A_221, %parallel_loop3A_222] {strides = array<i32>} : memref<80x128xf32, #tpu.memory_space<vmem>>, vector<16xf32>,
        tpu.vector_store %arg18[%parallel_loop3A_221, %parallel_loop3A_222], %parallel_loop3A_220 {strides = array<i32>} : memref<80x128xf32, #tpu.memory_space<vmem>>, vector<16xf32>,
        %parallel_loop3A_224 = arith.index_cast %parallel_loop3A_137 : i32 to index
        %parallel_loop3A_225 = arith.constant 32 : index
        %parallel_loop3A_226 = tpu.vector_load %arg17[%parallel_loop3A_224, %parallel_loop3A_225] {strides = array<i32>} : memref<80x64xbf16, #tpu.memory_space<vmem>>, vector<32xbf16>,
        %parallel_loop3A_227 = vector.bitcast %parallel_loop3A_226 : vector<32xbf16> to vector<16xi32>
        %parallel_loop3A_228 = arith.constant 16 : i32
        %parallel_loop3A_229 = vector.broadcast %parallel_loop3A_228 : i32 to vector<16xi32>
        %parallel_loop3A_230 = arith.shli %parallel_loop3A_227, %parallel_loop3A_229 : vector<16xi32>
        %parallel_loop3A_231 = vector.bitcast %parallel_loop3A_230 : vector<16xi32> to vector<16xf32>
        %parallel_loop3A_232 = arith.constant -65536 : i32
        %parallel_loop3A_233 = vector.broadcast %parallel_loop3A_232 : i32 to vector<16xi32>
        %parallel_loop3A_234 = arith.andi %parallel_loop3A_227, %parallel_loop3A_233 : vector<16xi32>
        %parallel_loop3A_235 = vector.bitcast %parallel_loop3A_234 : vector<16xi32> to vector<16xf32>
        %parallel_loop3A_236 = arith.constant 1.000000e+00 : f32
        %parallel_loop3A_237 = vector.broadcast %parallel_loop3A_236 : f32 to vector<16xf32>
        %parallel_loop3A_238 = arith.addf %parallel_loop3A_237, %parallel_loop3A_231 : vector<16xf32>
        %parallel_loop3A_239 = vector.broadcast %parallel_loop3A_179 : f32 to vector<16xf32>
        %parallel_loop3A_240 = arith.mulf %parallel_loop3A_239, %parallel_loop3A_238 : vector<16xf32>
        %parallel_loop3A_241 = math.exp %parallel_loop3A_240 : vector<16xf32>
        %parallel_loop3A_242 = arith.constant 1.000000e+00 : f32
        %parallel_loop3A_243 = vector.broadcast %parallel_loop3A_242 : f32 to vector<16xf32>
        %parallel_loop3A_244 = arith.addf %parallel_loop3A_243, %parallel_loop3A_235 : vector<16xf32>
        %parallel_loop3A_245 = vector.broadcast %parallel_loop3A_179 : f32 to vector<16xf32>
        %parallel_loop3A_246 = arith.mulf %parallel_loop3A_245, %parallel_loop3A_244 : vector<16xf32>
        %parallel_loop3A_247 = math.exp %parallel_loop3A_246 : vector<16xf32>
        %parallel_loop3A_248 = arith.index_cast %parallel_loop3A_137 : i32 to index
        %parallel_loop3A_249 = arith.constant 32 : index
        %parallel_loop3A_250 = tpu.vector_load %arg18[%parallel_loop3A_248, %parallel_loop3A_249] {strides = array<i32>} : memref<80x128xf32, #tpu.memory_space<vmem>>, vector<16xf32>,
        tpu.vector_store %arg18[%parallel_loop3A_248, %parallel_loop3A_249], %parallel_loop3A_241 {strides = array<i32>} : memref<80x128xf32, #tpu.memory_space<vmem>>, vector<16xf32>,
        %parallel_loop3A_251 = arith.index_cast %parallel_loop3A_137 : i32 to index
        %parallel_loop3A_252 = arith.constant 48 : index
        %parallel_loop3A_253 = tpu.vector_load %arg18[%parallel_loop3A_251, %parallel_loop3A_252] {strides = array<i32>} : memref<80x128xf32, #tpu.memory_space<vmem>>, vector<16xf32>,
        tpu.vector_store %arg18[%parallel_loop3A_251, %parallel_loop3A_252], %parallel_loop3A_247 {strides = array<i32>} : memref<80x128xf32, #tpu.memory_space<vmem>>, vector<16xf32>,
        %parallel_loop3A_254 = arith.index_cast %parallel_loop3A_137 : i32 to index
        %parallel_loop3A_255 = arith.constant 96 : index
        %parallel_loop3A_256 = tpu.vector_load %arg13[%parallel_loop3A_254, %parallel_loop3A_255] {strides = array<i32>} : memref<80x128xf32, #tpu.memory_space<vmem>>, vector<16xf32>,
        %parallel_loop3A_257 = arith.mulf %parallel_loop3A_256, %parallel_loop3A_241 : vector<16xf32>
        %parallel_loop3A_258 = arith.index_cast %parallel_loop3A_137 : i32 to index
        %parallel_loop3A_259 = arith.constant 96 : index
        %parallel_loop3A_260 = tpu.vector_load %arg18[%parallel_loop3A_258, %parallel_loop3A_259] {strides = array<i32>} : memref<80x128xf32, #tpu.memory_space<vmem>>, vector<16xf32>,
        tpu.vector_store %arg18[%parallel_loop3A_258, %parallel_loop3A_259], %parallel_loop3A_257 {strides = array<i32>} : memref<80x128xf32, #tpu.memory_space<vmem>>, vector<16xf32>,
        %parallel_loop3A_261 = arith.index_cast %parallel_loop3A_137 : i32 to index
        %parallel_loop3A_262 = arith.constant 112 : index
        %parallel_loop3A_263 = tpu.vector_load %arg13[%parallel_loop3A_261, %parallel_loop3A_262] {strides = array<i32>} : memref<80x128xf32, #tpu.memory_space<vmem>>, vector<16xf32>,
        %parallel_loop3A_264 = arith.mulf %parallel_loop3A_263, %parallel_loop3A_247 : vector<16xf32>
        %parallel_loop3A_265 = arith.index_cast %parallel_loop3A_137 : i32 to index
        %parallel_loop3A_266 = arith.constant 112 : index
        %parallel_loop3A_267 = tpu.vector_load %arg18[%parallel_loop3A_265, %parallel_loop3A_266] {strides = array<i32>} : memref<80x128xf32, #tpu.memory_space<vmem>>, vector<16xf32>,
        tpu.vector_store %arg18[%parallel_loop3A_265, %parallel_loop3A_266], %parallel_loop3A_264 {strides = array<i32>} : memref<80x128xf32, #tpu.memory_space<vmem>>, vector<16xf32>,
      } {sc.loop_unroll_factor = 8 : i64, sc.parallel_access}
      %dma_start3A_85 = arith.constant 0 : i32
      %dma_start3A_86 = arith.constant 0 : i32
      %dma_start3A_87 = tpu.memref_slice %arg19[%dma_start3A_85, %dma_start3A_86] : memref<10240x128xf32, #tpu.memory_space<vmem_shared>> -> memref<10240x128xf32, #tpu.memory_space<vmem_shared>>
      tpu.enqueue_indirect_dma source(%arg18 : memref<80x128xf32, #tpu.memory_space<vmem>>) target(%dma_start3A_87 : memref<10240x128xf32, #tpu.memory_space<vmem_shared>>) offsets(%arg12 : memref<80xi32, #tpu.memory_space<vmem>>) semaphore(%arg28 : memref<!tpu.dma_semaphore, #tpu.memory_space<semaphore_mem>>) {add = true}
      %add3A_88 = arith.constant 1 : i32
      %add3A_89 = arith.addi %add3A_43, %add3A_88 : i32
      %mul3A_90 = arith.constant 80 : i32
      %mul3A_91 = arith.muli %add3A_89, %mul3A_90 : i32
      %add3A_92 = arith.addi %mul3A_0, %mul3A_91 : i32
      %add3A_93 = arith.constant 1 : i32
      %add3A_94 = arith.addi %add3A_89, %add3A_93 : i32
      %lt3A_95 = arith.constant 250 : i32
      %lt3A_96 = arith.cmpi slt, %add3A_94, %lt3A_95 : i32
      %convert_element_type3A_97 = arith.extui %lt3A_96 : i1 to i32
      %cond3A_98 = arith.constant 0 : i32
      %cond3A_99 = arith.cmpi ne, %convert_element_type3A_97, %cond3A_98 : i32
      scf.if %cond3A_99 {
        %add3A_137 = arith.constant 80 : i32
        %add3A_138 = arith.addi %add3A_92, %add3A_137 : i32
        %dma_wait3A_139 = tpu.memref_slice %arg5[%add3A_138] : memref<320000xi32, #tpu.memory_space<hbm>> -> memref<80xi32, #tpu.memory_space<hbm>>
        %dma_wait3A_140 = tpu.memref_slice %arg5[%add3A_138] : memref<320000xi32, #tpu.memory_space<hbm>> -> memref<80xi32, #tpu.memory_space<hbm>>
        tpu.wait_dma2 semaphore(%arg24 : memref<!tpu.dma_semaphore, #tpu.memory_space<semaphore_mem>>) src(%dma_wait3A_140 : memref<80xi32, #tpu.memory_space<hbm>>) dst(%arg8 : memref<80xi32, #tpu.memory_space<vmem>>)
        %dma_wait3A_141 = tpu.memref_slice %arg6[%add3A_138] : memref<320000xi32, #tpu.memory_space<hbm>> -> memref<80xi32, #tpu.memory_space<hbm>>
        %dma_wait3A_142 = tpu.memref_slice %arg6[%add3A_138] : memref<320000xi32, #tpu.memory_space<hbm>> -> memref<80xi32, #tpu.memory_space<hbm>>
        tpu.wait_dma2 semaphore(%arg26 : memref<!tpu.dma_semaphore, #tpu.memory_space<semaphore_mem>>) src(%dma_wait3A_142 : memref<80xi32, #tpu.memory_space<hbm>>) dst(%arg10 : memref<80xi32, #tpu.memory_space<vmem>>)
        %dma_start3A_143 = arith.constant 0 : i32
        %dma_start3A_144 = arith.constant 0 : i32
        %dma_start3A_145 = tpu.memref_slice %arg2[%arg0, %dma_start3A_143, %dma_start3A_144] : memref<2x10000x128xf32, #tpu.memory_space<hbm>> -> memref<1x10000x128xf32, #tpu.memory_space<hbm>>
        %dma_start3A_146 = tpu.memref_squeeze %dma_start3A_145 : memref<1x10000x128xf32, #tpu.memory_space<hbm>> -> memref<10000x128xf32, #tpu.memory_space<hbm>>
        %dma_start3A_147 = arith.constant 0 : i32
        %dma_start3A_148 = arith.constant 0 : i32
        %dma_start3A_149 = tpu.memref_slice %dma_start3A_146[%dma_start3A_147, %dma_start3A_148] : memref<10000x128xf32, #tpu.memory_space<hbm>> -> memref<10000x128xf32, #tpu.memory_space<hbm>>
        tpu.enqueue_indirect_dma source(%dma_start3A_149 : memref<10000x128xf32, #tpu.memory_space<hbm>>) target(%arg13 : memref<80x128xf32, #tpu.memory_space<vmem>>) offsets(%arg8 : memref<80xi32, #tpu.memory_space<vmem>>) semaphore(%arg20 : memref<!tpu.dma_semaphore, #tpu.memory_space<semaphore_mem>>)
        %dma_start3A_150 = arith.constant 0 : i32
        %dma_start3A_151 = arith.constant 0 : i32
        %dma_start3A_152 = tpu.memref_slice %arg3[%arg0, %dma_start3A_150, %dma_start3A_151] : memref<2x10000x64xf32, #tpu.memory_space<hbm>> -> memref<1x10000x64xf32, #tpu.memory_space<hbm>>
        %dma_start3A_153 = tpu.memref_squeeze %dma_start3A_152 : memref<1x10000x64xf32, #tpu.memory_space<hbm>> -> memref<10000x64xf32, #tpu.memory_space<hbm>>
        %dma_start3A_154 = arith.constant 0 : i32
        %dma_start3A_155 = arith.constant 0 : i32
        %dma_start3A_156 = tpu.memref_slice %dma_start3A_153[%dma_start3A_154, %dma_start3A_155] : memref<10000x64xf32, #tpu.memory_space<hbm>> -> memref<10000x64xf32, #tpu.memory_space<hbm>>
        tpu.enqueue_indirect_dma source(%dma_start3A_156 : memref<10000x64xf32, #tpu.memory_space<hbm>>) target(%arg15 : memref<80x64xf32, #tpu.memory_space<vmem>>) offsets(%arg10 : memref<80xi32, #tpu.memory_space<vmem>>) semaphore(%arg22 : memref<!tpu.dma_semaphore, #tpu.memory_space<semaphore_mem>>)
      } else {
      }
      %dma_wait3A_100 = arith.constant 0 : i32
      %dma_wait3A_101 = arith.constant 0 : i32
      %dma_wait3A_102 = tpu.memref_slice %arg2[%arg0, %dma_wait3A_100, %dma_wait3A_101] : memref<2x10000x128xf32, #tpu.memory_space<hbm>> -> memref<1x10000x128xf32, #tpu.memory_space<hbm>>
      %dma_wait3A_103 = tpu.memref_squeeze %dma_wait3A_102 : memref<1x10000x128xf32, #tpu.memory_space<hbm>> -> memref<10000x128xf32, #tpu.memory_space<hbm>>
      %dma_wait3A_104 = arith.constant 0 : i32
      %dma_wait3A_105 = arith.constant 0 : i32
      %dma_wait3A_106 = tpu.memref_slice %dma_wait3A_103[%dma_wait3A_104, %dma_wait3A_105] : memref<10000x128xf32, #tpu.memory_space<hbm>> -> memref<10000x128xf32, #tpu.memory_space<hbm>>
      tpu.wait_indirect_dma semaphore(%arg21 : memref<!tpu.dma_semaphore, #tpu.memory_space<semaphore_mem>>) src(%dma_wait3A_106 : memref<10000x128xf32, #tpu.memory_space<hbm>>) dst(%arg14 : memref<80x128xf32, #tpu.memory_space<vmem>>)
      %dma_wait3A_107 = arith.constant 0 : i32
      %dma_wait3A_108 = arith.constant 0 : i32
      %dma_wait3A_109 = tpu.memref_slice %arg3[%arg0, %dma_wait3A_107, %dma_wait3A_108] : memref<2x10000x64xf32, #tpu.memory_space<hbm>> -> memref<1x10000x64xf32, #tpu.memory_space<hbm>>
      %dma_wait3A_110 = tpu.memref_squeeze %dma_wait3A_109 : memref<1x10000x64xf32, #tpu.memory_space<hbm>> -> memref<10000x64xf32, #tpu.memory_space<hbm>>
      %dma_wait3A_111 = arith.constant 0 : i32
      %dma_wait3A_112 = arith.constant 0 : i32
      %dma_wait3A_113 = tpu.memref_slice %dma_wait3A_110[%dma_wait3A_111, %dma_wait3A_112] : memref<10000x64xf32, #tpu.memory_space<hbm>> -> memref<10000x64xf32, #tpu.memory_space<hbm>>
      tpu.wait_indirect_dma semaphore(%arg23 : memref<!tpu.dma_semaphore, #tpu.memory_space<semaphore_mem>>) src(%dma_wait3A_113 : memref<10000x64xf32, #tpu.memory_space<hbm>>) dst(%arg16 : memref<80x64xf32, #tpu.memory_space<vmem>>)
      "tpu.region"() ({
        %run_scoped3A = tpu.sem_alloc : memref<!tpu.dma_semaphore, #tpu.memory_space<semaphore_mem>>
        %dma_start3A_137 = arith.constant 0 : i32
        %dma_start3A_138 = tpu.memref_slice %arg4[%arg0, %add3A_92, %dma_start3A_137] : memref<2x320000x64xbf16, #tpu.memory_space<hbm>> -> memref<1x80x64xbf16, #tpu.memory_space<hbm>>
        %dma_start3A_139 = tpu.memref_squeeze %dma_start3A_138 : memref<1x80x64xbf16, #tpu.memory_space<hbm>> -> memref<80x64xbf16, #tpu.memory_space<hbm>>
        %dma_start3A_140 = arith.constant 0 : i32
        %dma_start3A_141 = tpu.memref_slice %arg4[%arg0, %add3A_92, %dma_start3A_140] : memref<2x320000x64xbf16, #tpu.memory_space<hbm>> -> memref<1x80x64xbf16, #tpu.memory_space<hbm>>
        %dma_start3A_142 = tpu.memref_squeeze %dma_start3A_141 : memref<1x80x64xbf16, #tpu.memory_space<hbm>> -> memref<80x64xbf16, #tpu.memory_space<hbm>>
        tpu.enqueue_dma source(%dma_start3A_142 : memref<80x64xbf16, #tpu.memory_space<hbm>>) target(%arg17 : memref<80x64xbf16, #tpu.memory_space<vmem>>) target_semaphore(%run_scoped3A : memref<!tpu.dma_semaphore, #tpu.memory_space<semaphore_mem>>)
        %dma_wait3A_143 = arith.constant 0 : i32
        %dma_wait3A_144 = tpu.memref_slice %arg4[%arg0, %add3A_92, %dma_wait3A_143] : memref<2x320000x64xbf16, #tpu.memory_space<hbm>> -> memref<1x80x64xbf16, #tpu.memory_space<hbm>>
        %dma_wait3A_145 = tpu.memref_squeeze %dma_wait3A_144 : memref<1x80x64xbf16, #tpu.memory_space<hbm>> -> memref<80x64xbf16, #tpu.memory_space<hbm>>
        %dma_wait3A_146 = arith.constant 0 : i32
        %dma_wait3A_147 = tpu.memref_slice %arg4[%arg0, %add3A_92, %dma_wait3A_146] : memref<2x320000x64xbf16, #tpu.memory_space<hbm>> -> memref<1x80x64xbf16, #tpu.memory_space<hbm>>
        %dma_wait3A_148 = tpu.memref_squeeze %dma_wait3A_147 : memref<1x80x64xbf16, #tpu.memory_space<hbm>> -> memref<80x64xbf16, #tpu.memory_space<hbm>>
        tpu.wait_dma2 semaphore(%run_scoped3A : memref<!tpu.dma_semaphore, #tpu.memory_space<semaphore_mem>>) src(%dma_wait3A_148 : memref<80x64xbf16, #tpu.memory_space<hbm>>) dst(%arg17 : memref<80x64xbf16, #tpu.memory_space<vmem>>)
        tpu.yield
      }) : () -> ()
      %gt3A_114 = arith.constant 0 : i32
      %gt3A_115 = arith.cmpi sgt, %add3A_89, %gt3A_114 : i32
      %convert_element_type3A_116 = arith.extui %gt3A_115 : i1 to i32
      %cond3A_117 = arith.constant 0 : i32
      %cond3A_118 = arith.cmpi ne, %convert_element_type3A_116, %cond3A_117 : i32
      scf.if %cond3A_118 {
        %dma_wait3A_137 = arith.constant 0 : i32
        %dma_wait3A_138 = arith.constant 0 : i32
        %dma_wait3A_139 = tpu.memref_slice %arg19[%dma_wait3A_137, %dma_wait3A_138] : memref<10240x128xf32, #tpu.memory_space<vmem_shared>> -> memref<10240x128xf32, #tpu.memory_space<vmem_shared>>
        tpu.wait_indirect_dma semaphore(%arg28 : memref<!tpu.dma_semaphore, #tpu.memory_space<semaphore_mem>>) src(%arg18 : memref<80x128xf32, #tpu.memory_space<vmem>>) dst(%dma_wait3A_139 : memref<10240x128xf32, #tpu.memory_space<vmem_shared>>)
      } else {
      }
      %scan3A_119 = arith.constant 0 : i32
      %scan3A_120 = arith.constant 5 : i32
      %scan3A_121 = arith.addi %scan3A_119, %scan3A_120 : i32
      %scan3A_122 = arith.constant 1 : i32
      scf.for %scan3A_137 = %scan3A_119 to %scan3A_121 step %scan3A_122  : i32 {
        %mul3A_138 = arith.constant 1 : i32
        %mul3A_139 = arith.muli %scan3A_137, %mul3A_138 : i32
        %add3A_140 = arith.constant 0 : i32
        %add3A_141 = arith.addi %add3A_140, %mul3A_139 : i32
        %mul3A_142 = arith.constant 16 : i32
        %mul3A_143 = arith.muli %add3A_141, %mul3A_142 : i32
        %get3A = arith.index_cast %mul3A_143 : i32 to index
        %get3A_144 = tpu.vector_load %arg11[%get3A] {strides = array<i32>} : memref<80xi32, #tpu.memory_space<vmem>>, vector<16xi32>,
        %mul3A_145 = arith.constant 16 : i32
        %mul3A_146 = arith.muli %add3A_141, %mul3A_145 : i32
        %swap3A = arith.index_cast %mul3A_146 : i32 to index
        %swap3A_147 = tpu.vector_load %arg12[%swap3A] {strides = array<i32>} : memref<80xi32, #tpu.memory_space<vmem>>, vector<16xi32>,
        tpu.vector_store %arg12[%swap3A], %get3A_144 {strides = array<i32>} : memref<80xi32, #tpu.memory_space<vmem>>, vector<16xi32>,
      }
      %scan3A_123 = arith.constant 5 : i32
      %add3A_124 = arith.constant 2 : i32
      %add3A_125 = arith.addi %add3A_89, %add3A_124 : i32
      %lt3A_126 = arith.constant 250 : i32
      %lt3A_127 = arith.cmpi slt, %add3A_125, %lt3A_126 : i32
      %convert_element_type3A_128 = arith.extui %lt3A_127 : i1 to i32
      %cond3A_129 = arith.constant 0 : i32
      %cond3A_130 = arith.cmpi ne, %convert_element_type3A_128, %cond3A_129 : i32
      scf.if %cond3A_130 {
        %add3A_137 = arith.constant 160 : i32
        %add3A_138 = arith.addi %add3A_92, %add3A_137 : i32
        %dma_start3A_139 = tpu.memref_slice %arg5[%add3A_138] : memref<320000xi32, #tpu.memory_space<hbm>> -> memref<80xi32, #tpu.memory_space<hbm>>
        %dma_start3A_140 = tpu.memref_slice %arg5[%add3A_138] : memref<320000xi32, #tpu.memory_space<hbm>> -> memref<80xi32, #tpu.memory_space<hbm>>
        tpu.enqueue_dma source(%dma_start3A_140 : memref<80xi32, #tpu.memory_space<hbm>>) target(%arg9 : memref<80xi32, #tpu.memory_space<vmem>>) target_semaphore(%arg25 : memref<!tpu.dma_semaphore, #tpu.memory_space<semaphore_mem>>)
        %dma_start3A_141 = tpu.memref_slice %arg6[%add3A_138] : memref<320000xi32, #tpu.memory_space<hbm>> -> memref<80xi32, #tpu.memory_space<hbm>>
        %dma_start3A_142 = tpu.memref_slice %arg6[%add3A_138] : memref<320000xi32, #tpu.memory_space<hbm>> -> memref<80xi32, #tpu.memory_space<hbm>>
        tpu.enqueue_dma source(%dma_start3A_142 : memref<80xi32, #tpu.memory_space<hbm>>) target(%arg11 : memref<80xi32, #tpu.memory_space<vmem>>) target_semaphore(%arg27 : memref<!tpu.dma_semaphore, #tpu.memory_space<semaphore_mem>>)
      } else {
      }
      %parallel_loop3A_131 = arith.constant 0 : i32
      %parallel_loop3A_132 = arith.constant 80 : i32
      %parallel_loop3A_133 = arith.constant 1 : i32
      scf.for %parallel_loop3A_137 = %parallel_loop3A_131 to %parallel_loop3A_132 step %parallel_loop3A_133  : i32 {
        %parallel_loop3A_138 = arith.index_cast %parallel_loop3A_137 : i32 to index
        %parallel_loop3A_139 = arith.constant 0 : index
        %parallel_loop3A_140 = tpu.vector_load %arg14[%parallel_loop3A_138, %parallel_loop3A_139] {strides = array<i32>} : memref<80x128xf32, #tpu.memory_space<vmem>>, vector<16xf32>,
        %parallel_loop3A_141 = arith.index_cast %parallel_loop3A_137 : i32 to index
        %parallel_loop3A_142 = arith.constant 0 : index
        %parallel_loop3A_143 = tpu.vector_load %arg16[%parallel_loop3A_141, %parallel_loop3A_142] {strides = array<i32>} : memref<80x64xf32, #tpu.memory_space<vmem>>, vector<16xf32>,
        %parallel_loop3A_144 = arith.mulf %parallel_loop3A_140, %parallel_loop3A_143 : vector<16xf32>
        %parallel_loop3A_145 = arith.index_cast %parallel_loop3A_137 : i32 to index
        %parallel_loop3A_146 = arith.constant 16 : index
        %parallel_loop3A_147 = tpu.vector_load %arg14[%parallel_loop3A_145, %parallel_loop3A_146] {strides = array<i32>} : memref<80x128xf32, #tpu.memory_space<vmem>>, vector<16xf32>,
        %parallel_loop3A_148 = arith.index_cast %parallel_loop3A_137 : i32 to index
        %parallel_loop3A_149 = arith.constant 16 : index
        %parallel_loop3A_150 = tpu.vector_load %arg16[%parallel_loop3A_148, %parallel_loop3A_149] {strides = array<i32>} : memref<80x64xf32, #tpu.memory_space<vmem>>, vector<16xf32>,
        %parallel_loop3A_151 = arith.mulf %parallel_loop3A_147, %parallel_loop3A_150 : vector<16xf32>
        %parallel_loop3A_152 = arith.addf %parallel_loop3A_144, %parallel_loop3A_151 : vector<16xf32>
        %parallel_loop3A_153 = arith.constant true
        %parallel_loop3A_154 = vector.broadcast %parallel_loop3A_153 : i1 to vector<16xi1>
        %parallel_loop3A_155 = tpu.scan <sum>, %parallel_loop3A_152 masked %parallel_loop3A_154 : vector<16xf32>, vector<16xi1> -> vector<16xf32>
        %parallel_loop3A_156 = vector.extract %parallel_loop3A_155[15] : f32 from vector<16xf32>
        %parallel_loop3A_157 = arith.constant 0.176776692 : f32
        %parallel_loop3A_158 = arith.mulf %parallel_loop3A_156, %parallel_loop3A_157 : f32
        %parallel_loop3A_159 = arith.index_cast %parallel_loop3A_137 : i32 to index
        %parallel_loop3A_160 = arith.constant 32 : index
        %parallel_loop3A_161 = tpu.vector_load %arg14[%parallel_loop3A_159, %parallel_loop3A_160] {strides = array<i32>} : memref<80x128xf32, #tpu.memory_space<vmem>>, vector<16xf32>,
        %parallel_loop3A_162 = arith.index_cast %parallel_loop3A_137 : i32 to index
        %parallel_loop3A_163 = arith.constant 32 : index
        %parallel_loop3A_164 = tpu.vector_load %arg16[%parallel_loop3A_162, %parallel_loop3A_163] {strides = array<i32>} : memref<80x64xf32, #tpu.memory_space<vmem>>, vector<16xf32>,
        %parallel_loop3A_165 = arith.mulf %parallel_loop3A_161, %parallel_loop3A_164 : vector<16xf32>
        %parallel_loop3A_166 = arith.index_cast %parallel_loop3A_137 : i32 to index
        %parallel_loop3A_167 = arith.constant 48 : index
        %parallel_loop3A_168 = tpu.vector_load %arg14[%parallel_loop3A_166, %parallel_loop3A_167] {strides = array<i32>} : memref<80x128xf32, #tpu.memory_space<vmem>>, vector<16xf32>,
        %parallel_loop3A_169 = arith.index_cast %parallel_loop3A_137 : i32 to index
        %parallel_loop3A_170 = arith.constant 48 : index
        %parallel_loop3A_171 = tpu.vector_load %arg16[%parallel_loop3A_169, %parallel_loop3A_170] {strides = array<i32>} : memref<80x64xf32, #tpu.memory_space<vmem>>, vector<16xf32>,
        %parallel_loop3A_172 = arith.mulf %parallel_loop3A_168, %parallel_loop3A_171 : vector<16xf32>
        %parallel_loop3A_173 = arith.addf %parallel_loop3A_165, %parallel_loop3A_172 : vector<16xf32>
        %parallel_loop3A_174 = arith.constant true
        %parallel_loop3A_175 = vector.broadcast %parallel_loop3A_174 : i1 to vector<16xi1>
        %parallel_loop3A_176 = tpu.scan <sum>, %parallel_loop3A_173 masked %parallel_loop3A_175 : vector<16xf32>, vector<16xi1> -> vector<16xf32>
        %parallel_loop3A_177 = vector.extract %parallel_loop3A_176[15] : f32 from vector<16xf32>
        %parallel_loop3A_178 = arith.constant 0.176776692 : f32
        %parallel_loop3A_179 = arith.mulf %parallel_loop3A_177, %parallel_loop3A_178 : f32
        %parallel_loop3A_180 = arith.index_cast %parallel_loop3A_137 : i32 to index
        %parallel_loop3A_181 = arith.constant 0 : index
        %parallel_loop3A_182 = tpu.vector_load %arg17[%parallel_loop3A_180, %parallel_loop3A_181] {strides = array<i32>} : memref<80x64xbf16, #tpu.memory_space<vmem>>, vector<32xbf16>,
        %parallel_loop3A_183 = vector.bitcast %parallel_loop3A_182 : vector<32xbf16> to vector<16xi32>
        %parallel_loop3A_184 = arith.constant 16 : i32
        %parallel_loop3A_185 = vector.broadcast %parallel_loop3A_184 : i32 to vector<16xi32>
        %parallel_loop3A_186 = arith.shli %parallel_loop3A_183, %parallel_loop3A_185 : vector<16xi32>
        %parallel_loop3A_187 = vector.bitcast %parallel_loop3A_186 : vector<16xi32> to vector<16xf32>
        %parallel_loop3A_188 = arith.constant -65536 : i32
        %parallel_loop3A_189 = vector.broadcast %parallel_loop3A_188 : i32 to vector<16xi32>
        %parallel_loop3A_190 = arith.andi %parallel_loop3A_183, %parallel_loop3A_189 : vector<16xi32>
        %parallel_loop3A_191 = vector.bitcast %parallel_loop3A_190 : vector<16xi32> to vector<16xf32>
        %parallel_loop3A_192 = arith.constant 1.000000e+00 : f32
        %parallel_loop3A_193 = vector.broadcast %parallel_loop3A_192 : f32 to vector<16xf32>
        %parallel_loop3A_194 = arith.addf %parallel_loop3A_193, %parallel_loop3A_187 : vector<16xf32>
        %parallel_loop3A_195 = vector.broadcast %parallel_loop3A_158 : f32 to vector<16xf32>
        %parallel_loop3A_196 = arith.mulf %parallel_loop3A_195, %parallel_loop3A_194 : vector<16xf32>
        %parallel_loop3A_197 = math.exp %parallel_loop3A_196 : vector<16xf32>
        %parallel_loop3A_198 = arith.constant 1.000000e+00 : f32
        %parallel_loop3A_199 = vector.broadcast %parallel_loop3A_198 : f32 to vector<16xf32>
        %parallel_loop3A_200 = arith.addf %parallel_loop3A_199, %parallel_loop3A_191 : vector<16xf32>
        %parallel_loop3A_201 = vector.broadcast %parallel_loop3A_158 : f32 to vector<16xf32>
        %parallel_loop3A_202 = arith.mulf %parallel_loop3A_201, %parallel_loop3A_200 : vector<16xf32>
        %parallel_loop3A_203 = math.exp %parallel_loop3A_202 : vector<16xf32>
        %parallel_loop3A_204 = arith.index_cast %parallel_loop3A_137 : i32 to index
        %parallel_loop3A_205 = arith.constant 0 : index
        %parallel_loop3A_206 = tpu.vector_load %arg18[%parallel_loop3A_204, %parallel_loop3A_205] {strides = array<i32>} : memref<80x128xf32, #tpu.memory_space<vmem>>, vector<16xf32>,
        tpu.vector_store %arg18[%parallel_loop3A_204, %parallel_loop3A_205], %parallel_loop3A_197 {strides = array<i32>} : memref<80x128xf32, #tpu.memory_space<vmem>>, vector<16xf32>,
        %parallel_loop3A_207 = arith.index_cast %parallel_loop3A_137 : i32 to index
        %parallel_loop3A_208 = arith.constant 16 : index
        %parallel_loop3A_209 = tpu.vector_load %arg18[%parallel_loop3A_207, %parallel_loop3A_208] {strides = array<i32>} : memref<80x128xf32, #tpu.memory_space<vmem>>, vector<16xf32>,
        tpu.vector_store %arg18[%parallel_loop3A_207, %parallel_loop3A_208], %parallel_loop3A_203 {strides = array<i32>} : memref<80x128xf32, #tpu.memory_space<vmem>>, vector<16xf32>,
        %parallel_loop3A_210 = arith.index_cast %parallel_loop3A_137 : i32 to index
        %parallel_loop3A_211 = arith.constant 64 : index
        %parallel_loop3A_212 = tpu.vector_load %arg14[%parallel_loop3A_210, %parallel_loop3A_211] {strides = array<i32>} : memref<80x128xf32, #tpu.memory_space<vmem>>, vector<16xf32>,
        %parallel_loop3A_213 = arith.mulf %parallel_loop3A_212, %parallel_loop3A_197 : vector<16xf32>
        %parallel_loop3A_214 = arith.index_cast %parallel_loop3A_137 : i32 to index
        %parallel_loop3A_215 = arith.constant 64 : index
        %parallel_loop3A_216 = tpu.vector_load %arg18[%parallel_loop3A_214, %parallel_loop3A_215] {strides = array<i32>} : memref<80x128xf32, #tpu.memory_space<vmem>>, vector<16xf32>,
        tpu.vector_store %arg18[%parallel_loop3A_214, %parallel_loop3A_215], %parallel_loop3A_213 {strides = array<i32>} : memref<80x128xf32, #tpu.memory_space<vmem>>, vector<16xf32>,
        %parallel_loop3A_217 = arith.index_cast %parallel_loop3A_137 : i32 to index
        %parallel_loop3A_218 = arith.constant 80 : index
        %parallel_loop3A_219 = tpu.vector_load %arg14[%parallel_loop3A_217, %parallel_loop3A_218] {strides = array<i32>} : memref<80x128xf32, #tpu.memory_space<vmem>>, vector<16xf32>,
        %parallel_loop3A_220 = arith.mulf %parallel_loop3A_219, %parallel_loop3A_203 : vector<16xf32>
        %parallel_loop3A_221 = arith.index_cast %parallel_loop3A_137 : i32 to index
        %parallel_loop3A_222 = arith.constant 80 : index
        %parallel_loop3A_223 = tpu.vector_load %arg18[%parallel_loop3A_221, %parallel_loop3A_222] {strides = array<i32>} : memref<80x128xf32, #tpu.memory_space<vmem>>, vector<16xf32>,
        tpu.vector_store %arg18[%parallel_loop3A_221, %parallel_loop3A_222], %parallel_loop3A_220 {strides = array<i32>} : memref<80x128xf32, #tpu.memory_space<vmem>>, vector<16xf32>,
        %parallel_loop3A_224 = arith.index_cast %parallel_loop3A_137 : i32 to index
        %parallel_loop3A_225 = arith.constant 32 : index
        %parallel_loop3A_226 = tpu.vector_load %arg17[%parallel_loop3A_224, %parallel_loop3A_225] {strides = array<i32>} : memref<80x64xbf16, #tpu.memory_space<vmem>>, vector<32xbf16>,
        %parallel_loop3A_227 = vector.bitcast %parallel_loop3A_226 : vector<32xbf16> to vector<16xi32>
        %parallel_loop3A_228 = arith.constant 16 : i32
        %parallel_loop3A_229 = vector.broadcast %parallel_loop3A_228 : i32 to vector<16xi32>
        %parallel_loop3A_230 = arith.shli %parallel_loop3A_227, %parallel_loop3A_229 : vector<16xi32>
        %parallel_loop3A_231 = vector.bitcast %parallel_loop3A_230 : vector<16xi32> to vector<16xf32>
        %parallel_loop3A_232 = arith.constant -65536 : i32
        %parallel_loop3A_233 = vector.broadcast %parallel_loop3A_232 : i32 to vector<16xi32>
        %parallel_loop3A_234 = arith.andi %parallel_loop3A_227, %parallel_loop3A_233 : vector<16xi32>
        %parallel_loop3A_235 = vector.bitcast %parallel_loop3A_234 : vector<16xi32> to vector<16xf32>
        %parallel_loop3A_236 = arith.constant 1.000000e+00 : f32
        %parallel_loop3A_237 = vector.broadcast %parallel_loop3A_236 : f32 to vector<16xf32>
        %parallel_loop3A_238 = arith.addf %parallel_loop3A_237, %parallel_loop3A_231 : vector<16xf32>
        %parallel_loop3A_239 = vector.broadcast %parallel_loop3A_179 : f32 to vector<16xf32>
        %parallel_loop3A_240 = arith.mulf %parallel_loop3A_239, %parallel_loop3A_238 : vector<16xf32>
        %parallel_loop3A_241 = math.exp %parallel_loop3A_240 : vector<16xf32>
        %parallel_loop3A_242 = arith.constant 1.000000e+00 : f32
        %parallel_loop3A_243 = vector.broadcast %parallel_loop3A_242 : f32 to vector<16xf32>
        %parallel_loop3A_244 = arith.addf %parallel_loop3A_243, %parallel_loop3A_235 : vector<16xf32>
        %parallel_loop3A_245 = vector.broadcast %parallel_loop3A_179 : f32 to vector<16xf32>
        %parallel_loop3A_246 = arith.mulf %parallel_loop3A_245, %parallel_loop3A_244 : vector<16xf32>
        %parallel_loop3A_247 = math.exp %parallel_loop3A_246 : vector<16xf32>
        %parallel_loop3A_248 = arith.index_cast %parallel_loop3A_137 : i32 to index
        %parallel_loop3A_249 = arith.constant 32 : index
        %parallel_loop3A_250 = tpu.vector_load %arg18[%parallel_loop3A_248, %parallel_loop3A_249] {strides = array<i32>} : memref<80x128xf32, #tpu.memory_space<vmem>>, vector<16xf32>,
        tpu.vector_store %arg18[%parallel_loop3A_248, %parallel_loop3A_249], %parallel_loop3A_241 {strides = array<i32>} : memref<80x128xf32, #tpu.memory_space<vmem>>, vector<16xf32>,
        %parallel_loop3A_251 = arith.index_cast %parallel_loop3A_137 : i32 to index
        %parallel_loop3A_252 = arith.constant 48 : index
        %parallel_loop3A_253 = tpu.vector_load %arg18[%parallel_loop3A_251, %parallel_loop3A_252] {strides = array<i32>} : memref<80x128xf32, #tpu.memory_space<vmem>>, vector<16xf32>,
        tpu.vector_store %arg18[%parallel_loop3A_251, %parallel_loop3A_252], %parallel_loop3A_247 {strides = array<i32>} : memref<80x128xf32, #tpu.memory_space<vmem>>, vector<16xf32>,
        %parallel_loop3A_254 = arith.index_cast %parallel_loop3A_137 : i32 to index
        %parallel_loop3A_255 = arith.constant 96 : index
        %parallel_loop3A_256 = tpu.vector_load %arg14[%parallel_loop3A_254, %parallel_loop3A_255] {strides = array<i32>} : memref<80x128xf32, #tpu.memory_space<vmem>>, vector<16xf32>,
        %parallel_loop3A_257 = arith.mulf %parallel_loop3A_256, %parallel_loop3A_241 : vector<16xf32>
        %parallel_loop3A_258 = arith.index_cast %parallel_loop3A_137 : i32 to index
        %parallel_loop3A_259 = arith.constant 96 : index
        %parallel_loop3A_260 = tpu.vector_load %arg18[%parallel_loop3A_258, %parallel_loop3A_259] {strides = array<i32>} : memref<80x128xf32, #tpu.memory_space<vmem>>, vector<16xf32>,
        tpu.vector_store %arg18[%parallel_loop3A_258, %parallel_loop3A_259], %parallel_loop3A_257 {strides = array<i32>} : memref<80x128xf32, #tpu.memory_space<vmem>>, vector<16xf32>,
        %parallel_loop3A_261 = arith.index_cast %parallel_loop3A_137 : i32 to index
        %parallel_loop3A_262 = arith.constant 112 : index
        %parallel_loop3A_263 = tpu.vector_load %arg14[%parallel_loop3A_261, %parallel_loop3A_262] {strides = array<i32>} : memref<80x128xf32, #tpu.memory_space<vmem>>, vector<16xf32>,
        %parallel_loop3A_264 = arith.mulf %parallel_loop3A_263, %parallel_loop3A_247 : vector<16xf32>
        %parallel_loop3A_265 = arith.index_cast %parallel_loop3A_137 : i32 to index
        %parallel_loop3A_266 = arith.constant 112 : index
        %parallel_loop3A_267 = tpu.vector_load %arg18[%parallel_loop3A_265, %parallel_loop3A_266] {strides = array<i32>} : memref<80x128xf32, #tpu.memory_space<vmem>>, vector<16xf32>,
        tpu.vector_store %arg18[%parallel_loop3A_265, %parallel_loop3A_266], %parallel_loop3A_264 {strides = array<i32>} : memref<80x128xf32, #tpu.memory_space<vmem>>, vector<16xf32>,
      } {sc.loop_unroll_factor = 8 : i64, sc.parallel_access}
      %dma_start3A_134 = arith.constant 0 : i32
      %dma_start3A_135 = arith.constant 0 : i32
      %dma_start3A_136 = tpu.memref_slice %arg19[%dma_start3A_134, %dma_start3A_135] : memref<10240x128xf32, #tpu.memory_space<vmem_shared>> -> memref<10240x128xf32, #tpu.memory_space<vmem_shared>>
      tpu.enqueue_indirect_dma source(%arg18 : memref<80x128xf32, #tpu.memory_space<vmem>>) target(%dma_start3A_136 : memref<10240x128xf32, #tpu.memory_space<vmem_shared>>) offsets(%arg12 : memref<80xi32, #tpu.memory_space<vmem>>) semaphore(%arg28 : memref<!tpu.dma_semaphore, #tpu.memory_space<semaphore_mem>>) {add = true}
    }
    %scan3A_33 = arith.constant 125 : i32
    %dma_wait3A = arith.constant 0 : i32
    %dma_wait3A_34 = arith.constant 0 : i32
    %dma_wait3A_35 = tpu.memref_slice %arg19[%dma_wait3A, %dma_wait3A_34] : memref<10240x128xf32, #tpu.memory_space<vmem_shared>> -> memref<10240x128xf32, #tpu.memory_space<vmem_shared>>
    tpu.wait_indirect_dma semaphore(%arg28 : memref<!tpu.dma_semaphore, #tpu.memory_space<semaphore_mem>>) src(%arg18 : memref<80x128xf32, #tpu.memory_space<vmem>>) dst(%dma_wait3A_35 : memref<10240x128xf32, #tpu.memory_space<vmem_shared>>)
    %barrier3A_36 = arith.constant 0 : index
    tpu.barrier barrier_id(%barrier3A_36)
    %mul3A_37 = arith.constant 640 : i32
    %mul3A_38 = arith.muli %arg1, %mul3A_37 : i32
    "tpu.region"() ({
      %run_scoped3A = tpu.sem_alloc : memref<!tpu.dma_semaphore, #tpu.memory_space<semaphore_mem>>
      %dma_start3A_39 = arith.constant 0 : i32
      %dma_start3A_40 = tpu.memref_slice %arg7[%arg0, %mul3A_38, %dma_start3A_39] : memref<2x10240x128xf32, #tpu.memory_space<hbm>> -> memref<1x640x128xf32, #tpu.memory_space<hbm>>
      %dma_start3A_41 = tpu.memref_squeeze %dma_start3A_40 : memref<1x640x128xf32, #tpu.memory_space<hbm>> -> memref<640x128xf32, #tpu.memory_space<hbm>>
      %dma_start3A_42 = arith.constant 0 : i32
      %dma_start3A_43 = tpu.memref_slice %arg19[%mul3A_38, %dma_start3A_42] : memref<10240x128xf32, #tpu.memory_space<vmem_shared>> -> memref<640x128xf32, #tpu.memory_space<vmem_shared>>
      tpu.enqueue_dma source(%dma_start3A_43 : memref<640x128xf32, #tpu.memory_space<vmem_shared>>) target(%dma_start3A_41 : memref<640x128xf32, #tpu.memory_space<hbm>>) target_semaphore(%run_scoped3A : memref<!tpu.dma_semaphore, #tpu.memory_space<semaphore_mem>>)
      %dma_wait3A_44 = arith.constant 0 : i32
      %dma_wait3A_45 = tpu.memref_slice %arg7[%arg0, %mul3A_38, %dma_wait3A_44] : memref<2x10240x128xf32, #tpu.memory_space<hbm>> -> memref<1x640x128xf32, #tpu.memory_space<hbm>>
      %dma_wait3A_46 = tpu.memref_squeeze %dma_wait3A_45 : memref<1x640x128xf32, #tpu.memory_space<hbm>> -> memref<640x128xf32, #tpu.memory_space<hbm>>
      %dma_wait3A_47 = arith.constant 0 : i32
      %dma_wait3A_48 = tpu.memref_slice %arg19[%mul3A_38, %dma_wait3A_47] : memref<10240x128xf32, #tpu.memory_space<vmem_shared>> -> memref<640x128xf32, #tpu.memory_space<vmem_shared>>
      tpu.wait_dma2 semaphore(%run_scoped3A : memref<!tpu.dma_semaphore, #tpu.memory_space<semaphore_mem>>) src(%dma_wait3A_48 : memref<640x128xf32, #tpu.memory_space<vmem_shared>>) dst(%dma_wait3A_46 : memref<640x128xf32, #tpu.memory_space<hbm>>)
      tpu.yield
    }) : () -> ()
    return
  }
}

module attributes {stable_mosaic.version = 14 : i64} {
  func.func @_ee_body(%arg0: i32, %arg1: memref<4000x128xf32, #tpu.memory_space<vmem>>, %arg2: memref<128x128xf32, #tpu.memory_space<vmem>>, %arg3: memref<2x4000x64xbf16, #tpu.memory_space<vmem>>) attributes {dimension_semantics = [#tpu.dimension_semantics<arbitrary>], iteration_bounds = array<i64: 80>, scalar_prefetch = 0 : i64, scratch_operands = 0 : i64, tpu.core_type = #tpu.core_type<tc>, window_params = [{transform_indices = @transform_0, window_bounds = array<i64: 4000, 128>}, {pipeline_mode = #tpu.pipeline_mode<synchronous>, transform_indices = @transform_1, window_bounds = array<i64: 128, 128>}, {transform_indices = @transform_2, window_bounds = array<i64: 2, 4000, 64>}]} {
    %get3A = arith.constant 0 : index
    %get3A_0 = arith.constant 0 : index
    %get3A_1 = vector.load %arg1[%get3A, %get3A_0] : memref<4000x128xf32, #tpu.memory_space<vmem>>, vector<4000x128xf32>
    %convert_element_type3A = arith.truncf %get3A_1 : vector<4000x128xf32> to vector<4000x128xbf16>
    %get3A_2 = arith.constant 0 : index
    %get3A_3 = arith.constant 0 : index
    %get3A_4 = vector.load %arg2[%get3A_2, %get3A_3] : memref<128x128xf32, #tpu.memory_space<vmem>>, vector<128x128xf32>
    %convert_element_type3A_5 = arith.truncf %get3A_4 : vector<128x128xf32> to vector<128x128xbf16>
    %dot_general3A = arith.constant dense<0.000000e+00> : vector<4000x128xf32>
    %dot_general3A_6 = tpu.matmul %convert_element_type3A, %convert_element_type3A_5, %dot_general3A {dimension_numbers = #tpu.dot_dimension_numbers<[1], [0], [0], [1], [0, 0, 1, 1], [], []>, transpose_lhs_hint = false} : vector<4000x128xbf16>, vector<128x128xbf16>, vector<4000x128xf32> -> vector<4000x128xf32>
    %convert_element_type3A_7 = arith.truncf %dot_general3A_6 : vector<4000x128xf32> to vector<4000x128xbf16>
    %slice3A = vector.extract_strided_slice %convert_element_type3A_7 {offsets = [0, 0], sizes = [4000, 64], strides = [1, 1]} : vector<4000x128xbf16> to vector<4000x64xbf16>
    %swap3A = arith.constant 0 : index
    %swap3A_8 = arith.constant 0 : index
    %swap3A_9 = arith.constant 0 : index
    %swap3A_10 = vector.load %arg3[%swap3A, %swap3A_8, %swap3A_9] : memref<2x4000x64xbf16, #tpu.memory_space<vmem>>, vector<1x4000x64xbf16>
    %swap3A_11 = vector.shape_cast %swap3A_10 : vector<1x4000x64xbf16> to vector<4000x64xbf16>
    %swap3A_12 = vector.shape_cast %slice3A : vector<4000x64xbf16> to vector<1x4000x64xbf16>
    tpu.vector_store %arg3[%swap3A, %swap3A_8, %swap3A_9], %swap3A_12 {strides = array<i32>} : memref<2x4000x64xbf16, #tpu.memory_space<vmem>>, vector<1x4000x64xbf16>,
    %slice3A_13 = vector.extract_strided_slice %convert_element_type3A_7 {offsets = [0, 64], sizes = [4000, 64], strides = [1, 1]} : vector<4000x128xbf16> to vector<4000x64xbf16>
    %swap3A_14 = arith.constant 1 : index
    %swap3A_15 = arith.constant 0 : index
    %swap3A_16 = arith.constant 0 : index
    %swap3A_17 = vector.load %arg3[%swap3A_14, %swap3A_15, %swap3A_16] : memref<2x4000x64xbf16, #tpu.memory_space<vmem>>, vector<1x4000x64xbf16>
    %swap3A_18 = vector.shape_cast %swap3A_17 : vector<1x4000x64xbf16> to vector<4000x64xbf16>
    %swap3A_19 = vector.shape_cast %slice3A_13 : vector<4000x64xbf16> to vector<1x4000x64xbf16>
    tpu.vector_store %arg3[%swap3A_14, %swap3A_15, %swap3A_16], %swap3A_19 {strides = array<i32>} : memref<2x4000x64xbf16, #tpu.memory_space<vmem>>, vector<1x4000x64xbf16>,
    return
  }
  func.func @transform_0(%arg0: i32) -> (i32, i32) {
    %c0_i32 = arith.constant 0 : i32
    %c0_i32_0 = arith.constant 0 : i32
    return %arg0, %c0_i32 : i32, i32
  }
  func.func @transform_1(%arg0: i32) -> (i32, i32) {
    %c0_i32 = arith.constant 0 : i32
    %c0_i32_0 = arith.constant 0 : i32
    %c0_i32_1 = arith.constant 0 : i32
    return %c0_i32, %c0_i32_0 : i32, i32
  }
  func.func @transform_2(%arg0: i32) -> (i32, i32, i32) {
    %c0_i32 = arith.constant 0 : i32
    %c0_i32_0 = arith.constant 0 : i32
    %c0_i32_1 = arith.constant 0 : i32
    return %c0_i32, %arg0, %c0_i32_0 : i32, i32, i32
  }
}

module attributes {stable_mosaic.version = 14 : i64} {
  func.func @_qkv_body(%arg0: i32, %arg1: memref<1000x128xf32, #tpu.memory_space<vmem>>, %arg2: memref<128x128xf32, #tpu.memory_space<vmem>>, %arg3: memref<128x128xf32, #tpu.memory_space<vmem>>, %arg4: memref<128x128xf32, #tpu.memory_space<vmem>>, %arg5: memref<2x1000x64xf32, #tpu.memory_space<vmem>>, %arg6: memref<2x1000x128xf32, #tpu.memory_space<vmem>>) attributes {dimension_semantics = [#tpu.dimension_semantics<arbitrary>], iteration_bounds = array<i64: 10>, scalar_prefetch = 0 : i64, scratch_operands = 0 : i64, tpu.core_type = #tpu.core_type<tc>, window_params = [{transform_indices = @transform_0, window_bounds = array<i64: 1000, 128>}, {pipeline_mode = #tpu.pipeline_mode<synchronous>, transform_indices = @transform_1, window_bounds = array<i64: 128, 128>}, {pipeline_mode = #tpu.pipeline_mode<synchronous>, transform_indices = @transform_2, window_bounds = array<i64: 128, 128>}, {pipeline_mode = #tpu.pipeline_mode<synchronous>, transform_indices = @transform_3, window_bounds = array<i64: 128, 128>}, {transform_indices = @transform_4, window_bounds = array<i64: 2, 1000, 64>}, {transform_indices = @transform_5, window_bounds = array<i64: 2, 1000, 128>}]} {
    %get3A = arith.constant 0 : index
    %get3A_0 = arith.constant 0 : index
    %get3A_1 = vector.load %arg1[%get3A, %get3A_0] : memref<1000x128xf32, #tpu.memory_space<vmem>>, vector<1000x128xf32>
    %convert_element_type3A = arith.truncf %get3A_1 : vector<1000x128xf32> to vector<1000x128xbf16>
    %get3A_2 = arith.constant 0 : index
    %get3A_3 = arith.constant 0 : index
    %get3A_4 = vector.load %arg2[%get3A_2, %get3A_3] : memref<128x128xf32, #tpu.memory_space<vmem>>, vector<128x128xf32>
    %convert_element_type3A_5 = arith.truncf %get3A_4 : vector<128x128xf32> to vector<128x128xbf16>
    %dot_general3A = arith.constant dense<0.000000e+00> : vector<1000x128xf32>
    %dot_general3A_6 = tpu.matmul %convert_element_type3A, %convert_element_type3A_5, %dot_general3A {dimension_numbers = #tpu.dot_dimension_numbers<[1], [0], [0], [1], [0, 0, 1, 1], [], []>, transpose_lhs_hint = false} : vector<1000x128xbf16>, vector<128x128xbf16>, vector<1000x128xf32> -> vector<1000x128xf32>
    %get3A_7 = arith.constant 0 : index
    %get3A_8 = arith.constant 0 : index
    %get3A_9 = vector.load %arg3[%get3A_7, %get3A_8] : memref<128x128xf32, #tpu.memory_space<vmem>>, vector<128x128xf32>
    %convert_element_type3A_10 = arith.truncf %get3A_9 : vector<128x128xf32> to vector<128x128xbf16>
    %dot_general3A_11 = arith.constant dense<0.000000e+00> : vector<1000x128xf32>
    %dot_general3A_12 = tpu.matmul %convert_element_type3A, %convert_element_type3A_10, %dot_general3A_11 {dimension_numbers = #tpu.dot_dimension_numbers<[1], [0], [0], [1], [0, 0, 1, 1], [], []>, transpose_lhs_hint = false} : vector<1000x128xbf16>, vector<128x128xbf16>, vector<1000x128xf32> -> vector<1000x128xf32>
    %get3A_13 = arith.constant 0 : index
    %get3A_14 = arith.constant 0 : index
    %get3A_15 = vector.load %arg4[%get3A_13, %get3A_14] : memref<128x128xf32, #tpu.memory_space<vmem>>, vector<128x128xf32>
    %convert_element_type3A_16 = arith.truncf %get3A_15 : vector<128x128xf32> to vector<128x128xbf16>
    %dot_general3A_17 = arith.constant dense<0.000000e+00> : vector<1000x128xf32>
    %dot_general3A_18 = tpu.matmul %convert_element_type3A, %convert_element_type3A_16, %dot_general3A_17 {dimension_numbers = #tpu.dot_dimension_numbers<[1], [0], [0], [1], [0, 0, 1, 1], [], []>, transpose_lhs_hint = false} : vector<1000x128xbf16>, vector<128x128xbf16>, vector<1000x128xf32> -> vector<1000x128xf32>
    %slice3A = vector.extract_strided_slice %dot_general3A_6 {offsets = [0, 0], sizes = [1000, 64], strides = [1, 1]} : vector<1000x128xf32> to vector<1000x64xf32>
    %swap3A = arith.constant 0 : index
    %swap3A_19 = arith.constant 0 : index
    %swap3A_20 = arith.constant 0 : index
    %swap3A_21 = vector.load %arg5[%swap3A, %swap3A_19, %swap3A_20] : memref<2x1000x64xf32, #tpu.memory_space<vmem>>, vector<1x1000x64xf32>
    %swap3A_22 = vector.shape_cast %swap3A_21 : vector<1x1000x64xf32> to vector<1000x64xf32>
    %swap3A_23 = vector.shape_cast %slice3A : vector<1000x64xf32> to vector<1x1000x64xf32>
    tpu.vector_store %arg5[%swap3A, %swap3A_19, %swap3A_20], %swap3A_23 {strides = array<i32>} : memref<2x1000x64xf32, #tpu.memory_space<vmem>>, vector<1x1000x64xf32>,
    %slice3A_24 = vector.extract_strided_slice %dot_general3A_6 {offsets = [0, 64], sizes = [1000, 64], strides = [1, 1]} : vector<1000x128xf32> to vector<1000x64xf32>
    %swap3A_25 = arith.constant 1 : index
    %swap3A_26 = arith.constant 0 : index
    %swap3A_27 = arith.constant 0 : index
    %swap3A_28 = vector.load %arg5[%swap3A_25, %swap3A_26, %swap3A_27] : memref<2x1000x64xf32, #tpu.memory_space<vmem>>, vector<1x1000x64xf32>
    %swap3A_29 = vector.shape_cast %swap3A_28 : vector<1x1000x64xf32> to vector<1000x64xf32>
    %swap3A_30 = vector.shape_cast %slice3A_24 : vector<1000x64xf32> to vector<1x1000x64xf32>
    tpu.vector_store %arg5[%swap3A_25, %swap3A_26, %swap3A_27], %swap3A_30 {strides = array<i32>} : memref<2x1000x64xf32, #tpu.memory_space<vmem>>, vector<1x1000x64xf32>,
    %slice3A_31 = vector.extract_strided_slice %dot_general3A_12 {offsets = [0, 0], sizes = [1000, 64], strides = [1, 1]} : vector<1000x128xf32> to vector<1000x64xf32>
    %slice3A_32 = vector.extract_strided_slice %dot_general3A_18 {offsets = [0, 0], sizes = [1000, 64], strides = [1, 1]} : vector<1000x128xf32> to vector<1000x64xf32>
    %concatenate3A = tpu.concatenate %slice3A_31, %slice3A_32 in 1 : vector<1000x64xf32>, vector<1000x64xf32> -> vector<1000x128xf32>
    %swap3A_33 = arith.constant 0 : index
    %swap3A_34 = arith.constant 0 : index
    %swap3A_35 = arith.constant 0 : index
    %swap3A_36 = vector.load %arg6[%swap3A_33, %swap3A_34, %swap3A_35] : memref<2x1000x128xf32, #tpu.memory_space<vmem>>, vector<1x1000x128xf32>
    %swap3A_37 = vector.shape_cast %swap3A_36 : vector<1x1000x128xf32> to vector<1000x128xf32>
    %swap3A_38 = vector.shape_cast %concatenate3A : vector<1000x128xf32> to vector<1x1000x128xf32>
    tpu.vector_store %arg6[%swap3A_33, %swap3A_34, %swap3A_35], %swap3A_38 {strides = array<i32>} : memref<2x1000x128xf32, #tpu.memory_space<vmem>>, vector<1x1000x128xf32>,
    %slice3A_39 = vector.extract_strided_slice %dot_general3A_12 {offsets = [0, 64], sizes = [1000, 64], strides = [1, 1]} : vector<1000x128xf32> to vector<1000x64xf32>
    %slice3A_40 = vector.extract_strided_slice %dot_general3A_18 {offsets = [0, 64], sizes = [1000, 64], strides = [1, 1]} : vector<1000x128xf32> to vector<1000x64xf32>
    %concatenate3A_41 = tpu.concatenate %slice3A_39, %slice3A_40 in 1 : vector<1000x64xf32>, vector<1000x64xf32> -> vector<1000x128xf32>
    %swap3A_42 = arith.constant 1 : index
    %swap3A_43 = arith.constant 0 : index
    %swap3A_44 = arith.constant 0 : index
    %swap3A_45 = vector.load %arg6[%swap3A_42, %swap3A_43, %swap3A_44] : memref<2x1000x128xf32, #tpu.memory_space<vmem>>, vector<1x1000x128xf32>
    %swap3A_46 = vector.shape_cast %swap3A_45 : vector<1x1000x128xf32> to vector<1000x128xf32>
    %swap3A_47 = vector.shape_cast %concatenate3A_41 : vector<1000x128xf32> to vector<1x1000x128xf32>
    tpu.vector_store %arg6[%swap3A_42, %swap3A_43, %swap3A_44], %swap3A_47 {strides = array<i32>} : memref<2x1000x128xf32, #tpu.memory_space<vmem>>, vector<1x1000x128xf32>,
    return
  }
  func.func @transform_0(%arg0: i32) -> (i32, i32) {
    %c0_i32 = arith.constant 0 : i32
    %c0_i32_0 = arith.constant 0 : i32
    return %arg0, %c0_i32 : i32, i32
  }
  func.func @transform_1(%arg0: i32) -> (i32, i32) {
    %c0_i32 = arith.constant 0 : i32
    %c0_i32_0 = arith.constant 0 : i32
    %c0_i32_1 = arith.constant 0 : i32
    return %c0_i32, %c0_i32_0 : i32, i32
  }
  func.func @transform_2(%arg0: i32) -> (i32, i32) {
    %c0_i32 = arith.constant 0 : i32
    %c0_i32_0 = arith.constant 0 : i32
    %c0_i32_1 = arith.constant 0 : i32
    return %c0_i32, %c0_i32_0 : i32, i32
  }
  func.func @transform_3(%arg0: i32) -> (i32, i32) {
    %c0_i32 = arith.constant 0 : i32
    %c0_i32_0 = arith.constant 0 : i32
    %c0_i32_1 = arith.constant 0 : i32
    return %c0_i32, %c0_i32_0 : i32, i32
  }
  func.func @transform_4(%arg0: i32) -> (i32, i32, i32) {
    %c0_i32 = arith.constant 0 : i32
    %c0_i32_0 = arith.constant 0 : i32
    %c0_i32_1 = arith.constant 0 : i32
    return %c0_i32, %arg0, %c0_i32_0 : i32, i32, i32
  }
  func.func @transform_5(%arg0: i32) -> (i32, i32, i32) {
    %c0_i32 = arith.constant 0 : i32
    %c0_i32_0 = arith.constant 0 : i32
    %c0_i32_1 = arith.constant 0 : i32
    return %c0_i32, %arg0, %c0_i32_0 : i32, i32, i32
  }
}

module attributes {stable_mosaic.version = 14 : i64} {
  func.func @_epi_body(%arg0: i32, %arg1: memref<1000x128xf32, #tpu.memory_space<vmem>>, %arg2: memref<2x1000x128xf32, #tpu.memory_space<vmem>>, %arg3: memref<128x128xf32, #tpu.memory_space<vmem>>, %arg4: memref<128xf32, #tpu.memory_space<vmem>>, %arg5: memref<128xf32, #tpu.memory_space<vmem>>, %arg6: memref<128xf32, #tpu.memory_space<vmem>>, %arg7: memref<128x256xf32, #tpu.memory_space<vmem>>, %arg8: memref<256xf32, #tpu.memory_space<vmem>>, %arg9: memref<256x128xf32, #tpu.memory_space<vmem>>, %arg10: memref<128xf32, #tpu.memory_space<vmem>>, %arg11: memref<128xf32, #tpu.memory_space<vmem>>, %arg12: memref<128xf32, #tpu.memory_space<vmem>>, %arg13: memref<1000x128xf32, #tpu.memory_space<vmem>>) attributes {dimension_semantics = [#tpu.dimension_semantics<arbitrary>], iteration_bounds = array<i64: 10>, scalar_prefetch = 0 : i64, scratch_operands = 0 : i64, tpu.core_type = #tpu.core_type<tc>, window_params = [{transform_indices = @transform_0, window_bounds = array<i64: 1000, 128>}, {transform_indices = @transform_1, window_bounds = array<i64: 2, 1000, 128>}, {pipeline_mode = #tpu.pipeline_mode<synchronous>, transform_indices = @transform_2, window_bounds = array<i64: 128, 128>}, {pipeline_mode = #tpu.pipeline_mode<synchronous>, transform_indices = @transform_3, window_bounds = array<i64: 128>}, {pipeline_mode = #tpu.pipeline_mode<synchronous>, transform_indices = @transform_4, window_bounds = array<i64: 128>}, {pipeline_mode = #tpu.pipeline_mode<synchronous>, transform_indices = @transform_5, window_bounds = array<i64: 128>}, {pipeline_mode = #tpu.pipeline_mode<synchronous>, transform_indices = @transform_6, window_bounds = array<i64: 128, 256>}, {pipeline_mode = #tpu.pipeline_mode<synchronous>, transform_indices = @transform_7, window_bounds = array<i64: 256>}, {pipeline_mode = #tpu.pipeline_mode<synchronous>, transform_indices = @transform_8, window_bounds = array<i64: 256, 128>}, {pipeline_mode = #tpu.pipeline_mode<synchronous>, transform_indices = @transform_9, window_bounds = array<i64: 128>}, {pipeline_mode = #tpu.pipeline_mode<synchronous>, transform_indices = @transform_10, window_bounds = array<i64: 128>}, {pipeline_mode = #tpu.pipeline_mode<synchronous>, transform_indices = @transform_11, window_bounds = array<i64: 128>}, {transform_indices = @transform_12, window_bounds = array<i64: 1000, 128>}]} {
    %get3A = arith.constant 0 : index
    %get3A_0 = arith.constant 0 : index
    %get3A_1 = arith.constant 0 : index
    %get3A_2 = vector.load %arg2[%get3A, %get3A_0, %get3A_1] : memref<2x1000x128xf32, #tpu.memory_space<vmem>>, vector<1x1000x128xf32>
    %get3A_3 = vector.shape_cast %get3A_2 : vector<1x1000x128xf32> to vector<1000x128xf32>
    %slice3A = vector.extract_strided_slice %get3A_3 {offsets = [0, 0], sizes = [1000, 64], strides = [1, 1]} : vector<1000x128xf32> to vector<1000x64xf32>
    %get3A_4 = arith.constant 1 : index
    %get3A_5 = arith.constant 0 : index
    %get3A_6 = arith.constant 0 : index
    %get3A_7 = vector.load %arg2[%get3A_4, %get3A_5, %get3A_6] : memref<2x1000x128xf32, #tpu.memory_space<vmem>>, vector<1x1000x128xf32>
    %get3A_8 = vector.shape_cast %get3A_7 : vector<1x1000x128xf32> to vector<1000x128xf32>
    %slice3A_9 = vector.extract_strided_slice %get3A_8 {offsets = [0, 0], sizes = [1000, 64], strides = [1, 1]} : vector<1000x128xf32> to vector<1000x64xf32>
    %concatenate3A = tpu.concatenate %slice3A, %slice3A_9 in 1 : vector<1000x64xf32>, vector<1000x64xf32> -> vector<1000x128xf32>
    %get3A_10 = arith.constant 0 : index
    %get3A_11 = arith.constant 0 : index
    %get3A_12 = arith.constant 0 : index
    %get3A_13 = vector.load %arg2[%get3A_10, %get3A_11, %get3A_12] : memref<2x1000x128xf32, #tpu.memory_space<vmem>>, vector<1x1000x128xf32>
    %get3A_14 = vector.shape_cast %get3A_13 : vector<1x1000x128xf32> to vector<1000x128xf32>
    %slice3A_15 = vector.extract_strided_slice %get3A_14 {offsets = [0, 64], sizes = [1000, 64], strides = [1, 1]} : vector<1000x128xf32> to vector<1000x64xf32>
    %get3A_16 = arith.constant 1 : index
    %get3A_17 = arith.constant 0 : index
    %get3A_18 = arith.constant 0 : index
    %get3A_19 = vector.load %arg2[%get3A_16, %get3A_17, %get3A_18] : memref<2x1000x128xf32, #tpu.memory_space<vmem>>, vector<1x1000x128xf32>
    %get3A_20 = vector.shape_cast %get3A_19 : vector<1x1000x128xf32> to vector<1000x128xf32>
    %slice3A_21 = vector.extract_strided_slice %get3A_20 {offsets = [0, 64], sizes = [1000, 64], strides = [1, 1]} : vector<1000x128xf32> to vector<1000x64xf32>
    %concatenate3A_22 = tpu.concatenate %slice3A_15, %slice3A_21 in 1 : vector<1000x64xf32>, vector<1000x64xf32> -> vector<1000x128xf32>
    %max3A = arith.constant 9.99999997E-7 : f32
    %max3A_23 = vector.broadcast %max3A : f32 to vector<1000x128xf32>
    %max3A_24 = arith.maximumf %concatenate3A, %max3A_23 : vector<1000x128xf32>
    %div3A = arith.divf %concatenate3A_22, %max3A_24 : vector<1000x128xf32>
    %get3A_25 = arith.constant 0 : index
    %get3A_26 = arith.constant 0 : index
    %get3A_27 = vector.load %arg1[%get3A_25, %get3A_26] : memref<1000x128xf32, #tpu.memory_space<vmem>>, vector<1000x128xf32>
    %get3A_28 = arith.constant 0 : index
    %get3A_29 = arith.constant 0 : index
    %get3A_30 = vector.load %arg3[%get3A_28, %get3A_29] : memref<128x128xf32, #tpu.memory_space<vmem>>, vector<128x128xf32>
    %dot_general3A = arith.constant dense<0.000000e+00> : vector<1000x128xf32>
    %dot_general3A_31 = tpu.matmul %div3A, %get3A_30, %dot_general3A {dimension_numbers = #tpu.dot_dimension_numbers<[1], [0], [0], [1], [0, 0, 1, 1], [], []>, transpose_lhs_hint = false} : vector<1000x128xf32>, vector<128x128xf32>, vector<1000x128xf32> -> vector<1000x128xf32>
    %add3A = arith.addf %get3A_27, %dot_general3A_31 : vector<1000x128xf32>
    %get3A_32 = arith.constant 0 : index
    %get3A_33 = vector.load %arg4[%get3A_32] : memref<128xf32, #tpu.memory_space<vmem>>, vector<128xf32>
    %broadcast_in_dim3A = vector.shape_cast %get3A_33 : vector<128xf32> to vector<1x128xf32>
    %add3A_34 = vector.broadcast %broadcast_in_dim3A : vector<1x128xf32> to vector<1000x128xf32>
    %add3A_35 = arith.addf %add3A, %add3A_34 : vector<1000x128xf32>
    %get3A_36 = arith.constant 0 : index
    %get3A_37 = vector.load %arg5[%get3A_36] : memref<128xf32, #tpu.memory_space<vmem>>, vector<128xf32>
    %get3A_38 = arith.constant 0 : index
    %get3A_39 = vector.load %arg6[%get3A_38] : memref<128xf32, #tpu.memory_space<vmem>>, vector<128xf32>
    %reduce_sum3A = arith.constant dense<0.000000e+00> : vector<1000xf32>
    %reduce_sum3A_40 = vector.multi_reduction <add>, %add3A_35, %reduce_sum3A [1] : vector<1000x128xf32> to vector<1000xf32>
    %broadcast_in_dim3A_41 = vector.shape_cast %reduce_sum3A_40 : vector<1000xf32> to vector<1000x1xf32>
    %div3A_42 = arith.constant 1.280000e+02 : f32
    %div3A_43 = vector.broadcast %div3A_42 : f32 to vector<1000x1xf32>
    %div3A_44 = arith.divf %broadcast_in_dim3A_41, %div3A_43 : vector<1000x1xf32>
    %sub3A = vector.broadcast %div3A_44 : vector<1000x1xf32> to vector<1000x128xf32>
    %sub3A_45 = arith.subf %add3A_35, %sub3A : vector<1000x128xf32>
    %mul3A = arith.mulf %sub3A_45, %sub3A_45 : vector<1000x128xf32>
    %reduce_sum3A_46 = arith.constant dense<0.000000e+00> : vector<1000xf32>
    %reduce_sum3A_47 = vector.multi_reduction <add>, %mul3A, %reduce_sum3A_46 [1] : vector<1000x128xf32> to vector<1000xf32>
    %broadcast_in_dim3A_48 = vector.shape_cast %reduce_sum3A_47 : vector<1000xf32> to vector<1000x1xf32>
    %div3A_49 = arith.constant 1.280000e+02 : f32
    %div3A_50 = vector.broadcast %div3A_49 : f32 to vector<1000x1xf32>
    %div3A_51 = arith.divf %broadcast_in_dim3A_48, %div3A_50 : vector<1000x1xf32>
    %add3A_52 = arith.constant 9.99999974E-6 : f32
    %add3A_53 = vector.broadcast %add3A_52 : f32 to vector<1000x1xf32>
    %add3A_54 = arith.addf %div3A_51, %add3A_53 : vector<1000x1xf32>
    %rsqrt3A = math.rsqrt %add3A_54 : vector<1000x1xf32>
    %mul3A_55 = vector.broadcast %rsqrt3A : vector<1000x1xf32> to vector<1000x128xf32>
    %mul3A_56 = arith.mulf %sub3A_45, %mul3A_55 : vector<1000x128xf32>
    %broadcast_in_dim3A_57 = vector.shape_cast %get3A_37 : vector<128xf32> to vector<1x128xf32>
    %mul3A_58 = vector.broadcast %broadcast_in_dim3A_57 : vector<1x128xf32> to vector<1000x128xf32>
    %mul3A_59 = arith.mulf %mul3A_56, %mul3A_58 : vector<1000x128xf32>
    %broadcast_in_dim3A_60 = vector.shape_cast %get3A_39 : vector<128xf32> to vector<1x128xf32>
    %add3A_61 = vector.broadcast %broadcast_in_dim3A_60 : vector<1x128xf32> to vector<1000x128xf32>
    %add3A_62 = arith.addf %mul3A_59, %add3A_61 : vector<1000x128xf32>
    %get3A_63 = arith.constant 0 : index
    %get3A_64 = arith.constant 0 : index
    %get3A_65 = vector.load %arg7[%get3A_63, %get3A_64] : memref<128x256xf32, #tpu.memory_space<vmem>>, vector<128x256xf32>
    %dot_general3A_66 = arith.constant dense<0.000000e+00> : vector<1000x256xf32>
    %dot_general3A_67 = tpu.matmul %add3A_62, %get3A_65, %dot_general3A_66 {dimension_numbers = #tpu.dot_dimension_numbers<[1], [0], [0], [1], [0, 0, 1, 1], [], []>, transpose_lhs_hint = false} : vector<1000x128xf32>, vector<128x256xf32>, vector<1000x256xf32> -> vector<1000x256xf32>
    %get3A_68 = arith.constant 0 : index
    %get3A_69 = vector.load %arg8[%get3A_68] : memref<256xf32, #tpu.memory_space<vmem>>, vector<256xf32>
    %broadcast_in_dim3A_70 = vector.shape_cast %get3A_69 : vector<256xf32> to vector<1x256xf32>
    %add3A_71 = vector.broadcast %broadcast_in_dim3A_70 : vector<1x256xf32> to vector<1000x256xf32>
    %add3A_72 = arith.addf %dot_general3A_67, %add3A_71 : vector<1000x256xf32>
    %max3A_73 = arith.constant 0.000000e+00 : f32
    %max3A_74 = vector.broadcast %max3A_73 : f32 to vector<1000x256xf32>
    %max3A_75 = arith.maximumf %add3A_72, %max3A_74 : vector<1000x256xf32>
    %get3A_76 = arith.constant 0 : index
    %get3A_77 = arith.constant 0 : index
    %get3A_78 = vector.load %arg9[%get3A_76, %get3A_77] : memref<256x128xf32, #tpu.memory_space<vmem>>, vector<256x128xf32>
    %dot_general3A_79 = arith.constant dense<0.000000e+00> : vector<1000x128xf32>
    %dot_general3A_80 = tpu.matmul %max3A_75, %get3A_78, %dot_general3A_79 {dimension_numbers = #tpu.dot_dimension_numbers<[1], [0], [0], [1], [0, 0, 1, 1], [], []>, transpose_lhs_hint = false} : vector<1000x256xf32>, vector<256x128xf32>, vector<1000x128xf32> -> vector<1000x128xf32>
    %get3A_81 = arith.constant 0 : index
    %get3A_82 = vector.load %arg10[%get3A_81] : memref<128xf32, #tpu.memory_space<vmem>>, vector<128xf32>
    %broadcast_in_dim3A_83 = vector.shape_cast %get3A_82 : vector<128xf32> to vector<1x128xf32>
    %add3A_84 = vector.broadcast %broadcast_in_dim3A_83 : vector<1x128xf32> to vector<1000x128xf32>
    %add3A_85 = arith.addf %dot_general3A_80, %add3A_84 : vector<1000x128xf32>
    %add3A_86 = arith.addf %add3A_62, %add3A_85 : vector<1000x128xf32>
    %get3A_87 = arith.constant 0 : index
    %get3A_88 = vector.load %arg11[%get3A_87] : memref<128xf32, #tpu.memory_space<vmem>>, vector<128xf32>
    %get3A_89 = arith.constant 0 : index
    %get3A_90 = vector.load %arg12[%get3A_89] : memref<128xf32, #tpu.memory_space<vmem>>, vector<128xf32>
    %reduce_sum3A_91 = arith.constant dense<0.000000e+00> : vector<1000xf32>
    %reduce_sum3A_92 = vector.multi_reduction <add>, %add3A_86, %reduce_sum3A_91 [1] : vector<1000x128xf32> to vector<1000xf32>
    %broadcast_in_dim3A_93 = vector.shape_cast %reduce_sum3A_92 : vector<1000xf32> to vector<1000x1xf32>
    %div3A_94 = arith.constant 1.280000e+02 : f32
    %div3A_95 = vector.broadcast %div3A_94 : f32 to vector<1000x1xf32>
    %div3A_96 = arith.divf %broadcast_in_dim3A_93, %div3A_95 : vector<1000x1xf32>
    %sub3A_97 = vector.broadcast %div3A_96 : vector<1000x1xf32> to vector<1000x128xf32>
    %sub3A_98 = arith.subf %add3A_86, %sub3A_97 : vector<1000x128xf32>
    %mul3A_99 = arith.mulf %sub3A_98, %sub3A_98 : vector<1000x128xf32>
    %reduce_sum3A_100 = arith.constant dense<0.000000e+00> : vector<1000xf32>
    %reduce_sum3A_101 = vector.multi_reduction <add>, %mul3A_99, %reduce_sum3A_100 [1] : vector<1000x128xf32> to vector<1000xf32>
    %broadcast_in_dim3A_102 = vector.shape_cast %reduce_sum3A_101 : vector<1000xf32> to vector<1000x1xf32>
    %div3A_103 = arith.constant 1.280000e+02 : f32
    %div3A_104 = vector.broadcast %div3A_103 : f32 to vector<1000x1xf32>
    %div3A_105 = arith.divf %broadcast_in_dim3A_102, %div3A_104 : vector<1000x1xf32>
    %add3A_106 = arith.constant 9.99999974E-6 : f32
    %add3A_107 = vector.broadcast %add3A_106 : f32 to vector<1000x1xf32>
    %add3A_108 = arith.addf %div3A_105, %add3A_107 : vector<1000x1xf32>
    %rsqrt3A_109 = math.rsqrt %add3A_108 : vector<1000x1xf32>
    %mul3A_110 = vector.broadcast %rsqrt3A_109 : vector<1000x1xf32> to vector<1000x128xf32>
    %mul3A_111 = arith.mulf %sub3A_98, %mul3A_110 : vector<1000x128xf32>
    %broadcast_in_dim3A_112 = vector.shape_cast %get3A_88 : vector<128xf32> to vector<1x128xf32>
    %mul3A_113 = vector.broadcast %broadcast_in_dim3A_112 : vector<1x128xf32> to vector<1000x128xf32>
    %mul3A_114 = arith.mulf %mul3A_111, %mul3A_113 : vector<1000x128xf32>
    %broadcast_in_dim3A_115 = vector.shape_cast %get3A_90 : vector<128xf32> to vector<1x128xf32>
    %add3A_116 = vector.broadcast %broadcast_in_dim3A_115 : vector<1x128xf32> to vector<1000x128xf32>
    %add3A_117 = arith.addf %mul3A_114, %add3A_116 : vector<1000x128xf32>
    %swap3A = arith.constant 0 : index
    %swap3A_118 = arith.constant 0 : index
    %swap3A_119 = vector.load %arg13[%swap3A, %swap3A_118] : memref<1000x128xf32, #tpu.memory_space<vmem>>, vector<1000x128xf32>
    tpu.vector_store %arg13[%swap3A, %swap3A_118], %add3A_117 {strides = array<i32>} : memref<1000x128xf32, #tpu.memory_space<vmem>>, vector<1000x128xf32>,
    return
  }
  func.func @transform_0(%arg0: i32) -> (i32, i32) {
    %c0_i32 = arith.constant 0 : i32
    %c0_i32_0 = arith.constant 0 : i32
    return %arg0, %c0_i32 : i32, i32
  }
  func.func @transform_1(%arg0: i32) -> (i32, i32, i32) {
    %c0_i32 = arith.constant 0 : i32
    %c0_i32_0 = arith.constant 0 : i32
    %c0_i32_1 = arith.constant 0 : i32
    return %c0_i32, %arg0, %c0_i32_0 : i32, i32, i32
  }
  func.func @transform_2(%arg0: i32) -> (i32, i32) {
    %c0_i32 = arith.constant 0 : i32
    %c0_i32_0 = arith.constant 0 : i32
    %c0_i32_1 = arith.constant 0 : i32
    return %c0_i32, %c0_i32_0 : i32, i32
  }
  func.func @transform_3(%arg0: i32) -> i32 {
    %c0_i32 = arith.constant 0 : i32
    %c0_i32_0 = arith.constant 0 : i32
    return %c0_i32 : i32
  }
  func.func @transform_4(%arg0: i32) -> i32 {
    %c0_i32 = arith.constant 0 : i32
    %c0_i32_0 = arith.constant 0 : i32
    return %c0_i32 : i32
  }
  func.func @transform_5(%arg0: i32) -> i32 {
    %c0_i32 = arith.constant 0 : i32
    %c0_i32_0 = arith.constant 0 : i32
    return %c0_i32 : i32
  }
  func.func @transform_6(%arg0: i32) -> (i32, i32) {
    %c0_i32 = arith.constant 0 : i32
    %c0_i32_0 = arith.constant 0 : i32
    %c0_i32_1 = arith.constant 0 : i32
    return %c0_i32, %c0_i32_0 : i32, i32
  }
  func.func @transform_7(%arg0: i32) -> i32 {
    %c0_i32 = arith.constant 0 : i32
    %c0_i32_0 = arith.constant 0 : i32
    return %c0_i32 : i32
  }
  func.func @transform_8(%arg0: i32) -> (i32, i32) {
    %c0_i32 = arith.constant 0 : i32
    %c0_i32_0 = arith.constant 0 : i32
    %c0_i32_1 = arith.constant 0 : i32
    return %c0_i32, %c0_i32_0 : i32, i32
  }
  func.func @transform_9(%arg0: i32) -> i32 {
    %c0_i32 = arith.constant 0 : i32
    %c0_i32_0 = arith.constant 0 : i32
    return %c0_i32 : i32
  }
  func.func @transform_10(%arg0: i32) -> i32 {
    %c0_i32 = arith.constant 0 : i32
    %c0_i32_0 = arith.constant 0 : i32
    return %c0_i32 : i32
  }
  func.func @transform_11(%arg0: i32) -> i32 {
    %c0_i32 = arith.constant 0 : i32
    %c0_i32_0 = arith.constant 0 : i32
    return %c0_i32 : i32
  }
  func.func @transform_12(%arg0: i32) -> (i32, i32) {
    %c0_i32 = arith.constant 0 : i32
    %c0_i32_0 = arith.constant 0 : i32
    return %arg0, %c0_i32 : i32, i32
  }
}

</mosaic_0001>

<sc_bundles>
// kernel: kernel.6.cloned.1.call-start
scs
__scs_entry_jumppad:
0x0: {  	(pc) =	sbr.rel $0x88, $3  }
0x1: {  	(tag) =	ssettag $0x0;
	lr =	simm.s32 $0x1  }
0x2: {  	[smem:$0x3F90] =	sst lr;
	_ =	strace $0xD0000000  }
0x3: {  	_ = 	snop  }
0x4: {  	_ = 	snop  }
0x5: {  	_ = 	snop  }
0x6: {  	_ = 	snop  }
0x7: {  	_ = 	snop  }
__scs_overlays_trampoline_lowered:
0x8: {  	[smem:$0x3F9F] =	sst s0  }
0x9: {  	[smem:$0x3FA0] =	sst s1  }
0xa: {  	[smem:$0x3FA1] =	sst s2  }
0xb: {  	[smem:$0x3FA2] =	sst s3  }
0xc: {  	[smem:$0x3FA3] =	sst s4  }
0xd: {  	[smem:$0x3FA4] =	sst s5  }
0xe: {  	[smem:$0x3FA5] =	sst s6  }
0xf: {  	[smem:$0x3FA6] =	sst s7  }
0x10: {  	[smem:$0x3FA7] =	sst s8  }
0x11: {  	[smem:$0x3FA8] =	sst s9;
	s0 =	simm.s32 @!p0 $0x0  }
0x12: {  	s1 =	sld [smem:$0x3F8E];
	s0 =	simm.s32 @p0 $0x1  }
0x13: {  	[smem:$0x3FA9] =	sst s0;
	s0 =	simm.s32 @!p1 $0x0  }
0x14: {  	s2 =	sld [smem:$0x3F8D];
	s0 =	simm.s32 @p1 $0x1  }
0x15: {  	[smem:$0x3FAA] =	sst s0;
	s0 =	simm.s32 @!p2 $0x0  }
0x16: {  	s3 =	sld [smem:$0x3FDB];
	s0 =	simm.s32 @p2 $0x1  }
0x17: {  	s4 =	simm.s32 $0x1BF5;
	[smem:$0x3FAC] =	sst s0  }
0x18: {  	s0 =	sld [smem:$0x3F8F];
	_ =	swait.ge [sflag:s4], $0x0  }
0x19: {  	s7 =	sld [smem:$0x3F90]  }
0x1a: {  	s8 =	sadd.s32 $0xFFFFE003, lr  }
0x1b: {  	s9 =	sadd.s32 $0xFFFFFEF7, lr;
	s5 =	simm.s32 $0xFFFFFFFF;
	p2 =	slt.u32 s8, $0xFFFFF086  }
0x1c: {  	p1 =	slt.u32 s9, $0xF7A;
	s5 =	simm.s32 @!p2 $0x0  }
0x1d: {  	s5 =	simm.s32 @p1 $0x1;
	p0 =	seq.s32 s7, s2  }
0x1e: {  	s7 =	smul.u32 @!p0 $0xF7A, s2;
	p2 =	seq.s32 @!p0 s5, $0x0  }
0x1f: {  	s9 =	smul.u32 $0xF7A, s1;
	s8 =	simm.s32 @!p0 $0x1BF5;
	p2 =	por !p2, p0  }
0x20: {  	[sflag:s8] =	ssyncset.s32 @!p0 $0xFFFFF086;
	s6 =	sadd.s32 @!p0 s3, s7;
	s7 =	simm.s32 @!p0 $0x108  }
0x21: {  	s3 =	sadd.s32 s3, s9;
	s6 =	sadd.s32 @!p0 $0x88, s6;
	s7 =	simm.s32 @p2 $0x1082  }
0x22: {  	[simem:s7], [sflag:s8] =	dma.local @!p0 [hbm:s6], $0xF7A  }
0x23: {  	s9 =	sor.u32 $0xD0000000, s2;
	s6 =	simm.s32 $0x108;
	_ =	swait.ge @!p0 [sflag:s8], $0x0  }
0x24: {  	s3 =	sadd.s32 $0x88, s3;
	s6 =	simm.s32 @!p1 $0x1082;
	[sflag:s4] =	ssyncset.s32 $0xFFFFF086  }
0x25: {  	[simem:s6], [sflag:s4] =	dma.local [hbm:s3], $0xF7A  }
0x26: {  	[smem:$0x3F90] =	sst s1;
	(tag) =	ssettag s2;
	_ =	strace s9  }
0x27: {  	s1 =	sld [smem:$0x3FA0]  }
0x28: {  	s2 =	sld [smem:$0x3FA1]  }
0x29: {  	s4 =	sld [smem:$0x3FA3]  }
0x2a: {  	p0 =	seq.s32 s5, $0x0;
	s5 =	sld [smem:$0x3FA4]  }
0x2b: {  	s6 =	sld [smem:$0x3FA5]  }
0x2c: {  	s7 =	sld [smem:$0x3FA6]  }
0x2d: {  	s3 =	simm.s32 $0x108;
	s8 =	sld [smem:$0x3FA7]  }
0x2e: {  	s3 =	simm.s32 @!p0 $0x1082;
	s9 =	sld [smem:$0x3FA8]  }
0x2f: {  	lr =	sadd.s32 s0, s3;
	s0 =	sld [smem:$0x3F9F]  }
0x30: {  	s3 =	sld [smem:$0x3FA2]  }
0x31: {  	[smem:$0x3FAB] =	sst s10  }
0x32: {  	s10 =	sld [smem:$0x3FA9];
	_ =	sdelay $0x3  }
0x33: {  	p0 =	seq.s32 s10, $0x1;
	s10 =	sld [smem:$0x3FAB];
	_ =	sdelay $0x3  }
0x34: {  	[smem:$0x3FAB] =	sst s10  }
0x35: {  	s10 =	sld [smem:$0x3FAA];
	_ =	sdelay $0x3  }
0x36: {  	p1 =	seq.s32 s10, $0x1;
	s10 =	sld [smem:$0x3FAB];
	_ =	sdelay $0x3  }
0x37: {  	[smem:$0x3FAB] =	sst s10  }
0x38: {  	s10 =	sld [smem:$0x3FAC]  }
0x39: {  	_ = 	snop;
	(pc) =	sbr.ind lr, $3  }
0x3a: {  	_ = 	snop  }
0x3b: {  	_ = 	snop  }
0x3c: {  	p2 =	seq.s32 s10, $0x1;
	s10 =	sld [smem:$0x3FAB]  }
0x3d: {  	_ =	shalt  }
0x3e: {  	_ =	shalt  }
0x3f: {  	_ =	shalt  }
0x40: {  	_ =	shalt  }
0x41: {  	_ =	shalt  }
0x42: {  	_ =	shalt  }
0x43: {  	_ =	shalt  }
0x44: {  	_ =	shalt  }
0x45: {  	_ =	shalt  }
0x46: {  	_ =	shalt  }
0x47: {  	_ =	shalt  }
0x48: {  	_ =	shalt  }
0x49: {  	_ =	shalt  }
0x4a: {  	_ =	shalt  }
0x4b: {  	_ =	shalt  }
0x4c: {  	_ =	shalt  }
0x4d: {  	_ =	shalt  }
0x4e: {  	_ =	shalt  }
0x4f: {  	_ =	shalt  }
0x50: {  	_ =	shalt  }
0x51: {  	_ =	shalt  }
0x52: {  	_ =	shalt  }
0x53: {  	_ =	shalt  }
0x54: {  	_ =	shalt  }
0x55: {  	_ =	shalt  }
0x56: {  	_ =	shalt  }
0x57: {  	_ =	shalt  }
0x58: {  	_ =	shalt  }
0x59: {  	_ =	shalt  }
0x5a: {  	_ =	shalt  }
0x5b: {  	_ =	shalt  }
0x5c: {  	_ =	shalt  }
0x5d: {  	_ =	shalt  }
0x5e: {  	_ =	shalt  }
0x5f: {  	_ =	shalt  }
0x60: {  	_ =	shalt  }
0x61: {  	_ =	shalt  }
0x62: {  	_ =	shalt  }
0x63: {  	_ =	shalt  }
0x64: {  	_ =	shalt  }
0x65: {  	_ =	shalt  }
0x66: {  	_ =	shalt  }
0x67: {  	_ =	shalt  }
0x68: {  	_ =	shalt  }
0x69: {  	_ =	shalt  }
0x6a: {  	_ =	shalt  }
0x6b: {  	_ =	shalt  }
0x6c: {  	_ =	shalt  }
0x6d: {  	_ =	shalt  }
0x6e: {  	_ =	shalt  }
0x6f: {  	_ =	shalt  }
0x70: {  	_ =	shalt  }
0x71: {  	_ =	shalt  }
0x72: {  	_ =	shalt  }
0x73: {  	_ =	shalt  }
0x74: {  	_ =	shalt  }
0x75: {  	_ =	shalt  }
0x76: {  	_ =	shalt  }
0x77: {  	_ =	shalt  }
0x78: {  	_ =	shalt  }
0x79: {  	_ =	shalt  }
0x7a: {  	_ =	shalt  }
0x7b: {  	_ =	shalt  }
0x7c: {  	_ =	shalt  }
0x7d: {  	_ =	shalt  }
0x7e: {  	_ =	shalt  }
0x7f: {  	_ =	shalt  }
0x80: {  	_ =	shalt  }
0x81: {  	_ =	shalt  }
0x82: {  	_ =	shalt  }
0x83: {  	_ =	shalt  }
0x84: {  	_ =	shalt  }
0x85: {  	_ =	shalt  }
0x86: {  	_ =	shalt  }
0x87: {  	_ =	shalt  }
.Lfunc_end0:
.L_simem_size_0:
called_computation.1_lowered:
.L_overlay_start_0:
0x88: {  	s2 =	sld [smem:$0x3FD9]  }
0x89: {  	s3 =	sld [smem:$0x3FFE];
	_ =	sdelay $0x1  }
0x8a: {  	s1 =	srdreg.scid  }
0x8b: {  	s0 =	sand.u32 $0x1, s1  }
0x8c: {  	s17 =	sshll.u32 s0, $0xA;
	s2 =	sadd.s32 s3, s2  }
0x8d: {  	s2 =	sadd.s32 s2, s17  }
0x8e: {  	[smem:$0x3FB7] =	sst s2  }
0x8f: {  	_ = 	snop  }
0x90: {  	s2 =	sld [smem:$0x3FD0];
	(tm) =	ssettm $0x1  }
0x91: {  	s18 =	sld [smem:$0x3FFB];
	_ =	sdelay $0x3  }
0x92: {  	_ =	strace s18  }
0x93: {  	s3 =	sld [smem:$0x3FFC];
	_ =	sdelay $0x3  }
0x94: {  	_ =	strace s3  }
0x95: {  	s3 =	sld [smem:$0x3FFD];
	_ =	sdelay $0x3  }
0x96: {  	_ =	strace s3  }
0x97: {  	_ =	strace $0x8FFFFFFF  }
0x98: {  	s19 =	sld [smem:$0x3FDB];
	_ =	sdelay $0x1  }
0x99: {  	s4 =	simm.s32 $_scs_section_size  }
0x9a: {  	s5 =	simm.s32 $_size__tile_overlayer_lowered;
	s6 =	simm.s32 $_tile_overlayer_lowered  }
0x9b: {  	s22 =	simm.s32 $0x1BFF;
	s21 =	sshll.u32 s6, $0x1;
	s3 =	sadd.s32 s4, s19  }
0x9c: {  	s7 =	simm.s32 $0x0;
	s20 =	sshll.u32 s5, $0x1;
	s5 =	sadd.s32 s21, s3  }
0x9d: {  	[timem:s7], [sflag:s22] =	dma.local [hbm:s5], s20  }
0x9e: {  	_ =	swait.ge [sflag:s22], s20  }
0x9f: {  	s4 =	ssub.s32 $0x0, s20;
	[sflag:s22] =	ssyncset.done $0x0  }
0xa0: {  	[sflag:s22] =	ssyncadd.s32 s4;
	_ =	sdelay $0x1  }
0xa1: {  	s23 =	simm.s32 $0x1B8B  }
0xa2: {  	_ =	swait.ge [sflag:s23], $0x1  }
0xa3: {  	[sflag:s23] =	ssyncset.done $0x0  }
0xa4: {  	s25 =	simm.s32 $0x1B8E;
	s24 =	sld [smem:$0x3FFE];
	[sflag:s23] =	ssyncadd.s32 $0xFFFFFFFF  }
0xa5: {  	s26 =	simm.s32 $execute0_lowered;
	[smem:$0x3FD2] =	sst s25  }
0xa6: {  	s5 =	sshll.u32 s26, $0x1;
	_ =	strace $0x80000049;
	[dreg:$0x1] =	wrdreg $0xFFFFFFFF  }
0xa7: {  	s28 =	simm.s32 $_size_execute0_lowered;
	s3 =	sadd.s32 s3, s5;
	[dreg:$0x0] =	wrdreg $0x0  }
0xa8: {  	s5 =	sshll.u32 s28, $0x1;
	[dreg:$0x2] =	wrdreg s3  }
0xa9: {  	[dreg:$0x3] =	wrdreg s5  }
0xaa: {  	[dreg:$0x4] =	wrdreg $0xC0  }
0xab: {  	_ =	task [dreg:s7], $0x5FFFF  }
0xac: {  	[dreg:$0x1] =	wrdreg $0xFFFFFFFF  }
0xad: {  	[dreg:$0x0] =	wrdreg $0x60  }
0xae: {  	[dreg:$0x2] =	wrdreg s24  }
0xaf: {  	[dreg:$0x3] =	wrdreg s2  }
0xb0: {  	[dreg:$0x4] =	wrdreg $0xAB900  }
0xb1: {  	[dreg:$0x5] =	wrdreg $0x9  }
0xb2: {  	_ =	task.clear_ibuf [dreg:s7], $0x6FFFF;
	_ =	strace $0x90000049  }
0xb3: {  	s29 =	simm.s32 $0x9;
	_ =	strace $0x8000004B  }
0xb4: {  	_ =	swait.ge [sflag:s29], $0x1  }
0xb5: {  	[sflag:s29] =	ssyncadd.s32 $0xFFFFFFFF  }
0xb6: {  	_ =	strace $0x9000004B  }
0xb7: {  	_ =	sfence  }
0xb8: {  	s30 =	sld [smem:$0x0];
	_ =	sdelay $0x2  }
0xb9: {  	s31 =	sshll.u32 s1, $0xD;
	s1 =	sshrl.u32 s1, $0x2  }
0xba: {  	s3 =	sand.u32 $0x4000, s31;
	s1 =	sadd.s32 s1, s30  }
0xbb: {  	s0 =	sor.u32 s3, s0;
	s1 =	sshll.u32 s1, $0x11  }
0xbc: {  	s0 =	sor.u32 s1, s0  }
0xbd: {  	s0 =	sadd.s32 $0x8F2B, s0  }
0xbe: {  	[sflag:s0] =	ssyncadd.remote.s32 $0x1  }
0xbf: {  	_ =	sfence.sel $0xFFFF  }
0xc0: {  	[dreg:$0x0] =	wrdreg $0xFFFFFFFF;
	(pc) =	sbr.abs _section_cstart, $3  }
0xc1: {  	[dreg:$0x1] =	wrdreg $0xFFFFFFFF  }
0xc2: {  	_ =	task.clear_ibuf [dreg:s7], $0x2FFFF;
	_ =	strace $0x9FFFFFFF  }
0xc3: {  	(tm) =	ssettm $0x7FFFFFFF  }
tec
execute0_lowered:
.L_overlay_start_1:
0x0: {  	(tag) =	ssettag $0x1  }
0x1: {  	s0 =	rddreg [dreg:$0x0]  }
0x2: {  	s1 =	rddreg [dreg:$0x1];
	s12 =	stileid.u32  }
0x3: {  	s31 =	rddreg [dreg:$0x2];
	s8 =	smul.u32 $0x14000, s12  }
0x4: {  	s2 =	srdreg.scid;
	s3 =	simm.s32 $0x0;
	s13 =	smul.u32 $0x4E20, s12  }
0x5: {  	s2 =	sand.u32 $0x1, s2;
	s4 =	sadd.s32 $0x273200, s0;
	s14 =	smul.u32 $0x50000, s12  }
0x6: {  	s28 =	simm.s32 $0xA;
	s5 =	sadd.s32 $0x53C200, s0;
	s21 =	smul.u32 $0x27100, s2  }
0x7: {  	[smem:$0x7FF] =	sst s3;
	s7 =	sadd.s32 $0x532400, s0;
	s6 =	smul.u32 $0x140000, s2  }
0x8: {  	_ =	strace $0x8000004A;
	s9 =	ssub.s32 $0x2, s2;
	s25 =	smul.u32 $0x13880, s2  }
0x9: {  	s10 =	sshrl.u32 s9, $0x1;
	s11 =	sshrl.u32 s13, $0x3;
	[dreg:$0x4] =	wrdreg s13  }
0xa: {  	s26 =	sadd.s32 $0x50, s13;
	s19 =	sadd.s32 s8, s31;
	s3 =	sadd.s32 s21, s0  }
0xb: {  	s6 =	sadd.s32 s8, s6;
	s23 =	sadd.s32 s5, s11;
	[dreg:$0x7] =	wrdreg s26  }
0xc: {  	s24 =	sadd.s32 s7, s11;
	s13 =	sshrl.u32 s26, $0x3;
	[dreg:$0x5] =	wrdreg s23  }
0xd: {  	s12 =	sadd.s32 s1, s25;
	s1 =	sshrl.u32 s19, $0x3;
	[dreg:$0x6] =	wrdreg s24  }
0xe: {  	s22 =	ssub.s32 s9, s10;
	s16 =	sadd.s32 s5, s13;
	[dreg:$0x13] =	wrdreg s1  }
0xf: {  	s6 =	sshrl.u32 s6, $0x3;
	s17 =	sadd.s32 s7, s13;
	[dreg:$0x8] =	wrdreg s16  }
0x10: {  	s20 =	smax.u32 s22, $0x1;
	s0 =	sadd.s32 s6, s0;
	[dreg:$0x9] =	wrdreg s17  }
0x11: {  	s18 =	sshrl.u32 s14, $0x2;
	[dreg:$0xb] =	wrdreg s20;
	s0 =	sadd.s32 $0x2200, s0  }
0x12: {  	s30 =	simm.s32 $0x50;
	[dreg:$0xa] =	wrdreg s0;
	s0 =	sadd.s32 s18, s31  }
0x13: {  	s29 =	simm.s32 $0x8;
	s21 =	sadd.s32 $0x2800, s0;
	[dreg:$0xc] =	wrdreg s0  }
0x14: {  	s15 =	smul.u32 $0x1388000, s2;
	s22 =	sadd.s32 $0x5000, s0;
	[dreg:$0xd] =	wrdreg s21  }
0x15: {  	s14 =	simm.s32 $0x3;
	s23 =	sadd.s32 $0x7800, s0;
	[dreg:$0xe] =	wrdreg s22  }
0x16: {  	s19 =	simm.s32 $0x2;
	s24 =	sadd.s32 $0xA000, s0;
	[dreg:$0xf] =	wrdreg s23  }
0x17: {  	s11 =	sadd.s32 $0x4E4200, s3;
	s25 =	sadd.s32 $0xC800, s0;
	[dreg:$0x10] =	wrdreg s24  }
0x18: {  	s13 =	simm.s32 $0x1;
	s26 =	sadd.s32 $0xF000, s0;
	[dreg:$0x11] =	wrdreg s25  }
0x19: {  	s1 =	simm.s32 $0x0;
	s0 =	sadd.s32 $0x11800, s0;
	[dreg:$0x12] =	wrdreg s26  }
0x1a: {  	v0 =	vimm.f32 $0.0e+00;
	s20 =	simm.s32 $0x4;
	[dreg:$0x14] =	wrdreg s0;
	s21 =	simm.s32 $0x9  }
.LBB2_1:
0x1b: {  	[dreg:$0x15] =	wrdreg s1  }
0x1c: {  	s0 =	simm.s32 $0x0;
	s17 =	rddreg [dreg:$0x5]  }
0x1d: {  	[tilespmem:s0], [sflag:$0xA] =	stream.linear.gather [hbm4b:s17+s0], $0x50, $0x38;
	[tilespmem:$0x1EB90] =	vst v63  }
0x1e: {  	_ =	swait.ge [sflag:s28], $0x50  }
0x1f: {  	[sflag:s28] =	ssyncset.done $0x0  }
0x20: {  	s2 =	simm.s32 $0xA0;
	s18 =	rddreg [dreg:$0x6];
	[sflag:s28] =	ssyncadd.s32 $0xFFFFFFB0  }
0x21: {  	[tilespmem:s2], [sflag:$0xA] =	stream.linear.gather [hbm4b:s18+s0], $0x50, $0x38;
	[tilespmem:$0x1EB90] =	vst v63  }
0x22: {  	_ =	swait.ge [sflag:s28], $0x50  }
0x23: {  	[sflag:s28] =	ssyncset.done $0x0  }
0x24: {  	s22 =	simm.s32 $0x190;
	[sflag:s28] =	ssyncadd.s32 $0xFFFFFFB0  }
0x25: {  	[tilespmem:s22], [sflag:$0x1] =	stream.indirect.gather [hbm4b:s11+s30], $0x80, s0, s30, $0xb8;
	[tilespmem:$0x1EB90] =	vst v63  }
0x26: {  	s23 =	simm.s32 $0x5190  }
0x27: {  	[tilespmem:s23], [sflag:$0x3] =	stream.indirect.gather [hbm4b:s12+s30], $0x40, s2, s30, $0xb8;
	[tilespmem:$0x1EB90] =	vst v63  }
0x28: {  	s26 =	simm.s32 $0xF0;
	s24 =	rddreg [dreg:$0x8]  }
0x29: {  	[tilespmem:s30], [sflag:$0x6] =	stream.linear.gather [hbm4b:s24+s0], $0x50, $0x38;
	[tilespmem:$0x1EB90] =	vst v63  }
0x2a: {  	s1 =	simm.s32 $0x70;
	s25 =	rddreg [dreg:$0x9];
	s2 =	simm.s32 $0x3C0  }
0x2b: {  	[tilespmem:s26], [sflag:$0x8] =	stream.linear.gather [hbm4b:s25+s0], $0x50, $0x38;
	[tilespmem:$0x1EB90] =	vst v63  }
.LBB2_2:
0x2c: {  	p0 =	sne.s32 s2, $0x9FC0;
	[tilespmem:s1+$0x8390] =	vst v0  }
0x2d: {  	[tilespmem:s1+$0x8320] =	vst v0  }
0x2e: {  	[tilespmem:s1+$0x8330] =	vst v0  }
.Ltmp0:
0x2f: {  	[tilespmem:s1+$0x8340] =	vst v0;
	(pc) =	sbr.rel @p0 .LBB2_2-.Ltmp0, $4  }
0x30: {  	[tilespmem:s1+$0x8350] =	vst v0  }
0x31: {  	[tilespmem:s1+$0x8360] =	vst v0  }
0x32: {  	[tilespmem:s1+$0x8370] =	vst v0  }
0x33: {  	[tilespmem:s1+$0x8380] =	vst v0;
	s1 =	sshra.s32 s2, $0x2;
	s2 =	sadd.s32 $0x200, s2  }
0x34: {  	[tilespmem:s1+$0x8390] =	vst v0  }
0x35: {  	[tilespmem:s1+$0x8320] =	vst v0  }
0x36: {  	[tilespmem:s1+$0x8330] =	vst v0  }
0x37: {  	[tilespmem:s1+$0x8340] =	vst v0  }
0x38: {  	[tilespmem:s1+$0x8350] =	vst v0  }
0x39: {  	[tilespmem:s1+$0x8360] =	vst v0  }
0x3a: {  	[tilespmem:s1+$0x8370] =	vst v0  }
0x3b: {  	[tilespmem:s1+$0x8380] =	vst v0;
	s0 =	rddreg [dreg:$0xc];
	s16 =	simm.s32 $0x8390  }
0x3c: {  	[spmem:s0] =	stream.linear.scatter [tilespmem:s16], [sflag:$0xA], $0x2800, $0x38;
	[tilespmem:$0x1EB90] =	vst v63  }
0x3d: {  	_ =	swait.ge [sflag:s28], $0x2800  }
0x3e: {  	[sflag:s28] =	ssyncset.done $0x0  }
0x3f: {  	s17 =	rddreg [dreg:$0xd];
	[sflag:s28] =	ssyncadd.s32 $0xFFFFD800  }
0x40: {  	[spmem:s17] =	stream.linear.scatter [tilespmem:s16], [sflag:$0xA], $0x2800, $0x38;
	[tilespmem:$0x1EB90] =	vst v63  }
0x41: {  	_ =	swait.ge [sflag:s28], $0x2800  }
0x42: {  	[sflag:s28] =	ssyncset.done $0x0  }
0x43: {  	s18 =	rddreg [dreg:$0xe];
	[sflag:s28] =	ssyncadd.s32 $0xFFFFD800  }
0x44: {  	[spmem:s18] =	stream.linear.scatter [tilespmem:s16], [sflag:$0xA], $0x2800, $0x38;
	[tilespmem:$0x1EB90] =	vst v63  }
0x45: {  	_ =	swait.ge [sflag:s28], $0x2800  }
0x46: {  	[sflag:s28] =	ssyncset.done $0x0  }
0x47: {  	s22 =	rddreg [dreg:$0xf];
	[sflag:s28] =	ssyncadd.s32 $0xFFFFD800  }
0x48: {  	[spmem:s22] =	stream.linear.scatter [tilespmem:s16], [sflag:$0xA], $0x2800, $0x38;
	[tilespmem:$0x1EB90] =	vst v63  }
0x49: {  	_ =	swait.ge [sflag:s28], $0x2800  }
0x4a: {  	[sflag:s28] =	ssyncset.done $0x0  }
0x4b: {  	s23 =	rddreg [dreg:$0x10];
	[sflag:s28] =	ssyncadd.s32 $0xFFFFD800  }
0x4c: {  	[spmem:s23] =	stream.linear.scatter [tilespmem:s16], [sflag:$0xA], $0x2800, $0x38;
	[tilespmem:$0x1EB90] =	vst v63  }
0x4d: {  	_ =	swait.ge [sflag:s28], $0x2800  }
0x4e: {  	[sflag:s28] =	ssyncset.done $0x0  }
0x4f: {  	s24 =	rddreg [dreg:$0x11];
	[sflag:s28] =	ssyncadd.s32 $0xFFFFD800  }
0x50: {  	[spmem:s24] =	stream.linear.scatter [tilespmem:s16], [sflag:$0xA], $0x2800, $0x38;
	[tilespmem:$0x1EB90] =	vst v63  }
0x51: {  	_ =	swait.ge [sflag:s28], $0x2800  }
0x52: {  	[sflag:s28] =	ssyncset.done $0x0  }
0x53: {  	s25 =	rddreg [dreg:$0x12];
	[sflag:s28] =	ssyncadd.s32 $0xFFFFD800  }
0x54: {  	[spmem:s25] =	stream.linear.scatter [tilespmem:s16], [sflag:$0xA], $0x2800, $0x38;
	[tilespmem:$0x1EB90] =	vst v63  }
0x55: {  	_ =	swait.ge [sflag:s28], $0x2800  }
0x56: {  	[sflag:s28] =	ssyncset.done $0x0  }
0x57: {  	s26 =	rddreg [dreg:$0x14];
	[sflag:s28] =	ssyncadd.s32 $0xFFFFD800  }
0x58: {  	[spmem:s26] =	stream.linear.scatter [tilespmem:s16], [sflag:$0xA], $0x2800, $0x38;
	[tilespmem:$0x1EB90] =	vst v63  }
0x59: {  	_ =	swait.ge [sflag:s28], $0x2800  }
0x5a: {  	[sflag:s28] =	ssyncset.done $0x0  }
0x5b: {  	[sflag:s28] =	ssyncadd.s32 $0xFFFFD800  }
0x5c: {  	s23 =	simm.s32 $0x0;
	[bflag:$0x0] =	sbarrier.arrive $0xFFFF  }
.LBB2_4:
0x5d: {  	s0 =	simm.s32 $0x6  }
0x5e: {  	_ =	swait.ge [sflag:s0], $0x50  }
0x5f: {  	[sflag:s0] =	ssyncset.done $0x0  }
0x60: {  	[sflag:s0] =	ssyncadd.s32 $0xFFFFFFB0  }
0x61: {  	_ =	swait.ge [sflag:s29], $0x50  }
0x62: {  	[sflag:s29] =	ssyncset.done $0x0  }
0x63: {  	s18 =	simm.s32 $0x2990;
	[sflag:s29] =	ssyncadd.s32 $0xFFFFFFB0  }
0x64: {  	[tilespmem:s18], [sflag:$0x2] =	stream.indirect.gather [hbm4b:s11+s30], $0x80, s30, s30, $0xb8;
	[tilespmem:$0x1EB90] =	vst v63  }
0x65: {  	s22 =	simm.s32 $0xF0;
	s1 =	simm.s32 $0x6590  }
0x66: {  	[tilespmem:s1], [sflag:$0x4] =	stream.indirect.gather [hbm4b:s12+s30], $0x40, s22, s30, $0xb8;
	[tilespmem:$0x1EB90] =	vst v63  }
0x67: {  	s24 =	smul.u32 $0xA0, s23;
	_ =	swait.ge [sflag:s13], $0x2800  }
0x68: {  	s25 =	rddreg [dreg:$0x4]  }
0x69: {  	[sflag:s13] =	ssyncset.done $0x0;
	s1 =	sadd.s32 s25, s24  }
0x6a: {  	[sflag:s13] =	ssyncadd.s32 $0xFFFFD800;
	s2 =	sshll.u32 s1, $0x6  }
0x6b: {  	_ =	swait.ge [sflag:s14], $0x1400;
	s2 =	sadd.s32 s15, s2  }
0x6c: {  	s26 =	simm.s32 $0x0;
	[sflag:s14] =	ssyncset.done $0x0;
	s2 =	sshrl.u32 s2, $0x4  }
0x6d: {  	s6 =	simm.s32 $0x7990;
	[sflag:s14] =	ssyncadd.s32 $0xFFFFEC00;
	s2 =	sadd.s32 s4, s2  }
0x6e: {  	[tilespmem:s6], [sflag:$0xA] =	stream.linear.gather [hbm4b:s2+s26], $0xA00, $0x38;
	[tilespmem:$0x1EB90] =	vst v63  }
0x6f: {  	_ =	swait.ge [sflag:s28], $0xA00  }
0x70: {  	p0 =	seq.s32 s23, $0x0;
	[sflag:s28] =	ssyncset.done $0x0  }
0x71: {  	s2 =	simm.s32 @!p0 $0x9;
	[sflag:s28] =	ssyncadd.s32 $0xFFFFF600  }
0x72: {  	_ =	swait.ge @!p0 [sflag:s2], $0x2800  }
0x73: {  	[sflag:s2] =	ssyncset.done @!p0 $0x0  }
0x74: {  	[sflag:s2] =	ssyncadd.s32 @!p0 $0xFFFFD800  }
0x75: {  	v1 =	vld [tilespmem:$0xA0]  }
0x76: {  	v2 =	vld [tilespmem:$0xB0]  }
0x77: {  	v3 =	vld [tilespmem:$0xC0]  }
0x78: {  	v4 =	vld [tilespmem:$0xD0]  }
0x79: {  	v5 =	vld [tilespmem:$0xE0]  }
0x7a: {  	[tilespmem:$0x140] =	vst v1  }
0x7b: {  	p0 =	seq.s32 s23, $0x7C;
	[tilespmem:$0x150] =	vst v2  }
0x7c: {  	s1 =	sshrl.u32 @!p0 s1, $0x3;
	[tilespmem:$0x160] =	vst v3  }
0x7d: {  	s1 =	sadd.s32 @!p0 $0x14, s1;
	[tilespmem:$0x170] =	vst v4  }
0x7e: {  	s6 =	simm.s32 @!p0 $0x0;
	s2 =	sadd.s32 @!p0 s5, s1;
	[tilespmem:$0x180] =	vst v5  }
0x7f: {  	[tilespmem:s6], [sflag:$0x5] =	stream.linear.gather @!p0 [hbm4b:s2+s6], $0x50, $0x38;
	[tilespmem:$0x1EB90] =	vst v63  }
0x80: {  	s8 =	simm.s32 $0x390;
	s1 =	sadd.s32 @!p0 s7, s1;
	s2 =	simm.s32 @!p0 $0xA0  }
0x81: {  	[tilespmem:s2], [sflag:$0x7] =	stream.linear.gather @!p0 [hbm4b:s1+s6], $0x50, $0x38;
	[tilespmem:$0x1EB90] =	vst v63  }
0x82: {  	s6 =	simm.s32 $0x5290;
	v1 =	vld [tilespmem:s8+$0x180]  }
0x83: {  	v2 =	vld [tilespmem:s6+$0xC0]  }
0x84: {  	v3 =	vld [tilespmem:s8+$0x190]  }
0x85: {  	v4 =	vld [tilespmem:s6+$0xD0];
	_ =	sdelay $0x3  }
0x86: {  	v5 =	vld [tilespmem:s8+$0xFFFFFE90]  }
0x87: {  	v6 =	vld [tilespmem:s8+$0xFFFFFF00];
	v1 =	vmul.f32 v2, v1;
	v2 =	vmul.f32 v4, v3  }
0x88: {  	v7 =	vld [tilespmem:s6+$0xFFFFFF80]  }
0x89: {  	v8 =	vld [tilespmem:s8+$0xFFFFFF10];
	v1 =	vadd.f32 v2, v1  }
0x8a: {  	v9 =	vld [tilespmem:s6+$0xFFFFFF90]  }
0x8b: {  	v10 =	vld [tilespmem:s8+$0xFFFFFF80];
	(xrf2) =	vadd.scan.msk.f32 $0xffff, v1  }
0x8c: {  	v12 =	vld [tilespmem:s8+$0xFFFFFF90]  }
0x8d: {  	v4 =	vld [tilespmem:s8+$0xFFFFFE80]  }
0x8e: {  	v2 =	vld [tilespmem:s6+$0xFFFFFF40]  }
0x8f: {  	v1 =	vld [tilespmem:s6+$0xFFFFFF50]  }
0x90: {  	v13 =	vld [tilespmem:s6+$0xFFFFFFD0]  }
0x91: {  	v11 =	vld [tilespmem:s6+$0xFFFFFFC0]  }
0x92: {  	v14 =	vld [tilespmem:s8+$0x0]  }
0x93: {  	v16 =	vld [tilespmem:s6+$0x0];
	v2 =	vmul.f32 v2, v4  }
0x94: {  	v3 =	vld [tilespmem:s6+$0xFFFFFF00];
	v1 =	vmul.f32 v1, v5;
	v5 =	vmul.f32 v7, v6  }
0x95: {  	v4 =	vld [tilespmem:s6+$0x10];
	v6 =	vmul.f32 v9, v8;
	v8 =	vmul.f32 v13, v12;
	v15, _, _ =	vpop (xrf2)  }
0x96: {  	v7 =	vld [tilespmem:s8+$0x80];
	v1 =	vadd.f32 v1, v2;
	v2 =	vmul.f32 v11, v10;
	(v2sf) =	vpush v15, $0xF  }
0x97: {  	v9 =	vld [tilespmem:s6+$0x40];
	v5 =	vadd.f32 v6, v5  }
0x98: {  	v6 =	vld [tilespmem:s8+$0x90];
	(xrf2) =	vadd.scan.msk.f32 $0xffff, v1;
	v1 =	vadd.f32 v8, v2  }
0x99: {  	(xrf2) =	vadd.scan.msk.f32 $0xffff, v5;
	v15 =	vld [tilespmem:s8+$0x10]  }
0x9a: {  	v2 =	vld [tilespmem:s6+$0x50];
	(xrf2) =	vadd.scan.msk.f32 $0xffff, v1  }
0x9b: {  	v11 =	vld [tilespmem:s8+$0x100]  }
0x9c: {  	v8 =	vld [tilespmem:s8+$0xFFFFFE10]  }
0x9d: {  	v1 =	vld [tilespmem:s8+$0xFFFFFE00]  }
0x9e: {  	v10 =	vmul.f32 v16, v14;
	v5 =	vld [tilespmem:s6+$0xFFFFFF10];
	v4 =	vmul.f32 v4, v15  }
0x9f: {  	s1 =	simm.s32 $0x7A10;
	v7 =	vmul.f32 v9, v7;
	v2 =	vmul.f32 v2, v6;
	v6 =	vld [tilespmem:s6+$0x80]  }
0xa0: {  	v4 =	vadd.f32 v4, v10;
	v10 =	vld [tilespmem:s1+$0x60]  }
0xa1: {  	v2 =	vadd.f32 v2, v7;
	v7 =	vld [tilespmem:s6+$0x90]  }
0xa2: {  	v1 =	vmul.f32 v3, v1;
	v3, _, _ =	vpop (xrf2);
	(xrf2) =	vadd.scan.msk.f32 $0xffff, v4;
	v4 =	vld [tilespmem:s8+$0x110]  }
0xa3: {  	v5 =	vmul.f32 v5, v8;
	(v2sf) =	vpush v3, $0xF;
	v3, _, _ =	vpop (xrf2);
	(xrf2) =	vadd.scan.msk.f32 $0xffff, v2  }
0xa4: {  	(v2sf) =	vpush v3, $0xF;
	v3, _, _ =	vpop (xrf2)  }
0xa5: {  	v1 =	vadd.f32 v5, v1;
	(v2sf) =	vpush v3, $0xF;
	v2 =	vshll.u32 v10, $0x10;
	s0 =	spop (v2sf)  }
0xa6: {  	v5 =	vand.u32 $0xFFFF0000, v10;
	v2 =	vadd.f32 $1.000000000e+00, v2;
	s2 =	smul.f32 $1.767766920e-01, s0  }
0xa7: {  	v8 =	vld [tilespmem:s8+$0x1A0];
	v6 =	vmul.f32 v6, v11;
	(xrf2) =	vadd.scan.msk.f32 $0xffff, v1;
	v5 =	vadd.f32 $1.000000000e+00, v5;
	v4 =	vmul.f32 v7, v4  }
0xa8: {  	v1 =	vld [tilespmem:s6+$0xE0];
	v2 =	vmul.f32 s2, v2  }
0xa9: {  	v3 =	vld [tilespmem:s8+$0x1B0];
	v4 =	vadd.f32 v4, v6;
	v5 =	vmul.f32 s2, v5  }
0xaa: {  	v7 =	vld [tilespmem:s6+$0xF0];
	v2 =	vmul.f32 $1.442695020e+00, v2  }
0xab: {  	v23 =	vld [tilespmem:s8+$0xFFFFFEB0];
	v5 =	vmul.f32 $1.442695020e+00, v5  }
0xac: {  	v24 =	vld [tilespmem:s6+$0xFFFFFF70];
	v6, _, _ =	vpop (xrf2);
	(erf) = vpow2.f32 v2  }
0xad: {  	(xrf2) =	vadd.scan.msk.f32 $0xffff, v4;
	(v2sf) =	vpush v6, $0xF;
	v4, _, _ =	vpop (xrf2);
	v6 =	vld [tilespmem:s1+$0x0];
	(erf) = vpow2.f32 v5  }
0xae: {  	(v2sf) =	vpush v4, $0xF;
	v4 =	vld [tilespmem:s1+$0xFFFFFFE0]  }
0xaf: {  	v1 =	vmul.f32 v1, v8;
	v3 =	vmul.f32 v7, v3;
	v2 =	vld [tilespmem:s1+$0xFFFFFFA0]  }
0xb0: {  	v5 =	vld [tilespmem:s1+$0xFFFFFFC0]  }
0xb1: {  	v25 =	vld [tilespmem:s8+$0xFFFFFF20];
	v3 =	vadd.f32 v3, v1;
	v7, _, _ =	vpop (xrf2)  }
0xb2: {  	v26 =	vld [tilespmem:s8+$0xFFFFFFA0];
	(v2sf) =	vpush v7, $0xF;
	s9 =	spop (v2sf);
	v17 =	vshll.u32 v6, $0x10  }
0xb3: {  	v9 =	vld [tilespmem:s1+$0xFFFFFF80];
	(xrf2) =	vadd.scan.msk.f32 $0xffff, v3;
	s2 =	smul.f32 $1.767766920e-01, s9;
	s9 =	spop (v2sf);
	v19 =	vand.u32 $0xFFFF0000, v6;
	v14 =	vshll.u32 v4, $0x10;
	v15 =	vand.u32 $0xFFFF0000, v4  }
0xb4: {  	v8 =	vld [tilespmem:s1+$0x20];
	s10 =	spop (v2sf);
	v3 =	vshll.u32 v2, $0x10;
	v10 =	vand.u32 $0xFFFF0000, v2;
	v14 =	vadd.f32 $1.000000000e+00, v14  }
0xb5: {  	s25 =	simm.s32 $0x8590;
	v1 =	vld [tilespmem:s8+$0xFFFFFE20];
	s10 =	smul.f32 $1.767766920e-01, s10;
	v15 =	vadd.f32 $1.000000000e+00, v15;
	v11 =	vshll.u32 v5, $0x10;
	v4 =	vadd.f32 $1.000000000e+00, v3;
	v13 =	vpop (erf)  }
0xb6: {  	v2 =	vld [tilespmem:s6+$0xFFFFFF20];
	v5 =	vand.u32 $0xFFFF0000, v5;
	v10 =	vadd.f32 $1.000000000e+00, v10;
	v11 =	vadd.f32 $1.000000000e+00, v11;
	[tilespmem:s25+$0x180] =	vst v13;
	v16 =	vpop (erf)  }
0xb7: {  	s9 =	smul.f32 $1.767766920e-01, s9;
	v3 =	vld [tilespmem:s8+$0xFFFFFE30];
	v18, _, _ =	vpop (xrf2);
	v6 =	vadd.f32 $1.000000000e+00, v5;
	v14 =	vmul.f32 s10, v14;
	v15 =	vmul.f32 s10, v15;
	[tilespmem:s25+$0x190] =	vst v16  }
0xb8: {  	(v2sf) =	vpush v18, $0xF;
	v20 =	vmul.f32 s2, v4;
	v10 =	vmul.f32 s2, v10;
	v18 =	vld [tilespmem:s8+$0x1C0]  }
0xb9: {  	v22 =	vshll.u32 v8, $0x10;
	v5 =	vld [tilespmem:s6+$0xFFFFFF30];
	v11 =	vmul.f32 s9, v11;
	v21 =	vmul.f32 s9, v6  }
0xba: {  	v8 =	vand.u32 $0xFFFF0000, v8;
	v4 =	vld [tilespmem:s8+$0xFFFFFEA0];
	v14 =	vmul.f32 $1.442695020e+00, v14;
	v15 =	vmul.f32 $1.442695020e+00, v15  }
0xbb: {  	v7 =	vshll.u32 v9, $0x10;
	v6 =	vld [tilespmem:s6+$0xFFFFFF60];
	v20 =	vmul.f32 $1.442695020e+00, v20;
	v10 =	vmul.f32 $1.442695020e+00, v10  }
0xbc: {  	v27 =	vld [tilespmem:s6+$0xFFFFFFF0];
	v8 =	vadd.f32 $1.000000000e+00, v8;
	v1 =	vmul.f32 v2, v1;
	v11 =	vmul.f32 $1.442695020e+00, v11  }
0xbd: {  	v34 =	vld [tilespmem:s6+$0xA0];
	v17 =	vadd.f32 $1.000000000e+00, v17;
	(erf) = vpow2.f32 v20;
	v13 =	vmul.f32 v13, v18;
	v18, _, _ =	vpop (xrf2)  }
0xbe: {  	v36 =	vld [tilespmem:s8+$0x130];
	v3 =	vmul.f32 v5, v3;
	s16 =	spop (v2sf);
	(erf) = vpow2.f32 v10;
	(v2sf) =	vpush v18, $0xF  }
0xbf: {  	v12 =	vld [tilespmem:s1+$0x40];
	v19 =	vadd.f32 $1.000000000e+00, v19;
	v21 =	vmul.f32 $1.442695020e+00, v21;
	s2 =	smul.f32 $1.767766920e-01, s16;
	(erf) = vpow2.f32 v11;
	[tilespmem:s25+$0x1C0] =	vst v13  }
0xc0: {  	s17 =	spop (v2sf);
	v1 =	vadd.f32 v3, v1;
	v3 =	vmul.f32 v6, v4;
	v4 =	vmul.f32 v24, v23;
	v20 =	vld [tilespmem:s8+$0x1D0]  }
0xc1: {  	v9 =	vand.u32 $0xFFFF0000, v9;
	v11 =	vld [tilespmem:s6+$0xFFFFFFE0];
	s18 =	smul.f32 $1.767766920e-01, s17;
	s22 =	spop (v2sf);
	(erf) = vpow2.f32 v21;
	v17 =	vmul.f32 s2, v17  }
0xc2: {  	v7 =	vadd.f32 $1.000000000e+00, v7;
	v6 =	vld [tilespmem:s6+$0xB0];
	v19 =	vmul.f32 s2, v19;
	s26 =	smul.f32 $1.767766920e-01, s22;
	(erf) = vpow2.f32 v14  }
0xc3: {  	v9 =	vadd.f32 $1.000000000e+00, v9;
	v21 =	vld [tilespmem:s8+$0xFFFFFFB0];
	v8 =	vmul.f32 s18, v8;
	(erf) = vpow2.f32 v15  }
0xc4: {  	v14 =	vld [tilespmem:s8+$0x20];
	v10 =	vmul.f32 $1.442695020e+00, v17;
	v7 =	vmul.f32 s26, v7  }
0xc5: {  	v18 =	vld [tilespmem:s6+$0xFFFFFFA0];
	v9 =	vmul.f32 s26, v9;
	v16 =	vmul.f32 v16, v20  }
0xc6: {  	v17 =	vld [tilespmem:s6+$0xFFFFFFB0];
	v19 =	vmul.f32 $1.442695020e+00, v19;
	v13 =	vadd.f32 $1.000000000e+00, v22;
	v7 =	vmul.f32 $1.442695020e+00, v7  }
0xc7: {  	v22 =	vld [tilespmem:s8+$0xFFFFFF30];
	(erf) = vpow2.f32 v10;
	v9 =	vmul.f32 $1.442695020e+00, v9;
	v20 =	vshll.u32 v12, $0x10;
	[tilespmem:s25+$0x1D0] =	vst v16  }
0xc8: {  	v13 =	vmul.f32 s18, v13;
	(erf) = vpow2.f32 v7;
	v10 =	vld [tilespmem:s1+$0x70]  }
0xc9: {  	v8 =	vmul.f32 $1.442695020e+00, v8;
	v7 =	vld [tilespmem:s8+$0x30];
	s0 =	spop (v2sf);
	(erf) = vpow2.f32 v9  }
0xca: {  	v13 =	vmul.f32 $1.442695020e+00, v13;
	v9 =	vld [tilespmem:s6+$0x30];
	s2 =	smul.f32 $1.767766920e-01, s0;
	v12 =	vand.u32 $0xFFFF0000, v12;
	v15 =	vadd.f32 $1.000000000e+00, v20;
	v20 =	vpop (erf)  }
0xcb: {  	v18 =	vmul.f32 v18, v25;
	v12 =	vadd.f32 $1.000000000e+00, v12;
	v16 =	vld [tilespmem:s6+$0x20];
	(erf) = vpow2.f32 v19;
	v28 =	vpop (erf)  }
0xcc: {  	(xrf2) =	vadd.scan.msk.f32 $0xffff, v1;
	v1 =	vmul.f32 v17, v22;
	v15 =	vmul.f32 s2, v15;
	v19 =	vld [tilespmem:s8+$0xA0];
	[tilespmem:s25+$0xFFFFFE80] =	vst v20;
	v29 =	vpop (erf)  }
0xcd: {  	v12 =	vmul.f32 s2, v12;
	(erf) = vpow2.f32 v13;
	v13 =	vld [tilespmem:s6+$0x60];
	[tilespmem:s25+$0xFFFFFE90] =	vst v28;
	v31 =	vpop (erf);
	v30 =	vshll.u32 v10, $0x10;
	s9 =	spop (v2sf)  }
0xce: {  	v15 =	vmul.f32 $1.442695020e+00, v15;
	[tilespmem:s25+$0xFFFFFF00] =	vst v29;
	v32 =	vpop (erf);
	v10 =	vand.u32 $0xFFFF0000, v10;
	s2 =	smul.f32 $1.767766920e-01, s9;
	v30 =	vadd.f32 $1.000000000e+00, v30  }
0xcf: {  	v12 =	vmul.f32 $1.442695020e+00, v12;
	(erf) = vpow2.f32 v8;
	v38 =	vld [tilespmem:s8+$0xFFFFFEC0];
	[tilespmem:s25+$0xFFFFFF10] =	vst v31;
	v33 =	vpop (erf);
	v10 =	vadd.f32 $1.000000000e+00, v10  }
0xd0: {  	(erf) = vpow2.f32 v15;
	[tilespmem:s25+$0xFFFFFF80] =	vst v32;
	v2 =	vld [tilespmem:s8+$0xFFFFFF40];
	v35 =	vpop (erf);
	v30 =	vmul.f32 s2, v30  }
0xd1: {  	v8 =	vld [tilespmem:s8+$0xB0];
	(erf) = vpow2.f32 v12;
	[tilespmem:s25+$0xFFFFFF90] =	vst v33;
	v37 =	vpop (erf);
	v10 =	vmul.f32 s2, v10  }
0xd2: {  	v3 =	vadd.f32 v4, v3;
	v4 =	vmul.f32 v11, v26;
	v15 =	vld [tilespmem:s6+$0x70];
	[tilespmem:s25+$0xFFFFFE00] =	vst v37;
	v39 =	vpop (erf);
	v30 =	vmul.f32 $1.442695020e+00, v30  }
0xd3: {  	v1 =	vadd.f32 v1, v18;
	v18 =	vmul.f32 v27, v21;
	v12 =	vld [tilespmem:s8+$0x120];
	[tilespmem:s25+$0xFFFFFE10] =	vst v39;
	v10 =	vmul.f32 $1.442695020e+00, v10  }
0xd4: {  	[tilespmem:s25+$0x0] =	vst v35;
	v20 =	vmul.f32 v20, v38;
	v40 =	vpop (erf);
	v5 =	vld [tilespmem:s8+$0xFFFFFE40];
	(erf) = vpow2.f32 v30  }
0xd5: {  	(xrf2) =	vadd.scan.msk.f32 $0xffff, v3;
	s6 =	simm.s32 $0x5490;
	[tilespmem:s25+$0x10] =	vst v40;
	v2 =	vmul.f32 v29, v2;
	(erf) = vpow2.f32 v10;
	v10 =	vld [tilespmem:s8+$0xFFFFFFC0]  }
0xd6: {  	(xrf2) =	vadd.scan.msk.f32 $0xffff, v1;
	v1 =	vadd.f32 v18, v4;
	v18 =	vld [tilespmem:s6+$0xFFFFFF10];
	[tilespmem:s25+$0xFFFFFEC0] =	vst v20  }
0xd7: {  	v21 =	vld [tilespmem:s6+$0xFFFFFF40];
	[tilespmem:s25+$0xFFFFFF40] =	vst v2;
	v30 =	vpop (erf)  }
0xd8: {  	v22 =	vld [tilespmem:s6+$0xFFFFFF50];
	[tilespmem:s25+$0x80] =	vst v30;
	v41 =	vpop (erf)  }
0xd9: {  	v17 =	vld [tilespmem:s8+$0x40];
	v5 =	vmul.f32 v37, v5;
	[tilespmem:s25+$0x90] =	vst v41;
	v23 =	vpop (erf)  }
0xda: {  	[tilespmem:s25+$0x100] =	vst v23;
	v24 =	vpop (erf);
	v11 =	vld [tilespmem:s8+$0xC0];
	v10 =	vmul.f32 v32, v10  }
0xdb: {  	v3 =	vmul.f32 v9, v7;
	v7 =	vld [tilespmem:s8+$0xFFFFFED0];
	[tilespmem:s25+$0x110] =	vst v24  }
0xdc: {  	v2 =	vmul.f32 v16, v14;
	[tilespmem:s25+$0xFFFFFE40] =	vst v5;
	v20 =	vld [tilespmem:s8+$0x140]  }
0xdd: {  	v9 =	vld [tilespmem:s8+$0xFFFFFF50];
	[tilespmem:s25+$0xFFFFFFC0] =	vst v10;
	v5 =	vpop (erf)  }
0xde: {  	(xrf2) =	vadd.scan.msk.f32 $0xffff, v1;
	v2 =	vadd.f32 v3, v2;
	v3 =	vmul.f32 v35, v17;
	v4 =	vld [tilespmem:s8+$0xFFFFFE50];
	[tilespmem:s25+$0x1A0] =	vst v5;
	v10 =	vpop (erf)  }
0xdf: {  	v1 =	vmul.f32 v30, v11;
	v11 =	vld [tilespmem:s8+$0xFFFFFFD0];
	[tilespmem:s25+$0x1B0] =	vst v10  }
0xe0: {  	s26 =	simm.s32 $0x790;
	v13 =	vmul.f32 v13, v19;
	v8 =	vmul.f32 v15, v8;
	[tilespmem:s25+$0x40] =	vst v3;
	v3 =	vld [tilespmem:s8+$0x1E0]  }
0xe1: {  	v19 =	vld [tilespmem:s26+$0xFFFFFE80];
	v12 =	vmul.f32 v34, v12;
	(xrf2) =	vadd.scan.msk.f32 $0xffff, v2;
	v2 =	vmul.f32 v23, v20  }
0xe2: {  	v7 =	vmul.f32 v28, v7;
	v14 =	vld [tilespmem:s8+$0x50];
	[tilespmem:s25+$0xC0] =	vst v1;
	v1 =	vmul.f32 v6, v36  }
0xe3: {  	v4 =	vmul.f32 v39, v4;
	v23 =	vld [tilespmem:s6+$0xFFFFFF80];
	[tilespmem:s25+$0x140] =	vst v2;
	v2 =	vadd.f32 v8, v13  }
0xe4: {  	[tilespmem:s25+$0xFFFFFED0] =	vst v7;
	v8 =	vmul.f32 v31, v9;
	v1 =	vadd.f32 v1, v12;
	v7 =	vld [tilespmem:s8+$0x150];
	v9 =	vmul.f32 v33, v11;
	v11, _, _ =	vpop (xrf2)  }
0xe5: {  	v6 =	vld [tilespmem:s8+$0xD0];
	(xrf2) =	vadd.scan.msk.f32 $0xffff, v2;
	(v2sf) =	vpush v11, $0xF;
	v3 =	vmul.f32 v5, v3;
	v5, _, _ =	vpop (xrf2)  }
0xe6: {  	[tilespmem:s25+$0xFFFFFE50] =	vst v4;
	v4 =	vld [tilespmem:s1+$0xFFFFFFB0];
	(xrf2) =	vadd.scan.msk.f32 $0xffff, v1;
	(v2sf) =	vpush v5, $0xF  }
0xe7: {  	v12 =	vld [tilespmem:s6+$0xC0];
	v5, _, _ =	vpop (xrf2)  }
0xe8: {  	v13 =	vld [tilespmem:s26+$0x190];
	[tilespmem:s25+$0xFFFFFF50] =	vst v8;
	(v2sf) =	vpush v5, $0xF;
	v5, _, _ =	vpop (xrf2)  }
0xe9: {  	v8 =	vmul.f32 v40, v14;
	v14 =	vld [tilespmem:s6+$0xD0];
	[tilespmem:s25+$0x1E0] =	vst v3;
	v3 =	vmul.f32 v24, v7;
	(v2sf) =	vpush v5, $0xF  }
0xea: {  	v7 =	vld [tilespmem:s8+$0x1F0]  }
0xeb: {  	v5, _, _ =	vpop (xrf2);
	[tilespmem:s25+$0x150] =	vst v3;
	v3 =	vld [tilespmem:s26+$0x180]  }
0xec: {  	v2 =	vld [tilespmem:s1+$0xFFFFFF90];
	(v2sf) =	vpush v5, $0xF  }
0xed: {  	v1 =	vld [tilespmem:s1+$0xFFFFFFD0];
	[tilespmem:s25+$0xFFFFFFD0] =	vst v9  }
0xee: {  	v19 =	vmul.f32 v21, v19;
	v11 =	vld [tilespmem:s1+$0xFFFFFFF0];
	v6 =	vmul.f32 v41, v6  }
0xef: {  	v16 =	vshll.u32 v4, $0x10;
	v4 =	vand.u32 $0xFFFF0000, v4;
	v7 =	vmul.f32 v10, v7;
	v10 =	vld [tilespmem:s26+$0xFFFFFF00];
	v5, _, _ =	vpop (xrf2)  }
0xf0: {  	(v2sf) =	vpush v5, $0xF;
	v15, _, _ =	vpop (xrf2);
	v3 =	vmul.f32 v12, v3;
	v12 =	vmul.f32 v14, v13;
	v14 =	vld [tilespmem:s26+$0xFFFFFE90]  }
0xf1: {  	[tilespmem:s25+$0x50] =	vst v8;
	v16 =	vadd.f32 $1.000000000e+00, v16;
	v17 =	vshll.u32 v2, $0x10;
	(v2sf) =	vpush v15, $0xF;
	v15 =	vld [tilespmem:s26+$0xFFFFFE10]  }
0xf2: {  	v8 =	vld [tilespmem:s1+$0x10];
	v4 =	vadd.f32 $1.000000000e+00, v4;
	v2 =	vand.u32 $0xFFFF0000, v2;
	v17 =	vadd.f32 $1.000000000e+00, v17  }
0xf3: {  	v21 =	vld [tilespmem:s26+$0xFFFFFF80];
	[tilespmem:s25+$0xD0] =	vst v6;
	v20 =	vshll.u32 v1, $0x10;
	v1 =	vand.u32 $0xFFFF0000, v1;
	v2 =	vadd.f32 $1.000000000e+00, v2  }
0xf4: {  	v6 =	vld [tilespmem:s1+$0x30];
	v13 =	vshll.u32 v11, $0x10;
	v11 =	vand.u32 $0xFFFF0000, v11;
	v3 =	vadd.f32 v12, v3;
	s10 =	spop (v2sf)  }
0xf5: {  	v9 =	vld [tilespmem:s1+$0x50];
	v1 =	vadd.f32 $1.000000000e+00, v1;
	v11 =	vadd.f32 $1.000000000e+00, v11;
	v10 =	vmul.f32 v23, v10;
	s1 =	smul.f32 $1.767766920e-01, s10;
	s16 =	spop (v2sf)  }
0xf6: {  	v12 =	vadd.f32 $1.000000000e+00, v20;
	(xrf2) =	vadd.scan.msk.f32 $0xffff, v3;
	v14 =	vmul.f32 v22, v14;
	v22 =	vld [tilespmem:s6+$0xFFFFFFC0];
	v18 =	vmul.f32 v18, v15;
	s2 =	smul.f32 $1.767766920e-01, s16  }
0xf7: {  	v20 =	vshll.u32 v8, $0x10;
	s17 =	spop (v2sf);
	v17 =	vmul.f32 s1, v17;
	v2 =	vmul.f32 s1, v2  }
0xf8: {  	v26 =	vld [tilespmem:s6+$0xFFFFFFD0];
	v3 =	vadd.f32 $1.000000000e+00, v13;
	s9 =	smul.f32 $1.767766920e-01, s17;
	s18 =	spop (v2sf);
	v13 =	vmul.f32 s2, v16;
	v4 =	vmul.f32 s2, v4  }
0xf9: {  	v24 =	vld [tilespmem:s6+$0xFFFFFF90];
	v8 =	vand.u32 $0xFFFF0000, v8;
	s22 =	smul.f32 $1.767766920e-01, s18;
	v17 =	vmul.f32 $1.442695020e+00, v17;
	v2 =	vmul.f32 $1.442695020e+00, v2  }
0xfa: {  	v14 =	vadd.f32 v14, v19;
	v19 =	vld [tilespmem:s26+$0xFFFFFF90];
	v12 =	vmul.f32 s9, v12;
	v1 =	vmul.f32 s9, v1  }
0xfb: {  	v20 =	vadd.f32 $1.000000000e+00, v20;
	v16 =	vld [tilespmem:s26+$0xFFFFFF10];
	s0 =	spop (v2sf);
	v21 =	vmul.f32 v22, v21;
	v3 =	vmul.f32 s22, v3  }
0xfc: {  	v5 =	vld [tilespmem:s6+$0xFFFFFF00];
	v8 =	vadd.f32 $1.000000000e+00, v8;
	s16 =	smul.f32 $1.767766920e-01, s0;
	v11 =	vmul.f32 s22, v11;
	v13 =	vmul.f32 $1.442695020e+00, v13  }
0xfd: {  	v25 =	vshll.u32 v6, $0x10;
	v23 =	vld [tilespmem:s26+$0x0];
	(xrf2) =	vadd.scan.msk.f32 $0xffff, v14;
	v4 =	vmul.f32 $1.442695020e+00, v4;
	(erf) = vpow2.f32 v17  }
0xfe: {  	v15 =	vld [tilespmem:s26+$0xFFFFFE20];
	v20 =	vmul.f32 s16, v20;
	v8 =	vmul.f32 s16, v8  }
0xff: {  	v14 =	vshll.u32 v9, $0x10;
	v22 =	vld [tilespmem:s6+$0x10];
	(erf) = vpow2.f32 v2;
	v2 =	vmul.f32 v26, v19  }
0x100: {  	v17 =	vadd.f32 $1.000000000e+00, v25;
	v19 =	vld [tilespmem:s26+$0x80];
	v12 =	vmul.f32 $1.442695020e+00, v12;
	v16 =	vmul.f32 v24, v16;
	v25, _, _ =	vpop (xrf2)  }
0x101: {  	v1 =	vmul.f32 $1.442695020e+00, v1;
	(erf) = vpow2.f32 v13;
	v24 =	vld [tilespmem:s6+$0x0];
	s17 =	spop (v2sf);
	(v2sf) =	vpush v25, $0xF  }
0x102: {  	v3 =	vmul.f32 $1.442695020e+00, v3;
	(erf) = vpow2.f32 v4;
	v10 =	vadd.f32 v16, v10;
	v16 =	vld [tilespmem:s26+$0x10];
	s1 =	smul.f32 $1.767766920e-01, s17  }
0x103: {  	v2 =	vadd.f32 v2, v21;
	v4 =	vadd.f32 $1.000000000e+00, v14;
	v14 =	vld [tilespmem:s6+$0x50];
	(erf) = vpow2.f32 v12;
	s18 =	spop (v2sf)  }
0x104: {  	(erf) = vpow2.f32 v1;
	s22 =	smul.f32 $1.767766920e-01, s18;
	(xrf2) =	vadd.scan.msk.f32 $0xffff, v10;
	v10 =	vmul.f32 s1, v17;
	v17 =	vld [tilespmem:s26+$0x90]  }
0x105: {  	v6 =	vand.u32 $0xFFFF0000, v6;
	v13 =	vld [tilespmem:s6+$0x40];
	(erf) = vpow2.f32 v3;
	(xrf2) =	vadd.scan.msk.f32 $0xffff, v2;
	v2 =	vmul.f32 $1.442695020e+00, v11  }
0x106: {  	v6 =	vadd.f32 $1.000000000e+00, v6;
	v21 =	vld [tilespmem:s26+$0x100];
	v12 =	vmul.f32 s22, v4;
	v4 =	vmul.f32 $1.442695020e+00, v20  }
0x107: {  	v26, _, _ =	vpop (xrf2);
	v3 =	vmul.f32 v24, v23;
	v11 =	vmul.f32 v22, v16;
	v16 =	vld [tilespmem:s26+$0xFFFFFE00]  }
0x108: {  	v25 =	vld [tilespmem:s6+$0x80];
	v6 =	vmul.f32 s1, v6;
	s1 =	simm.s32 $0x7B10;
	v1 =	vpop (erf);
	(erf) = vpow2.f32 v2  }
0x109: {  	[tilespmem:s25+$0x1F0] =	vst v7;
	(erf) = vpow2.f32 v4;
	v2 =	vpop (erf);
	v7 =	vadd.f32 v11, v3;
	v14 =	vmul.f32 v14, v17;
	v17 =	vld [tilespmem:s1+$0x60]  }
0x10a: {  	v8 =	vmul.f32 $1.442695020e+00, v8;
	v13 =	vmul.f32 v13, v19;
	v20 =	vld [tilespmem:s26+$0x110];
	v4 =	vpop (erf)  }
0x10b: {  	v23 =	vld [tilespmem:s6+$0x90];
	v10 =	vmul.f32 $1.442695020e+00, v10;
	(v2sf) =	vpush v26, $0xF;
	v22 =	vmul.f32 $1.442695020e+00, v6;
	[tilespmem:s25+$0xFFFFFE20] =	vst v1;
	v3 =	vpop (erf)  }
0x10c: {  	v24 =	vld [tilespmem:s1+$0xFFFFFFC0];
	[tilespmem:s25+$0xFFFFFE30] =	vst v2;
	(erf) = vpow2.f32 v8;
	v13 =	vadd.f32 v14, v13;
	v6 =	vpop (erf);
	v5 =	vmul.f32 v5, v16  }
0x10d: {  	v27 =	vld [tilespmem:s1+$0x0];
	v12 =	vmul.f32 $1.442695020e+00, v12;
	(xrf2) =	vadd.scan.msk.f32 $0xffff, v7;
	[tilespmem:s25+$0xFFFFFEA0] =	vst v4;
	(erf) = vpow2.f32 v10;
	v7 =	vpop (erf)  }
0x10e: {  	v30 =	vld [tilespmem:s1+$0x20];
	[tilespmem:s25+$0xFFFFFEB0] =	vst v3;
	(erf) = vpow2.f32 v22;
	(xrf2) =	vadd.scan.msk.f32 $0xffff, v13;
	v19, _, _ =	vpop (xrf2);
	v8 =	vshll.u32 v17, $0x10  }
0x10f: {  	v26 =	vld [tilespmem:s1+$0xFFFFFFE0];
	[tilespmem:s25+$0xFFFFFF20] =	vst v6;
	(erf) = vpow2.f32 v12;
	v13 =	vadd.f32 v18, v5;
	v12 =	vand.u32 $0xFFFF0000, v17;
	v10, _, _ =	vpop (xrf2)  }
0x110: {  	v11 =	vld [tilespmem:s1+$0xFFFFFF80];
	[tilespmem:s25+$0xFFFFFF30] =	vst v7;
	(v2sf) =	vpush v19, $0xF;
	s0 =	spop (v2sf);
	v5 =	vpop (erf)  }
0x111: {  	v14 =	vld [tilespmem:s1+$0xFFFFFFA0];
	v16 =	vadd.f32 $1.000000000e+00, v8;
	v19 =	vmul.f32 v23, v20;
	(xrf2) =	vadd.scan.msk.f32 $0xffff, v13;
	v13 =	vmul.f32 v25, v21;
	s2 =	smul.f32 $1.767766920e-01, s0;
	v8 =	vpop (erf)  }
0x112: {  	v17 =	vadd.f32 $1.000000000e+00, v12;
	(v2sf) =	vpush v10, $0xF;
	v10 =	vld [tilespmem:s26+$0x1A0];
	[tilespmem:s25+$0xFFFFFFA0] =	vst v5;
	v12 =	vpop (erf)  }
0x113: {  	v13 =	vadd.f32 v19, v13;
	v18 =	vld [tilespmem:s6+$0xE0];
	v16 =	vmul.f32 s2, v16  }
0x114: {  	v9 =	vand.u32 $0xFFFF0000, v9;
	v61 =	vshll.u32 v27, $0x10;
	v20 =	vld [tilespmem:s26+$0x1B0];
	v17 =	vmul.f32 s2, v17  }
0x115: {  	v47 =	vand.u32 $0xFFFF0000, v27;
	v29 =	vshll.u32 v26, $0x10;
	v21 =	vld [tilespmem:s6+$0xF0];
	(xrf2) =	vadd.scan.msk.f32 $0xffff, v13;
	v16 =	vmul.f32 $1.442695020e+00, v16  }
0x116: {  	v26 =	vand.u32 $0xFFFF0000, v26;
	v23 =	vand.u32 $0xFFFF0000, v14;
	v33 =	vld [tilespmem:s1+$0x40];
	v17 =	vmul.f32 $1.442695020e+00, v17  }
0x117: {  	v51 =	vadd.f32 $1.000000000e+00, v26;
	v27 =	vadd.f32 $1.000000000e+00, v23;
	v23 =	vld [tilespmem:s26+$0xFFFFFF20];
	v19, _, _ =	vpop (xrf2);
	(erf) = vpow2.f32 v16  }
0x118: {  	v26 =	vld [tilespmem:s26+$0xFFFFFFA0];
	v13 =	vadd.f32 $1.000000000e+00, v9;
	(v2sf) =	vpush v19, $0xF;
	(erf) = vpow2.f32 v17  }
0x119: {  	v9 =	vpop (erf);
	v19 =	vld [tilespmem:s6+$0xFFFFFF30];
	v10 =	vmul.f32 v18, v10  }
0x11a: {  	s9 =	spop (v2sf);
	v16 =	vld [tilespmem:s6+$0xFFFFFF20];
	v18 =	vmul.f32 v21, v20;
	v17, _, _ =	vpop (xrf2)  }
0x11b: {  	s2 =	smul.f32 $1.767766920e-01, s9;
	v20 =	vmul.f32 s22, v13;
	(v2sf) =	vpush v17, $0xF;
	v17 =	vld [tilespmem:s26+$0xFFFFFE30];
	v22, _, _ =	vpop (xrf2)  }
0x11c: {  	v28 =	vshll.u32 v24, $0x10;
	v13 =	vpop (erf);
	v21 =	vadd.f32 v18, v10;
	v18 =	vld [tilespmem:s26+$0xFFFFFEA0];
	(v2sf) =	vpush v22, $0xF  }
0x11d: {  	v50 =	vmul.f32 s2, v27;
	v25 =	vmul.f32 $1.442695020e+00, v20;
	v20 =	vld [tilespmem:s6+$0xFFFFFF60];
	v22 =	vshll.u32 v14, $0x10;
	v10 =	vpop (erf)  }
0x11e: {  	v24 =	vand.u32 $0xFFFF0000, v24;
	v42 =	vshll.u32 v30, $0x10;
	(xrf2) =	vadd.scan.msk.f32 $0xffff, v21;
	v21 =	vld [tilespmem:s26+$0xFFFFFEB0];
	v62 =	vadd.f32 $1.000000000e+00, v22;
	v14 =	vpop (erf)  }
0x11f: {  	v54 =	vand.u32 $0xFFFF0000, v30;
	v28 =	vadd.f32 $1.000000000e+00, v28;
	v39 =	vmul.f32 $1.442695020e+00, v50;
	v22 =	vld [tilespmem:s6+$0xFFFFFF70];
	v48, _, _ =	vpop (xrf2)  }
0x120: {  	s18 =	simm.s32 $0x8990;
	v30 =	vld [tilespmem:s6+$0xFFFFFFF0];
	(erf) = vpow2.f32 v25;
	s10 =	spop (v2sf);
	v35 =	vmul.f32 s2, v62;
	(v2sf) =	vpush v48, $0xF;
	v31 =	vpop (erf)  }
0x121: {  	v45 =	vld [tilespmem:s26+$0x30];
	v25 =	vadd.f32 $1.000000000e+00, v24;
	v15 =	vmul.f32 v16, v15;
	s9 =	smul.f32 $1.767766920e-01, s10;
	s16 =	spop (v2sf);
	v17 =	vmul.f32 v19, v17;
	[tilespmem:s18+$0x180] =	vst v31;
	v63 =	vpop (erf)  }
0x122: {  	v29 =	vadd.f32 $1.000000000e+00, v29;
	v46 =	vld [tilespmem:s6+$0x60];
	v18 =	vmul.f32 v20, v18;
	s17 =	smul.f32 $1.767766920e-01, s16;
	v35 =	vmul.f32 $1.442695020e+00, v35;
	[tilespmem:s18+$0x190] =	vst v63  }
0x123: {  	v37 =	vadd.f32 $1.000000000e+00, v47;
	v28 =	vmul.f32 s9, v28;
	v52 =	vmul.f32 s9, v25;
	v49 =	vld [tilespmem:s26+$0x1C0]  }
0x124: {  	v47 =	vld [tilespmem:s26+$0x120];
	v15 =	vadd.f32 v17, v15;
	v17 =	vmul.f32 v22, v21;
	v29 =	vmul.f32 s17, v29  }
0x125: {  	v38 =	vadd.f32 $1.000000000e+00, v54;
	v54 =	vld [tilespmem:s8+$0xFFFFFE60];
	v40 =	vmul.f32 s17, v51;
	(erf) = vpow2.f32 v35  }
0x126: {  	v32 =	vadd.f32 $1.000000000e+00, v61;
	v43 =	vmul.f32 $1.442695020e+00, v28;
	v28 =	vld [tilespmem:s6+$0xFFFFFFE0];
	v41 =	vmul.f32 $1.442695020e+00, v52  }
0x127: {  	v42 =	vadd.f32 $1.000000000e+00, v42;
	(erf) = vpow2.f32 v39;
	v44 =	vmul.f32 $1.442695020e+00, v29;
	v29 =	vld [tilespmem:s26+$0xFFFFFFB0];
	s22 =	spop (v2sf)  }
0x128: {  	v60 =	vshll.u32 v11, $0x10;
	v27 =	vld [tilespmem:s6+$0xFFFFFFB0];
	(erf) = vpow2.f32 v43;
	s2 =	smul.f32 $1.767766920e-01, s22;
	v53, _, _ =	vpop (xrf2);
	v31 =	vmul.f32 v31, v49  }
0x129: {  	[tilespmem:s25+$0xA0] =	vst v13;
	v24 =	vld [tilespmem:s6+$0xFFFFFFA0];
	v40 =	vmul.f32 $1.442695020e+00, v40;
	(erf) = vpow2.f32 v41;
	(v2sf) =	vpush v53, $0xF  }
0x12a: {  	v11 =	vand.u32 $0xFFFF0000, v11;
	v48 =	vld [tilespmem:s6+$0xA0];
	(erf) = vpow2.f32 v44;
	v32 =	vmul.f32 s2, v32;
	s0 =	spop (v2sf);
	[tilespmem:s18+$0x1C0] =	vst v31  }
0x12b: {  	v34 =	vadd.f32 $1.000000000e+00, v60;
	[tilespmem:s25+$0xB0] =	vst v10;
	v55 =	vmul.f32 s2, v37;
	(erf) = vpow2.f32 v40;
	s10 =	smul.f32 $1.767766920e-01, s0;
	s16 =	spop (v2sf);
	v56 =	vld [tilespmem:s26+$0x1D0]  }
0x12c: {  	v19 =	vld [tilespmem:s8+$0xE0];
	v17 =	vadd.f32 v17, v18;
	v18 =	vmul.f32 v28, v26;
	v26 =	vmul.f32 v30, v29;
	s17 =	smul.f32 $1.767766920e-01, s16  }
0x12d: {  	v11 =	vadd.f32 $1.000000000e+00, v11;
	v25 =	vld [tilespmem:s26+$0xFFFFFF30];
	v57 =	vmul.f32 $1.442695020e+00, v32;
	v35 =	vmul.f32 $1.442695020e+00, v55  }
0x12e: {  	v43 =	vld [tilespmem:s6+$0x30];
	v42 =	vmul.f32 s10, v42;
	v34 =	vmul.f32 s17, v34  }
0x12f: {  	[tilespmem:s25+$0xFFFFFFB0] =	vst v8;
	v59 =	vshll.u32 v33, $0x10;
	v41 =	vld [tilespmem:s6+$0xB0];
	v38 =	vmul.f32 s10, v38;
	v11 =	vmul.f32 s17, v11;
	s22 =	spop (v2sf)  }
0x130: {  	[tilespmem:s25+$0x20] =	vst v12;
	v60 =	vadd.f32 $1.000000000e+00, v59;
	v44 =	vld [tilespmem:s26+$0xB0];
	v34 =	vmul.f32 $1.442695020e+00, v34;
	s2 =	smul.f32 $1.767766920e-01, s22;
	v36 =	vmul.f32 v63, v56  }
0x131: {  	[tilespmem:s25+$0x30] =	vst v9;
	v40 =	vld [tilespmem:s6+$0x70];
	(erf) = vpow2.f32 v57;
	v61 =	vmul.f32 $1.442695020e+00, v11  }
0x132: {  	v31 =	vld [tilespmem:s26+$0x20];
	(erf) = vpow2.f32 v34;
	[tilespmem:s18+$0x1D0] =	vst v36;
	v36 =	vmul.f32 s2, v60  }
0x133: {  	v33 =	vand.u32 $0xFFFF0000, v33;
	[tilespmem:s25+$0x120] =	vst v14;
	v58 =	vmul.f32 $1.442695020e+00, v42;
	v11 =	vpop (erf);
	(erf) = vpow2.f32 v61;
	v62 =	vld [tilespmem:s1+$0x70]  }
0x134: {  	v33 =	vadd.f32 $1.000000000e+00, v33;
	v32 =	vld [tilespmem:s6+$0x20];
	[tilespmem:s25+$0x130] =	vst v11;
	v34 =	vpop (erf);
	(erf) = vpow2.f32 v35;
	v36 =	vmul.f32 $1.442695020e+00, v36  }
0x135: {  	v38 =	vmul.f32 $1.442695020e+00, v38;
	[tilespmem:s18+$0xFFFFFE80] =	vst v34;
	v37 =	vpop (erf);
	(erf) = vpow2.f32 v58;
	v58 =	vld [tilespmem:s8+$0xFFFFFF60]  }
0x136: {  	v42 =	vld [tilespmem:s26+$0xA0];
	s22 =	simm.s32 $0xB90;
	v33 =	vmul.f32 s2, v33;
	[tilespmem:s18+$0xFFFFFE90] =	vst v37;
	v49 =	vpop (erf)  }
0x137: {  	v18 =	vadd.f32 v26, v18;
	v26 =	vmul.f32 v48, v47;
	v48 =	vld [tilespmem:s22+$0xFFFFFF80];
	(erf) = vpow2.f32 v38;
	[tilespmem:s18+$0xFFFFFF00] =	vst v49;
	v50 =	vpop (erf)  }
0x138: {  	v33 =	vmul.f32 $1.442695020e+00, v33;
	s0 =	spop (v2sf);
	v38 =	vld [tilespmem:s26+$0xFFFFFEC0];
	(erf) = vpow2.f32 v36;
	[tilespmem:s18+$0xFFFFFF10] =	vst v50;
	v51 =	vshll.u32 v62, $0x10;
	v36 =	vpop (erf)  }
0x139: {  	v60 =	vld [tilespmem:s8+$0xFFFFFFE0];
	s2 =	smul.f32 $1.767766920e-01, s0;
	v39 =	vand.u32 $0xFFFF0000, v62;
	v51 =	vadd.f32 $1.000000000e+00, v51;
	[tilespmem:s18+$0xFFFFFF80] =	vst v36;
	v53 =	vpop (erf)  }
0x13a: {  	v35 =	vld [tilespmem:s26+$0x130];
	(erf) = vpow2.f32 v33;
	v39 =	vadd.f32 $1.000000000e+00, v39;
	v6 =	vmul.f32 v6, v58;
	[tilespmem:s18+$0xFFFFFF90] =	vst v53;
	v55 =	vpop (erf)  }
0x13b: {  	s9 =	simm.s32 $0x5690;
	v52 =	vld [tilespmem:s26+$0xFFFFFF40];
	v63 =	vmul.f32 s2, v51;
	[tilespmem:s18+$0x0] =	vst v55  }
0x13c: {  	v58 =	vld [tilespmem:s9+$0xFFFFFF50];
	v39 =	vmul.f32 s2, v39;
	v57 =	vpop (erf);
	[tilespmem:s25+$0xFFFFFF60] =	vst v6  }
0x13d: {  	v51 =	vld [tilespmem:s8+$0xFFFFFEE0];
	v34 =	vmul.f32 v34, v38;
	[tilespmem:s18+$0xFFFFFE00] =	vst v57;
	v59 =	vpop (erf);
	v33 =	vmul.f32 $1.442695020e+00, v63  }
0x13e: {  	v56 =	vld [tilespmem:s26+$0xFFFFFFC0];
	v39 =	vmul.f32 $1.442695020e+00, v39;
	[tilespmem:s18+$0xFFFFFE10] =	vst v59  }
0x13f: {  	v61 =	vpop (erf);
	[tilespmem:s18+$0xFFFFFEC0] =	vst v34;
	(erf) = vpow2.f32 v33;
	v33 =	vld [tilespmem:s26+$0xFFFFFE40]  }
0x140: {  	v6 =	vld [tilespmem:s9+$0xC0];
	[tilespmem:s18+$0x10] =	vst v61;
	v62 =	vpop (erf);
	(erf) = vpow2.f32 v39  }
0x141: {  	[tilespmem:s18+$0x80] =	vst v62;
	v16 =	vpop (erf);
	v21 =	vld [tilespmem:s26+$0x40]  }
0x142: {  	v23 =	vmul.f32 v24, v23;
	v63 =	vld [tilespmem:s8+$0x160];
	[tilespmem:s18+$0x90] =	vst v16;
	v38 =	vpop (erf)  }
0x143: {  	(xrf2) =	vadd.scan.msk.f32 $0xffff, v15;
	v15 =	vmul.f32 v27, v25;
	v20 =	vmul.f32 v49, v52;
	v27 =	vld [tilespmem:s26+$0xFFFFFED0];
	[tilespmem:s18+$0x100] =	vst v38;
	v22 =	vpop (erf)  }
0x144: {  	v25 =	vmul.f32 v36, v56;
	[tilespmem:s18+$0x110] =	vst v22;
	v24 =	vmul.f32 v57, v33;
	v57 =	vld [tilespmem:s26+$0xC0]  }
0x145: {  	[tilespmem:s18+$0xFFFFFF40] =	vst v20;
	v20 =	vld [tilespmem:s26+$0x140]  }
0x146: {  	v23 =	vadd.f32 v15, v23;
	v39 =	vld [tilespmem:s8+$0x60];
	[tilespmem:s18+$0xFFFFFFC0] =	vst v25;
	v21 =	vmul.f32 v55, v21  }
0x147: {  	(xrf2) =	vadd.scan.msk.f32 $0xffff, v17;
	v28 =	vmul.f32 v43, v45;
	v30 =	vld [tilespmem:s26+$0xFFFFFF50];
	[tilespmem:s18+$0xFFFFFE40] =	vst v24  }
0x148: {  	(xrf2) =	vadd.scan.msk.f32 $0xffff, v23;
	v23 =	vmul.f32 v40, v44;
	v49 =	vld [tilespmem:s26+$0xFFFFFFD0];
	v24 =	vmul.f32 v32, v31;
	[tilespmem:s18+$0x40] =	vst v21;
	v25 =	vpop (erf)  }
0x149: {  	v17 =	vmul.f32 v46, v42;
	v29 =	vld [tilespmem:s26+$0xFFFFFE50];
	[tilespmem:s18+$0x1A0] =	vst v25;
	v15 =	vpop (erf);
	v31 =	vmul.f32 v62, v57  }
0x14a: {  	(xrf2) =	vadd.scan.msk.f32 $0xffff, v18;
	v52 =	vld [tilespmem:s26+$0x50];
	v20 =	vmul.f32 v38, v20;
	v24 =	vadd.f32 v28, v24;
	[tilespmem:s18+$0x1B0] =	vst v15  }
0x14b: {  	v17 =	vadd.f32 v23, v17;
	v4 =	vmul.f32 v4, v51;
	v28 =	vmul.f32 v41, v35;
	v21 =	vld [tilespmem:s26+$0x1E0];
	[tilespmem:s18+$0xC0] =	vst v31  }
0x14c: {  	v27 =	vmul.f32 v37, v27;
	[tilespmem:s18+$0x140] =	vst v20;
	(xrf2) =	vadd.scan.msk.f32 $0xffff, v24;
	v23 =	vld [tilespmem:s26+$0xD0]  }
0x14d: {  	[tilespmem:s25+$0xFFFFFEE0] =	vst v4;
	v20 =	vadd.f32 v28, v26;
	v26 =	vld [tilespmem:s26+$0x150];
	(xrf2) =	vadd.scan.msk.f32 $0xffff, v17;
	v17 =	vmul.f32 v53, v49  }
0x14e: {  	v56 =	vld [tilespmem:s9+$0xFFFFFF40];
	[tilespmem:s18+$0xFFFFFED0] =	vst v27;
	v18 =	vmul.f32 v59, v29  }
0x14f: {  	v4 =	vld [tilespmem:s22+$0x180];
	[tilespmem:s18+$0xFFFFFFD0] =	vst v17  }
0x150: {  	v55 =	vld [tilespmem:s22+$0xFFFFFE80];
	(xrf2) =	vadd.scan.msk.f32 $0xffff, v20;
	v17 =	vmul.f32 v61, v52;
	[tilespmem:s18+$0xFFFFFE50] =	vst v18;
	v18 =	vmul.f32 v25, v21  }
0x151: {  	v1 =	vmul.f32 v1, v54;
	v27 =	vld [tilespmem:s1+$0xFFFFFFB0];
	v20 =	vmul.f32 v16, v23  }
0x152: {  	v32 =	vld [tilespmem:s9+$0xFFFFFF10];
	[tilespmem:s18+$0x50] =	vst v17;
	v17 =	vmul.f32 v22, v26  }
0x153: {  	[tilespmem:s25+$0xFFFFFE60] =	vst v1;
	v57 =	vld [tilespmem:s22+$0xFFFFFE90]  }
0x154: {  	v62 =	vld [tilespmem:s22+$0xFFFFFF10];
	[tilespmem:s18+$0x1E0] =	vst v18;
	v18, _, _ =	vpop (xrf2)  }
0x155: {  	v34 =	vmul.f32 v56, v55;
	v56 =	vld [tilespmem:s22+$0x10];
	v24 =	vmul.f32 v50, v30;
	[tilespmem:s18+$0xD0] =	vst v20;
	v20, _, _ =	vpop (xrf2);
	(v2sf) =	vpush v18, $0xF  }
0x156: {  	v31 =	vld [tilespmem:s22+$0x190];
	[tilespmem:s18+$0x150] =	vst v17;
	v17, _, _ =	vpop (xrf2);
	(v2sf) =	vpush v20, $0xF  }
0x157: {  	v49 =	vld [tilespmem:s9+$0xFFFFFFC0];
	[tilespmem:s18+$0xFFFFFF50] =	vst v24;
	(v2sf) =	vpush v17, $0xF;
	v1, _, _ =	vpop (xrf2)  }
0x158: {  	v24 =	vld [tilespmem:s1+$0xFFFFFFD0];
	(v2sf) =	vpush v1, $0xF;
	v1, _, _ =	vpop (xrf2)  }
0x159: {  	v23 =	vmul.f32 v5, v60;
	v5 =	vld [tilespmem:s9+$0xD0];
	(v2sf) =	vpush v1, $0xF;
	v1, _, _ =	vpop (xrf2)  }
0x15a: {  	v33 =	vmul.f32 v58, v57;
	v58 =	vld [tilespmem:s9+$0x10];
	(v2sf) =	vpush v1, $0xF;
	v1, _, _ =	vpop (xrf2)  }
0x15b: {  	v59 =	vld [tilespmem:s22+$0xFFFFFF00];
	(v2sf) =	vpush v1, $0xF  }
0x15c: {  	v25 =	vld [tilespmem:s1+$0xFFFFFFF0]  }
0x15d: {  	v4 =	vmul.f32 v6, v4;
	v22 =	vld [tilespmem:s8+$0xFFFFFF70]  }
0x15e: {  	v28 =	vld [tilespmem:s1+$0xFFFFFF90];
	v54 =	vshll.u32 v24, $0x10;
	v24 =	vand.u32 $0xFFFF0000, v24;
	v5 =	vmul.f32 v5, v31  }
0x15f: {  	v61 =	vld [tilespmem:s9+$0xFFFFFF80];
	v57 =	vadd.f32 v33, v34;
	v24 =	vadd.f32 $1.000000000e+00, v24;
	v40 =	vmul.f32 v58, v56  }
0x160: {  	v26 =	vld [tilespmem:s1+$0x10];
	v18 =	vmul.f32 v13, v19;
	v19 =	vmul.f32 v14, v63;
	v4 =	vadd.f32 v5, v4  }
0x161: {  	v29 =	vld [tilespmem:s1+$0x30];
	v13 =	vand.u32 $0xFFFF0000, v27;
	v6 =	vshll.u32 v25, $0x10;
	v25 =	vand.u32 $0xFFFF0000, v25  }
0x162: {  	v63 =	vld [tilespmem:s9+$0xFFFFFF90];
	v7 =	vmul.f32 v7, v22;
	v20 =	vmul.f32 v12, v39;
	v12 =	vshll.u32 v27, $0x10;
	(xrf2) =	vadd.scan.msk.f32 $0xffff, v4  }
0x163: {  	v14 =	vld [tilespmem:s22+$0xFFFFFE10];
	v27 =	vshll.u32 v28, $0x10;
	v13 =	vadd.f32 $1.000000000e+00, v13;
	v31 =	vadd.f32 $1.000000000e+00, v54  }
0x164: {  	v28 =	vand.u32 $0xFFFF0000, v28;
	v6 =	vadd.f32 $1.000000000e+00, v6;
	v25 =	vadd.f32 $1.000000000e+00, v25;
	s6 =	spop (v2sf)  }
0x165: {  	v30 =	vld [tilespmem:s1+$0x50];
	v54 =	vmul.f32 v61, v59;
	v61 =	vmul.f32 v49, v48;
	v12 =	vadd.f32 $1.000000000e+00, v12;
	s10 =	spop (v2sf)  }
0x166: {  	v27 =	vadd.f32 $1.000000000e+00, v27;
	v28 =	vadd.f32 $1.000000000e+00, v28;
	v5 =	vshll.u32 v26, $0x10;
	s1 =	smul.f32 $1.767766920e-01, s6;
	s16 =	spop (v2sf)  }
0x167: {  	v26 =	vand.u32 $0xFFFF0000, v26;
	v60 =	vshll.u32 v29, $0x10;
	v55 =	vmul.f32 v63, v62;
	s2 =	smul.f32 $1.767766920e-01, s10;
	s17 =	spop (v2sf)  }
0x168: {  	v42 =	vld [tilespmem:s22+$0x110];
	v5 =	vadd.f32 $1.000000000e+00, v5;
	v14 =	vmul.f32 v32, v14;
	s6 =	smul.f32 $1.767766920e-01, s16;
	v27 =	vmul.f32 s1, v27;
	s16 =	spop (v2sf)  }
0x169: {  	v37 =	vld [tilespmem:s9+$0xFFFFFF60];
	v26 =	vadd.f32 $1.000000000e+00, v26;
	v28 =	vmul.f32 s1, v28;
	v12 =	vmul.f32 s2, v12;
	s1 =	smul.f32 $1.767766920e-01, s16;
	s0 =	spop (v2sf)  }
0x16a: {  	v50 =	vld [tilespmem:s22+$0xFFFFFF90];
	v4 =	vshll.u32 v30, $0x10;
	s10 =	smul.f32 $1.767766920e-01, s17;
	v13 =	vmul.f32 s2, v13;
	v31 =	vmul.f32 s6, v31;
	s17 =	spop (v2sf)  }
0x16b: {  	v4 =	vadd.f32 $1.000000000e+00, v4;
	v24 =	vmul.f32 s6, v24;
	s6 =	smul.f32 $1.767766920e-01, s17;
	v51 =	vmul.f32 s1, v26;
	v26 =	vld [tilespmem:s9+$0xFFFFFFD0]  }
0x16c: {  	v53 =	vld [tilespmem:s9+$0x0];
	v38 =	vadd.f32 $1.000000000e+00, v60;
	v59, _, _ =	vpop (xrf2);
	v27 =	vmul.f32 $1.442695020e+00, v27;
	v28 =	vmul.f32 $1.442695020e+00, v28  }
0x16d: {  	(v2sf) =	vpush v59, $0xF;
	v6 =	vmul.f32 s10, v6;
	v52 =	vmul.f32 s6, v4;
	v4 =	vld [tilespmem:s22+$0x0]  }
0x16e: {  	v60 =	vld [tilespmem:s22+$0x80];
	v36 =	vadd.f32 v55, v54;
	v25 =	vmul.f32 s10, v25;
	v12 =	vmul.f32 $1.442695020e+00, v12  }
0x16f: {  	v62 =	vld [tilespmem:s9+$0x40];
	(xrf2) =	vadd.scan.msk.f32 $0xffff, v57;
	v13 =	vmul.f32 $1.442695020e+00, v13;
	v5 =	vmul.f32 s1, v5  }
0x170: {  	v29 =	vand.u32 $0xFFFF0000, v29;
	v63 =	vld [tilespmem:s22+$0x90];
	(xrf2) =	vadd.scan.msk.f32 $0xffff, v36;
	(erf) = vpow2.f32 v27;
	v26 =	vmul.f32 v26, v50  }
0x171: {  	v29 =	vadd.f32 $1.000000000e+00, v29;
	s16 =	smul.f32 $1.767766920e-01, s0;
	v27 =	vld [tilespmem:s9+$0x50];
	v31 =	vmul.f32 $1.442695020e+00, v31;
	v24 =	vmul.f32 $1.442695020e+00, v24  }
0x172: {  	v41 =	vld [tilespmem:s9+$0x80];
	(erf) = vpow2.f32 v28;
	v26 =	vadd.f32 v26, v61;
	v4 =	vmul.f32 v53, v4  }
0x173: {  	v21 =	vld [tilespmem:s8+$0xFFFFFEF0];
	v29 =	vmul.f32 s16, v29;
	(erf) = vpow2.f32 v12  }
0x174: {  	v1 =	vld [tilespmem:s9+$0xFFFFFF00];
	v6 =	vmul.f32 $1.442695020e+00, v6;
	(erf) = vpow2.f32 v13;
	(xrf2) =	vadd.scan.msk.f32 $0xffff, v26;
	v4 =	vadd.f32 v40, v4  }
0x175: {  	v12 =	vmul.f32 $1.442695020e+00, v25;
	v25 =	vld [tilespmem:s22+$0xFFFFFE00];
	(erf) = vpow2.f32 v31  }
0x176: {  	s1 =	simm.s32 $0x7C10;
	v13 =	vld [tilespmem:s9+$0x90];
	v31 =	vmul.f32 v62, v60;
	v27 =	vmul.f32 v27, v63;
	(xrf2) =	vadd.scan.msk.f32 $0xffff, v4  }
0x177: {  	(erf) = vpow2.f32 v24;
	v4 =	vmul.f32 $1.442695020e+00, v5;
	v5 =	vld [tilespmem:s1+$0x60]  }
0x178: {  	v16 =	vld [tilespmem:s26+$0x1F0];
	v38 =	vmul.f32 s16, v38;
	(erf) = vpow2.f32 v6;
	v6 =	vadd.f32 v27, v31  }
0x179: {  	v44, _, _ =	vpop (xrf2);
	v28 =	vld [tilespmem:s22+$0x100];
	v43 =	vmul.f32 $1.442695020e+00, v51;
	v29 =	vmul.f32 $1.442695020e+00, v29  }
0x17a: {  	v56 =	vld [tilespmem:s22+$0xFFFFFE30];
	(v2sf) =	vpush v44, $0xF;
	v27 =	vmul.f32 $1.442695020e+00, v38;
	v1 =	vmul.f32 v1, v25;
	v31, _, _ =	vpop (xrf2);
	(xrf2) =	vadd.scan.msk.f32 $0xffff, v6  }
0x17b: {  	[tilespmem:s25+$0xFFFFFFE0] =	vst v23;
	v23 =	vld [tilespmem:s22+$0xFFFFFEA0];
	(erf) = vpow2.f32 v12;
	v47 =	vmul.f32 v13, v42;
	v12 =	vpop (erf);
	(v2sf) =	vpush v31, $0xF  }
0x17c: {  	v22 =	vld [tilespmem:s9+$0xFFFFFF30];
	v1 =	vadd.f32 v14, v1;
	s0 =	spop (v2sf);
	(erf) = vpow2.f32 v4;
	v4 =	vpop (erf);
	v14 =	vshll.u32 v5, $0x10  }
0x17d: {  	v17 =	vld [tilespmem:s8+$0xFFFFFE70];
	s2 =	smul.f32 $1.767766920e-01, s0;
	(erf) = vpow2.f32 v43;
	v13 =	vpop (erf);
	v5 =	vand.u32 $0xFFFF0000, v5;
	v49 =	vadd.f32 $1.000000000e+00, v14  }
0x17e: {  	v51 =	vld [tilespmem:s22+$0x1B0];
	v25 =	vmul.f32 v41, v28;
	(erf) = vpow2.f32 v27;
	v5 =	vadd.f32 $1.000000000e+00, v5;
	v6, _, _ =	vpop (xrf2)  }
0x17f: {  	v50 =	vld [tilespmem:s9+$0xE0];
	(xrf2) =	vadd.scan.msk.f32 $0xffff, v1;
	v1 =	vmul.f32 $1.442695020e+00, v52;
	v36 =	vmul.f32 s2, v49;
	(v2sf) =	vpush v6, $0xF;
	v6 =	vpop (erf)  }
0x180: {  	v27 =	vld [tilespmem:s22+$0x1A0];
	v52 =	vmul.f32 s2, v5;
	(erf) = vpow2.f32 v29;
	v29, _, _ =	vpop (xrf2)  }
0x181: {  	v53 =	vmul.f32 v15, v16;
	v14 =	vpop (erf);
	v36 =	vmul.f32 $1.442695020e+00, v36;
	(v2sf) =	vpush v29, $0xF;
	v29 =	vld [tilespmem:s9+$0xF0]  }
0x182: {  	v45 =	vld [tilespmem:s1+$0xFFFFFFA0];
	v25 =	vadd.f32 v47, v25;
	(erf) = vpow2.f32 v1;
	v16 =	vmul.f32 $1.442695020e+00, v52;
	v5 =	vpop (erf)  }
0x183: {  	v21 =	vmul.f32 v3, v21;
	v48 =	vld [tilespmem:s1+$0x0];
	v15 =	vpop (erf);
	(erf) = vpow2.f32 v36  }
0x184: {  	v30 =	vand.u32 $0xFFFF0000, v30;
	v54 =	vld [tilespmem:s9+$0xFFFFFF20];
	v55 =	vmul.f32 v2, v17;
	(xrf2) =	vadd.scan.msk.f32 $0xffff, v25;
	v2, _, _ =	vpop (xrf2);
	(erf) = vpow2.f32 v16  }
0x185: {  	v23 =	vmul.f32 v37, v23;
	v22 =	vmul.f32 v22, v56;
	v30 =	vadd.f32 $1.000000000e+00, v30;
	v35 =	vld [tilespmem:s1+$0x20];
	v1 =	vpop (erf)  }
0x186: {  	v31 =	vld [tilespmem:s1+$0xFFFFFFC0];
	v3 =	vmul.f32 v50, v27;
	(v2sf) =	vpush v2, $0xF;
	v16 =	vpop (erf);
	v27 =	vmul.f32 v29, v51  }
0x187: {  	v30 =	vmul.f32 s6, v30;
	v57 =	vshll.u32 v45, $0x10;
	v34 =	vand.u32 $0xFFFF0000, v45;
	v28 =	vld [tilespmem:s1+$0xFFFFFFE0];
	v2 =	vpop (erf)  }
0x188: {  	[tilespmem:s25+$0xFFFFFEF0] =	vst v21;
	v21 =	vand.u32 $0xFFFF0000, v48;
	v32 =	vadd.f32 $1.000000000e+00, v57;
	v26 =	vld [tilespmem:s22+$0xFFFFFE20];
	v17 =	vpop (erf);
	v27 =	vadd.f32 v27, v3  }
0x189: {  	[tilespmem:s25+$0xE0] =	vst v18;
	v30 =	vmul.f32 $1.442695020e+00, v30;
	v34 =	vadd.f32 $1.000000000e+00, v34;
	v21 =	vadd.f32 $1.000000000e+00, v21;
	s6 =	spop (v2sf);
	v58, _, _ =	vpop (xrf2)  }
0x18a: {  	[tilespmem:s18+$0x1F0] =	vst v53;
	v53 =	vshll.u32 v35, $0x10;
	s2 =	smul.f32 $1.767766920e-01, s6;
	v3 =	vpop (erf);
	(v2sf) =	vpush v58, $0xF;
	(xrf2) =	vadd.scan.msk.f32 $0xffff, v27  }
0x18b: {  	[tilespmem:s25+$0x60] =	vst v20;
	v41 =	vld [tilespmem:s22+$0xFFFFFF20];
	v35 =	vand.u32 $0xFFFF0000, v35;
	v20 =	vshll.u32 v31, $0x10;
	v31 =	vand.u32 $0xFFFF0000, v31;
	s10 =	spop (v2sf);
	v18 =	vpop (erf)  }
0x18c: {  	s3 =	smov.u32 s31;
	s31 =	simm.s32 $0x8D90;
	[tilespmem:s25+$0x160] =	vst v19;
	v42 =	vld [tilespmem:s22+$0x30];
	v47 =	vadd.f32 $1.000000000e+00, v53;
	v20 =	vadd.f32 $1.000000000e+00, v20;
	v19 =	vmul.f32 s2, v32;
	s6 =	smul.f32 $1.767766920e-01, s10;
	v62 =	vpop (erf)  }
0x18d: {  	v40 =	vld [tilespmem:s9+$0x30];
	v59 =	vshll.u32 v28, $0x10;
	v26 =	vmul.f32 v54, v26;
	v60 =	vmul.f32 s2, v34;
	[tilespmem:s31+$0x180] =	vst v62;
	v63 =	vpop (erf)  }
0x18e: {  	v36 =	vld [tilespmem:s22+$0xFFFFFF30];
	v19 =	vmul.f32 $1.442695020e+00, v19;
	v20 =	vmul.f32 s6, v20;
	v27 =	vadd.f32 $1.000000000e+00, v31;
	v31, _, _ =	vpop (xrf2);
	[tilespmem:s31+$0x190] =	vst v63  }
0x18f: {  	v32 =	vmul.f32 $1.442695020e+00, v60;
	(erf) = vpow2.f32 v30;
	(v2sf) =	vpush v31, $0xF;
	v52 =	vld [tilespmem:s22+$0x1C0]  }
0x190: {  	v28 =	vand.u32 $0xFFFF0000, v28;
	v30 =	vld [tilespmem:s9+$0xFFFFFFA0];
	(erf) = vpow2.f32 v19;
	v20 =	vmul.f32 $1.442695020e+00, v20;
	s16 =	spop (v2sf)  }
0x191: {  	v61 =	vadd.f32 $1.000000000e+00, v59;
	(erf) = vpow2.f32 v32;
	v31 =	vld [tilespmem:s9+$0xFFFFFFB0];
	v27 =	vmul.f32 s6, v27;
	s2 =	smul.f32 $1.767766920e-01, s16  }
0x192: {  	[tilespmem:s25+$0xFFFFFF70] =	vst v7;
	v24 =	vld [tilespmem:s1+$0xFFFFFF80];
	v28 =	vadd.f32 $1.000000000e+00, v28;
	v40 =	vmul.f32 v40, v42;
	(erf) = vpow2.f32 v20  }
0x193: {  	v46 =	vld [tilespmem:s22+$0xFFFFFFB0];
	[tilespmem:s25+$0xFFFFFE70] =	vst v55;
	v50 =	vshll.u32 v48, $0x10;
	v27 =	vmul.f32 $1.442695020e+00, v27;
	s17 =	spop (v2sf);
	v51 =	vmul.f32 s2, v61  }
0x194: {  	v39 =	vld [tilespmem:s22+$0xFFFFFEB0];
	[tilespmem:s18+$0xFFFFFE20] =	vst v12;
	v7 =	vadd.f32 $1.000000000e+00, v50;
	v28 =	vmul.f32 s2, v28;
	s2 =	smul.f32 $1.767766920e-01, s17;
	v34 =	vmul.f32 v62, v52;
	v55, _, _ =	vpop (xrf2)  }
0x195: {  	v43 =	vld [tilespmem:s9+$0xFFFFFF70];
	[tilespmem:s18+$0xFFFFFE30] =	vst v4;
	v30 =	vmul.f32 v30, v41;
	(erf) = vpow2.f32 v27;
	s0 =	spop (v2sf);
	(v2sf) =	vpush v55, $0xF  }
0x196: {  	v22 =	vadd.f32 v22, v26;
	v25 =	vld [tilespmem:s1+$0x40];
	v31 =	vmul.f32 v31, v36;
	v7 =	vmul.f32 s2, v7;
	[tilespmem:s31+$0x1C0] =	vst v34  }
0x197: {  	v29 =	vshll.u32 v24, $0x10;
	v33 =	vmul.f32 $1.442695020e+00, v51;
	v54 =	vmul.f32 s2, v21;
	s2 =	smul.f32 $1.767766920e-01, s0;
	v34 =	vld [tilespmem:s22+$0x1D0]  }
0x198: {  	v37 =	vld [tilespmem:s9+$0x60];
	[tilespmem:s18+$0xFFFFFEA0] =	vst v13;
	v28 =	vmul.f32 $1.442695020e+00, v28;
	v56 =	vmul.f32 $1.442695020e+00, v7;
	v7 =	vadd.f32 $1.000000000e+00, v35  }
0x199: {  	v44 =	vld [tilespmem:s22+$0x130];
	[tilespmem:s18+$0xFFFFFEB0] =	vst v6;
	v20 =	vand.u32 $0xFFFF0000, v24;
	v57 =	vmul.f32 $1.442695020e+00, v54;
	v24 =	vmul.f32 s2, v47;
	s6 =	spop (v2sf)  }
0x19a: {  	v45 =	vld [tilespmem:s9+$0xFFFFFFE0];
	[tilespmem:s18+$0xFFFFFF20] =	vst v14;
	v27 =	vadd.f32 $1.000000000e+00, v29;
	(erf) = vpow2.f32 v33;
	v7 =	vmul.f32 s2, v7;
	s2 =	smul.f32 $1.767766920e-01, s6  }
0x19b: {  	v38 =	vld [tilespmem:s22+$0xFFFFFFA0];
	[tilespmem:s18+$0xFFFFFF30] =	vst v5;
	v20 =	vadd.f32 $1.000000000e+00, v20;
	(erf) = vpow2.f32 v28;
	v28 =	vmul.f32 v43, v39  }
0x19c: {  	v42 =	vld [tilespmem:s8+$0x70];
	[tilespmem:s18+$0xFFFFFFA0] =	vst v15;
	v58 =	vshll.u32 v25, $0x10;
	v27 =	vmul.f32 s2, v27;
	v34 =	vmul.f32 v63, v34  }
0x19d: {  	v49 =	vld [tilespmem:s22+$0xB0];
	[tilespmem:s18+$0xFFFFFFB0] =	vst v1;
	v25 =	vand.u32 $0xFFFF0000, v25;
	v24 =	vmul.f32 $1.442695020e+00, v24;
	v60 =	vmul.f32 s2, v20  }
0x19e: {  	v48 =	vld [tilespmem:s9+$0xFFFFFFF0];
	v25 =	vadd.f32 $1.000000000e+00, v25;
	v59 =	vmul.f32 $1.442695020e+00, v7;
	s10 =	spop (v2sf);
	v27 =	vmul.f32 $1.442695020e+00, v27;
	[tilespmem:s31+$0x1D0] =	vst v34  }
0x19f: {  	[tilespmem:s18+$0x20] =	vst v16;
	v33 =	vadd.f32 $1.000000000e+00, v58;
	v7 =	vpop (erf);
	s2 =	smul.f32 $1.767766920e-01, s10;
	(erf) = vpow2.f32 v56;
	v61 =	vmul.f32 $1.442695020e+00, v60;
	v62 =	vld [tilespmem:s1+$0x70]  }
0x1a0: {  	v19 =	vld [tilespmem:s22+$0x20];
	[tilespmem:s18+$0x30] =	vst v2;
	v23 =	vadd.f32 v28, v23;
	v28 =	vmul.f32 v45, v38;
	v43 =	vpop (erf);
	(erf) = vpow2.f32 v27  }
0x1a1: {  	v32 =	vld [tilespmem:s9+$0xA0];
	[tilespmem:s18+$0xA0] =	vst v17;
	v20 =	vpop (erf);
	v33 =	vmul.f32 s2, v33;
	(erf) = vpow2.f32 v61  }
0x1a2: {  	[tilespmem:s18+$0x120] =	vst v18;
	(xrf2) =	vadd.scan.msk.f32 $0xffff, v22;
	v51 =	vld [tilespmem:s22+$0x120];
	v25 =	vmul.f32 s2, v25;
	(erf) = vpow2.f32 v57  }
0x1a3: {  	v29 =	vld [tilespmem:s22+$0xA0];
	v22 =	vadd.f32 v31, v30;
	(xrf2) =	vadd.scan.msk.f32 $0xffff, v23;
	v34 =	vpop (erf);
	v33 =	vmul.f32 $1.442695020e+00, v33;
	(erf) = vpow2.f32 v24  }
0x1a4: {  	v31 =	vld [tilespmem:s26+$0xFFFFFFE0];
	[tilespmem:s31+$0xFFFFFE80] =	vst v43;
	v25 =	vmul.f32 $1.442695020e+00, v25;
	v36 =	vpop (erf);
	(erf) = vpow2.f32 v59;
	v59 =	vand.u32 $0xFFFF0000, v62;
	s16 =	spop (v2sf)  }
0x1a5: {  	v21 =	vld [tilespmem:s9+$0x20];
	[tilespmem:s31+$0xFFFFFE90] =	vst v20;
	v41 =	vpop (erf);
	v57 =	vshll.u32 v62, $0x10;
	(erf) = vpow2.f32 v33;
	v30 =	vadd.f32 $1.000000000e+00, v59;
	s2 =	smul.f32 $1.767766920e-01, s16  }
0x1a6: {  	v39 =	vld [tilespmem:s9+$0x70];
	v56 =	vmul.f32 v48, v46;
	[tilespmem:s31+$0xFFFFFF00] =	vst v34;
	v35 =	vpop (erf);
	v45 =	vadd.f32 $1.000000000e+00, v57;
	(erf) = vpow2.f32 v25  }
0x1a7: {  	v32 =	vmul.f32 v32, v51;
	v51 =	vld [tilespmem:s8+$0xF0];
	(xrf2) =	vadd.scan.msk.f32 $0xffff, v22;
	[tilespmem:s31+$0xFFFFFF10] =	vst v36;
	v22 =	vmul.f32 s2, v30  }
0x1a8: {  	v46 =	vld [tilespmem:s26+$0xFFFFFEE0];
	v23 =	vadd.f32 v56, v28;
	[tilespmem:s31+$0xFFFFFF80] =	vst v41;
	v33 =	vpop (erf);
	v28 =	vmul.f32 s2, v45  }
0x1a9: {  	v27 =	vld [tilespmem:s9+$0xB0];
	[tilespmem:s31+$0xFFFFFF90] =	vst v35;
	v60 =	vpop (erf);
	v22 =	vmul.f32 $1.442695020e+00, v22  }
0x1aa: {  	v26 =	vld [tilespmem:s22+$0xFFFFFF40];
	[tilespmem:s31+$0x0] =	vst v33;
	v28 =	vmul.f32 $1.442695020e+00, v28;
	v45 =	vpop (erf)  }
0x1ab: {  	v63 =	vld [tilespmem:s22+$0xFFFFFEC0];
	[tilespmem:s31+$0xFFFFFE00] =	vst v60;
	v50 =	vpop (erf)  }
0x1ac: {  	v24 =	vld [tilespmem:s26+$0xFFFFFE60];
	[tilespmem:s31+$0xFFFFFE10] =	vst v45;
	(erf) = vpow2.f32 v28;
	v54 =	vpop (erf)  }
0x1ad: {  	v58 =	vld [tilespmem:s22+$0xFFFFFFC0];
	(erf) = vpow2.f32 v22;
	[tilespmem:s31+$0x80] =	vst v54;
	v22 =	vpop (erf)  }
0x1ae: {  	v29 =	vmul.f32 v37, v29;
	v19 =	vmul.f32 v21, v19;
	v25 =	vld [tilespmem:s26+$0xFFFFFF60];
	[tilespmem:s31+$0x90] =	vst v22;
	v37 =	vpop (erf)  }
0x1af: {  	v26 =	vmul.f32 v34, v26;
	v61 =	vld [tilespmem:s22+$0xFFFFFE40];
	[tilespmem:s31+$0x100] =	vst v37;
	v52 =	vpop (erf)  }
0x1b0: {  	v19 =	vadd.f32 v40, v19;
	(xrf2) =	vadd.scan.msk.f32 $0xffff, v23;
	v27 =	vmul.f32 v27, v44;
	v62 =	vld [tilespmem:s22+$0xC0];
	[tilespmem:s31+$0x110] =	vst v52  }
0x1b1: {  	v39 =	vmul.f32 v39, v49;
	[tilespmem:s31+$0xFFFFFF40] =	vst v26;
	v55 =	vld [tilespmem:s22+$0x140]  }
0x1b2: {  	v43 =	vmul.f32 v43, v63;
	v63, _, _ =	vpop (xrf2);
	(xrf2) =	vadd.scan.msk.f32 $0xffff, v19;
	v26 =	vadd.f32 v27, v32;
	v27 =	vld [tilespmem:s22+$0xFFFFFF50];
	[tilespmem:s31+$0x10] =	vst v50  }
0x1b3: {  	[tilespmem:s18+$0x130] =	vst v7;
	v29 =	vadd.f32 v39, v29;
	v21 =	vld [tilespmem:s22+$0x40]  }
0x1b4: {  	[tilespmem:s18+$0xB0] =	vst v3;
	v48 =	vld [tilespmem:s26+$0x160];
	(v2sf) =	vpush v63, $0xF;
	v56 =	vmul.f32 v41, v58;
	v38 =	vmul.f32 v60, v61  }
0x1b5: {  	v23 =	vld [tilespmem:s26+$0xE0];
	v53, _, _ =	vpop (xrf2);
	(xrf2) =	vadd.scan.msk.f32 $0xffff, v29;
	[tilespmem:s31+$0xFFFFFEC0] =	vst v43;
	v61 =	vmul.f32 v13, v46;
	v13 =	vmul.f32 v54, v62  }
0x1b6: {  	v30 =	vld [tilespmem:s26+$0x60];
	[tilespmem:s31+$0xFFFFFFC0] =	vst v56;
	v62 =	vmul.f32 v14, v25;
	v14 =	vmul.f32 v37, v55  }
0x1b7: {  	v57, _, _ =	vpop (xrf2);
	v24 =	vmul.f32 v12, v24;
	v58 =	vld [tilespmem:s22+$0xFFFFFED0];
	[tilespmem:s31+$0xFFFFFE40] =	vst v38  }
0x1b8: {  	(xrf2) =	vadd.scan.msk.f32 $0xffff, v26;
	v12 =	vmul.f32 v33, v21;
	v21 =	vld [tilespmem:s22+$0xFFFFFFD0];
	v59 =	vpop (erf);
	[tilespmem:s31+$0x140] =	vst v14;
	v14 =	vmul.f32 v36, v27  }
0x1b9: {  	(v2sf) =	vpush v53, $0xF;
	v29 =	vld [tilespmem:s22+$0xFFFFFE50];
	[tilespmem:s31+$0x1A0] =	vst v59;
	v60 =	vpop (erf)  }
0x1ba: {  	(v2sf) =	vpush v57, $0xF;
	v19, _, _ =	vpop (xrf2);
	v28 =	vld [tilespmem:s8+$0xFFFFFFF0];
	[tilespmem:s31+$0x1B0] =	vst v60  }
0x1bb: {  	(v2sf) =	vpush v19, $0xF;
	[tilespmem:s31+$0x40] =	vst v12;
	v12 =	vld [tilespmem:s22+$0x1E0]  }
0x1bc: {  	v26 =	vld [tilespmem:s8+$0x170];
	v19 =	vmul.f32 v16, v30;
	[tilespmem:s31+$0xFFFFFF50] =	vst v14;
	v14, _, _ =	vpop (xrf2)  }
0x1bd: {  	v25 =	vld [tilespmem:s22+$0x50];
	[tilespmem:s31+$0xC0] =	vst v13;
	v13 =	vmul.f32 v18, v48;
	v18 =	vmul.f32 v35, v21;
	(v2sf) =	vpush v14, $0xF  }
0x1be: {  	v20 =	vmul.f32 v20, v58;
	v16 =	vmul.f32 v45, v29;
	v29 =	vld [tilespmem:s22+$0xD0]  }
0x1bf: {  	v63 =	vmul.f32 v15, v31;
	v15 =	vmul.f32 v17, v23;
	[tilespmem:s31+$0xFFFFFFD0] =	vst v18;
	v17 =	vld [tilespmem:s22+$0x150];
	v14, _, _ =	vpop (xrf2)  }
0x1c0: {  	[tilespmem:s31+$0xFFFFFED0] =	vst v20;
	v8 =	vmul.f32 v8, v28;
	v28 =	vld [tilespmem:s1+$0xFFFFFFF0];
	v12 =	vmul.f32 v59, v12;
	(v2sf) =	vpush v14, $0xF  }
0x1c1: {  	[tilespmem:s31+$0xFFFFFE50] =	vst v16;
	v16 =	vld [tilespmem:s1+$0xFFFFFFB0]  }
0x1c2: {  	v20 =	vld [tilespmem:s1+$0xFFFFFF90];
	[tilespmem:s31+$0x1E0] =	vst v12;
	v12 =	vmul.f32 v11, v26;
	v11, _, _ =	vpop (xrf2)  }
0x1c3: {  	s17 =	spop (v2sf);
	v18 =	vmul.f32 v50, v25;
	v23 =	vld [tilespmem:s1+$0xFFFFFFD0];
	(v2sf) =	vpush v11, $0xF  }
0x1c4: {  	[tilespmem:s18+$0xFFFFFFE0] =	vst v63;
	v21 =	vmul.f32 v22, v29  }
0x1c5: {  	v9 =	vmul.f32 v9, v42;
	[tilespmem:s31+$0x50] =	vst v18;
	v14 =	vmul.f32 v52, v17;
	v22 =	vld [tilespmem:s22+$0x1F0]  }
0x1c6: {  	v10 =	vmul.f32 v10, v51;
	v31 =	vld [tilespmem:s1+$0x10];
	v30 =	vshll.u32 v28, $0x10;
	v29 =	vand.u32 $0xFFFF0000, v28;
	[tilespmem:s31+$0xD0] =	vst v21  }
0x1c7: {  	v11 =	vshll.u32 v16, $0x10;
	v16 =	vand.u32 $0xFFFF0000, v16;
	v18 =	vshll.u32 v20, $0x10;
	v26 =	vld [tilespmem:s1+$0x30];
	[tilespmem:s31+$0x150] =	vst v14  }
0x1c8: {  	[tilespmem:s18+$0xFFFFFE60] =	vst v24;
	s0 =	spop (v2sf);
	s10 =	smul.f32 $1.767766920e-01, s17;
	v20 =	vand.u32 $0xFFFF0000, v20;
	v17 =	vadd.f32 $1.000000000e+00, v11;
	v11 =	vshll.u32 v23, $0x10;
	v27 =	vld [tilespmem:s1+$0x50]  }
0x1c9: {  	[tilespmem:s18+$0xFFFFFEE0] =	vst v61;
	s16 =	smul.f32 $1.767766920e-01, s0;
	s6 =	spop (v2sf);
	v23 =	vand.u32 $0xFFFF0000, v23;
	v14 =	vld [tilespmem:s26+$0xFFFFFE70];
	v21 =	vadd.f32 $1.000000000e+00, v18;
	v25 =	vadd.f32 $1.000000000e+00, v20  }
0x1ca: {  	[tilespmem:s18+$0xFFFFFF60] =	vst v62;
	s17 =	smul.f32 $1.767766920e-01, s6;
	s8 =	spop (v2sf);
	v20 =	vadd.f32 $1.000000000e+00, v16;
	v18 =	vadd.f32 $1.000000000e+00, v11;
	v16 =	vld [tilespmem:s26+$0xFFFFFEF0];
	v28 =	vmul.f32 v60, v22  }
0x1cb: {  	s6 =	simm.s32 $0xF90;
	s2 =	smul.f32 $1.767766920e-01, s8;
	s8 =	simm.s32 $0x10;
	v24 =	vshll.u32 v31, $0x10;
	v31 =	vand.u32 $0xFFFF0000, v31;
	v11 =	vld [tilespmem:s26+$0xFFFFFF70];
	v22 =	vadd.f32 $1.000000000e+00, v23  }
.LBB2_5:
0x1cc: {  	v23 =	vld [tilespmem:s6+$0x180];
	v30 =	vadd.f32 $1.000000000e+00, v30;
	v32 =	vshll.u32 v26, $0x10;
	v26 =	vand.u32 $0xFFFF0000, v26;
	[tilespmem:s31+$0x1F0] =	vst v28;
	s9 =	sadd.s32 $0x200, s9;
	s0 =	spop (v2sf)  }
0x1cd: {  	v29 =	vadd.f32 $1.000000000e+00, v29;
	v28 =	vld [tilespmem:s9+$0xC0];
	s0 =	smul.f32 $1.767766920e-01, s0;
	v33 =	vshll.u32 v27, $0x10;
	v27 =	vand.u32 $0xFFFF0000, v27;
	[tilespmem:s18+$0x60] =	vst v19  }
0x1ce: {  	v21 =	vmul.f32 s10, v21;
	v24 =	vadd.f32 $1.000000000e+00, v24;
	v31 =	vadd.f32 $1.000000000e+00, v31;
	v19 =	vld [tilespmem:s6+$0x190];
	[tilespmem:s18+$0xE0] =	vst v15  }
0x1cf: {  	v25 =	vmul.f32 s10, v25;
	v32 =	vadd.f32 $1.000000000e+00, v32;
	v26 =	vadd.f32 $1.000000000e+00, v26;
	v15 =	vld [tilespmem:s9+$0xD0];
	s10 =	spop (v2sf);
	[tilespmem:s18+$0x160] =	vst v13  }
0x1d0: {  	v17 =	vmul.f32 s16, v17;
	v33 =	vadd.f32 $1.000000000e+00, v33;
	v27 =	vadd.f32 $1.000000000e+00, v27;
	v13 =	vld [tilespmem:s9+$0xFFFFFF00];
	s10 =	smul.f32 $1.767766920e-01, s10;
	[tilespmem:s25+$0xFFFFFFF0] =	vst v8  }
0x1d1: {  	s8 =	sadd.s32 $0x8, s8;
	v20 =	vmul.f32 s16, v20;
	v18 =	vmul.f32 s17, v18;
	v8 =	vld [tilespmem:s6+$0xFFFFFE10];
	[tilespmem:s25+$0x70] =	vst v9  }
0x1d2: {  	p1 =	slt.u32 s8, $0x48;
	v22 =	vmul.f32 s17, v22;
	v30 =	vmul.f32 s2, v30;
	v9 =	vld [tilespmem:s9+$0xFFFFFF10];
	s16 =	spop (v2sf);
	[tilespmem:s25+$0xF0] =	vst v10  }
0x1d3: {  	v29 =	vmul.f32 s2, v29;
	v24 =	vmul.f32 s0, v24;
	v10 =	vld [tilespmem:s6+$0xFFFFFE80];
	s2 =	smul.f32 $1.767766920e-01, s16;
	[tilespmem:s25+$0x170] =	vst v12;
	s25 =	smov.u32 s18;
	s18 =	smov.u32 s31  }
0x1d4: {  	v12 =	vmul.f32 v28, v23;
	v34 =	vld [tilespmem:s9+$0xFFFFFF40];
	v15 =	vmul.f32 v15, v19  }
0x1d5: {  	v23 =	vmul.f32 s0, v31;
	v28 =	vmul.f32 s10, v32;
	v19 =	vld [tilespmem:s6+$0xFFFFFE90]  }
0x1d6: {  	v26 =	vmul.f32 s10, v26;
	v32 =	vmul.f32 s2, v33;
	v31 =	vld [tilespmem:s9+$0xFFFFFF50];
	v15 =	vadd.f32 v15, v12  }
0x1d7: {  	v12 =	vmul.f32 v9, v8;
	v8 =	vld [tilespmem:s6+$0xFFFFFF00];
	v9 =	vmul.f32 s2, v27  }
0x1d8: {  	v27 =	vld [tilespmem:s9+$0xFFFFFF80];
	(xrf2) =	vadd.scan.msk.f32 $0xffff, v15;
	v15 =	vmul.f32 $1.442695020e+00, v21;
	v21 =	vmul.f32 $1.442695020e+00, v25  }
0x1d9: {  	v33 =	vmul.f32 $1.442695020e+00, v17;
	v10 =	vmul.f32 v34, v10;
	v25 =	vld [tilespmem:s6+$0xFFFFFF10]  }
0x1da: {  	v20 =	vmul.f32 $1.442695020e+00, v20;
	v18 =	vmul.f32 $1.442695020e+00, v18;
	v17 =	vld [tilespmem:s9+$0xFFFFFF90]  }
0x1db: {  	v22 =	vmul.f32 $1.442695020e+00, v22;
	v19 =	vmul.f32 v31, v19;
	v31 =	vld [tilespmem:s6+$0xFFFFFF80]  }
0x1dc: {  	v30 =	vmul.f32 $1.442695020e+00, v30;
	v29 =	vmul.f32 $1.442695020e+00, v29;
	v34 =	vld [tilespmem:s9+$0xFFFFFFC0]  }
0x1dd: {  	v24 =	vmul.f32 $1.442695020e+00, v24;
	v10 =	vadd.f32 v19, v10;
	v8 =	vmul.f32 v27, v8;
	v19 =	vld [tilespmem:s6+$0xFFFFFF90]  }
0x1de: {  	v23 =	vmul.f32 $1.442695020e+00, v23;
	v28 =	vmul.f32 $1.442695020e+00, v28;
	v27 =	vld [tilespmem:s9+$0xFFFFFFD0]  }
0x1df: {  	v26 =	vmul.f32 $1.442695020e+00, v26;
	v25 =	vmul.f32 v17, v25;
	v35 =	vld [tilespmem:s6+$0x0];
	(xrf2) =	vadd.scan.msk.f32 $0xffff, v10  }
0x1e0: {  	v32 =	vmul.f32 $1.442695020e+00, v32;
	v17 =	vmul.f32 $1.442695020e+00, v9;
	v10 =	vld [tilespmem:s9+$0x0]  }
0x1e1: {  	v8 =	vadd.f32 v25, v8;
	v9 =	vmul.f32 v34, v31;
	v25 =	vld [tilespmem:s6+$0x10];
	(erf) = vpow2.f32 v15  }
0x1e2: {  	v4 =	vmul.f32 v4, v14;
	v15 =	vld [tilespmem:s9+$0x10];
	v31, _, _ =	vpop (xrf2);
	(erf) = vpow2.f32 v21  }
0x1e3: {  	v14 =	vmul.f32 v27, v19;
	v19 =	vld [tilespmem:s6+$0x80];
	(xrf2) =	vadd.scan.msk.f32 $0xffff, v8;
	(v2sf) =	vpush v31, $0xF;
	(erf) = vpow2.f32 v33  }
0x1e4: {  	v5 =	vmul.f32 v5, v11;
	v8 =	vld [tilespmem:s9+$0x40];
	[tilespmem:s25+$0xFFFFFE70] =	vst v4;
	v4 =	vmul.f32 v6, v16  }
0x1e5: {  	v6 =	vadd.f32 v14, v9;
	v9 =	vmul.f32 v10, v35;
	v10 =	vld [tilespmem:s6+$0x90];
	(erf) = vpow2.f32 v20  }
0x1e6: {  	v11 =	vld [tilespmem:s9+$0x50];
	(erf) = vpow2.f32 v18;
	[tilespmem:s25+$0xFFFFFEF0] =	vst v4  }
0x1e7: {  	v4 =	vmul.f32 v15, v25;
	v14 =	vld [tilespmem:s6+$0x100];
	(xrf2) =	vadd.scan.msk.f32 $0xffff, v6;
	(erf) = vpow2.f32 v22;
	[tilespmem:s25+$0xFFFFFF70] =	vst v5  }
0x1e8: {  	v5 =	vld [tilespmem:s9+$0x80]  }
0x1e9: {  	v20 =	vadd.f32 v4, v9;
	v6 =	vmul.f32 v8, v19;
	v15 =	vld [tilespmem:s6+$0x110];
	v8, _, _ =	vpop (xrf2);
	(erf) = vpow2.f32 v30  }
0x1ea: {  	v16 =	vld [tilespmem:s9+$0x90];
	(v2sf) =	vpush v8, $0xF;
	v8 =	vpop (erf);
	(erf) = vpow2.f32 v29  }
0x1eb: {  	v18 =	vld [tilespmem:s6+$0xFFFFFE00];
	v10 =	vmul.f32 v11, v10;
	(xrf2) =	vadd.scan.msk.f32 $0xffff, v20;
	[tilespmem:s31+$0xFFFFFE20] =	vst v8;
	v4 =	vpop (erf);
	(erf) = vpow2.f32 v24  }
0x1ec: {  	s1 =	sadd.s32 $0x100, s1;
	v19 =	vld [tilespmem:s6+$0xFFFFFE20];
	[tilespmem:s31+$0xFFFFFE30] =	vst v4;
	v9 =	vpop (erf)  }
0x1ed: {  	v22 =	vadd.f32 v10, v6;
	v11 =	vmul.f32 v5, v14;
	v14 =	vld [tilespmem:s1+$0x60];
	v5, _, _ =	vpop (xrf2);
	[tilespmem:s31+$0xFFFFFEA0] =	vst v9;
	(erf) = vpow2.f32 v23  }
0x1ee: {  	v20 =	vld [tilespmem:s1+$0xFFFFFF80];
	(v2sf) =	vpush v5, $0xF;
	v6 =	vpop (erf);
	(erf) = vpow2.f32 v28  }
0x1ef: {  	v21 =	vld [tilespmem:s1+$0xFFFFFFA0];
	v15 =	vmul.f32 v16, v15;
	(xrf2) =	vadd.scan.msk.f32 $0xffff, v22;
	[tilespmem:s31+$0xFFFFFEB0] =	vst v6;
	v10 =	vpop (erf);
	(erf) = vpow2.f32 v26  }
0x1f0: {  	v24 =	vmul.f32 v13, v18;
	v16 =	vld [tilespmem:s1+$0xFFFFFFC0];
	[tilespmem:s31+$0xFFFFFF20] =	vst v10;
	v5 =	vpop (erf)  }
0x1f1: {  	v18 =	vld [tilespmem:s1+$0xFFFFFFE0];
	v22 =	vadd.f32 v15, v11;
	v11, _, _ =	vpop (xrf2);
	[tilespmem:s31+$0xFFFFFF30] =	vst v5;
	(erf) = vpow2.f32 v32  }
0x1f2: {  	v32 =	vadd.f32 v12, v24;
	v23 =	vld [tilespmem:s1+$0x0];
	v30 =	vshll.u32 v14, $0x10;
	(v2sf) =	vpush v11, $0xF;
	s0 =	spop (v2sf);
	v13 =	vpop (erf)  }
0x1f3: {  	v14 =	vand.u32 $0xFFFF0000, v14;
	v24 =	vshll.u32 v20, $0x10;
	v25 =	vld [tilespmem:s1+$0x20];
	s0 =	smul.f32 $1.767766920e-01, s0;
	v26 =	vadd.f32 $1.000000000e+00, v30;
	[tilespmem:s31+$0xFFFFFFA0] =	vst v13;
	v11 =	vpop (erf)  }
0x1f4: {  	v27 =	vand.u32 $0xFFFF0000, v20;
	v14 =	vadd.f32 $1.000000000e+00, v14;
	v28 =	vshll.u32 v21, $0x10;
	v29 =	vld [tilespmem:s6+$0x1A0];
	(xrf2) =	vadd.scan.msk.f32 $0xffff, v32;
	v15 =	vpop (erf)  }
0x1f5: {  	v21 =	vand.u32 $0xFFFF0000, v21;
	v30 =	vshll.u32 v16, $0x10;
	v31 =	vld [tilespmem:s9+$0xE0];
	v20 =	vmul.f32 s0, v26;
	v12, _, _ =	vpop (xrf2);
	[tilespmem:s31+$0xFFFFFFB0] =	vst v11  }
0x1f6: {  	v26 =	vand.u32 $0xFFFF0000, v16;
	v38 =	vmul.f32 s0, v14;
	v32 =	vld [tilespmem:s6+$0x1B0];
	(v2sf) =	vpush v12, $0xF;
	[tilespmem:s31+$0x20] =	vst v15;
	v12 =	vpop (erf)  }
0x1f7: {  	v33 =	vshll.u32 v18, $0x10;
	v34 =	vand.u32 $0xFFFF0000, v18;
	v35 =	vld [tilespmem:s9+$0xF0];
	v42 =	vmul.f32 $1.442695020e+00, v20;
	(xrf2) =	vadd.scan.msk.f32 $0xffff, v22;
	v16 =	vpop (erf)  }
0x1f8: {  	v22 =	vshll.u32 v23, $0x10;
	v23 =	vand.u32 $0xFFFF0000, v23;
	v37 =	vmul.f32 $1.442695020e+00, v38;
	v36 =	vld [tilespmem:s1+$0x40];
	[tilespmem:s31+$0x30] =	vst v12;
	v14 =	vpop (erf)  }
0x1f9: {  	v39 =	vshll.u32 v25, $0x10;
	v25 =	vand.u32 $0xFFFF0000, v25;
	v38 =	vld [tilespmem:s9+$0xFFFFFF20];
	s0 =	spop (v2sf);
	v40, _, _ =	vpop (xrf2);
	(erf) = vpow2.f32 v42;
	[tilespmem:s31+$0xA0] =	vst v16  }
0x1fa: {  	v20 =	vadd.f32 $1.000000000e+00, v24;
	v41 =	vld [tilespmem:s6+$0xFFFFFE30];
	s0 =	smul.f32 $1.767766920e-01, s0;
	(v2sf) =	vpush v40, $0xF;
	(erf) = vpow2.f32 v37;
	[tilespmem:s31+$0xB0] =	vst v14;
	v18 =	vpop (erf)  }
0x1fb: {  	v27 =	vadd.f32 $1.000000000e+00, v27;
	v28 =	vadd.f32 $1.000000000e+00, v28;
	v24 =	vld [tilespmem:s9+$0xFFFFFF30];
	[tilespmem:s31+$0x120] =	vst v18;
	(erf) = vpow2.f32 v17  }
0x1fc: {  	v17 =	vadd.f32 $1.000000000e+00, v21;
	v21 =	vmul.f32 v31, v29;
	v37 =	vld [tilespmem:s6+$0xFFFFFEA0];
	v40 =	vmul.f32 v35, v32  }
0x1fd: {  	v30 =	vadd.f32 $1.000000000e+00, v30;
	v31 =	vld [tilespmem:s9+$0xFFFFFF60];
	v32 =	vshll.u32 v36, $0x10;
	v35 =	vand.u32 $0xFFFF0000, v36;
	s2 =	spop (v2sf)  }
0x1fe: {  	v26 =	vadd.f32 $1.000000000e+00, v26;
	v28 =	vmul.f32 s0, v28;
	v36 =	vld [tilespmem:s6+$0xFFFFFEB0];
	s2 =	smul.f32 $1.767766920e-01, s2;
	v21 =	vadd.f32 v40, v21;
	v29, _, _ =	vpop (xrf2)  }
0x1ff: {  	v42 =	vmul.f32 s0, v17;
	v17 =	vadd.f32 $1.000000000e+00, v33;
	v40 =	vld [tilespmem:s9+$0xFFFFFF70];
	(v2sf) =	vpush v29, $0xF  }
0x200: {  	v22 =	vadd.f32 $1.000000000e+00, v22;
	v33 =	vadd.f32 $1.000000000e+00, v34;
	v29 =	vld [tilespmem:s6+$0xFFFFFF20];
	v30 =	vmul.f32 s2, v30;
	(xrf2) =	vadd.scan.msk.f32 $0xffff, v21  }
0x201: {  	v23 =	vadd.f32 $1.000000000e+00, v23;
	v34 =	vadd.f32 $1.000000000e+00, v39;
	v26 =	vmul.f32 s2, v26;
	v21 =	vld [tilespmem:s9+$0xFFFFFFA0];
	s0 =	spop (v2sf);
	v39, _, _ =	vpop (xrf2)  }
0x202: {  	v25 =	vadd.f32 $1.000000000e+00, v25;
	s31 =	sadd.s32 $0x400, s31;
	v19 =	vmul.f32 v38, v19;
	v38 =	vld [tilespmem:s6+$0xFFFFFF30];
	s0 =	smul.f32 $1.767766920e-01, s0;
	(v2sf) =	vpush v39, $0xF;
	v39 =	vpop (erf)  }
0x203: {  	v28 =	vmul.f32 $1.442695020e+00, v28;
	v32 =	vadd.f32 $1.000000000e+00, v32;
	v35 =	vadd.f32 $1.000000000e+00, v35;
	v43 =	vld [tilespmem:s9+$0xFFFFFFB0];
	[tilespmem:s31+$0x180] =	vst v39;
	v44 =	vpop (erf)  }
0x204: {  	v45 =	vld [tilespmem:s6+$0xFFFFFFA0];
	v46 =	vmul.f32 s0, v17;
	v33 =	vmul.f32 s0, v33;
	[tilespmem:s31+$0x190] =	vst v44;
	v17 =	vpop (erf)  }
0x205: {  	v42 =	vmul.f32 $1.442695020e+00, v42;
	v30 =	vmul.f32 $1.442695020e+00, v30;
	v47 =	vld [tilespmem:s6+$0x1C0];
	s0 =	spop (v2sf);
	[tilespmem:s18+$0x130] =	vst v17  }
0x206: {  	v26 =	vmul.f32 $1.442695020e+00, v26;
	v48 =	vld [tilespmem:s9+$0xFFFFFFE0];
	v46 =	vmul.f32 $1.442695020e+00, v46;
	s0 =	smul.f32 $1.767766920e-01, s0  }
0x207: {  	v33 =	vmul.f32 $1.442695020e+00, v33;
	v49 =	vld [tilespmem:s6+$0xFFFFFFB0];
	(erf) = vpow2.f32 v28  }
0x208: {  	v28 =	vld [tilespmem:s9+$0xFFFFFFF0];
	v22 =	vmul.f32 s0, v22;
	v23 =	vmul.f32 s0, v23  }
0x209: {  	v24 =	vmul.f32 v24, v41;
	v41 =	vld [tilespmem:s6+$0x20];
	(erf) = vpow2.f32 v42;
	s0 =	spop (v2sf)  }
0x20a: {  	v42 =	vld [tilespmem:s9+$0x20];
	v22 =	vmul.f32 $1.442695020e+00, v22;
	s0 =	smul.f32 $1.767766920e-01, s0;
	v39 =	vmul.f32 v39, v47;
	v47, _, _ =	vpop (xrf2)  }
0x20b: {  	v23 =	vmul.f32 $1.442695020e+00, v23;
	v50 =	vld [tilespmem:s6+$0x30];
	(erf) = vpow2.f32 v30;
	(v2sf) =	vpush v47, $0xF  }
0x20c: {  	v19 =	vadd.f32 v24, v19;
	v24 =	vld [tilespmem:s9+$0x30];
	v30 =	vmul.f32 s0, v34;
	v25 =	vmul.f32 s0, v25;
	[tilespmem:s31+$0x1C0] =	vst v39  }
0x20d: {  	v31 =	vmul.f32 v31, v37;
	v34 =	vld [tilespmem:s6+$0x1D0];
	(erf) = vpow2.f32 v26  }
0x20e: {  	v26 =	vld [tilespmem:s6+$0xA0];
	v30 =	vmul.f32 $1.442695020e+00, v30;
	v25 =	vmul.f32 $1.442695020e+00, v25;
	s0 =	spop (v2sf)  }
0x20f: {  	v36 =	vmul.f32 v40, v36;
	s0 =	smul.f32 $1.767766920e-01, s0;
	v37 =	vld [tilespmem:s9+$0x60];
	(erf) = vpow2.f32 v46  }
0x210: {  	v29 =	vmul.f32 v21, v29;
	v39 =	vld [tilespmem:s6+$0xB0];
	(xrf2) =	vadd.scan.msk.f32 $0xffff, v19;
	v19 =	vpop (erf);
	(erf) = vpow2.f32 v33  }
0x211: {  	v31 =	vadd.f32 v36, v31;
	v21 =	vmul.f32 s0, v20;
	v27 =	vmul.f32 s0, v27;
	[tilespmem:s31+$0xFFFFFE80] =	vst v19;
	v33 =	vld [tilespmem:s9+$0x70];
	s0 =	spop (v2sf)  }
0x212: {  	s0 =	smul.f32 $1.767766920e-01, s0;
	v36 =	vld [tilespmem:s6+$0x120];
	v40 =	vmul.f32 v44, v34;
	v20 =	vpop (erf);
	(erf) = vpow2.f32 v22  }
0x213: {  	v44 =	vmul.f32 $1.442695020e+00, v21;
	v22 =	vmul.f32 $1.442695020e+00, v27;
	[tilespmem:s31+$0xFFFFFE90] =	vst v20;
	v27 =	vld [tilespmem:s9+$0xA0];
	(xrf2) =	vadd.scan.msk.f32 $0xffff, v31  }
0x214: {  	v31 =	vld [tilespmem:s6+$0x130];
	v32 =	vmul.f32 s0, v32;
	v35 =	vmul.f32 s0, v35;
	[tilespmem:s31+$0x1D0] =	vst v40;
	v34 =	vpop (erf)  }
0x215: {  	v38 =	vmul.f32 v43, v38;
	[tilespmem:s31+$0xFFFFFF00] =	vst v34;
	v40 =	vld [tilespmem:s1+$0x70];
	(erf) = vpow2.f32 v44  }
0x216: {  	v43 =	vld [tilespmem:s9+$0xB0];
	v32 =	vmul.f32 $1.442695020e+00, v32;
	v35 =	vmul.f32 $1.442695020e+00, v35;
	v21 =	vpop (erf)  }
0x217: {  	v29 =	vadd.f32 v38, v29;
	v38 =	vmul.f32 v48, v45;
	v44 =	vld [tilespmem:s6+$0xFFFFFEC0];
	[tilespmem:s31+$0xFFFFFF10] =	vst v21;
	(erf) = vpow2.f32 v22  }
0x218: {  	v28 =	vmul.f32 v28, v49;
	v45 =	vld [tilespmem:s6+$0xFFFFFF40];
	v46 =	vpop (erf);
	(erf) = vpow2.f32 v23  }
0x219: {  	v23 =	vmul.f32 v42, v41;
	[tilespmem:s31+$0xFFFFFF80] =	vst v46;
	v22 =	vpop (erf);
	(erf) = vpow2.f32 v30;
	v30 =	vld [tilespmem:s22+$0xFFFFFE60]  }
0x21a: {  	v24 =	vmul.f32 v24, v50;
	[tilespmem:s31+$0xFFFFFF90] =	vst v22;
	v41 =	vshll.u32 v40, $0x10;
	v42, _, _ =	vpop (xrf2);
	(erf) = vpow2.f32 v25;
	s0 =	spop (v2sf);
	v25 =	vld [tilespmem:s22+$0xFFFFFEE0]  }
0x21b: {  	v40 =	vand.u32 $0xFFFF0000, v40;
	v47 =	vld [tilespmem:s6+$0xFFFFFFC0];
	s0 =	smul.f32 $1.767766920e-01, s0;
	v41 =	vadd.f32 $1.000000000e+00, v41;
	v48 =	vpop (erf);
	(erf) = vpow2.f32 v32  }
0x21c: {  	v26 =	vmul.f32 v37, v26;
	v40 =	vadd.f32 $1.000000000e+00, v40;
	(xrf2) =	vadd.scan.msk.f32 $0xffff, v29;
	(erf) = vpow2.f32 v35;
	v29 =	vld [tilespmem:s22+$0xFFFFFF60]  }
0x21d: {  	v28 =	vadd.f32 v28, v38;
	v33 =	vmul.f32 v33, v39;
	[tilespmem:s31+$0x0] =	vst v48;
	v35 =	vmul.f32 s0, v41;
	v37, _, _ =	vpop (xrf2);
	v38 =	vld [tilespmem:s22+$0xFFFFFFE0]  }
0x21e: {  	v23 =	vadd.f32 v24, v23;
	v24 =	vmul.f32 v27, v36;
	v39 =	vmul.f32 s0, v40;
	v32 =	vpop (erf);
	v36 =	vld [tilespmem:s22+$0x60]  }
0x21f: {  	v26 =	vadd.f32 v33, v26;
	v31 =	vmul.f32 v43, v31;
	v33 =	vmul.f32 $1.442695020e+00, v35;
	(xrf2) =	vadd.scan.msk.f32 $0xffff, v28;
	v28 =	vld [tilespmem:s22+$0xE0]  }
0x220: {  	v35 =	vmul.f32 v19, v44;
	v19 =	vmul.f32 $1.442695020e+00, v39;
	[tilespmem:s31+$0xFFFFFE00] =	vst v32;
	(v2sf) =	vpush v42, $0xF;
	v27 =	vpop (erf);
	v39 =	vld [tilespmem:s22+$0x160]  }
0x221: {  	v34 =	vmul.f32 v34, v45;
	v31 =	vadd.f32 v31, v24;
	[tilespmem:s31+$0xFFFFFE10] =	vst v27;
	v40 =	vpop (erf);
	(erf) = vpow2.f32 v33;
	v33 =	vld [tilespmem:s26+$0xFFFFFFF0]  }
0x222: {  	v42 =	vmul.f32 v46, v47;
	v41 =	vld [tilespmem:s6+$0xFFFFFE40];
	[tilespmem:s31+$0x10] =	vst v40;
	(xrf2) =	vadd.scan.msk.f32 $0xffff, v23;
	v43 =	vpop (erf);
	(erf) = vpow2.f32 v19  }
0x223: {  	v30 =	vmul.f32 v8, v30;
	v45 =	vmul.f32 v9, v25;
	v44 =	vld [tilespmem:s6+$0x40];
	[tilespmem:s31+$0x80] =	vst v43;
	(v2sf) =	vpush v37, $0xF;
	v37 =	vpop (erf)  }
0x224: {  	v24 =	vmul.f32 v10, v29;
	v23 =	vmul.f32 v13, v38;
	[tilespmem:s31+$0x90] =	vst v37;
	v25 =	vpop (erf);
	v9 =	vld [tilespmem:s26+$0x70]  }
0x225: {  	v19 =	vmul.f32 v15, v36;
	v15 =	vmul.f32 v16, v28;
	v10 =	vld [tilespmem:s6+$0xC0];
	[tilespmem:s31+$0x100] =	vst v25;
	(xrf2) =	vadd.scan.msk.f32 $0xffff, v26;
	v26 =	vpop (erf)  }
0x226: {  	v13 =	vmul.f32 v18, v39;
	[tilespmem:s31+$0x110] =	vst v26;
	v16, _, _ =	vpop (xrf2);
	v8 =	vmul.f32 v1, v33;
	v18 =	vld [tilespmem:s26+$0xF0];
	v1 =	vmov v11  }
0x227: {  	v11 =	vmul.f32 v32, v41;
	[tilespmem:s31+$0xFFFFFEC0] =	vst v35;
	v28 =	vld [tilespmem:s6+$0x140];
	(v2sf) =	vpush v16, $0xF  }
0x228: {  	v16 =	vld [tilespmem:s6+$0xFFFFFED0];
	[tilespmem:s31+$0xFFFFFF40] =	vst v34;
	v29 =	vmul.f32 v48, v44;
	(xrf2) =	vadd.scan.msk.f32 $0xffff, v31  }
0x229: {  	[tilespmem:s31+$0xFFFFFE40] =	vst v11;
	v11 =	vld [tilespmem:s6+$0xFFFFFF50];
	v31, _, _ =	vpop (xrf2);
	v9 =	vmul.f32 v2, v9;
	v2 =	vmov v12  }
0x22a: {  	v12 =	vld [tilespmem:s6+$0xFFFFFE50];
	[tilespmem:s31+$0xFFFFFFC0] =	vst v42;
	v32 =	vmul.f32 v43, v10;
	(v2sf) =	vpush v31, $0xF;
	v31 =	vpop (erf)  }
0x22b: {  	v33 =	vld [tilespmem:s6+$0xFFFFFFD0];
	[tilespmem:s31+$0x1A0] =	vst v31;
	v34 =	vpop (erf);
	v10 =	vmul.f32 v3, v18;
	v3 =	vmov v14  }
0x22c: {  	v28 =	vmul.f32 v25, v28;
	[tilespmem:s31+$0x1B0] =	vst v34;
	v18, _, _ =	vpop (xrf2);
	v25 =	vld [tilespmem:s26+$0x170];
	s26 =	smov.u32 s22;
	s22 =	smov.u32 s6  }
0x22d: {  	v16 =	vmul.f32 v20, v16;
	[tilespmem:s31+$0x40] =	vst v29;
	v20 =	vld [tilespmem:s6+$0x1E0];
	(v2sf) =	vpush v18, $0xF  }
0x22e: {  	v11 =	vmul.f32 v21, v11;
	v18 =	vld [tilespmem:s6+$0x50];
	[tilespmem:s31+$0xC0] =	vst v32  }
0x22f: {  	v12 =	vmul.f32 v27, v12;
	v21 =	vld [tilespmem:s6+$0xD0];
	[tilespmem:s31+$0x140] =	vst v28;
	s0 =	spop (v2sf);
	v14, _, _ =	vpop (xrf2)  }
0x230: {  	s10 =	smul.f32 $1.767766920e-01, s0;
	[tilespmem:s31+$0xFFFFFED0] =	vst v16;
	v16 =	vmul.f32 v22, v33;
	v22 =	vld [tilespmem:s6+$0x150];
	(v2sf) =	vpush v14, $0xF  }
0x231: {  	[tilespmem:s31+$0xFFFFFE50] =	vst v12;
	v14 =	vld [tilespmem:s1+$0xFFFFFFB0];
	v12 =	vmul.f32 v7, v25;
	v7 =	vmov v17  }
0x232: {  	v17 =	vld [tilespmem:s1+$0xFFFFFF90];
	[tilespmem:s31+$0xFFFFFF50] =	vst v11;
	v11 =	vmul.f32 v31, v20;
	s0 =	spop (v2sf);
	v20, _, _ =	vpop (xrf2)  }
0x233: {  	s16 =	smul.f32 $1.767766920e-01, s0;
	v25 =	vld [tilespmem:s1+$0xFFFFFFD0];
	[tilespmem:s31+$0xFFFFFFD0] =	vst v16;
	v16 =	vmul.f32 v40, v18;
	(v2sf) =	vpush v20, $0xF  }
0x234: {  	v18 =	vld [tilespmem:s1+$0xFFFFFFF0];
	v20 =	vmul.f32 v37, v21;
	[tilespmem:s31+$0x1E0] =	vst v11  }
0x235: {  	[tilespmem:s31+$0x50] =	vst v16;
	v11 =	vmul.f32 v26, v22;
	v16 =	vld [tilespmem:s6+$0x1F0]  }
0x236: {  	s0 =	spop (v2sf)  }
0x237: {  	v21 =	vshll.u32 v14, $0x10;
	v22 =	vand.u32 $0xFFFF0000, v14;
	v31 =	vld [tilespmem:s1+$0x10];
	[tilespmem:s31+$0xD0] =	vst v20;
	s17 =	smul.f32 $1.767766920e-01, s0  }
.Ltmp1:
0x238: {  	v14 =	vshll.u32 v17, $0x10;
	v20 =	vand.u32 $0xFFFF0000, v17;
	v17 =	vadd.f32 $1.000000000e+00, v21;
	v26 =	vld [tilespmem:s1+$0x30];
	[tilespmem:s31+$0x150] =	vst v11;
	(pc) =	sbr.rel @p1 .LBB2_5-.Ltmp1, $4  }
0x239: {  	v21 =	vadd.f32 $1.000000000e+00, v14;
	v11 =	vshll.u32 v25, $0x10;
	v32 =	vand.u32 $0xFFFF0000, v25;
	v27 =	vld [tilespmem:s1+$0x50];
	[tilespmem:s18+$0xFFFFFE60] =	vst v30  }
0x23a: {  	v25 =	vadd.f32 $1.000000000e+00, v20;
	v30 =	vshll.u32 v18, $0x10;
	v29 =	vand.u32 $0xFFFF0000, v18;
	s0 =	spop (v2sf);
	v14 =	vld [tilespmem:s26+$0xFFFFFE70];
	[tilespmem:s18+$0xFFFFFEE0] =	vst v45  }
0x23b: {  	v20 =	vadd.f32 $1.000000000e+00, v22;
	v18 =	vadd.f32 $1.000000000e+00, v11;
	s2 =	smul.f32 $1.767766920e-01, s0;
	v28 =	vmul.f32 v34, v16;
	v16 =	vld [tilespmem:s26+$0xFFFFFEF0];
	[tilespmem:s18+$0xFFFFFF60] =	vst v24  }
0x23c: {  	s6 =	sadd.s32 $0x400, s6;
	v22 =	vadd.f32 $1.000000000e+00, v32;
	v24 =	vshll.u32 v31, $0x10;
	v31 =	vand.u32 $0xFFFF0000, v31;
	v11 =	vld [tilespmem:s26+$0xFFFFFF70];
	[tilespmem:s18+$0xFFFFFFE0] =	vst v23  }
0x23d: {  	v21 =	vmul.f32 s10, v21  }
0x23e: {  	v23 =	vadd.f32 $1.000000000e+00, v30;
	v25 =	vmul.f32 s10, v25;
	v17 =	vmul.f32 s16, v17  }
0x23f: {  	v29 =	vadd.f32 $1.000000000e+00, v29;
	v20 =	vmul.f32 s16, v20;
	v18 =	vmul.f32 s17, v18  }
0x240: {  	v22 =	vmul.f32 s17, v22;
	v23 =	vmul.f32 s2, v23  }
0x241: {  	s0 =	spop (v2sf);
	v29 =	vmul.f32 s2, v29;
	v21 =	vmul.f32 $1.442695020e+00, v21  }
0x242: {  	v24 =	vadd.f32 $1.000000000e+00, v24;
	s0 =	smul.f32 $1.767766920e-01, s0;
	v25 =	vmul.f32 $1.442695020e+00, v25;
	v17 =	vmul.f32 $1.442695020e+00, v17  }
0x243: {  	v31 =	vadd.f32 $1.000000000e+00, v31;
	v20 =	vmul.f32 $1.442695020e+00, v20;
	v18 =	vmul.f32 $1.442695020e+00, v18  }
0x244: {  	v30 =	vshll.u32 v26, $0x10;
	v4 =	vmul.f32 v4, v14;
	v24 =	vmul.f32 s0, v24  }
0x245: {  	v26 =	vand.u32 $0xFFFF0000, v26;
	[tilespmem:s18+$0x60] =	vst v19;
	s1 =	spop (v2sf);
	v31 =	vmul.f32 s0, v31;
	v19 =	vmul.f32 $1.442695020e+00, v22  }
0x246: {  	[tilespmem:s18+$0xE0] =	vst v15;
	v30 =	vadd.f32 $1.000000000e+00, v30;
	s1 =	smul.f32 $1.767766920e-01, s1;
	v6 =	vmul.f32 v6, v16;
	(erf) = vpow2.f32 v21  }
0x247: {  	[tilespmem:s18+$0x160] =	vst v13;
	v26 =	vadd.f32 $1.000000000e+00, v26;
	v15 =	vmul.f32 $1.442695020e+00, v23;
	v13 =	vmul.f32 $1.442695020e+00, v29  }
0x248: {  	v30 =	vmul.f32 s1, v30;
	(erf) = vpow2.f32 v25  }
0x249: {  	v26 =	vmul.f32 s1, v26;
	(erf) = vpow2.f32 v17  }
0x24a: {  	[tilespmem:s25+$0xFFFFFFF0] =	vst v8;
	v32 =	vshll.u32 v27, $0x10;
	v8 =	vmul.f32 $1.442695020e+00, v24;
	(erf) = vpow2.f32 v20  }
0x24b: {  	[tilespmem:s25+$0x70] =	vst v9;
	v27 =	vand.u32 $0xFFFF0000, v27;
	s6 =	spop (v2sf);
	v9 =	vmul.f32 $1.442695020e+00, v31;
	(erf) = vpow2.f32 v18  }
0x24c: {  	[tilespmem:s25+$0xF0] =	vst v10;
	v32 =	vadd.f32 $1.000000000e+00, v32;
	s16 =	smul.f32 $1.767766920e-01, s6;
	v10 =	vmul.f32 $1.442695020e+00, v30;
	(erf) = vpow2.f32 v19  }
0x24d: {  	v27 =	vadd.f32 $1.000000000e+00, v27;
	[tilespmem:s18+$0xFFFFFE70] =	vst v4;
	v4 =	vmul.f32 $1.442695020e+00, v26;
	(erf) = vpow2.f32 v15  }
0x24e: {  	[tilespmem:s31+$0x1F0] =	vst v28;
	v32 =	vmul.f32 s16, v32;
	(erf) = vpow2.f32 v13  }
0x24f: {  	[tilespmem:s25+$0x170] =	vst v12;
	v27 =	vmul.f32 s16, v27;
	(erf) = vpow2.f32 v8  }
0x250: {  	[tilespmem:s18+$0xFFFFFEF0] =	vst v6;
	v8 =	vmul.f32 $1.442695020e+00, v32;
	v6 =	vpop (erf);
	(erf) = vpow2.f32 v9  }
0x251: {  	[tilespmem:s31+$0xFFFFFE20] =	vst v6;
	v9 =	vpop (erf);
	(erf) = vpow2.f32 v10;
	v10 =	vmul.f32 $1.442695020e+00, v27  }
0x252: {  	[tilespmem:s31+$0xFFFFFE30] =	vst v9;
	v12 =	vpop (erf)  }
0x253: {  	(erf) = vpow2.f32 v4;
	[tilespmem:s31+$0xFFFFFEA0] =	vst v12;
	v4 =	vpop (erf)  }
0x254: {  	(erf) = vpow2.f32 v8;
	v17 =	vld [tilespmem:s22+$0xFFFFFE60];
	[tilespmem:s31+$0xFFFFFEB0] =	vst v4;
	v8 =	vpop (erf)  }
0x255: {  	(erf) = vpow2.f32 v10;
	[tilespmem:s31+$0xFFFFFF20] =	vst v8;
	v10 =	vpop (erf)  }
0x256: {  	[tilespmem:s31+$0xFFFFFF30] =	vst v10;
	v13 =	vpop (erf)  }
0x257: {  	[tilespmem:s31+$0xFFFFFFA0] =	vst v13;
	v14 =	vpop (erf)  }
0x258: {  	v15 =	vpop (erf);
	[tilespmem:s31+$0xFFFFFFB0] =	vst v14  }
0x259: {  	v19 =	vld [tilespmem:s22+$0xFFFFFEE0];
	v6 =	vmul.f32 v6, v17;
	[tilespmem:s31+$0x20] =	vst v15;
	v16 =	vpop (erf)  }
0x25a: {  	v23 =	vld [tilespmem:s22+$0xFFFFFFE0];
	[tilespmem:s31+$0x30] =	vst v16  }
0x25b: {  	v21 =	vld [tilespmem:s22+$0xFFFFFF60];
	v18 =	vpop (erf);
	[tilespmem:s31+$0xFFFFFE60] =	vst v6  }
0x25c: {  	v20 =	vpop (erf);
	[tilespmem:s31+$0xA0] =	vst v18;
	v24 =	vld [tilespmem:s22+$0x60]  }
0x25d: {  	v17 =	vld [tilespmem:s26+$0xFFFFFFF0];
	[tilespmem:s31+$0xB0] =	vst v20;
	v22 =	vpop (erf)  }
0x25e: {  	v5 =	vmul.f32 v5, v11;
	[tilespmem:s31+$0x120] =	vst v22;
	v11 =	vpop (erf);
	v25 =	vld [tilespmem:s22+$0xE0]  }
0x25f: {  	v12 =	vmul.f32 v12, v19;
	[tilespmem:s31+$0x130] =	vst v11;
	v6 =	vmul.f32 v13, v23;
	v13 =	vld [tilespmem:s26+$0x70]  }
0x260: {  	[tilespmem:s18+$0xFFFFFF70] =	vst v5;
	v5 =	vld [tilespmem:s22+$0x160]  }
0x261: {  	v8 =	vmul.f32 v8, v21;
	[tilespmem:s31+$0xFFFFFEE0] =	vst v12;
	v12 =	vmul.f32 v15, v24;
	v15 =	vld [tilespmem:s26+$0xF0]  }
0x262: {  	v1 =	vmul.f32 v1, v17;
	[tilespmem:s31+$0xFFFFFFE0] =	vst v6;
	v6 =	vld [tilespmem:s22+$0xFFFFFE70]  }
0x263: {  	[tilespmem:s31+$0xFFFFFF60] =	vst v8;
	v8 =	vmul.f32 v18, v25;
	v18 =	vld [tilespmem:s26+$0x170]  }
0x264: {  	[tilespmem:s18+$0xFFFFFFF0] =	vst v1;
	v1 =	vld [tilespmem:s22+$0xFFFFFFF0]  }
0x265: {  	[tilespmem:s31+$0x60] =	vst v12;
	v2 =	vmul.f32 v2, v13  }
0x266: {  	v12 =	vld [tilespmem:s22+$0xFFFFFEF0];
	v5 =	vmul.f32 v22, v5;
	[tilespmem:s31+$0xE0] =	vst v8  }
0x267: {  	v8 =	vld [tilespmem:s22+$0xFFFFFF70];
	v3 =	vmul.f32 v3, v15;
	[tilespmem:s18+$0x70] =	vst v2  }
0x268: {  	v2 =	vld [tilespmem:s22+$0x70];
	[tilespmem:s31+$0x160] =	vst v5;
	v5 =	vmul.f32 v7, v18  }
0x269: {  	v1 =	vmul.f32 v14, v1;
	[tilespmem:s18+$0xF0] =	vst v3;
	v3 =	vmul.f32 v9, v6;
	v6 =	vld [tilespmem:s22+$0xF0]  }
0x26a: {  	[tilespmem:s18+$0x170] =	vst v5;
	v5 =	vld [tilespmem:s22+$0x170]  }
0x26b: {  	v4 =	vmul.f32 v4, v12;
	[tilespmem:s31+$0xFFFFFFF0] =	vst v1  }
0x26c: {  	[tilespmem:s31+$0xFFFFFE70] =	vst v3;
	v3 =	vmul.f32 v10, v8  }
0x26d: {  	[tilespmem:s31+$0xFFFFFEF0] =	vst v4;
	v2 =	vmul.f32 v16, v2  }
0x26e: {  	[tilespmem:s31+$0xFFFFFF70] =	vst v3;
	v3 =	vmul.f32 v20, v6  }
0x26f: {  	[tilespmem:s31+$0x70] =	vst v2;
	v1 =	vmul.f32 v11, v5  }
0x270: {  	[tilespmem:s31+$0xF0] =	vst v3  }
0x271: {  	s17 =	simm.s32 $0x8390;
	s0 =	simm.s32 @!p0 $0x5;
	s18 =	simm.s32 $0x140;
	[tilespmem:s31+$0x170] =	vst v1  }
0x272: {  	[spmem:s3] =	stream.indirect.scatter.add.f32 [tilespmem:s17], [sflag:$0x9], $0x80, s18, s30, $0xb8;
	[tilespmem:$0x1EB90] =	vst v63  }
0x273: {  	_ =	swait.ge @!p0 [sflag:s0], $0x50  }
0x274: {  	[sflag:s0] =	ssyncset.done @!p0 $0x0  }
0x275: {  	[sflag:s0] =	ssyncadd.s32 @!p0 $0xFFFFFFB0;
	s0 =	simm.s32 @!p0 $0x7  }
0x276: {  	_ =	swait.ge @!p0 [sflag:s0], $0x50  }
0x277: {  	s2 =	simm.s32 @!p0 $0x190;
	[sflag:s0] =	ssyncset.done @!p0 $0x0  }
0x278: {  	s1 =	simm.s32 @!p0 $0x0;
	[sflag:s0] =	ssyncadd.s32 @!p0 $0xFFFFFFB0;
	s0 =	simm.s32 @!p0 $0x50  }
0x279: {  	[tilespmem:s2], [sflag:$0x1] =	stream.indirect.gather @!p0 [hbm4b:s11+s0], $0x80, s1, s0, $0xb8;
	[tilespmem:$0x1EB90] =	vst v63  }
0x27a: {  	s6 =	simm.s32 @!p0 $0x5190;
	s2 =	simm.s32 @!p0 $0xA0  }
0x27b: {  	[tilespmem:s6], [sflag:$0x3] =	stream.indirect.gather @!p0 [hbm4b:s12+s0], $0x40, s2, s0, $0xb8;
	[tilespmem:$0x1EB90] =	vst v63  }
0x27c: {  	_ =	swait.ge [sflag:s19], $0x2800  }
0x27d: {  	s22 =	rddreg [dreg:$0x7]  }
0x27e: {  	[sflag:s19] =	ssyncset.done $0x0;
	s2 =	sadd.s32 s24, s22  }
0x27f: {  	[sflag:s19] =	ssyncadd.s32 $0xFFFFD800;
	s25 =	sshll.u32 s2, $0x6  }
0x280: {  	_ =	swait.ge [sflag:s20], $0x1400;
	s6 =	sadd.s32 s15, s25  }
0x281: {  	s8 =	simm.s32 $0x7990;
	[sflag:s20] =	ssyncset.done $0x0;
	s6 =	sshrl.u32 s6, $0x4  }
0x282: {  	s26 =	simm.s32 $0x0;
	[sflag:s20] =	ssyncadd.s32 $0xFFFFEC00;
	s6 =	sadd.s32 s4, s6  }
0x283: {  	[tilespmem:s8], [sflag:$0xA] =	stream.linear.gather [hbm4b:s6+s26], $0xA00, $0x38;
	[tilespmem:$0x1EB90] =	vst v63  }
0x284: {  	_ =	swait.ge [sflag:s28], $0xA00  }
0x285: {  	[sflag:s28] =	ssyncset.done $0x0  }
0x286: {  	[sflag:s28] =	ssyncadd.s32 $0xFFFFF600  }
0x287: {  	_ =	swait.ge [sflag:s21], $0x2800  }
0x288: {  	[sflag:s21] =	ssyncset.done $0x0  }
0x289: {  	[sflag:s21] =	ssyncadd.s32 $0xFFFFD800  }
0x28a: {  	v1 =	vld [tilespmem:$0xF0]  }
0x28b: {  	v2 =	vld [tilespmem:$0x100]  }
0x28c: {  	v3 =	vld [tilespmem:$0x110]  }
0x28d: {  	v4 =	vld [tilespmem:$0x120]  }
0x28e: {  	v5 =	vld [tilespmem:$0x130]  }
0x28f: {  	[tilespmem:$0x140] =	vst v1  }
0x290: {  	[tilespmem:$0x150] =	vst v2  }
0x291: {  	s2 =	sshrl.u32 @!p0 s2, $0x3;
	[tilespmem:$0x160] =	vst v3  }
0x292: {  	s2 =	sadd.s32 @!p0 $0x14, s2;
	[tilespmem:$0x170] =	vst v4  }
0x293: {  	s6 =	sadd.s32 @!p0 s5, s2;
	[tilespmem:$0x180] =	vst v5  }
0x294: {  	[tilespmem:s0], [sflag:$0x6] =	stream.linear.gather @!p0 [hbm4b:s6+s1], $0x50, $0x38;
	[tilespmem:$0x1EB90] =	vst v63  }
0x295: {  	s8 =	simm.s32 $0x2B90;
	s0 =	sadd.s32 @!p0 s7, s2;
	s2 =	simm.s32 @!p0 $0xF0  }
0x296: {  	[tilespmem:s2], [sflag:$0x8] =	stream.linear.gather @!p0 [hbm4b:s0+s1], $0x50, $0x38;
	[tilespmem:$0x1EB90] =	vst v63  }
0x297: {  	s6 =	simm.s32 $0x6690;
	v1 =	vld [tilespmem:s8+$0x180]  }
0x298: {  	v2 =	vld [tilespmem:s6+$0xC0]  }
0x299: {  	v3 =	vld [tilespmem:s8+$0x190]  }
0x29a: {  	v4 =	vld [tilespmem:s6+$0xD0];
	_ =	sdelay $0x2  }
0x29b: {  	v5 =	vld [tilespmem:s8+$0xFFFFFE90]  }
0x29c: {  	v6 =	vld [tilespmem:s8+$0xFFFFFF00]  }
0x29d: {  	v7 =	vld [tilespmem:s6+$0xFFFFFF80];
	v1 =	vmul.f32 v2, v1;
	v2 =	vmul.f32 v4, v3  }
0x29e: {  	v8 =	vld [tilespmem:s8+$0xFFFFFF10]  }
0x29f: {  	v9 =	vld [tilespmem:s6+$0xFFFFFF90];
	v1 =	vadd.f32 v2, v1  }
0x2a0: {  	v10 =	vld [tilespmem:s8+$0xFFFFFF80]  }
0x2a1: {  	v11 =	vld [tilespmem:s6+$0xFFFFFFC0];
	(xrf2) =	vadd.scan.msk.f32 $0xffff, v1  }
0x2a2: {  	v4 =	vld [tilespmem:s8+$0xFFFFFE80]  }
0x2a3: {  	v2 =	vld [tilespmem:s6+$0xFFFFFF40]  }
0x2a4: {  	v1 =	vld [tilespmem:s6+$0xFFFFFF50]  }
0x2a5: {  	v12 =	vld [tilespmem:s8+$0xFFFFFF90]  }
0x2a6: {  	v13 =	vld [tilespmem:s6+$0xFFFFFFD0]  }
0x2a7: {  	v14 =	vld [tilespmem:s8+$0x0]  }
0x2a8: {  	v16 =	vld [tilespmem:s6+$0x0]  }
0x2a9: {  	v2 =	vmul.f32 v2, v4;
	v4 =	vld [tilespmem:s6+$0x10];
	v1 =	vmul.f32 v1, v5  }
0x2aa: {  	v5 =	vmul.f32 v7, v6;
	v6 =	vmul.f32 v9, v8;
	v7 =	vld [tilespmem:s8+$0x80]  }
0x2ab: {  	v8 =	vmul.f32 v13, v12;
	v9 =	vld [tilespmem:s6+$0x40];
	v1 =	vadd.f32 v1, v2;
	v2 =	vmul.f32 v11, v10;
	v15, _, _ =	vpop (xrf2)  }
0x2ac: {  	v5 =	vadd.f32 v6, v5;
	v6 =	vld [tilespmem:s8+$0x90];
	(v2sf) =	vpush v15, $0xF  }
0x2ad: {  	(xrf2) =	vadd.scan.msk.f32 $0xffff, v1;
	v1 =	vadd.f32 v8, v2;
	v2 =	vld [tilespmem:s6+$0x50]  }
0x2ae: {  	v15 =	vld [tilespmem:s8+$0x10]  }
0x2af: {  	v3 =	vld [tilespmem:s6+$0xFFFFFF00]  }
0x2b0: {  	v11 =	vld [tilespmem:s8+$0x100];
	(xrf2) =	vadd.scan.msk.f32 $0xffff, v5  }
0x2b1: {  	v8 =	vld [tilespmem:s8+$0xFFFFFE10]  }
0x2b2: {  	v10 =	vmul.f32 v16, v14;
	v5 =	vld [tilespmem:s6+$0xFFFFFF10];
	v7 =	vmul.f32 v9, v7;
	(xrf2) =	vadd.scan.msk.f32 $0xffff, v1  }
0x2b3: {  	v1 =	vld [tilespmem:s8+$0xFFFFFE00];
	v2 =	vmul.f32 v2, v6;
	v4 =	vmul.f32 v4, v15  }
0x2b4: {  	v6 =	vld [tilespmem:s6+$0x80]  }
0x2b5: {  	s1 =	simm.s32 $0x7A10;
	v2 =	vadd.f32 v2, v7;
	v7 =	vld [tilespmem:s6+$0x90];
	v4 =	vadd.f32 v4, v10  }
0x2b6: {  	v10 =	vld [tilespmem:s1+$0x60]  }
0x2b7: {  	(xrf2) =	vadd.scan.msk.f32 $0xffff, v4;
	v4 =	vld [tilespmem:s8+$0x110]  }
0x2b8: {  	v5 =	vmul.f32 v5, v8;
	v1 =	vmul.f32 v3, v1;
	(xrf2) =	vadd.scan.msk.f32 $0xffff, v2  }
0x2b9: {  	v3, _, _ =	vpop (xrf2)  }
0x2ba: {  	v1 =	vadd.f32 v5, v1;
	(v2sf) =	vpush v3, $0xF;
	v3, _, _ =	vpop (xrf2)  }
0x2bb: {  	v8 =	vld [tilespmem:s8+$0x1A0];
	v6 =	vmul.f32 v6, v11;
	(v2sf) =	vpush v3, $0xF;
	v2 =	vshll.u32 v10, $0x10;
	s9 =	spop (v2sf)  }
0x2bc: {  	v3, _, _ =	vpop (xrf2);
	(xrf2) =	vadd.scan.msk.f32 $0xffff, v1;
	v1 =	vld [tilespmem:s6+$0xE0];
	v5 =	vand.u32 $0xFFFF0000, v10;
	v2 =	vadd.f32 $1.000000000e+00, v2;
	v4 =	vmul.f32 v7, v4;
	s0 =	smul.f32 $1.767766920e-01, s9  }
0x2bd: {  	v5 =	vadd.f32 $1.000000000e+00, v5  }
0x2be: {  	(v2sf) =	vpush v3, $0xF;
	v4 =	vadd.f32 v4, v6;
	v2 =	vmul.f32 s0, v2  }
0x2bf: {  	v7 =	vld [tilespmem:s6+$0xF0];
	v5 =	vmul.f32 s0, v5  }
0x2c0: {  	v3 =	vld [tilespmem:s8+$0x1B0];
	v2 =	vmul.f32 $1.442695020e+00, v2  }
0x2c1: {  	v1 =	vmul.f32 v1, v8;
	v8 =	vld [tilespmem:s1+$0x20];
	v6, _, _ =	vpop (xrf2);
	v5 =	vmul.f32 $1.442695020e+00, v5  }
0x2c2: {  	(xrf2) =	vadd.scan.msk.f32 $0xffff, v4;
	(v2sf) =	vpush v6, $0xF;
	v4, _, _ =	vpop (xrf2);
	v6 =	vld [tilespmem:s1+$0x0];
	(erf) = vpow2.f32 v2  }
0x2c3: {  	(v2sf) =	vpush v4, $0xF;
	v4 =	vld [tilespmem:s1+$0xFFFFFFE0];
	(erf) = vpow2.f32 v5  }
0x2c4: {  	v2 =	vld [tilespmem:s1+$0xFFFFFFA0]  }
0x2c5: {  	v3 =	vmul.f32 v7, v3;
	v5 =	vld [tilespmem:s1+$0xFFFFFFC0]  }
0x2c6: {  	v23 =	vld [tilespmem:s8+$0xFFFFFEB0]  }
0x2c7: {  	v24 =	vld [tilespmem:s6+$0xFFFFFF70];
	v7, _, _ =	vpop (xrf2);
	v3 =	vadd.f32 v3, v1  }
0x2c8: {  	v25 =	vld [tilespmem:s8+$0xFFFFFF20];
	v22 =	vshll.u32 v8, $0x10;
	(v2sf) =	vpush v7, $0xF  }
0x2c9: {  	v9 =	vld [tilespmem:s1+$0xFFFFFF80];
	(xrf2) =	vadd.scan.msk.f32 $0xffff, v3;
	v17 =	vshll.u32 v6, $0x10;
	v14 =	vshll.u32 v4, $0x10;
	v15 =	vand.u32 $0xFFFF0000, v4  }
0x2ca: {  	v1 =	vld [tilespmem:s8+$0xFFFFFE20];
	s10 =	spop (v2sf);
	v3 =	vshll.u32 v2, $0x10;
	v10 =	vand.u32 $0xFFFF0000, v2;
	v11 =	vshll.u32 v5, $0x10  }
0x2cb: {  	s24 =	simm.s32 $0x8590;
	s0 =	smul.f32 $1.767766920e-01, s10;
	s16 =	spop (v2sf);
	v2 =	vld [tilespmem:s6+$0xFFFFFF20];
	v5 =	vand.u32 $0xFFFF0000, v5;
	v4 =	vadd.f32 $1.000000000e+00, v3;
	v10 =	vadd.f32 $1.000000000e+00, v10;
	v13 =	vpop (erf)  }
0x2cc: {  	v19 =	vand.u32 $0xFFFF0000, v6;
	s2 =	smul.f32 $1.767766920e-01, s16;
	v3 =	vld [tilespmem:s8+$0xFFFFFE30];
	v11 =	vadd.f32 $1.000000000e+00, v11;
	v6 =	vadd.f32 $1.000000000e+00, v5;
	[tilespmem:s24+$0x180] =	vst v13;
	v16 =	vpop (erf)  }
0x2cd: {  	v14 =	vadd.f32 $1.000000000e+00, v14;
	v18, _, _ =	vpop (xrf2);
	v5 =	vld [tilespmem:s6+$0xFFFFFF30];
	s9 =	spop (v2sf);
	v20 =	vmul.f32 s0, v4;
	v10 =	vmul.f32 s0, v10;
	[tilespmem:s24+$0x190] =	vst v16  }
0x2ce: {  	(v2sf) =	vpush v18, $0xF;
	s17 =	smul.f32 $1.767766920e-01, s9;
	v11 =	vmul.f32 s2, v11;
	v21 =	vmul.f32 s2, v6;
	v18 =	vld [tilespmem:s8+$0x1C0]  }
0x2cf: {  	v26 =	vld [tilespmem:s8+$0xFFFFFFA0];
	v15 =	vadd.f32 $1.000000000e+00, v15;
	v20 =	vmul.f32 $1.442695020e+00, v20;
	v10 =	vmul.f32 $1.442695020e+00, v10  }
0x2d0: {  	v8 =	vand.u32 $0xFFFF0000, v8;
	v4 =	vld [tilespmem:s8+$0xFFFFFEA0];
	v1 =	vmul.f32 v2, v1;
	v14 =	vmul.f32 s17, v14  }
0x2d1: {  	v7 =	vshll.u32 v9, $0x10;
	v6 =	vld [tilespmem:s6+$0xFFFFFF60];
	v15 =	vmul.f32 s17, v15;
	v11 =	vmul.f32 $1.442695020e+00, v11  }
0x2d2: {  	v27 =	vld [tilespmem:s6+$0xFFFFFFF0];
	v8 =	vadd.f32 $1.000000000e+00, v8;
	v21 =	vmul.f32 $1.442695020e+00, v21;
	(erf) = vpow2.f32 v20  }
0x2d3: {  	v34 =	vld [tilespmem:s6+$0xA0];
	v17 =	vadd.f32 $1.000000000e+00, v17;
	v3 =	vmul.f32 v5, v3;
	v13 =	vmul.f32 v13, v18;
	v18, _, _ =	vpop (xrf2)  }
0x2d4: {  	v36 =	vld [tilespmem:s8+$0x130];
	s18 =	spop (v2sf);
	v14 =	vmul.f32 $1.442695020e+00, v14;
	(erf) = vpow2.f32 v10;
	(v2sf) =	vpush v18, $0xF  }
0x2d5: {  	v12 =	vld [tilespmem:s1+$0x40];
	v19 =	vadd.f32 $1.000000000e+00, v19;
	v15 =	vmul.f32 $1.442695020e+00, v15;
	s0 =	smul.f32 $1.767766920e-01, s18;
	(erf) = vpow2.f32 v11;
	[tilespmem:s24+$0x1C0] =	vst v13  }
0x2d6: {  	s22 =	spop (v2sf);
	v1 =	vadd.f32 v3, v1;
	v3 =	vmul.f32 v6, v4;
	v4 =	vmul.f32 v24, v23;
	v20 =	vld [tilespmem:s8+$0x1D0]  }
0x2d7: {  	v9 =	vand.u32 $0xFFFF0000, v9;
	v11 =	vld [tilespmem:s6+$0xFFFFFFE0];
	s25 =	smul.f32 $1.767766920e-01, s22;
	s26 =	spop (v2sf);
	(erf) = vpow2.f32 v21;
	v17 =	vmul.f32 s0, v17  }
0x2d8: {  	s31 =	smov.u32 s3;
	v7 =	vadd.f32 $1.000000000e+00, v7;
	v6 =	vld [tilespmem:s6+$0xB0];
	v19 =	vmul.f32 s0, v19;
	s3 =	smul.f32 $1.767766920e-01, s26;
	(erf) = vpow2.f32 v14  }
0x2d9: {  	v9 =	vadd.f32 $1.000000000e+00, v9;
	v21 =	vld [tilespmem:s8+$0xFFFFFFB0];
	v8 =	vmul.f32 s25, v8;
	(erf) = vpow2.f32 v15  }
0x2da: {  	v14 =	vld [tilespmem:s8+$0x20];
	v10 =	vmul.f32 $1.442695020e+00, v17;
	v7 =	vmul.f32 s3, v7  }
0x2db: {  	v18 =	vld [tilespmem:s6+$0xFFFFFFA0];
	v9 =	vmul.f32 s3, v9;
	v16 =	vmul.f32 v16, v20  }
0x2dc: {  	v17 =	vld [tilespmem:s6+$0xFFFFFFB0];
	v19 =	vmul.f32 $1.442695020e+00, v19;
	v13 =	vadd.f32 $1.000000000e+00, v22;
	v7 =	vmul.f32 $1.442695020e+00, v7  }
0x2dd: {  	v22 =	vld [tilespmem:s8+$0xFFFFFF30];
	(erf) = vpow2.f32 v10;
	v9 =	vmul.f32 $1.442695020e+00, v9;
	v20 =	vshll.u32 v12, $0x10;
	[tilespmem:s24+$0x1D0] =	vst v16  }
0x2de: {  	v13 =	vmul.f32 s25, v13;
	(erf) = vpow2.f32 v7;
	v10 =	vld [tilespmem:s1+$0x70]  }
0x2df: {  	v8 =	vmul.f32 $1.442695020e+00, v8;
	v7 =	vld [tilespmem:s8+$0x30];
	s9 =	spop (v2sf);
	(erf) = vpow2.f32 v9  }
0x2e0: {  	v13 =	vmul.f32 $1.442695020e+00, v13;
	v9 =	vld [tilespmem:s6+$0x30];
	s0 =	smul.f32 $1.767766920e-01, s9;
	v12 =	vand.u32 $0xFFFF0000, v12;
	v15 =	vadd.f32 $1.000000000e+00, v20;
	v20 =	vpop (erf)  }
0x2e1: {  	v18 =	vmul.f32 v18, v25;
	v12 =	vadd.f32 $1.000000000e+00, v12;
	v16 =	vld [tilespmem:s6+$0x20];
	(erf) = vpow2.f32 v19;
	v28 =	vpop (erf)  }
0x2e2: {  	(xrf2) =	vadd.scan.msk.f32 $0xffff, v1;
	v1 =	vmul.f32 v17, v22;
	v15 =	vmul.f32 s0, v15;
	v19 =	vld [tilespmem:s8+$0xA0];
	[tilespmem:s24+$0xFFFFFE80] =	vst v20;
	v29 =	vpop (erf)  }
0x2e3: {  	v12 =	vmul.f32 s0, v12;
	(erf) = vpow2.f32 v13;
	v13 =	vld [tilespmem:s6+$0x60];
	[tilespmem:s24+$0xFFFFFE90] =	vst v28;
	v31 =	vpop (erf);
	v30 =	vshll.u32 v10, $0x10;
	s10 =	spop (v2sf)  }
0x2e4: {  	v15 =	vmul.f32 $1.442695020e+00, v15;
	[tilespmem:s24+$0xFFFFFF00] =	vst v29;
	v59 =	vpop (erf);
	v10 =	vand.u32 $0xFFFF0000, v10;
	s0 =	smul.f32 $1.767766920e-01, s10;
	v30 =	vadd.f32 $1.000000000e+00, v30  }
0x2e5: {  	v12 =	vmul.f32 $1.442695020e+00, v12;
	(erf) = vpow2.f32 v8;
	v38 =	vld [tilespmem:s8+$0xFFFFFEC0];
	[tilespmem:s24+$0xFFFFFF10] =	vst v31;
	v33 =	vpop (erf);
	v10 =	vadd.f32 $1.000000000e+00, v10  }
0x2e6: {  	(erf) = vpow2.f32 v15;
	[tilespmem:s24+$0xFFFFFF80] =	vst v59;
	v2 =	vld [tilespmem:s8+$0xFFFFFF40];
	v35 =	vpop (erf);
	v30 =	vmul.f32 s0, v30  }
0x2e7: {  	v8 =	vld [tilespmem:s8+$0xB0];
	(erf) = vpow2.f32 v12;
	[tilespmem:s24+$0xFFFFFF90] =	vst v33;
	v37 =	vpop (erf);
	v10 =	vmul.f32 s0, v10  }
0x2e8: {  	v3 =	vadd.f32 v4, v3;
	v4 =	vmul.f32 v11, v26;
	v15 =	vld [tilespmem:s6+$0x70];
	[tilespmem:s24+$0xFFFFFE00] =	vst v37;
	v39 =	vpop (erf);
	v30 =	vmul.f32 $1.442695020e+00, v30  }
0x2e9: {  	v1 =	vadd.f32 v1, v18;
	v18 =	vmul.f32 v27, v21;
	v12 =	vld [tilespmem:s8+$0x120];
	[tilespmem:s24+$0xFFFFFE10] =	vst v39;
	v10 =	vmul.f32 $1.442695020e+00, v10  }
0x2ea: {  	[tilespmem:s24+$0x0] =	vst v35;
	v20 =	vmul.f32 v20, v38;
	v40 =	vpop (erf);
	v5 =	vld [tilespmem:s8+$0xFFFFFE40];
	(erf) = vpow2.f32 v30  }
0x2eb: {  	(xrf2) =	vadd.scan.msk.f32 $0xffff, v3;
	s6 =	simm.s32 $0x6890;
	[tilespmem:s24+$0x10] =	vst v40;
	v2 =	vmul.f32 v29, v2;
	(erf) = vpow2.f32 v10;
	v10 =	vld [tilespmem:s8+$0xFFFFFFC0]  }
0x2ec: {  	(xrf2) =	vadd.scan.msk.f32 $0xffff, v1;
	v1 =	vadd.f32 v18, v4;
	v18 =	vld [tilespmem:s6+$0xFFFFFF10];
	[tilespmem:s24+$0xFFFFFEC0] =	vst v20  }
0x2ed: {  	v21 =	vld [tilespmem:s6+$0xFFFFFF40];
	[tilespmem:s24+$0xFFFFFF40] =	vst v2;
	v30 =	vpop (erf)  }
0x2ee: {  	v22 =	vld [tilespmem:s6+$0xFFFFFF50];
	[tilespmem:s24+$0x80] =	vst v30;
	v41 =	vpop (erf)  }
0x2ef: {  	v17 =	vld [tilespmem:s8+$0x40];
	v5 =	vmul.f32 v37, v5;
	[tilespmem:s24+$0x90] =	vst v41;
	v23 =	vpop (erf)  }
0x2f0: {  	[tilespmem:s24+$0x100] =	vst v23;
	v24 =	vpop (erf);
	v11 =	vld [tilespmem:s8+$0xC0];
	v10 =	vmul.f32 v59, v10  }
0x2f1: {  	v3 =	vmul.f32 v9, v7;
	v7 =	vld [tilespmem:s8+$0xFFFFFED0];
	[tilespmem:s24+$0x110] =	vst v24  }
0x2f2: {  	v2 =	vmul.f32 v16, v14;
	[tilespmem:s24+$0xFFFFFE40] =	vst v5;
	v20 =	vld [tilespmem:s8+$0x140]  }
0x2f3: {  	v9 =	vld [tilespmem:s8+$0xFFFFFF50];
	[tilespmem:s24+$0xFFFFFFC0] =	vst v10;
	v5 =	vpop (erf)  }
0x2f4: {  	(xrf2) =	vadd.scan.msk.f32 $0xffff, v1;
	v2 =	vadd.f32 v3, v2;
	v3 =	vmul.f32 v35, v17;
	v4 =	vld [tilespmem:s8+$0xFFFFFE50];
	[tilespmem:s24+$0x1A0] =	vst v5;
	v10 =	vpop (erf)  }
0x2f5: {  	v1 =	vmul.f32 v30, v11;
	v11 =	vld [tilespmem:s8+$0xFFFFFFD0];
	[tilespmem:s24+$0x1B0] =	vst v10  }
0x2f6: {  	s25 =	simm.s32 $0x2F90;
	v13 =	vmul.f32 v13, v19;
	v8 =	vmul.f32 v15, v8;
	[tilespmem:s24+$0x40] =	vst v3;
	v3 =	vld [tilespmem:s8+$0x1E0]  }
0x2f7: {  	v19 =	vld [tilespmem:s25+$0xFFFFFE80];
	v12 =	vmul.f32 v34, v12;
	(xrf2) =	vadd.scan.msk.f32 $0xffff, v2;
	v2 =	vmul.f32 v23, v20  }
0x2f8: {  	v7 =	vmul.f32 v28, v7;
	v14 =	vld [tilespmem:s8+$0x50];
	[tilespmem:s24+$0xC0] =	vst v1;
	v1 =	vmul.f32 v6, v36  }
0x2f9: {  	v4 =	vmul.f32 v39, v4;
	v23 =	vld [tilespmem:s6+$0xFFFFFF80];
	[tilespmem:s24+$0x140] =	vst v2;
	v2 =	vadd.f32 v8, v13  }
0x2fa: {  	[tilespmem:s24+$0xFFFFFED0] =	vst v7;
	v8 =	vmul.f32 v31, v9;
	v1 =	vadd.f32 v1, v12;
	v7 =	vld [tilespmem:s8+$0x150];
	v9 =	vmul.f32 v33, v11;
	v11, _, _ =	vpop (xrf2)  }
0x2fb: {  	v6 =	vld [tilespmem:s8+$0xD0];
	(xrf2) =	vadd.scan.msk.f32 $0xffff, v2;
	(v2sf) =	vpush v11, $0xF;
	v3 =	vmul.f32 v5, v3;
	v5, _, _ =	vpop (xrf2)  }
0x2fc: {  	[tilespmem:s24+$0xFFFFFE50] =	vst v4;
	v4 =	vld [tilespmem:s1+$0xFFFFFFB0];
	(xrf2) =	vadd.scan.msk.f32 $0xffff, v1;
	(v2sf) =	vpush v5, $0xF  }
0x2fd: {  	v12 =	vld [tilespmem:s6+$0xC0];
	v5, _, _ =	vpop (xrf2)  }
0x2fe: {  	v13 =	vld [tilespmem:s25+$0x190];
	[tilespmem:s24+$0xFFFFFF50] =	vst v8;
	(v2sf) =	vpush v5, $0xF;
	v5, _, _ =	vpop (xrf2)  }
0x2ff: {  	v8 =	vmul.f32 v40, v14;
	v14 =	vld [tilespmem:s6+$0xD0];
	[tilespmem:s24+$0x1E0] =	vst v3;
	v3 =	vmul.f32 v24, v7;
	(v2sf) =	vpush v5, $0xF  }
0x300: {  	v7 =	vld [tilespmem:s8+$0x1F0]  }
0x301: {  	v5, _, _ =	vpop (xrf2);
	[tilespmem:s24+$0x150] =	vst v3;
	v3 =	vld [tilespmem:s25+$0x180]  }
0x302: {  	v2 =	vld [tilespmem:s1+$0xFFFFFF90];
	(v2sf) =	vpush v5, $0xF  }
0x303: {  	v1 =	vld [tilespmem:s1+$0xFFFFFFD0];
	[tilespmem:s24+$0xFFFFFFD0] =	vst v9  }
0x304: {  	v19 =	vmul.f32 v21, v19;
	v11 =	vld [tilespmem:s1+$0xFFFFFFF0];
	v6 =	vmul.f32 v41, v6  }
0x305: {  	v16 =	vshll.u32 v4, $0x10;
	v4 =	vand.u32 $0xFFFF0000, v4;
	v7 =	vmul.f32 v10, v7;
	v10 =	vld [tilespmem:s25+$0xFFFFFF00];
	v5, _, _ =	vpop (xrf2)  }
0x306: {  	(v2sf) =	vpush v5, $0xF;
	v15, _, _ =	vpop (xrf2);
	v3 =	vmul.f32 v12, v3;
	v12 =	vmul.f32 v14, v13;
	v14 =	vld [tilespmem:s25+$0xFFFFFE90]  }
0x307: {  	[tilespmem:s24+$0x50] =	vst v8;
	v16 =	vadd.f32 $1.000000000e+00, v16;
	v17 =	vshll.u32 v2, $0x10;
	(v2sf) =	vpush v15, $0xF;
	v15 =	vld [tilespmem:s25+$0xFFFFFE10]  }
0x308: {  	v8 =	vld [tilespmem:s1+$0x10];
	v4 =	vadd.f32 $1.000000000e+00, v4;
	v2 =	vand.u32 $0xFFFF0000, v2;
	v17 =	vadd.f32 $1.000000000e+00, v17  }
0x309: {  	v21 =	vld [tilespmem:s25+$0xFFFFFF80];
	[tilespmem:s24+$0xD0] =	vst v6;
	v20 =	vshll.u32 v1, $0x10;
	v1 =	vand.u32 $0xFFFF0000, v1;
	v2 =	vadd.f32 $1.000000000e+00, v2  }
0x30a: {  	v6 =	vld [tilespmem:s1+$0x30];
	v13 =	vshll.u32 v11, $0x10;
	v11 =	vand.u32 $0xFFFF0000, v11;
	v3 =	vadd.f32 v12, v3;
	s16 =	spop (v2sf)  }
0x30b: {  	v9 =	vld [tilespmem:s1+$0x50];
	v1 =	vadd.f32 $1.000000000e+00, v1;
	v11 =	vadd.f32 $1.000000000e+00, v11;
	v10 =	vmul.f32 v23, v10;
	s0 =	smul.f32 $1.767766920e-01, s16;
	s17 =	spop (v2sf)  }
0x30c: {  	v12 =	vadd.f32 $1.000000000e+00, v20;
	(xrf2) =	vadd.scan.msk.f32 $0xffff, v3;
	v14 =	vmul.f32 v22, v14;
	v22 =	vld [tilespmem:s6+$0xFFFFFFC0];
	v18 =	vmul.f32 v18, v15;
	s1 =	smul.f32 $1.767766920e-01, s17  }
0x30d: {  	v20 =	vshll.u32 v8, $0x10;
	s18 =	spop (v2sf);
	v17 =	vmul.f32 s0, v17;
	v2 =	vmul.f32 s0, v2  }
0x30e: {  	v26 =	vld [tilespmem:s6+$0xFFFFFFD0];
	v3 =	vadd.f32 $1.000000000e+00, v13;
	s2 =	smul.f32 $1.767766920e-01, s18;
	s22 =	spop (v2sf);
	v13 =	vmul.f32 s1, v16;
	v4 =	vmul.f32 s1, v4  }
0x30f: {  	v24 =	vld [tilespmem:s6+$0xFFFFFF90];
	v8 =	vand.u32 $0xFFFF0000, v8;
	s26 =	smul.f32 $1.767766920e-01, s22;
	v17 =	vmul.f32 $1.442695020e+00, v17;
	v2 =	vmul.f32 $1.442695020e+00, v2  }
0x310: {  	v14 =	vadd.f32 v14, v19;
	v19 =	vld [tilespmem:s25+$0xFFFFFF90];
	v12 =	vmul.f32 s2, v12;
	v1 =	vmul.f32 s2, v1  }
0x311: {  	v20 =	vadd.f32 $1.000000000e+00, v20;
	v16 =	vld [tilespmem:s25+$0xFFFFFF10];
	s3 =	spop (v2sf);
	v21 =	vmul.f32 v22, v21;
	v3 =	vmul.f32 s26, v3  }
0x312: {  	v5 =	vld [tilespmem:s6+$0xFFFFFF00];
	v8 =	vadd.f32 $1.000000000e+00, v8;
	s9 =	smul.f32 $1.767766920e-01, s3;
	v11 =	vmul.f32 s26, v11;
	v13 =	vmul.f32 $1.442695020e+00, v13  }
0x313: {  	v25 =	vshll.u32 v6, $0x10;
	v23 =	vld [tilespmem:s25+$0x0];
	(xrf2) =	vadd.scan.msk.f32 $0xffff, v14;
	v4 =	vmul.f32 $1.442695020e+00, v4;
	(erf) = vpow2.f32 v17  }
0x314: {  	v15 =	vld [tilespmem:s25+$0xFFFFFE20];
	v20 =	vmul.f32 s9, v20;
	v8 =	vmul.f32 s9, v8  }
0x315: {  	v14 =	vshll.u32 v9, $0x10;
	v22 =	vld [tilespmem:s6+$0x10];
	(erf) = vpow2.f32 v2;
	v2 =	vmul.f32 v26, v19  }
0x316: {  	v17 =	vadd.f32 $1.000000000e+00, v25;
	v19 =	vld [tilespmem:s25+$0x80];
	v12 =	vmul.f32 $1.442695020e+00, v12;
	v16 =	vmul.f32 v24, v16;
	v25, _, _ =	vpop (xrf2)  }
0x317: {  	v1 =	vmul.f32 $1.442695020e+00, v1;
	(erf) = vpow2.f32 v13;
	v24 =	vld [tilespmem:s6+$0x0];
	s10 =	spop (v2sf);
	(v2sf) =	vpush v25, $0xF  }
0x318: {  	v3 =	vmul.f32 $1.442695020e+00, v3;
	(erf) = vpow2.f32 v4;
	v10 =	vadd.f32 v16, v10;
	v16 =	vld [tilespmem:s25+$0x10];
	s0 =	smul.f32 $1.767766920e-01, s10  }
0x319: {  	v2 =	vadd.f32 v2, v21;
	v4 =	vadd.f32 $1.000000000e+00, v14;
	v14 =	vld [tilespmem:s6+$0x50];
	(erf) = vpow2.f32 v12;
	s16 =	spop (v2sf)  }
0x31a: {  	(erf) = vpow2.f32 v1;
	s17 =	smul.f32 $1.767766920e-01, s16;
	(xrf2) =	vadd.scan.msk.f32 $0xffff, v10;
	v10 =	vmul.f32 s0, v17;
	v17 =	vld [tilespmem:s25+$0x90]  }
0x31b: {  	v6 =	vand.u32 $0xFFFF0000, v6;
	s1 =	simm.s32 $0x7B10;
	v13 =	vld [tilespmem:s6+$0x40];
	(erf) = vpow2.f32 v3;
	(xrf2) =	vadd.scan.msk.f32 $0xffff, v2;
	v2 =	vmul.f32 $1.442695020e+00, v11  }
0x31c: {  	v6 =	vadd.f32 $1.000000000e+00, v6;
	v27 =	vld [tilespmem:s1+$0x0];
	v12 =	vmul.f32 s17, v4;
	v4 =	vmul.f32 $1.442695020e+00, v20  }
0x31d: {  	v26, _, _ =	vpop (xrf2);
	v3 =	vmul.f32 v24, v23;
	v11 =	vmul.f32 v22, v16;
	v16 =	vld [tilespmem:s25+$0xFFFFFE00]  }
0x31e: {  	v21 =	vld [tilespmem:s25+$0x100];
	v6 =	vmul.f32 s0, v6;
	v1 =	vpop (erf);
	(erf) = vpow2.f32 v2  }
0x31f: {  	[tilespmem:s24+$0x1F0] =	vst v7;
	(erf) = vpow2.f32 v4;
	v2 =	vpop (erf);
	v7 =	vadd.f32 v11, v3;
	v14 =	vmul.f32 v14, v17;
	v17 =	vld [tilespmem:s1+$0x60]  }
0x320: {  	v8 =	vmul.f32 $1.442695020e+00, v8;
	v25 =	vld [tilespmem:s6+$0x80];
	v13 =	vmul.f32 v13, v19;
	v4 =	vpop (erf)  }
0x321: {  	v20 =	vld [tilespmem:s25+$0x110];
	v10 =	vmul.f32 $1.442695020e+00, v10;
	(v2sf) =	vpush v26, $0xF;
	v22 =	vmul.f32 $1.442695020e+00, v6;
	[tilespmem:s24+$0xFFFFFE20] =	vst v1;
	v3 =	vpop (erf)  }
0x322: {  	v23 =	vld [tilespmem:s6+$0x90];
	[tilespmem:s24+$0xFFFFFE30] =	vst v2;
	(erf) = vpow2.f32 v8;
	v13 =	vadd.f32 v14, v13;
	v6 =	vpop (erf);
	v5 =	vmul.f32 v5, v16  }
0x323: {  	v30 =	vld [tilespmem:s1+$0x20];
	v12 =	vmul.f32 $1.442695020e+00, v12;
	(xrf2) =	vadd.scan.msk.f32 $0xffff, v7;
	[tilespmem:s24+$0xFFFFFEA0] =	vst v4;
	(erf) = vpow2.f32 v10;
	v7 =	vpop (erf)  }
0x324: {  	v24 =	vld [tilespmem:s1+$0xFFFFFFC0];
	[tilespmem:s24+$0xFFFFFEB0] =	vst v3;
	(erf) = vpow2.f32 v22;
	(xrf2) =	vadd.scan.msk.f32 $0xffff, v13;
	v19, _, _ =	vpop (xrf2);
	v8 =	vshll.u32 v17, $0x10  }
0x325: {  	v26 =	vld [tilespmem:s1+$0xFFFFFFE0];
	[tilespmem:s24+$0xFFFFFF20] =	vst v6;
	(erf) = vpow2.f32 v12;
	v13 =	vadd.f32 v18, v5;
	v12 =	vand.u32 $0xFFFF0000, v17;
	v10, _, _ =	vpop (xrf2)  }
0x326: {  	v11 =	vld [tilespmem:s1+$0xFFFFFF80];
	[tilespmem:s24+$0xFFFFFF30] =	vst v7;
	(v2sf) =	vpush v19, $0xF;
	s18 =	spop (v2sf);
	v5 =	vpop (erf)  }
0x327: {  	v14 =	vld [tilespmem:s1+$0xFFFFFFA0];
	v16 =	vadd.f32 $1.000000000e+00, v8;
	v19 =	vmul.f32 v23, v20;
	(xrf2) =	vadd.scan.msk.f32 $0xffff, v13;
	v13 =	vmul.f32 v25, v21;
	s0 =	smul.f32 $1.767766920e-01, s18;
	v8 =	vpop (erf)  }
0x328: {  	v17 =	vadd.f32 $1.000000000e+00, v12;
	(v2sf) =	vpush v10, $0xF;
	v10 =	vld [tilespmem:s25+$0x1A0];
	[tilespmem:s24+$0xFFFFFFA0] =	vst v5;
	v12 =	vpop (erf)  }
0x329: {  	v13 =	vadd.f32 v19, v13;
	v18 =	vld [tilespmem:s6+$0xE0];
	v16 =	vmul.f32 s0, v16  }
0x32a: {  	v9 =	vand.u32 $0xFFFF0000, v9;
	v61 =	vshll.u32 v27, $0x10;
	v20 =	vld [tilespmem:s25+$0x1B0];
	v17 =	vmul.f32 s0, v17  }
0x32b: {  	v47 =	vand.u32 $0xFFFF0000, v27;
	v29 =	vshll.u32 v26, $0x10;
	v21 =	vld [tilespmem:s6+$0xF0];
	(xrf2) =	vadd.scan.msk.f32 $0xffff, v13;
	v16 =	vmul.f32 $1.442695020e+00, v16  }
0x32c: {  	v26 =	vand.u32 $0xFFFF0000, v26;
	v23 =	vand.u32 $0xFFFF0000, v14;
	v33 =	vld [tilespmem:s1+$0x40];
	v17 =	vmul.f32 $1.442695020e+00, v17  }
0x32d: {  	v51 =	vadd.f32 $1.000000000e+00, v26;
	v27 =	vadd.f32 $1.000000000e+00, v23;
	v23 =	vld [tilespmem:s25+$0xFFFFFF20];
	v19, _, _ =	vpop (xrf2);
	(erf) = vpow2.f32 v16  }
0x32e: {  	v26 =	vld [tilespmem:s25+$0xFFFFFFA0];
	v13 =	vadd.f32 $1.000000000e+00, v9;
	(v2sf) =	vpush v19, $0xF;
	(erf) = vpow2.f32 v17  }
0x32f: {  	v9 =	vpop (erf);
	v19 =	vld [tilespmem:s6+$0xFFFFFF30];
	v10 =	vmul.f32 v18, v10  }
0x330: {  	s22 =	spop (v2sf);
	v16 =	vld [tilespmem:s6+$0xFFFFFF20];
	v18 =	vmul.f32 v21, v20;
	v17, _, _ =	vpop (xrf2)  }
0x331: {  	s0 =	smul.f32 $1.767766920e-01, s22;
	v20 =	vmul.f32 s17, v13;
	(v2sf) =	vpush v17, $0xF;
	v17 =	vld [tilespmem:s25+$0xFFFFFE30];
	v22, _, _ =	vpop (xrf2)  }
0x332: {  	v42 =	vshll.u32 v30, $0x10;
	v13 =	vpop (erf);
	v21 =	vadd.f32 v18, v10;
	v18 =	vld [tilespmem:s25+$0xFFFFFEA0];
	(v2sf) =	vpush v22, $0xF  }
0x333: {  	v50 =	vmul.f32 s0, v27;
	v25 =	vmul.f32 $1.442695020e+00, v20;
	v20 =	vld [tilespmem:s6+$0xFFFFFF60];
	v22 =	vshll.u32 v14, $0x10;
	v10 =	vpop (erf)  }
0x334: {  	v54 =	vand.u32 $0xFFFF0000, v30;
	v28 =	vshll.u32 v24, $0x10;
	(xrf2) =	vadd.scan.msk.f32 $0xffff, v21;
	v21 =	vld [tilespmem:s25+$0xFFFFFEB0];
	v62 =	vadd.f32 $1.000000000e+00, v22;
	v14 =	vpop (erf)  }
0x335: {  	v24 =	vand.u32 $0xFFFF0000, v24;
	v28 =	vadd.f32 $1.000000000e+00, v28;
	v39 =	vmul.f32 $1.442695020e+00, v50;
	v22 =	vld [tilespmem:s6+$0xFFFFFF70];
	v48, _, _ =	vpop (xrf2)  }
0x336: {  	s18 =	simm.s32 $0x8990;
	v30 =	vld [tilespmem:s6+$0xFFFFFFF0];
	(erf) = vpow2.f32 v25;
	s26 =	spop (v2sf);
	v35 =	vmul.f32 s0, v62;
	(v2sf) =	vpush v48, $0xF;
	v31 =	vpop (erf)  }
0x337: {  	v45 =	vld [tilespmem:s25+$0x30];
	v25 =	vadd.f32 $1.000000000e+00, v24;
	v15 =	vmul.f32 v16, v15;
	s2 =	smul.f32 $1.767766920e-01, s26;
	s3 =	spop (v2sf);
	v17 =	vmul.f32 v19, v17;
	[tilespmem:s18+$0x180] =	vst v31;
	v63 =	vpop (erf)  }
0x338: {  	v29 =	vadd.f32 $1.000000000e+00, v29;
	v46 =	vld [tilespmem:s6+$0x60];
	v18 =	vmul.f32 v20, v18;
	s10 =	smul.f32 $1.767766920e-01, s3;
	v35 =	vmul.f32 $1.442695020e+00, v35;
	[tilespmem:s18+$0x190] =	vst v63  }
0x339: {  	v37 =	vadd.f32 $1.000000000e+00, v47;
	v28 =	vmul.f32 s2, v28;
	v52 =	vmul.f32 s2, v25;
	v49 =	vld [tilespmem:s25+$0x1C0]  }
0x33a: {  	v47 =	vld [tilespmem:s25+$0x120];
	v15 =	vadd.f32 v17, v15;
	v17 =	vmul.f32 v22, v21;
	v29 =	vmul.f32 s10, v29  }
0x33b: {  	v38 =	vadd.f32 $1.000000000e+00, v54;
	v54 =	vld [tilespmem:s8+$0xFFFFFE60];
	v40 =	vmul.f32 s10, v51;
	(erf) = vpow2.f32 v35  }
0x33c: {  	v32 =	vadd.f32 $1.000000000e+00, v61;
	v43 =	vmul.f32 $1.442695020e+00, v28;
	v28 =	vld [tilespmem:s6+$0xFFFFFFE0];
	v41 =	vmul.f32 $1.442695020e+00, v52  }
0x33d: {  	v42 =	vadd.f32 $1.000000000e+00, v42;
	(erf) = vpow2.f32 v39;
	v44 =	vmul.f32 $1.442695020e+00, v29;
	v29 =	vld [tilespmem:s25+$0xFFFFFFB0];
	s16 =	spop (v2sf)  }
0x33e: {  	v60 =	vshll.u32 v11, $0x10;
	v27 =	vld [tilespmem:s6+$0xFFFFFFB0];
	(erf) = vpow2.f32 v43;
	s0 =	smul.f32 $1.767766920e-01, s16;
	v53, _, _ =	vpop (xrf2);
	v31 =	vmul.f32 v31, v49  }
0x33f: {  	[tilespmem:s24+$0xA0] =	vst v13;
	v24 =	vld [tilespmem:s6+$0xFFFFFFA0];
	v40 =	vmul.f32 $1.442695020e+00, v40;
	(erf) = vpow2.f32 v41;
	(v2sf) =	vpush v53, $0xF  }
0x340: {  	v11 =	vand.u32 $0xFFFF0000, v11;
	v48 =	vld [tilespmem:s6+$0xA0];
	(erf) = vpow2.f32 v44;
	v32 =	vmul.f32 s0, v32;
	s17 =	spop (v2sf);
	[tilespmem:s18+$0x1C0] =	vst v31  }
0x341: {  	v34 =	vadd.f32 $1.000000000e+00, v60;
	[tilespmem:s24+$0xB0] =	vst v10;
	v55 =	vmul.f32 s0, v37;
	(erf) = vpow2.f32 v40;
	s22 =	smul.f32 $1.767766920e-01, s17;
	s26 =	spop (v2sf);
	v56 =	vld [tilespmem:s25+$0x1D0]  }
0x342: {  	v19 =	vld [tilespmem:s8+$0xE0];
	v17 =	vadd.f32 v17, v18;
	v18 =	vmul.f32 v28, v26;
	v26 =	vmul.f32 v30, v29;
	s2 =	smul.f32 $1.767766920e-01, s26  }
0x343: {  	v11 =	vadd.f32 $1.000000000e+00, v11;
	v25 =	vld [tilespmem:s25+$0xFFFFFF30];
	v57 =	vmul.f32 $1.442695020e+00, v32;
	v35 =	vmul.f32 $1.442695020e+00, v55  }
0x344: {  	v43 =	vld [tilespmem:s6+$0x30];
	v42 =	vmul.f32 s22, v42;
	v34 =	vmul.f32 s2, v34  }
0x345: {  	[tilespmem:s24+$0xFFFFFFB0] =	vst v8;
	v59 =	vshll.u32 v33, $0x10;
	v41 =	vld [tilespmem:s6+$0xB0];
	v38 =	vmul.f32 s22, v38;
	v11 =	vmul.f32 s2, v11;
	s3 =	spop (v2sf)  }
0x346: {  	[tilespmem:s24+$0x20] =	vst v12;
	v60 =	vadd.f32 $1.000000000e+00, v59;
	v44 =	vld [tilespmem:s25+$0xB0];
	v34 =	vmul.f32 $1.442695020e+00, v34;
	s0 =	smul.f32 $1.767766920e-01, s3;
	v36 =	vmul.f32 v63, v56  }
0x347: {  	[tilespmem:s24+$0x30] =	vst v9;
	v40 =	vld [tilespmem:s6+$0x70];
	(erf) = vpow2.f32 v57;
	v61 =	vmul.f32 $1.442695020e+00, v11  }
0x348: {  	v31 =	vld [tilespmem:s25+$0x20];
	(erf) = vpow2.f32 v34;
	[tilespmem:s18+$0x1D0] =	vst v36;
	v36 =	vmul.f32 s0, v60  }
0x349: {  	v33 =	vand.u32 $0xFFFF0000, v33;
	[tilespmem:s24+$0x120] =	vst v14;
	v58 =	vmul.f32 $1.442695020e+00, v42;
	v11 =	vpop (erf);
	(erf) = vpow2.f32 v61;
	v62 =	vld [tilespmem:s1+$0x70]  }
0x34a: {  	v33 =	vadd.f32 $1.000000000e+00, v33;
	v32 =	vld [tilespmem:s6+$0x20];
	[tilespmem:s24+$0x130] =	vst v11;
	v34 =	vpop (erf);
	(erf) = vpow2.f32 v35;
	v36 =	vmul.f32 $1.442695020e+00, v36  }
0x34b: {  	s22 =	simm.s32 $0x3390;
	v38 =	vmul.f32 $1.442695020e+00, v38;
	[tilespmem:s18+$0xFFFFFE80] =	vst v34;
	v37 =	vpop (erf);
	(erf) = vpow2.f32 v58;
	v58 =	vld [tilespmem:s8+$0xFFFFFF60]  }
0x34c: {  	v18 =	vadd.f32 v26, v18;
	v26 =	vmul.f32 v48, v47;
	v48 =	vld [tilespmem:s22+$0xFFFFFF80];
	v33 =	vmul.f32 s0, v33;
	[tilespmem:s18+$0xFFFFFE90] =	vst v37;
	v49 =	vpop (erf)  }
0x34d: {  	v42 =	vld [tilespmem:s25+$0xA0];
	(erf) = vpow2.f32 v38;
	[tilespmem:s18+$0xFFFFFF00] =	vst v49;
	v50 =	vpop (erf)  }
0x34e: {  	v33 =	vmul.f32 $1.442695020e+00, v33;
	s9 =	spop (v2sf);
	v38 =	vld [tilespmem:s25+$0xFFFFFEC0];
	(erf) = vpow2.f32 v36;
	[tilespmem:s18+$0xFFFFFF10] =	vst v50;
	v51 =	vshll.u32 v62, $0x10;
	v36 =	vpop (erf)  }
0x34f: {  	v60 =	vld [tilespmem:s8+$0xFFFFFFE0];
	s0 =	smul.f32 $1.767766920e-01, s9;
	v39 =	vand.u32 $0xFFFF0000, v62;
	v51 =	vadd.f32 $1.000000000e+00, v51;
	[tilespmem:s18+$0xFFFFFF80] =	vst v36;
	v53 =	vpop (erf)  }
0x350: {  	v35 =	vld [tilespmem:s25+$0x130];
	(erf) = vpow2.f32 v33;
	v39 =	vadd.f32 $1.000000000e+00, v39;
	v6 =	vmul.f32 v6, v58;
	[tilespmem:s18+$0xFFFFFF90] =	vst v53;
	v55 =	vpop (erf)  }
0x351: {  	s9 =	simm.s32 $0x6A90;
	v52 =	vld [tilespmem:s25+$0xFFFFFF40];
	v63 =	vmul.f32 s0, v51;
	[tilespmem:s18+$0x0] =	vst v55  }
0x352: {  	v58 =	vld [tilespmem:s9+$0xFFFFFF50];
	v39 =	vmul.f32 s0, v39;
	v57 =	vpop (erf);
	[tilespmem:s24+$0xFFFFFF60] =	vst v6  }
0x353: {  	v51 =	vld [tilespmem:s8+$0xFFFFFEE0];
	v34 =	vmul.f32 v34, v38;
	[tilespmem:s18+$0xFFFFFE00] =	vst v57;
	v59 =	vpop (erf);
	v33 =	vmul.f32 $1.442695020e+00, v63  }
0x354: {  	v56 =	vld [tilespmem:s25+$0xFFFFFFC0];
	v39 =	vmul.f32 $1.442695020e+00, v39;
	[tilespmem:s18+$0xFFFFFE10] =	vst v59  }
0x355: {  	v61 =	vpop (erf);
	[tilespmem:s18+$0xFFFFFEC0] =	vst v34;
	(erf) = vpow2.f32 v33;
	v33 =	vld [tilespmem:s25+$0xFFFFFE40]  }
0x356: {  	v6 =	vld [tilespmem:s9+$0xC0];
	[tilespmem:s18+$0x10] =	vst v61;
	v62 =	vpop (erf);
	(erf) = vpow2.f32 v39  }
0x357: {  	[tilespmem:s18+$0x80] =	vst v62;
	v16 =	vpop (erf);
	v21 =	vld [tilespmem:s25+$0x40]  }
0x358: {  	v23 =	vmul.f32 v24, v23;
	v63 =	vld [tilespmem:s8+$0x160];
	[tilespmem:s18+$0x90] =	vst v16;
	v38 =	vpop (erf)  }
0x359: {  	(xrf2) =	vadd.scan.msk.f32 $0xffff, v15;
	v15 =	vmul.f32 v27, v25;
	v20 =	vmul.f32 v49, v52;
	v27 =	vld [tilespmem:s25+$0xFFFFFED0];
	[tilespmem:s18+$0x100] =	vst v38;
	v22 =	vpop (erf)  }
0x35a: {  	v25 =	vmul.f32 v36, v56;
	[tilespmem:s18+$0x110] =	vst v22;
	v24 =	vmul.f32 v57, v33;
	v57 =	vld [tilespmem:s25+$0xC0]  }
0x35b: {  	[tilespmem:s18+$0xFFFFFF40] =	vst v20;
	v20 =	vld [tilespmem:s25+$0x140]  }
0x35c: {  	v23 =	vadd.f32 v15, v23;
	v39 =	vld [tilespmem:s8+$0x60];
	[tilespmem:s18+$0xFFFFFFC0] =	vst v25;
	v21 =	vmul.f32 v55, v21  }
0x35d: {  	(xrf2) =	vadd.scan.msk.f32 $0xffff, v17;
	v28 =	vmul.f32 v43, v45;
	v30 =	vld [tilespmem:s25+$0xFFFFFF50];
	[tilespmem:s18+$0xFFFFFE40] =	vst v24  }
0x35e: {  	(xrf2) =	vadd.scan.msk.f32 $0xffff, v23;
	v23 =	vmul.f32 v40, v44;
	v49 =	vld [tilespmem:s25+$0xFFFFFFD0];
	v24 =	vmul.f32 v32, v31;
	[tilespmem:s18+$0x40] =	vst v21;
	v25 =	vpop (erf)  }
0x35f: {  	v17 =	vmul.f32 v46, v42;
	v29 =	vld [tilespmem:s25+$0xFFFFFE50];
	[tilespmem:s18+$0x1A0] =	vst v25;
	v15 =	vpop (erf);
	v31 =	vmul.f32 v62, v57  }
0x360: {  	(xrf2) =	vadd.scan.msk.f32 $0xffff, v18;
	v52 =	vld [tilespmem:s25+$0x50];
	v20 =	vmul.f32 v38, v20;
	v24 =	vadd.f32 v28, v24;
	[tilespmem:s18+$0x1B0] =	vst v15  }
0x361: {  	v17 =	vadd.f32 v23, v17;
	v4 =	vmul.f32 v4, v51;
	v28 =	vmul.f32 v41, v35;
	v21 =	vld [tilespmem:s25+$0x1E0];
	[tilespmem:s18+$0xC0] =	vst v31  }
0x362: {  	v27 =	vmul.f32 v37, v27;
	[tilespmem:s18+$0x140] =	vst v20;
	(xrf2) =	vadd.scan.msk.f32 $0xffff, v24;
	v23 =	vld [tilespmem:s25+$0xD0]  }
0x363: {  	[tilespmem:s24+$0xFFFFFEE0] =	vst v4;
	v20 =	vadd.f32 v28, v26;
	v26 =	vld [tilespmem:s25+$0x150];
	(xrf2) =	vadd.scan.msk.f32 $0xffff, v17;
	v17 =	vmul.f32 v53, v49  }
0x364: {  	v56 =	vld [tilespmem:s9+$0xFFFFFF40];
	[tilespmem:s18+$0xFFFFFED0] =	vst v27;
	v18 =	vmul.f32 v59, v29  }
0x365: {  	v4 =	vld [tilespmem:s22+$0x180];
	[tilespmem:s18+$0xFFFFFFD0] =	vst v17  }
0x366: {  	v55 =	vld [tilespmem:s22+$0xFFFFFE80];
	(xrf2) =	vadd.scan.msk.f32 $0xffff, v20;
	v17 =	vmul.f32 v61, v52;
	[tilespmem:s18+$0xFFFFFE50] =	vst v18;
	v18 =	vmul.f32 v25, v21  }
0x367: {  	v1 =	vmul.f32 v1, v54;
	v27 =	vld [tilespmem:s1+$0xFFFFFFB0];
	v20 =	vmul.f32 v16, v23  }
0x368: {  	v32 =	vld [tilespmem:s9+$0xFFFFFF10];
	[tilespmem:s18+$0x50] =	vst v17;
	v17 =	vmul.f32 v22, v26  }
0x369: {  	[tilespmem:s24+$0xFFFFFE60] =	vst v1;
	v57 =	vld [tilespmem:s22+$0xFFFFFE90]  }
0x36a: {  	v62 =	vld [tilespmem:s22+$0xFFFFFF10];
	[tilespmem:s18+$0x1E0] =	vst v18;
	v18, _, _ =	vpop (xrf2)  }
0x36b: {  	v34 =	vmul.f32 v56, v55;
	v56 =	vld [tilespmem:s22+$0x10];
	v24 =	vmul.f32 v50, v30;
	[tilespmem:s18+$0xD0] =	vst v20;
	v20, _, _ =	vpop (xrf2);
	(v2sf) =	vpush v18, $0xF  }
0x36c: {  	v31 =	vld [tilespmem:s22+$0x190];
	[tilespmem:s18+$0x150] =	vst v17;
	v17, _, _ =	vpop (xrf2);
	(v2sf) =	vpush v20, $0xF  }
0x36d: {  	v49 =	vld [tilespmem:s9+$0xFFFFFFC0];
	[tilespmem:s18+$0xFFFFFF50] =	vst v24;
	(v2sf) =	vpush v17, $0xF;
	v1, _, _ =	vpop (xrf2)  }
0x36e: {  	v24 =	vld [tilespmem:s1+$0xFFFFFFD0];
	(v2sf) =	vpush v1, $0xF;
	v1, _, _ =	vpop (xrf2)  }
0x36f: {  	v23 =	vmul.f32 v5, v60;
	v5 =	vld [tilespmem:s9+$0xD0];
	(v2sf) =	vpush v1, $0xF;
	v1, _, _ =	vpop (xrf2)  }
0x370: {  	v33 =	vmul.f32 v58, v57;
	v58 =	vld [tilespmem:s9+$0x10];
	(v2sf) =	vpush v1, $0xF;
	v1, _, _ =	vpop (xrf2)  }
0x371: {  	v59 =	vld [tilespmem:s22+$0xFFFFFF00];
	(v2sf) =	vpush v1, $0xF  }
0x372: {  	v25 =	vld [tilespmem:s1+$0xFFFFFFF0]  }
0x373: {  	v4 =	vmul.f32 v6, v4;
	v22 =	vld [tilespmem:s8+$0xFFFFFF70]  }
0x374: {  	v28 =	vld [tilespmem:s1+$0xFFFFFF90];
	v54 =	vshll.u32 v24, $0x10;
	v24 =	vand.u32 $0xFFFF0000, v24;
	v5 =	vmul.f32 v5, v31  }
0x375: {  	v61 =	vld [tilespmem:s9+$0xFFFFFF80];
	v57 =	vadd.f32 v33, v34;
	v24 =	vadd.f32 $1.000000000e+00, v24;
	v40 =	vmul.f32 v58, v56  }
0x376: {  	v26 =	vld [tilespmem:s1+$0x10];
	v18 =	vmul.f32 v13, v19;
	v19 =	vmul.f32 v14, v63;
	v4 =	vadd.f32 v5, v4  }
0x377: {  	v29 =	vld [tilespmem:s1+$0x30];
	v13 =	vand.u32 $0xFFFF0000, v27;
	v6 =	vshll.u32 v25, $0x10;
	v25 =	vand.u32 $0xFFFF0000, v25  }
0x378: {  	v63 =	vld [tilespmem:s9+$0xFFFFFF90];
	v7 =	vmul.f32 v7, v22;
	v20 =	vmul.f32 v12, v39;
	v12 =	vshll.u32 v27, $0x10;
	(xrf2) =	vadd.scan.msk.f32 $0xffff, v4  }
0x379: {  	v14 =	vld [tilespmem:s22+$0xFFFFFE10];
	v27 =	vshll.u32 v28, $0x10;
	v13 =	vadd.f32 $1.000000000e+00, v13;
	v31 =	vadd.f32 $1.000000000e+00, v54  }
0x37a: {  	v28 =	vand.u32 $0xFFFF0000, v28;
	v6 =	vadd.f32 $1.000000000e+00, v6;
	v25 =	vadd.f32 $1.000000000e+00, v25;
	s10 =	spop (v2sf)  }
0x37b: {  	v30 =	vld [tilespmem:s1+$0x50];
	v54 =	vmul.f32 v61, v59;
	v61 =	vmul.f32 v49, v48;
	v12 =	vadd.f32 $1.000000000e+00, v12;
	s16 =	spop (v2sf)  }
0x37c: {  	v27 =	vadd.f32 $1.000000000e+00, v27;
	v28 =	vadd.f32 $1.000000000e+00, v28;
	v5 =	vshll.u32 v26, $0x10;
	s0 =	smul.f32 $1.767766920e-01, s10;
	s17 =	spop (v2sf)  }
0x37d: {  	v26 =	vand.u32 $0xFFFF0000, v26;
	v60 =	vshll.u32 v29, $0x10;
	v55 =	vmul.f32 v63, v62;
	s1 =	smul.f32 $1.767766920e-01, s16;
	s26 =	spop (v2sf)  }
0x37e: {  	v42 =	vld [tilespmem:s22+$0x110];
	v5 =	vadd.f32 $1.000000000e+00, v5;
	v14 =	vmul.f32 v32, v14;
	s2 =	smul.f32 $1.767766920e-01, s17;
	v27 =	vmul.f32 s0, v27;
	s3 =	spop (v2sf)  }
0x37f: {  	v37 =	vld [tilespmem:s9+$0xFFFFFF60];
	v26 =	vadd.f32 $1.000000000e+00, v26;
	v28 =	vmul.f32 s0, v28;
	v12 =	vmul.f32 s1, v12;
	s16 =	smul.f32 $1.767766920e-01, s3;
	s17 =	spop (v2sf)  }
0x380: {  	v50 =	vld [tilespmem:s22+$0xFFFFFF90];
	v4 =	vshll.u32 v30, $0x10;
	s6 =	smul.f32 $1.767766920e-01, s26;
	v13 =	vmul.f32 s1, v13;
	v31 =	vmul.f32 s2, v31;
	s3 =	spop (v2sf)  }
0x381: {  	v4 =	vadd.f32 $1.000000000e+00, v4;
	v24 =	vmul.f32 s2, v24;
	s2 =	smul.f32 $1.767766920e-01, s3;
	v51 =	vmul.f32 s16, v26;
	v26 =	vld [tilespmem:s9+$0xFFFFFFD0]  }
0x382: {  	v53 =	vld [tilespmem:s9+$0x0];
	v38 =	vadd.f32 $1.000000000e+00, v60;
	v59, _, _ =	vpop (xrf2);
	v27 =	vmul.f32 $1.442695020e+00, v27;
	v28 =	vmul.f32 $1.442695020e+00, v28  }
0x383: {  	(v2sf) =	vpush v59, $0xF;
	v6 =	vmul.f32 s6, v6;
	v52 =	vmul.f32 s2, v4;
	v4 =	vld [tilespmem:s22+$0x0]  }
0x384: {  	v60 =	vld [tilespmem:s22+$0x80];
	v36 =	vadd.f32 v55, v54;
	v25 =	vmul.f32 s6, v25;
	v12 =	vmul.f32 $1.442695020e+00, v12  }
0x385: {  	v62 =	vld [tilespmem:s9+$0x40];
	(xrf2) =	vadd.scan.msk.f32 $0xffff, v57;
	v13 =	vmul.f32 $1.442695020e+00, v13;
	v5 =	vmul.f32 s16, v5  }
0x386: {  	v29 =	vand.u32 $0xFFFF0000, v29;
	v63 =	vld [tilespmem:s22+$0x90];
	(xrf2) =	vadd.scan.msk.f32 $0xffff, v36;
	(erf) = vpow2.f32 v27;
	v26 =	vmul.f32 v26, v50  }
0x387: {  	v29 =	vadd.f32 $1.000000000e+00, v29;
	s26 =	smul.f32 $1.767766920e-01, s17;
	v27 =	vld [tilespmem:s9+$0x50];
	v31 =	vmul.f32 $1.442695020e+00, v31;
	v24 =	vmul.f32 $1.442695020e+00, v24  }
0x388: {  	v41 =	vld [tilespmem:s9+$0x80];
	(erf) = vpow2.f32 v28;
	v26 =	vadd.f32 v26, v61;
	v4 =	vmul.f32 v53, v4  }
0x389: {  	v21 =	vld [tilespmem:s8+$0xFFFFFEF0];
	v29 =	vmul.f32 s26, v29;
	(erf) = vpow2.f32 v12  }
0x38a: {  	v1 =	vld [tilespmem:s9+$0xFFFFFF00];
	v6 =	vmul.f32 $1.442695020e+00, v6;
	(erf) = vpow2.f32 v13;
	(xrf2) =	vadd.scan.msk.f32 $0xffff, v26;
	v4 =	vadd.f32 v40, v4  }
0x38b: {  	v12 =	vmul.f32 $1.442695020e+00, v25;
	v25 =	vld [tilespmem:s22+$0xFFFFFE00];
	(erf) = vpow2.f32 v31  }
0x38c: {  	s1 =	simm.s32 $0x7C10;
	v13 =	vld [tilespmem:s9+$0x90];
	v31 =	vmul.f32 v62, v60;
	v27 =	vmul.f32 v27, v63;
	(xrf2) =	vadd.scan.msk.f32 $0xffff, v4  }
0x38d: {  	(erf) = vpow2.f32 v24;
	v4 =	vmul.f32 $1.442695020e+00, v5;
	v5 =	vld [tilespmem:s1+$0x60]  }
0x38e: {  	v16 =	vld [tilespmem:s25+$0x1F0];
	v38 =	vmul.f32 s26, v38;
	(erf) = vpow2.f32 v6;
	v6 =	vadd.f32 v27, v31  }
0x38f: {  	v44, _, _ =	vpop (xrf2);
	v28 =	vld [tilespmem:s22+$0x100];
	v43 =	vmul.f32 $1.442695020e+00, v51;
	v29 =	vmul.f32 $1.442695020e+00, v29  }
0x390: {  	v56 =	vld [tilespmem:s22+$0xFFFFFE30];
	(v2sf) =	vpush v44, $0xF;
	v27 =	vmul.f32 $1.442695020e+00, v38;
	v1 =	vmul.f32 v1, v25;
	v31, _, _ =	vpop (xrf2);
	(xrf2) =	vadd.scan.msk.f32 $0xffff, v6  }
0x391: {  	[tilespmem:s24+$0xFFFFFFE0] =	vst v23;
	v23 =	vld [tilespmem:s22+$0xFFFFFEA0];
	(erf) = vpow2.f32 v12;
	v47 =	vmul.f32 v13, v42;
	v12 =	vpop (erf);
	(v2sf) =	vpush v31, $0xF  }
0x392: {  	v22 =	vld [tilespmem:s9+$0xFFFFFF30];
	v1 =	vadd.f32 v14, v1;
	s6 =	spop (v2sf);
	(erf) = vpow2.f32 v4;
	v4 =	vpop (erf);
	v14 =	vshll.u32 v5, $0x10  }
0x393: {  	v17 =	vld [tilespmem:s8+$0xFFFFFE70];
	s0 =	smul.f32 $1.767766920e-01, s6;
	(erf) = vpow2.f32 v43;
	v13 =	vpop (erf);
	v5 =	vand.u32 $0xFFFF0000, v5;
	v49 =	vadd.f32 $1.000000000e+00, v14  }
0x394: {  	v51 =	vld [tilespmem:s22+$0x1B0];
	v25 =	vmul.f32 v41, v28;
	(erf) = vpow2.f32 v27;
	v5 =	vadd.f32 $1.000000000e+00, v5;
	v6, _, _ =	vpop (xrf2)  }
0x395: {  	v50 =	vld [tilespmem:s9+$0xE0];
	(xrf2) =	vadd.scan.msk.f32 $0xffff, v1;
	v1 =	vmul.f32 $1.442695020e+00, v52;
	v36 =	vmul.f32 s0, v49;
	(v2sf) =	vpush v6, $0xF;
	v6 =	vpop (erf)  }
0x396: {  	v27 =	vld [tilespmem:s22+$0x1A0];
	v52 =	vmul.f32 s0, v5;
	(erf) = vpow2.f32 v29;
	v29, _, _ =	vpop (xrf2)  }
0x397: {  	v53 =	vmul.f32 v15, v16;
	v14 =	vpop (erf);
	v36 =	vmul.f32 $1.442695020e+00, v36;
	(v2sf) =	vpush v29, $0xF;
	v29 =	vld [tilespmem:s9+$0xF0]  }
0x398: {  	v45 =	vld [tilespmem:s1+$0xFFFFFFA0];
	v25 =	vadd.f32 v47, v25;
	(erf) = vpow2.f32 v1;
	v16 =	vmul.f32 $1.442695020e+00, v52;
	v5 =	vpop (erf)  }
0x399: {  	v21 =	vmul.f32 v3, v21;
	v48 =	vld [tilespmem:s1+$0x0];
	v15 =	vpop (erf);
	(erf) = vpow2.f32 v36  }
0x39a: {  	v30 =	vand.u32 $0xFFFF0000, v30;
	v54 =	vld [tilespmem:s9+$0xFFFFFF20];
	v55 =	vmul.f32 v2, v17;
	(xrf2) =	vadd.scan.msk.f32 $0xffff, v25;
	v2, _, _ =	vpop (xrf2);
	(erf) = vpow2.f32 v16  }
0x39b: {  	v23 =	vmul.f32 v37, v23;
	v22 =	vmul.f32 v22, v56;
	v30 =	vadd.f32 $1.000000000e+00, v30;
	v35 =	vld [tilespmem:s1+$0x20];
	v1 =	vpop (erf)  }
0x39c: {  	v31 =	vld [tilespmem:s1+$0xFFFFFFC0];
	v3 =	vmul.f32 v50, v27;
	(v2sf) =	vpush v2, $0xF;
	v16 =	vpop (erf);
	v27 =	vmul.f32 v29, v51  }
0x39d: {  	v30 =	vmul.f32 s2, v30;
	v57 =	vshll.u32 v45, $0x10;
	v34 =	vand.u32 $0xFFFF0000, v45;
	v28 =	vld [tilespmem:s1+$0xFFFFFFE0];
	v2 =	vpop (erf)  }
0x39e: {  	[tilespmem:s24+$0xFFFFFEF0] =	vst v21;
	v21 =	vand.u32 $0xFFFF0000, v48;
	v32 =	vadd.f32 $1.000000000e+00, v57;
	v26 =	vld [tilespmem:s22+$0xFFFFFE20];
	v17 =	vpop (erf);
	v27 =	vadd.f32 v27, v3  }
0x39f: {  	[tilespmem:s24+$0xE0] =	vst v18;
	v30 =	vmul.f32 $1.442695020e+00, v30;
	v34 =	vadd.f32 $1.000000000e+00, v34;
	v21 =	vadd.f32 $1.000000000e+00, v21;
	s10 =	spop (v2sf);
	v58, _, _ =	vpop (xrf2)  }
0x3a0: {  	[tilespmem:s18+$0x1F0] =	vst v53;
	v53 =	vshll.u32 v35, $0x10;
	s0 =	smul.f32 $1.767766920e-01, s10;
	v3 =	vpop (erf);
	(v2sf) =	vpush v58, $0xF;
	(xrf2) =	vadd.scan.msk.f32 $0xffff, v27  }
0x3a1: {  	[tilespmem:s24+$0x60] =	vst v20;
	v41 =	vld [tilespmem:s22+$0xFFFFFF20];
	v35 =	vand.u32 $0xFFFF0000, v35;
	v20 =	vshll.u32 v31, $0x10;
	v31 =	vand.u32 $0xFFFF0000, v31;
	s16 =	spop (v2sf);
	v18 =	vpop (erf)  }
0x3a2: {  	[tilespmem:s24+$0x160] =	vst v19;
	s26 =	simm.s32 $0x8D90;
	v42 =	vld [tilespmem:s22+$0x30];
	v47 =	vadd.f32 $1.000000000e+00, v53;
	v20 =	vadd.f32 $1.000000000e+00, v20;
	v19 =	vmul.f32 s0, v32;
	s2 =	smul.f32 $1.767766920e-01, s16;
	v62 =	vpop (erf)  }
0x3a3: {  	v40 =	vld [tilespmem:s9+$0x30];
	v59 =	vshll.u32 v28, $0x10;
	v26 =	vmul.f32 v54, v26;
	v60 =	vmul.f32 s0, v34;
	[tilespmem:s26+$0x180] =	vst v62;
	v63 =	vpop (erf)  }
0x3a4: {  	v36 =	vld [tilespmem:s22+$0xFFFFFF30];
	v19 =	vmul.f32 $1.442695020e+00, v19;
	v20 =	vmul.f32 s2, v20;
	v27 =	vadd.f32 $1.000000000e+00, v31;
	v31, _, _ =	vpop (xrf2);
	[tilespmem:s26+$0x190] =	vst v63  }
0x3a5: {  	v32 =	vmul.f32 $1.442695020e+00, v60;
	(erf) = vpow2.f32 v30;
	(v2sf) =	vpush v31, $0xF;
	v52 =	vld [tilespmem:s22+$0x1C0]  }
0x3a6: {  	v28 =	vand.u32 $0xFFFF0000, v28;
	v30 =	vld [tilespmem:s9+$0xFFFFFFA0];
	(erf) = vpow2.f32 v19;
	v20 =	vmul.f32 $1.442695020e+00, v20;
	s17 =	spop (v2sf)  }
0x3a7: {  	v61 =	vadd.f32 $1.000000000e+00, v59;
	(erf) = vpow2.f32 v32;
	v31 =	vld [tilespmem:s9+$0xFFFFFFB0];
	v27 =	vmul.f32 s2, v27;
	s0 =	smul.f32 $1.767766920e-01, s17  }
0x3a8: {  	[tilespmem:s24+$0xFFFFFF70] =	vst v7;
	v24 =	vld [tilespmem:s1+$0xFFFFFF80];
	v28 =	vadd.f32 $1.000000000e+00, v28;
	v40 =	vmul.f32 v40, v42;
	(erf) = vpow2.f32 v20  }
0x3a9: {  	v46 =	vld [tilespmem:s22+$0xFFFFFFB0];
	[tilespmem:s24+$0xFFFFFE70] =	vst v55;
	v50 =	vshll.u32 v48, $0x10;
	v27 =	vmul.f32 $1.442695020e+00, v27;
	s3 =	spop (v2sf);
	v51 =	vmul.f32 s0, v61  }
0x3aa: {  	v39 =	vld [tilespmem:s22+$0xFFFFFEB0];
	[tilespmem:s18+$0xFFFFFE20] =	vst v12;
	v7 =	vadd.f32 $1.000000000e+00, v50;
	v28 =	vmul.f32 s0, v28;
	s0 =	smul.f32 $1.767766920e-01, s3;
	v34 =	vmul.f32 v62, v52;
	v55, _, _ =	vpop (xrf2)  }
0x3ab: {  	v43 =	vld [tilespmem:s9+$0xFFFFFF70];
	[tilespmem:s18+$0xFFFFFE30] =	vst v4;
	v30 =	vmul.f32 v30, v41;
	(erf) = vpow2.f32 v27;
	s6 =	spop (v2sf);
	(v2sf) =	vpush v55, $0xF  }
0x3ac: {  	v22 =	vadd.f32 v22, v26;
	v25 =	vld [tilespmem:s1+$0x40];
	v31 =	vmul.f32 v31, v36;
	v7 =	vmul.f32 s0, v7;
	[tilespmem:s26+$0x1C0] =	vst v34  }
0x3ad: {  	v29 =	vshll.u32 v24, $0x10;
	v33 =	vmul.f32 $1.442695020e+00, v51;
	v54 =	vmul.f32 s0, v21;
	s0 =	smul.f32 $1.767766920e-01, s6;
	v34 =	vld [tilespmem:s22+$0x1D0]  }
0x3ae: {  	v37 =	vld [tilespmem:s9+$0x60];
	[tilespmem:s18+$0xFFFFFEA0] =	vst v13;
	v28 =	vmul.f32 $1.442695020e+00, v28;
	v56 =	vmul.f32 $1.442695020e+00, v7;
	v7 =	vadd.f32 $1.000000000e+00, v35  }
0x3af: {  	v44 =	vld [tilespmem:s22+$0x130];
	[tilespmem:s18+$0xFFFFFEB0] =	vst v6;
	v20 =	vand.u32 $0xFFFF0000, v24;
	v57 =	vmul.f32 $1.442695020e+00, v54;
	v24 =	vmul.f32 s0, v47;
	s10 =	spop (v2sf)  }
0x3b0: {  	v45 =	vld [tilespmem:s9+$0xFFFFFFE0];
	[tilespmem:s18+$0xFFFFFF20] =	vst v14;
	v27 =	vadd.f32 $1.000000000e+00, v29;
	(erf) = vpow2.f32 v33;
	v7 =	vmul.f32 s0, v7;
	s0 =	smul.f32 $1.767766920e-01, s10  }
0x3b1: {  	v38 =	vld [tilespmem:s22+$0xFFFFFFA0];
	[tilespmem:s18+$0xFFFFFF30] =	vst v5;
	v20 =	vadd.f32 $1.000000000e+00, v20;
	(erf) = vpow2.f32 v28;
	v28 =	vmul.f32 v43, v39  }
0x3b2: {  	v42 =	vld [tilespmem:s8+$0x70];
	[tilespmem:s18+$0xFFFFFFA0] =	vst v15;
	v58 =	vshll.u32 v25, $0x10;
	v27 =	vmul.f32 s0, v27;
	v34 =	vmul.f32 v63, v34  }
0x3b3: {  	v49 =	vld [tilespmem:s22+$0xB0];
	[tilespmem:s18+$0xFFFFFFB0] =	vst v1;
	v25 =	vand.u32 $0xFFFF0000, v25;
	v24 =	vmul.f32 $1.442695020e+00, v24;
	v60 =	vmul.f32 s0, v20  }
0x3b4: {  	v48 =	vld [tilespmem:s9+$0xFFFFFFF0];
	v25 =	vadd.f32 $1.000000000e+00, v25;
	v59 =	vmul.f32 $1.442695020e+00, v7;
	s16 =	spop (v2sf);
	v27 =	vmul.f32 $1.442695020e+00, v27;
	[tilespmem:s26+$0x1D0] =	vst v34  }
0x3b5: {  	[tilespmem:s18+$0x20] =	vst v16;
	v33 =	vadd.f32 $1.000000000e+00, v58;
	v7 =	vpop (erf);
	s0 =	smul.f32 $1.767766920e-01, s16;
	(erf) = vpow2.f32 v56;
	v61 =	vmul.f32 $1.442695020e+00, v60;
	v62 =	vld [tilespmem:s1+$0x70]  }
0x3b6: {  	v19 =	vld [tilespmem:s22+$0x20];
	[tilespmem:s18+$0x30] =	vst v2;
	v23 =	vadd.f32 v28, v23;
	v28 =	vmul.f32 v45, v38;
	v43 =	vpop (erf);
	(erf) = vpow2.f32 v27  }
0x3b7: {  	v32 =	vld [tilespmem:s9+$0xA0];
	[tilespmem:s18+$0xA0] =	vst v17;
	v20 =	vpop (erf);
	v33 =	vmul.f32 s0, v33;
	(erf) = vpow2.f32 v61  }
0x3b8: {  	[tilespmem:s18+$0x120] =	vst v18;
	(xrf2) =	vadd.scan.msk.f32 $0xffff, v22;
	v51 =	vld [tilespmem:s22+$0x120];
	v25 =	vmul.f32 s0, v25;
	(erf) = vpow2.f32 v57  }
0x3b9: {  	v29 =	vld [tilespmem:s22+$0xA0];
	v22 =	vadd.f32 v31, v30;
	(xrf2) =	vadd.scan.msk.f32 $0xffff, v23;
	v34 =	vpop (erf);
	v33 =	vmul.f32 $1.442695020e+00, v33;
	(erf) = vpow2.f32 v24  }
0x3ba: {  	v31 =	vld [tilespmem:s25+$0xFFFFFFE0];
	[tilespmem:s26+$0xFFFFFE80] =	vst v43;
	v25 =	vmul.f32 $1.442695020e+00, v25;
	v36 =	vpop (erf);
	(erf) = vpow2.f32 v59;
	v59 =	vand.u32 $0xFFFF0000, v62;
	s17 =	spop (v2sf)  }
0x3bb: {  	v21 =	vld [tilespmem:s9+$0x20];
	[tilespmem:s26+$0xFFFFFE90] =	vst v20;
	v41 =	vpop (erf);
	v57 =	vshll.u32 v62, $0x10;
	(erf) = vpow2.f32 v33;
	v30 =	vadd.f32 $1.000000000e+00, v59;
	s0 =	smul.f32 $1.767766920e-01, s17  }
0x3bc: {  	v39 =	vld [tilespmem:s9+$0x70];
	v56 =	vmul.f32 v48, v46;
	[tilespmem:s26+$0xFFFFFF00] =	vst v34;
	v35 =	vpop (erf);
	v45 =	vadd.f32 $1.000000000e+00, v57;
	(erf) = vpow2.f32 v25  }
0x3bd: {  	v32 =	vmul.f32 v32, v51;
	v51 =	vld [tilespmem:s8+$0xF0];
	(xrf2) =	vadd.scan.msk.f32 $0xffff, v22;
	[tilespmem:s26+$0xFFFFFF10] =	vst v36;
	v22 =	vmul.f32 s0, v30  }
0x3be: {  	v46 =	vld [tilespmem:s25+$0xFFFFFEE0];
	v23 =	vadd.f32 v56, v28;
	[tilespmem:s26+$0xFFFFFF80] =	vst v41;
	v33 =	vpop (erf);
	v28 =	vmul.f32 s0, v45  }
0x3bf: {  	v27 =	vld [tilespmem:s9+$0xB0];
	[tilespmem:s26+$0xFFFFFF90] =	vst v35;
	v60 =	vpop (erf);
	v22 =	vmul.f32 $1.442695020e+00, v22  }
0x3c0: {  	v26 =	vld [tilespmem:s22+$0xFFFFFF40];
	[tilespmem:s26+$0x0] =	vst v33;
	v28 =	vmul.f32 $1.442695020e+00, v28;
	v45 =	vpop (erf)  }
0x3c1: {  	v63 =	vld [tilespmem:s22+$0xFFFFFEC0];
	[tilespmem:s26+$0xFFFFFE00] =	vst v60;
	v50 =	vpop (erf)  }
0x3c2: {  	v24 =	vld [tilespmem:s25+$0xFFFFFE60];
	[tilespmem:s26+$0xFFFFFE10] =	vst v45;
	(erf) = vpow2.f32 v28;
	v54 =	vpop (erf)  }
0x3c3: {  	v58 =	vld [tilespmem:s22+$0xFFFFFFC0];
	(erf) = vpow2.f32 v22;
	[tilespmem:s26+$0x80] =	vst v54;
	v22 =	vpop (erf)  }
0x3c4: {  	v29 =	vmul.f32 v37, v29;
	v19 =	vmul.f32 v21, v19;
	v25 =	vld [tilespmem:s25+$0xFFFFFF60];
	[tilespmem:s26+$0x90] =	vst v22;
	v37 =	vpop (erf)  }
0x3c5: {  	v26 =	vmul.f32 v34, v26;
	v61 =	vld [tilespmem:s22+$0xFFFFFE40];
	[tilespmem:s26+$0x100] =	vst v37;
	v52 =	vpop (erf)  }
0x3c6: {  	v19 =	vadd.f32 v40, v19;
	(xrf2) =	vadd.scan.msk.f32 $0xffff, v23;
	v27 =	vmul.f32 v27, v44;
	v62 =	vld [tilespmem:s22+$0xC0];
	[tilespmem:s26+$0x110] =	vst v52  }
0x3c7: {  	v39 =	vmul.f32 v39, v49;
	[tilespmem:s26+$0xFFFFFF40] =	vst v26;
	v55 =	vld [tilespmem:s22+$0x140]  }
0x3c8: {  	v43 =	vmul.f32 v43, v63;
	v63, _, _ =	vpop (xrf2);
	(xrf2) =	vadd.scan.msk.f32 $0xffff, v19;
	v26 =	vadd.f32 v27, v32;
	v27 =	vld [tilespmem:s22+$0xFFFFFF50];
	[tilespmem:s26+$0x10] =	vst v50  }
0x3c9: {  	[tilespmem:s18+$0x130] =	vst v7;
	v29 =	vadd.f32 v39, v29;
	v21 =	vld [tilespmem:s22+$0x40]  }
0x3ca: {  	[tilespmem:s18+$0xB0] =	vst v3;
	v48 =	vld [tilespmem:s25+$0x160];
	(v2sf) =	vpush v63, $0xF;
	v56 =	vmul.f32 v41, v58;
	v38 =	vmul.f32 v60, v61  }
0x3cb: {  	v23 =	vld [tilespmem:s25+$0xE0];
	v53, _, _ =	vpop (xrf2);
	(xrf2) =	vadd.scan.msk.f32 $0xffff, v29;
	[tilespmem:s26+$0xFFFFFEC0] =	vst v43;
	v61 =	vmul.f32 v13, v46;
	v13 =	vmul.f32 v54, v62  }
0x3cc: {  	v30 =	vld [tilespmem:s25+$0x60];
	[tilespmem:s26+$0xFFFFFFC0] =	vst v56;
	v62 =	vmul.f32 v14, v25;
	v14 =	vmul.f32 v37, v55  }
0x3cd: {  	v57, _, _ =	vpop (xrf2);
	v24 =	vmul.f32 v12, v24;
	v58 =	vld [tilespmem:s22+$0xFFFFFED0];
	[tilespmem:s26+$0xFFFFFE40] =	vst v38  }
0x3ce: {  	(xrf2) =	vadd.scan.msk.f32 $0xffff, v26;
	v12 =	vmul.f32 v33, v21;
	v21 =	vld [tilespmem:s22+$0xFFFFFFD0];
	v59 =	vpop (erf);
	[tilespmem:s26+$0x140] =	vst v14;
	v14 =	vmul.f32 v36, v27  }
0x3cf: {  	(v2sf) =	vpush v53, $0xF;
	v29 =	vld [tilespmem:s22+$0xFFFFFE50];
	[tilespmem:s26+$0x1A0] =	vst v59;
	v60 =	vpop (erf)  }
0x3d0: {  	(v2sf) =	vpush v57, $0xF;
	v19, _, _ =	vpop (xrf2);
	v28 =	vld [tilespmem:s8+$0xFFFFFFF0];
	[tilespmem:s26+$0x1B0] =	vst v60  }
0x3d1: {  	(v2sf) =	vpush v19, $0xF;
	[tilespmem:s26+$0x40] =	vst v12;
	v12 =	vld [tilespmem:s22+$0x1E0]  }
0x3d2: {  	v26 =	vld [tilespmem:s8+$0x170];
	v19 =	vmul.f32 v16, v30;
	[tilespmem:s26+$0xFFFFFF50] =	vst v14;
	v14, _, _ =	vpop (xrf2)  }
0x3d3: {  	v25 =	vld [tilespmem:s22+$0x50];
	[tilespmem:s26+$0xC0] =	vst v13;
	v13 =	vmul.f32 v18, v48;
	v18 =	vmul.f32 v35, v21;
	(v2sf) =	vpush v14, $0xF  }
0x3d4: {  	v20 =	vmul.f32 v20, v58;
	v16 =	vmul.f32 v45, v29;
	v29 =	vld [tilespmem:s22+$0xD0]  }
0x3d5: {  	v63 =	vmul.f32 v15, v31;
	v15 =	vmul.f32 v17, v23;
	[tilespmem:s26+$0xFFFFFFD0] =	vst v18;
	v17 =	vld [tilespmem:s22+$0x150];
	v14, _, _ =	vpop (xrf2)  }
0x3d6: {  	[tilespmem:s26+$0xFFFFFED0] =	vst v20;
	v8 =	vmul.f32 v8, v28;
	v28 =	vld [tilespmem:s1+$0xFFFFFFF0];
	v12 =	vmul.f32 v59, v12;
	(v2sf) =	vpush v14, $0xF  }
0x3d7: {  	[tilespmem:s26+$0xFFFFFE50] =	vst v16;
	v16 =	vld [tilespmem:s1+$0xFFFFFFB0]  }
0x3d8: {  	v20 =	vld [tilespmem:s1+$0xFFFFFF90];
	[tilespmem:s26+$0x1E0] =	vst v12;
	v12 =	vmul.f32 v11, v26;
	v11, _, _ =	vpop (xrf2)  }
0x3d9: {  	s2 =	spop (v2sf);
	v18 =	vmul.f32 v50, v25;
	v23 =	vld [tilespmem:s1+$0xFFFFFFD0];
	(v2sf) =	vpush v11, $0xF  }
0x3da: {  	[tilespmem:s18+$0xFFFFFFE0] =	vst v63;
	v21 =	vmul.f32 v22, v29  }
0x3db: {  	v9 =	vmul.f32 v9, v42;
	[tilespmem:s26+$0x50] =	vst v18;
	v14 =	vmul.f32 v52, v17;
	v22 =	vld [tilespmem:s22+$0x1F0]  }
0x3dc: {  	v10 =	vmul.f32 v10, v51;
	v31 =	vld [tilespmem:s1+$0x10];
	v30 =	vshll.u32 v28, $0x10;
	v29 =	vand.u32 $0xFFFF0000, v28;
	[tilespmem:s26+$0xD0] =	vst v21  }
0x3dd: {  	v11 =	vshll.u32 v16, $0x10;
	v16 =	vand.u32 $0xFFFF0000, v16;
	v18 =	vshll.u32 v20, $0x10;
	v26 =	vld [tilespmem:s1+$0x30];
	[tilespmem:s26+$0x150] =	vst v14  }
0x3de: {  	[tilespmem:s18+$0xFFFFFE60] =	vst v24;
	s3 =	spop (v2sf);
	s10 =	smul.f32 $1.767766920e-01, s2;
	v20 =	vand.u32 $0xFFFF0000, v20;
	v17 =	vadd.f32 $1.000000000e+00, v11;
	v11 =	vshll.u32 v23, $0x10;
	v27 =	vld [tilespmem:s1+$0x50]  }
0x3df: {  	[tilespmem:s18+$0xFFFFFEE0] =	vst v61;
	s16 =	smul.f32 $1.767766920e-01, s3;
	s6 =	spop (v2sf);
	v23 =	vand.u32 $0xFFFF0000, v23;
	v14 =	vld [tilespmem:s25+$0xFFFFFE70];
	v21 =	vadd.f32 $1.000000000e+00, v18;
	v25 =	vadd.f32 $1.000000000e+00, v20  }
0x3e0: {  	[tilespmem:s18+$0xFFFFFF60] =	vst v62;
	s17 =	smul.f32 $1.767766920e-01, s6;
	s8 =	spop (v2sf);
	v20 =	vadd.f32 $1.000000000e+00, v16;
	v18 =	vadd.f32 $1.000000000e+00, v11;
	v16 =	vld [tilespmem:s25+$0xFFFFFEF0];
	v28 =	vmul.f32 v60, v22  }
0x3e1: {  	s6 =	simm.s32 $0x3790;
	s2 =	smul.f32 $1.767766920e-01, s8;
	s8 =	simm.s32 $0x10;
	v24 =	vshll.u32 v31, $0x10;
	v31 =	vand.u32 $0xFFFF0000, v31;
	v11 =	vld [tilespmem:s25+$0xFFFFFF70];
	v22 =	vadd.f32 $1.000000000e+00, v23  }
.LBB2_7:
0x3e2: {  	v23 =	vld [tilespmem:s6+$0x180];
	v30 =	vadd.f32 $1.000000000e+00, v30;
	v32 =	vshll.u32 v26, $0x10;
	v26 =	vand.u32 $0xFFFF0000, v26;
	[tilespmem:s26+$0x1F0] =	vst v28;
	s9 =	sadd.s32 $0x200, s9;
	s0 =	spop (v2sf)  }
0x3e3: {  	v29 =	vadd.f32 $1.000000000e+00, v29;
	v28 =	vld [tilespmem:s9+$0xC0];
	s0 =	smul.f32 $1.767766920e-01, s0;
	v33 =	vshll.u32 v27, $0x10;
	v27 =	vand.u32 $0xFFFF0000, v27;
	[tilespmem:s18+$0x60] =	vst v19  }
0x3e4: {  	v21 =	vmul.f32 s10, v21;
	v24 =	vadd.f32 $1.000000000e+00, v24;
	v31 =	vadd.f32 $1.000000000e+00, v31;
	v19 =	vld [tilespmem:s6+$0x190];
	[tilespmem:s18+$0xE0] =	vst v15  }
0x3e5: {  	v25 =	vmul.f32 s10, v25;
	v32 =	vadd.f32 $1.000000000e+00, v32;
	v26 =	vadd.f32 $1.000000000e+00, v26;
	v15 =	vld [tilespmem:s9+$0xD0];
	s10 =	spop (v2sf);
	[tilespmem:s18+$0x160] =	vst v13  }
0x3e6: {  	v17 =	vmul.f32 s16, v17;
	v33 =	vadd.f32 $1.000000000e+00, v33;
	v27 =	vadd.f32 $1.000000000e+00, v27;
	v13 =	vld [tilespmem:s9+$0xFFFFFF00];
	s10 =	smul.f32 $1.767766920e-01, s10;
	[tilespmem:s24+$0xFFFFFFF0] =	vst v8  }
0x3e7: {  	s8 =	sadd.s32 $0x8, s8;
	v20 =	vmul.f32 s16, v20;
	v18 =	vmul.f32 s17, v18;
	v8 =	vld [tilespmem:s6+$0xFFFFFE10];
	[tilespmem:s24+$0x70] =	vst v9  }
0x3e8: {  	p0 =	slt.u32 s8, $0x48;
	v22 =	vmul.f32 s17, v22;
	v30 =	vmul.f32 s2, v30;
	v9 =	vld [tilespmem:s9+$0xFFFFFF10];
	s16 =	spop (v2sf);
	[tilespmem:s24+$0xF0] =	vst v10  }
0x3e9: {  	v29 =	vmul.f32 s2, v29;
	v24 =	vmul.f32 s0, v24;
	v10 =	vld [tilespmem:s6+$0xFFFFFE80];
	s2 =	smul.f32 $1.767766920e-01, s16;
	[tilespmem:s24+$0x170] =	vst v12;
	s24 =	smov.u32 s18;
	s18 =	smov.u32 s26  }
0x3ea: {  	v12 =	vmul.f32 v28, v23;
	v34 =	vld [tilespmem:s9+$0xFFFFFF40];
	v15 =	vmul.f32 v15, v19  }
0x3eb: {  	v23 =	vmul.f32 s0, v31;
	v28 =	vmul.f32 s10, v32;
	v19 =	vld [tilespmem:s6+$0xFFFFFE90]  }
0x3ec: {  	v26 =	vmul.f32 s10, v26;
	v32 =	vmul.f32 s2, v33;
	v31 =	vld [tilespmem:s9+$0xFFFFFF50];
	v15 =	vadd.f32 v15, v12  }
0x3ed: {  	v12 =	vmul.f32 v9, v8;
	v8 =	vld [tilespmem:s6+$0xFFFFFF00];
	v9 =	vmul.f32 s2, v27  }
0x3ee: {  	v27 =	vld [tilespmem:s9+$0xFFFFFF80];
	(xrf2) =	vadd.scan.msk.f32 $0xffff, v15;
	v15 =	vmul.f32 $1.442695020e+00, v21;
	v21 =	vmul.f32 $1.442695020e+00, v25  }
0x3ef: {  	v33 =	vmul.f32 $1.442695020e+00, v17;
	v10 =	vmul.f32 v34, v10;
	v25 =	vld [tilespmem:s6+$0xFFFFFF10]  }
0x3f0: {  	v20 =	vmul.f32 $1.442695020e+00, v20;
	v18 =	vmul.f32 $1.442695020e+00, v18;
	v17 =	vld [tilespmem:s9+$0xFFFFFF90]  }
0x3f1: {  	v22 =	vmul.f32 $1.442695020e+00, v22;
	v19 =	vmul.f32 v31, v19;
	v31 =	vld [tilespmem:s6+$0xFFFFFF80]  }
0x3f2: {  	v30 =	vmul.f32 $1.442695020e+00, v30;
	v29 =	vmul.f32 $1.442695020e+00, v29;
	v34 =	vld [tilespmem:s9+$0xFFFFFFC0]  }
0x3f3: {  	v24 =	vmul.f32 $1.442695020e+00, v24;
	v10 =	vadd.f32 v19, v10;
	v8 =	vmul.f32 v27, v8;
	v19 =	vld [tilespmem:s6+$0xFFFFFF90]  }
0x3f4: {  	v23 =	vmul.f32 $1.442695020e+00, v23;
	v28 =	vmul.f32 $1.442695020e+00, v28;
	v27 =	vld [tilespmem:s9+$0xFFFFFFD0]  }
0x3f5: {  	v26 =	vmul.f32 $1.442695020e+00, v26;
	v25 =	vmul.f32 v17, v25;
	v35 =	vld [tilespmem:s6+$0x0];
	(xrf2) =	vadd.scan.msk.f32 $0xffff, v10  }
0x3f6: {  	v32 =	vmul.f32 $1.442695020e+00, v32;
	v17 =	vmul.f32 $1.442695020e+00, v9;
	v10 =	vld [tilespmem:s9+$0x0]  }
0x3f7: {  	v8 =	vadd.f32 v25, v8;
	v9 =	vmul.f32 v34, v31;
	v25 =	vld [tilespmem:s6+$0x10];
	(erf) = vpow2.f32 v15  }
0x3f8: {  	v4 =	vmul.f32 v4, v14;
	v15 =	vld [tilespmem:s9+$0x10];
	v31, _, _ =	vpop (xrf2);
	(erf) = vpow2.f32 v21  }
0x3f9: {  	v14 =	vmul.f32 v27, v19;
	v19 =	vld [tilespmem:s6+$0x80];
	(xrf2) =	vadd.scan.msk.f32 $0xffff, v8;
	(v2sf) =	vpush v31, $0xF;
	(erf) = vpow2.f32 v33  }
0x3fa: {  	v5 =	vmul.f32 v5, v11;
	v8 =	vld [tilespmem:s9+$0x40];
	[tilespmem:s24+$0xFFFFFE70] =	vst v4;
	v4 =	vmul.f32 v6, v16  }
0x3fb: {  	v6 =	vadd.f32 v14, v9;
	v9 =	vmul.f32 v10, v35;
	v10 =	vld [tilespmem:s6+$0x90];
	(erf) = vpow2.f32 v20  }
0x3fc: {  	v11 =	vld [tilespmem:s9+$0x50];
	(erf) = vpow2.f32 v18;
	[tilespmem:s24+$0xFFFFFEF0] =	vst v4  }
0x3fd: {  	v4 =	vmul.f32 v15, v25;
	v14 =	vld [tilespmem:s6+$0x100];
	(xrf2) =	vadd.scan.msk.f32 $0xffff, v6;
	(erf) = vpow2.f32 v22;
	[tilespmem:s24+$0xFFFFFF70] =	vst v5  }
0x3fe: {  	v5 =	vld [tilespmem:s9+$0x80]  }
0x3ff: {  	v20 =	vadd.f32 v4, v9;
	v6 =	vmul.f32 v8, v19;
	v15 =	vld [tilespmem:s6+$0x110];
	v8, _, _ =	vpop (xrf2);
	(erf) = vpow2.f32 v30  }
0x400: {  	v16 =	vld [tilespmem:s9+$0x90];
	(v2sf) =	vpush v8, $0xF;
	v8 =	vpop (erf);
	(erf) = vpow2.f32 v29  }
0x401: {  	v18 =	vld [tilespmem:s6+$0xFFFFFE00];
	v10 =	vmul.f32 v11, v10;
	(xrf2) =	vadd.scan.msk.f32 $0xffff, v20;
	[tilespmem:s26+$0xFFFFFE20] =	vst v8;
	v4 =	vpop (erf);
	(erf) = vpow2.f32 v24  }
0x402: {  	s1 =	sadd.s32 $0x100, s1;
	v19 =	vld [tilespmem:s6+$0xFFFFFE20];
	[tilespmem:s26+$0xFFFFFE30] =	vst v4;
	v9 =	vpop (erf)  }
0x403: {  	v22 =	vadd.f32 v10, v6;
	v11 =	vmul.f32 v5, v14;
	v14 =	vld [tilespmem:s1+$0x60];
	v5, _, _ =	vpop (xrf2);
	[tilespmem:s26+$0xFFFFFEA0] =	vst v9;
	(erf) = vpow2.f32 v23  }
0x404: {  	v20 =	vld [tilespmem:s1+$0xFFFFFF80];
	(v2sf) =	vpush v5, $0xF;
	v6 =	vpop (erf);
	(erf) = vpow2.f32 v28  }
0x405: {  	v21 =	vld [tilespmem:s1+$0xFFFFFFA0];
	v15 =	vmul.f32 v16, v15;
	(xrf2) =	vadd.scan.msk.f32 $0xffff, v22;
	[tilespmem:s26+$0xFFFFFEB0] =	vst v6;
	v10 =	vpop (erf);
	(erf) = vpow2.f32 v26  }
0x406: {  	v24 =	vmul.f32 v13, v18;
	v16 =	vld [tilespmem:s1+$0xFFFFFFC0];
	[tilespmem:s26+$0xFFFFFF20] =	vst v10;
	v5 =	vpop (erf)  }
0x407: {  	v18 =	vld [tilespmem:s1+$0xFFFFFFE0];
	v22 =	vadd.f32 v15, v11;
	v11, _, _ =	vpop (xrf2);
	[tilespmem:s26+$0xFFFFFF30] =	vst v5;
	(erf) = vpow2.f32 v32  }
0x408: {  	v32 =	vadd.f32 v12, v24;
	v23 =	vld [tilespmem:s1+$0x0];
	v30 =	vshll.u32 v14, $0x10;
	(v2sf) =	vpush v11, $0xF;
	s0 =	spop (v2sf);
	v13 =	vpop (erf)  }
0x409: {  	v14 =	vand.u32 $0xFFFF0000, v14;
	v24 =	vshll.u32 v20, $0x10;
	v25 =	vld [tilespmem:s1+$0x20];
	s0 =	smul.f32 $1.767766920e-01, s0;
	v26 =	vadd.f32 $1.000000000e+00, v30;
	[tilespmem:s26+$0xFFFFFFA0] =	vst v13;
	v11 =	vpop (erf)  }
0x40a: {  	v27 =	vand.u32 $0xFFFF0000, v20;
	v14 =	vadd.f32 $1.000000000e+00, v14;
	v28 =	vshll.u32 v21, $0x10;
	v29 =	vld [tilespmem:s6+$0x1A0];
	(xrf2) =	vadd.scan.msk.f32 $0xffff, v32;
	v15 =	vpop (erf)  }
0x40b: {  	v21 =	vand.u32 $0xFFFF0000, v21;
	v30 =	vshll.u32 v16, $0x10;
	v31 =	vld [tilespmem:s9+$0xE0];
	v20 =	vmul.f32 s0, v26;
	v12, _, _ =	vpop (xrf2);
	[tilespmem:s26+$0xFFFFFFB0] =	vst v11  }
0x40c: {  	v26 =	vand.u32 $0xFFFF0000, v16;
	v38 =	vmul.f32 s0, v14;
	v32 =	vld [tilespmem:s6+$0x1B0];
	(v2sf) =	vpush v12, $0xF;
	[tilespmem:s26+$0x20] =	vst v15;
	v12 =	vpop (erf)  }
0x40d: {  	v33 =	vshll.u32 v18, $0x10;
	v34 =	vand.u32 $0xFFFF0000, v18;
	v35 =	vld [tilespmem:s9+$0xF0];
	v42 =	vmul.f32 $1.442695020e+00, v20;
	(xrf2) =	vadd.scan.msk.f32 $0xffff, v22;
	v16 =	vpop (erf)  }
0x40e: {  	v22 =	vshll.u32 v23, $0x10;
	v23 =	vand.u32 $0xFFFF0000, v23;
	v37 =	vmul.f32 $1.442695020e+00, v38;
	v36 =	vld [tilespmem:s1+$0x40];
	[tilespmem:s26+$0x30] =	vst v12;
	v14 =	vpop (erf)  }
0x40f: {  	v39 =	vshll.u32 v25, $0x10;
	v25 =	vand.u32 $0xFFFF0000, v25;
	v38 =	vld [tilespmem:s9+$0xFFFFFF20];
	s0 =	spop (v2sf);
	v40, _, _ =	vpop (xrf2);
	(erf) = vpow2.f32 v42;
	[tilespmem:s26+$0xA0] =	vst v16  }
0x410: {  	v20 =	vadd.f32 $1.000000000e+00, v24;
	v41 =	vld [tilespmem:s6+$0xFFFFFE30];
	s0 =	smul.f32 $1.767766920e-01, s0;
	(v2sf) =	vpush v40, $0xF;
	(erf) = vpow2.f32 v37;
	[tilespmem:s26+$0xB0] =	vst v14;
	v18 =	vpop (erf)  }
0x411: {  	v27 =	vadd.f32 $1.000000000e+00, v27;
	v28 =	vadd.f32 $1.000000000e+00, v28;
	v24 =	vld [tilespmem:s9+$0xFFFFFF30];
	[tilespmem:s26+$0x120] =	vst v18;
	(erf) = vpow2.f32 v17  }
0x412: {  	v17 =	vadd.f32 $1.000000000e+00, v21;
	v21 =	vmul.f32 v31, v29;
	v37 =	vld [tilespmem:s6+$0xFFFFFEA0];
	v40 =	vmul.f32 v35, v32  }
0x413: {  	v30 =	vadd.f32 $1.000000000e+00, v30;
	v31 =	vld [tilespmem:s9+$0xFFFFFF60];
	v32 =	vshll.u32 v36, $0x10;
	v35 =	vand.u32 $0xFFFF0000, v36;
	s2 =	spop (v2sf)  }
0x414: {  	v26 =	vadd.f32 $1.000000000e+00, v26;
	v28 =	vmul.f32 s0, v28;
	v36 =	vld [tilespmem:s6+$0xFFFFFEB0];
	s2 =	smul.f32 $1.767766920e-01, s2;
	v21 =	vadd.f32 v40, v21;
	v29, _, _ =	vpop (xrf2)  }
0x415: {  	v42 =	vmul.f32 s0, v17;
	v17 =	vadd.f32 $1.000000000e+00, v33;
	v40 =	vld [tilespmem:s9+$0xFFFFFF70];
	(v2sf) =	vpush v29, $0xF  }
0x416: {  	v22 =	vadd.f32 $1.000000000e+00, v22;
	v33 =	vadd.f32 $1.000000000e+00, v34;
	v29 =	vld [tilespmem:s6+$0xFFFFFF20];
	v30 =	vmul.f32 s2, v30;
	(xrf2) =	vadd.scan.msk.f32 $0xffff, v21  }
0x417: {  	v23 =	vadd.f32 $1.000000000e+00, v23;
	v34 =	vadd.f32 $1.000000000e+00, v39;
	v26 =	vmul.f32 s2, v26;
	v21 =	vld [tilespmem:s9+$0xFFFFFFA0];
	s0 =	spop (v2sf);
	v39, _, _ =	vpop (xrf2)  }
0x418: {  	v25 =	vadd.f32 $1.000000000e+00, v25;
	s26 =	sadd.s32 $0x400, s26;
	v19 =	vmul.f32 v38, v19;
	v38 =	vld [tilespmem:s6+$0xFFFFFF30];
	s0 =	smul.f32 $1.767766920e-01, s0;
	(v2sf) =	vpush v39, $0xF;
	v39 =	vpop (erf)  }
0x419: {  	v28 =	vmul.f32 $1.442695020e+00, v28;
	v32 =	vadd.f32 $1.000000000e+00, v32;
	v35 =	vadd.f32 $1.000000000e+00, v35;
	v43 =	vld [tilespmem:s9+$0xFFFFFFB0];
	[tilespmem:s26+$0x180] =	vst v39;
	v44 =	vpop (erf)  }
0x41a: {  	v45 =	vld [tilespmem:s6+$0xFFFFFFA0];
	v46 =	vmul.f32 s0, v17;
	v33 =	vmul.f32 s0, v33;
	[tilespmem:s26+$0x190] =	vst v44;
	v17 =	vpop (erf)  }
0x41b: {  	v42 =	vmul.f32 $1.442695020e+00, v42;
	v30 =	vmul.f32 $1.442695020e+00, v30;
	v47 =	vld [tilespmem:s6+$0x1C0];
	s0 =	spop (v2sf);
	[tilespmem:s18+$0x130] =	vst v17  }
0x41c: {  	v26 =	vmul.f32 $1.442695020e+00, v26;
	v48 =	vld [tilespmem:s9+$0xFFFFFFE0];
	v46 =	vmul.f32 $1.442695020e+00, v46;
	s0 =	smul.f32 $1.767766920e-01, s0  }
0x41d: {  	v33 =	vmul.f32 $1.442695020e+00, v33;
	v49 =	vld [tilespmem:s6+$0xFFFFFFB0];
	(erf) = vpow2.f32 v28  }
0x41e: {  	v28 =	vld [tilespmem:s9+$0xFFFFFFF0];
	v22 =	vmul.f32 s0, v22;
	v23 =	vmul.f32 s0, v23  }
0x41f: {  	v24 =	vmul.f32 v24, v41;
	v41 =	vld [tilespmem:s6+$0x20];
	(erf) = vpow2.f32 v42;
	s0 =	spop (v2sf)  }
0x420: {  	v42 =	vld [tilespmem:s9+$0x20];
	v22 =	vmul.f32 $1.442695020e+00, v22;
	s0 =	smul.f32 $1.767766920e-01, s0;
	v39 =	vmul.f32 v39, v47;
	v47, _, _ =	vpop (xrf2)  }
0x421: {  	v23 =	vmul.f32 $1.442695020e+00, v23;
	v50 =	vld [tilespmem:s6+$0x30];
	(erf) = vpow2.f32 v30;
	(v2sf) =	vpush v47, $0xF  }
0x422: {  	v19 =	vadd.f32 v24, v19;
	v24 =	vld [tilespmem:s9+$0x30];
	v30 =	vmul.f32 s0, v34;
	v25 =	vmul.f32 s0, v25;
	[tilespmem:s26+$0x1C0] =	vst v39  }
0x423: {  	v31 =	vmul.f32 v31, v37;
	v34 =	vld [tilespmem:s6+$0x1D0];
	(erf) = vpow2.f32 v26  }
0x424: {  	v26 =	vld [tilespmem:s6+$0xA0];
	v30 =	vmul.f32 $1.442695020e+00, v30;
	v25 =	vmul.f32 $1.442695020e+00, v25;
	s0 =	spop (v2sf)  }
0x425: {  	v36 =	vmul.f32 v40, v36;
	s0 =	smul.f32 $1.767766920e-01, s0;
	v37 =	vld [tilespmem:s9+$0x60];
	(erf) = vpow2.f32 v46  }
0x426: {  	v29 =	vmul.f32 v21, v29;
	v39 =	vld [tilespmem:s6+$0xB0];
	(xrf2) =	vadd.scan.msk.f32 $0xffff, v19;
	v19 =	vpop (erf);
	(erf) = vpow2.f32 v33  }
0x427: {  	v31 =	vadd.f32 v36, v31;
	v21 =	vmul.f32 s0, v20;
	v27 =	vmul.f32 s0, v27;
	[tilespmem:s26+$0xFFFFFE80] =	vst v19;
	v33 =	vld [tilespmem:s9+$0x70];
	s0 =	spop (v2sf)  }
0x428: {  	s0 =	smul.f32 $1.767766920e-01, s0;
	v36 =	vld [tilespmem:s6+$0x120];
	v40 =	vmul.f32 v44, v34;
	v20 =	vpop (erf);
	(erf) = vpow2.f32 v22  }
0x429: {  	v44 =	vmul.f32 $1.442695020e+00, v21;
	v22 =	vmul.f32 $1.442695020e+00, v27;
	[tilespmem:s26+$0xFFFFFE90] =	vst v20;
	v27 =	vld [tilespmem:s9+$0xA0];
	(xrf2) =	vadd.scan.msk.f32 $0xffff, v31  }
0x42a: {  	v31 =	vld [tilespmem:s6+$0x130];
	v32 =	vmul.f32 s0, v32;
	v35 =	vmul.f32 s0, v35;
	[tilespmem:s26+$0x1D0] =	vst v40;
	v34 =	vpop (erf)  }
0x42b: {  	v38 =	vmul.f32 v43, v38;
	[tilespmem:s26+$0xFFFFFF00] =	vst v34;
	v40 =	vld [tilespmem:s1+$0x70];
	(erf) = vpow2.f32 v44  }
0x42c: {  	v43 =	vld [tilespmem:s9+$0xB0];
	v32 =	vmul.f32 $1.442695020e+00, v32;
	v35 =	vmul.f32 $1.442695020e+00, v35;
	v21 =	vpop (erf)  }
0x42d: {  	v29 =	vadd.f32 v38, v29;
	v38 =	vmul.f32 v48, v45;
	v44 =	vld [tilespmem:s6+$0xFFFFFEC0];
	[tilespmem:s26+$0xFFFFFF10] =	vst v21;
	(erf) = vpow2.f32 v22  }
0x42e: {  	v28 =	vmul.f32 v28, v49;
	v45 =	vld [tilespmem:s6+$0xFFFFFF40];
	v46 =	vpop (erf);
	(erf) = vpow2.f32 v23  }
0x42f: {  	v23 =	vmul.f32 v42, v41;
	[tilespmem:s26+$0xFFFFFF80] =	vst v46;
	v22 =	vpop (erf);
	(erf) = vpow2.f32 v30;
	v30 =	vld [tilespmem:s22+$0xFFFFFE60]  }
0x430: {  	v24 =	vmul.f32 v24, v50;
	[tilespmem:s26+$0xFFFFFF90] =	vst v22;
	v41 =	vshll.u32 v40, $0x10;
	v42, _, _ =	vpop (xrf2);
	(erf) = vpow2.f32 v25;
	s0 =	spop (v2sf);
	v25 =	vld [tilespmem:s22+$0xFFFFFEE0]  }
0x431: {  	v40 =	vand.u32 $0xFFFF0000, v40;
	v47 =	vld [tilespmem:s6+$0xFFFFFFC0];
	s0 =	smul.f32 $1.767766920e-01, s0;
	v41 =	vadd.f32 $1.000000000e+00, v41;
	v48 =	vpop (erf);
	(erf) = vpow2.f32 v32  }
0x432: {  	v26 =	vmul.f32 v37, v26;
	v40 =	vadd.f32 $1.000000000e+00, v40;
	(xrf2) =	vadd.scan.msk.f32 $0xffff, v29;
	(erf) = vpow2.f32 v35;
	v29 =	vld [tilespmem:s22+$0xFFFFFF60]  }
0x433: {  	v28 =	vadd.f32 v28, v38;
	v33 =	vmul.f32 v33, v39;
	[tilespmem:s26+$0x0] =	vst v48;
	v35 =	vmul.f32 s0, v41;
	v37, _, _ =	vpop (xrf2);
	v38 =	vld [tilespmem:s22+$0xFFFFFFE0]  }
0x434: {  	v23 =	vadd.f32 v24, v23;
	v24 =	vmul.f32 v27, v36;
	v39 =	vmul.f32 s0, v40;
	v32 =	vpop (erf);
	v36 =	vld [tilespmem:s22+$0x60]  }
0x435: {  	v26 =	vadd.f32 v33, v26;
	v31 =	vmul.f32 v43, v31;
	v33 =	vmul.f32 $1.442695020e+00, v35;
	(xrf2) =	vadd.scan.msk.f32 $0xffff, v28;
	v28 =	vld [tilespmem:s22+$0xE0]  }
0x436: {  	v35 =	vmul.f32 v19, v44;
	v19 =	vmul.f32 $1.442695020e+00, v39;
	[tilespmem:s26+$0xFFFFFE00] =	vst v32;
	(v2sf) =	vpush v42, $0xF;
	v27 =	vpop (erf);
	v39 =	vld [tilespmem:s22+$0x160]  }
0x437: {  	v34 =	vmul.f32 v34, v45;
	v31 =	vadd.f32 v31, v24;
	[tilespmem:s26+$0xFFFFFE10] =	vst v27;
	v40 =	vpop (erf);
	(erf) = vpow2.f32 v33;
	v33 =	vld [tilespmem:s25+$0xFFFFFFF0]  }
0x438: {  	v42 =	vmul.f32 v46, v47;
	v41 =	vld [tilespmem:s6+$0xFFFFFE40];
	[tilespmem:s26+$0x10] =	vst v40;
	(xrf2) =	vadd.scan.msk.f32 $0xffff, v23;
	v43 =	vpop (erf);
	(erf) = vpow2.f32 v19  }
0x439: {  	v30 =	vmul.f32 v8, v30;
	v45 =	vmul.f32 v9, v25;
	v44 =	vld [tilespmem:s6+$0x40];
	[tilespmem:s26+$0x80] =	vst v43;
	(v2sf) =	vpush v37, $0xF;
	v37 =	vpop (erf)  }
0x43a: {  	v24 =	vmul.f32 v10, v29;
	v23 =	vmul.f32 v13, v38;
	[tilespmem:s26+$0x90] =	vst v37;
	v25 =	vpop (erf);
	v9 =	vld [tilespmem:s25+$0x70]  }
0x43b: {  	v19 =	vmul.f32 v15, v36;
	v15 =	vmul.f32 v16, v28;
	v10 =	vld [tilespmem:s6+$0xC0];
	[tilespmem:s26+$0x100] =	vst v25;
	(xrf2) =	vadd.scan.msk.f32 $0xffff, v26;
	v26 =	vpop (erf)  }
0x43c: {  	v13 =	vmul.f32 v18, v39;
	[tilespmem:s26+$0x110] =	vst v26;
	v16, _, _ =	vpop (xrf2);
	v8 =	vmul.f32 v1, v33;
	v18 =	vld [tilespmem:s25+$0xF0];
	v1 =	vmov v11  }
0x43d: {  	v11 =	vmul.f32 v32, v41;
	[tilespmem:s26+$0xFFFFFEC0] =	vst v35;
	v28 =	vld [tilespmem:s6+$0x140];
	(v2sf) =	vpush v16, $0xF  }
0x43e: {  	v16 =	vld [tilespmem:s6+$0xFFFFFED0];
	[tilespmem:s26+$0xFFFFFF40] =	vst v34;
	v29 =	vmul.f32 v48, v44;
	(xrf2) =	vadd.scan.msk.f32 $0xffff, v31  }
0x43f: {  	[tilespmem:s26+$0xFFFFFE40] =	vst v11;
	v11 =	vld [tilespmem:s6+$0xFFFFFF50];
	v31, _, _ =	vpop (xrf2);
	v9 =	vmul.f32 v2, v9;
	v2 =	vmov v12  }
0x440: {  	v12 =	vld [tilespmem:s6+$0xFFFFFE50];
	[tilespmem:s26+$0xFFFFFFC0] =	vst v42;
	v32 =	vmul.f32 v43, v10;
	(v2sf) =	vpush v31, $0xF;
	v31 =	vpop (erf)  }
0x441: {  	v33 =	vld [tilespmem:s6+$0xFFFFFFD0];
	[tilespmem:s26+$0x1A0] =	vst v31;
	v34 =	vpop (erf);
	v10 =	vmul.f32 v3, v18;
	v3 =	vmov v14  }
0x442: {  	v28 =	vmul.f32 v25, v28;
	[tilespmem:s26+$0x1B0] =	vst v34;
	v18, _, _ =	vpop (xrf2);
	v25 =	vld [tilespmem:s25+$0x170];
	s25 =	smov.u32 s22;
	s22 =	smov.u32 s6  }
0x443: {  	v16 =	vmul.f32 v20, v16;
	[tilespmem:s26+$0x40] =	vst v29;
	v20 =	vld [tilespmem:s6+$0x1E0];
	(v2sf) =	vpush v18, $0xF  }
0x444: {  	v11 =	vmul.f32 v21, v11;
	v18 =	vld [tilespmem:s6+$0x50];
	[tilespmem:s26+$0xC0] =	vst v32  }
0x445: {  	v12 =	vmul.f32 v27, v12;
	v21 =	vld [tilespmem:s6+$0xD0];
	[tilespmem:s26+$0x140] =	vst v28;
	s0 =	spop (v2sf);
	v14, _, _ =	vpop (xrf2)  }
0x446: {  	s10 =	smul.f32 $1.767766920e-01, s0;
	[tilespmem:s26+$0xFFFFFED0] =	vst v16;
	v16 =	vmul.f32 v22, v33;
	v22 =	vld [tilespmem:s6+$0x150];
	(v2sf) =	vpush v14, $0xF  }
0x447: {  	[tilespmem:s26+$0xFFFFFE50] =	vst v12;
	v14 =	vld [tilespmem:s1+$0xFFFFFFB0];
	v12 =	vmul.f32 v7, v25;
	v7 =	vmov v17  }
0x448: {  	v17 =	vld [tilespmem:s1+$0xFFFFFF90];
	[tilespmem:s26+$0xFFFFFF50] =	vst v11;
	v11 =	vmul.f32 v31, v20;
	s0 =	spop (v2sf);
	v20, _, _ =	vpop (xrf2)  }
0x449: {  	s16 =	smul.f32 $1.767766920e-01, s0;
	v25 =	vld [tilespmem:s1+$0xFFFFFFD0];
	[tilespmem:s26+$0xFFFFFFD0] =	vst v16;
	v16 =	vmul.f32 v40, v18;
	(v2sf) =	vpush v20, $0xF  }
0x44a: {  	v18 =	vld [tilespmem:s1+$0xFFFFFFF0];
	v20 =	vmul.f32 v37, v21;
	[tilespmem:s26+$0x1E0] =	vst v11  }
0x44b: {  	[tilespmem:s26+$0x50] =	vst v16;
	v11 =	vmul.f32 v26, v22;
	v16 =	vld [tilespmem:s6+$0x1F0]  }
0x44c: {  	s0 =	spop (v2sf)  }
0x44d: {  	v21 =	vshll.u32 v14, $0x10;
	v22 =	vand.u32 $0xFFFF0000, v14;
	v31 =	vld [tilespmem:s1+$0x10];
	[tilespmem:s26+$0xD0] =	vst v20;
	s17 =	smul.f32 $1.767766920e-01, s0  }
.Ltmp2:
0x44e: {  	v14 =	vshll.u32 v17, $0x10;
	v20 =	vand.u32 $0xFFFF0000, v17;
	v17 =	vadd.f32 $1.000000000e+00, v21;
	v26 =	vld [tilespmem:s1+$0x30];
	[tilespmem:s26+$0x150] =	vst v11;
	(pc) =	sbr.rel @p0 .LBB2_7-.Ltmp2, $4  }
0x44f: {  	v21 =	vadd.f32 $1.000000000e+00, v14;
	v11 =	vshll.u32 v25, $0x10;
	v32 =	vand.u32 $0xFFFF0000, v25;
	v27 =	vld [tilespmem:s1+$0x50];
	[tilespmem:s18+$0xFFFFFE60] =	vst v30  }
0x450: {  	v25 =	vadd.f32 $1.000000000e+00, v20;
	v30 =	vshll.u32 v18, $0x10;
	v29 =	vand.u32 $0xFFFF0000, v18;
	s0 =	spop (v2sf);
	v14 =	vld [tilespmem:s25+$0xFFFFFE70];
	[tilespmem:s18+$0xFFFFFEE0] =	vst v45  }
0x451: {  	v20 =	vadd.f32 $1.000000000e+00, v22;
	v18 =	vadd.f32 $1.000000000e+00, v11;
	s2 =	smul.f32 $1.767766920e-01, s0;
	v28 =	vmul.f32 v34, v16;
	v16 =	vld [tilespmem:s25+$0xFFFFFEF0];
	[tilespmem:s18+$0xFFFFFF60] =	vst v24  }
0x452: {  	s6 =	sadd.s32 $0x400, s6;
	v22 =	vadd.f32 $1.000000000e+00, v32;
	v24 =	vshll.u32 v31, $0x10;
	v31 =	vand.u32 $0xFFFF0000, v31;
	v11 =	vld [tilespmem:s25+$0xFFFFFF70];
	[tilespmem:s18+$0xFFFFFFE0] =	vst v23  }
0x453: {  	v21 =	vmul.f32 s10, v21  }
0x454: {  	v23 =	vadd.f32 $1.000000000e+00, v30;
	v25 =	vmul.f32 s10, v25;
	v17 =	vmul.f32 s16, v17  }
0x455: {  	v29 =	vadd.f32 $1.000000000e+00, v29;
	v20 =	vmul.f32 s16, v20;
	v18 =	vmul.f32 s17, v18  }
0x456: {  	v22 =	vmul.f32 s17, v22;
	v23 =	vmul.f32 s2, v23  }
0x457: {  	s0 =	spop (v2sf);
	v29 =	vmul.f32 s2, v29;
	v21 =	vmul.f32 $1.442695020e+00, v21  }
0x458: {  	v24 =	vadd.f32 $1.000000000e+00, v24;
	s0 =	smul.f32 $1.767766920e-01, s0;
	v25 =	vmul.f32 $1.442695020e+00, v25;
	v17 =	vmul.f32 $1.442695020e+00, v17  }
0x459: {  	v31 =	vadd.f32 $1.000000000e+00, v31;
	v20 =	vmul.f32 $1.442695020e+00, v20;
	v18 =	vmul.f32 $1.442695020e+00, v18  }
0x45a: {  	v60 =	vshll.u32 v26, $0x10;
	v4 =	vmul.f32 v4, v14;
	v24 =	vmul.f32 s0, v24  }
0x45b: {  	v61 =	vand.u32 $0xFFFF0000, v26;
	[tilespmem:s26+$0x1F0] =	vst v28;
	s1 =	spop (v2sf);
	v31 =	vmul.f32 s0, v31;
	v63 =	vmul.f32 $1.442695020e+00, v22  }
0x45c: {  	[tilespmem:s18+$0x60] =	vst v19;
	v30 =	vadd.f32 $1.000000000e+00, v60;
	s1 =	smul.f32 $1.767766920e-01, s1;
	v6 =	vmul.f32 v6, v16;
	(erf) = vpow2.f32 v21  }
0x45d: {  	[tilespmem:s18+$0xE0] =	vst v15;
	v51 =	vld [tilespmem:s25+$0xFFFFFFF0];
	v26 =	vadd.f32 $1.000000000e+00, v61;
	v21 =	vmul.f32 $1.442695020e+00, v23;
	v22 =	vmul.f32 $1.442695020e+00, v29  }
0x45e: {  	[tilespmem:s18+$0x160] =	vst v13;
	v53 =	vld [tilespmem:s25+$0x70];
	v5 =	vmul.f32 v5, v11;
	v30 =	vmul.f32 s1, v30  }
0x45f: {  	[tilespmem:s24+$0xFFFFFFF0] =	vst v8;
	v26 =	vmul.f32 s1, v26;
	(erf) = vpow2.f32 v25  }
0x460: {  	[tilespmem:s24+$0x70] =	vst v9;
	v23 =	vmul.f32 $1.442695020e+00, v24;
	(erf) = vpow2.f32 v17  }
0x461: {  	[tilespmem:s24+$0xF0] =	vst v10;
	v24 =	vmul.f32 $1.442695020e+00, v31;
	(erf) = vpow2.f32 v20  }
0x462: {  	[tilespmem:s24+$0x170] =	vst v12;
	v32 =	vshll.u32 v27, $0x10;
	s6 =	spop (v2sf);
	v1 =	vmul.f32 v1, v51;
	(erf) = vpow2.f32 v18  }
0x463: {  	v32 =	vadd.f32 $1.000000000e+00, v32;
	[tilespmem:s18+$0xFFFFFE70] =	vst v4;
	s17 =	smul.f32 $1.767766920e-01, s6;
	v2 =	vmul.f32 v2, v53;
	(erf) = vpow2.f32 v63  }
0x464: {  	v62 =	vand.u32 $0xFFFF0000, v27;
	[tilespmem:s18+$0xFFFFFEF0] =	vst v6;
	v25 =	vmul.f32 $1.442695020e+00, v30;
	(erf) = vpow2.f32 v21  }
0x465: {  	v27 =	vadd.f32 $1.000000000e+00, v62;
	[tilespmem:s18+$0xFFFFFF70] =	vst v5;
	v32 =	vmul.f32 s17, v32;
	(erf) = vpow2.f32 v22  }
0x466: {  	v26 =	vmul.f32 $1.442695020e+00, v26;
	[tilespmem:s18+$0xFFFFFFF0] =	vst v1;
	(erf) = vpow2.f32 v23  }
0x467: {  	v27 =	vmul.f32 s17, v27;
	[tilespmem:s18+$0x70] =	vst v2;
	v28 =	vpop (erf);
	(erf) = vpow2.f32 v24  }
0x468: {  	v29 =	vmul.f32 $1.442695020e+00, v32;
	[tilespmem:s26+$0xFFFFFE20] =	vst v28;
	v30 =	vpop (erf);
	(erf) = vpow2.f32 v25  }
0x469: {  	v31 =	vmul.f32 $1.442695020e+00, v27;
	[tilespmem:s26+$0xFFFFFE30] =	vst v30;
	v32 =	vpop (erf);
	(erf) = vpow2.f32 v26  }
0x46a: {  	[tilespmem:s26+$0xFFFFFEA0] =	vst v32;
	v33 =	vpop (erf);
	(erf) = vpow2.f32 v29  }
0x46b: {  	[tilespmem:s26+$0xFFFFFEB0] =	vst v33;
	v34 =	vpop (erf);
	(erf) = vpow2.f32 v31  }
0x46c: {  	v35 =	vpop (erf);
	[tilespmem:s26+$0xFFFFFF20] =	vst v34  }
0x46d: {  	v36 =	vpop (erf);
	[tilespmem:s26+$0xFFFFFF30] =	vst v35  }
0x46e: {  	[tilespmem:s26+$0xFFFFFFA0] =	vst v36;
	v37 =	vpop (erf)  }
0x46f: {  	v55 =	vld [tilespmem:s25+$0xF0];
	v38 =	vpop (erf);
	[tilespmem:s26+$0xFFFFFFB0] =	vst v37  }
0x470: {  	v40 =	vld [tilespmem:s22+$0xFFFFFE60];
	[tilespmem:s26+$0x20] =	vst v38;
	v39 =	vpop (erf)  }
0x471: {  	v42 =	vld [tilespmem:s22+$0xFFFFFEE0];
	v41 =	vpop (erf);
	[tilespmem:s26+$0x30] =	vst v39  }
0x472: {  	v44 =	vld [tilespmem:s22+$0xFFFFFF60];
	v43 =	vpop (erf);
	[tilespmem:s26+$0xA0] =	vst v41  }
0x473: {  	v46 =	vld [tilespmem:s22+$0xFFFFFFE0];
	[tilespmem:s26+$0xB0] =	vst v43;
	v45 =	vpop (erf)  }
0x474: {  	v3 =	vmul.f32 v3, v55;
	v48 =	vld [tilespmem:s22+$0x60];
	[tilespmem:s26+$0x120] =	vst v45;
	v47 =	vpop (erf)  }
0x475: {  	v6 =	vmul.f32 v28, v40;
	v49 =	vld [tilespmem:s22+$0xE0];
	[tilespmem:s26+$0x130] =	vst v47  }
0x476: {  	[tilespmem:s18+$0xF0] =	vst v3;
	v12 =	vmul.f32 v32, v42;
	v50 =	vld [tilespmem:s22+$0x160]  }
0x477: {  	v57 =	vld [tilespmem:s25+$0x170];
	[tilespmem:s26+$0xFFFFFE60] =	vst v6;
	v8 =	vmul.f32 v34, v44  }
0x478: {  	v58 =	vld [tilespmem:s22+$0xFFFFFE70];
	[tilespmem:s26+$0xFFFFFEE0] =	vst v12;
	v52 =	vmul.f32 v36, v46  }
0x479: {  	v59 =	vld [tilespmem:s22+$0xFFFFFEF0];
	[tilespmem:s26+$0xFFFFFF60] =	vst v8;
	v54 =	vmul.f32 v38, v48  }
0x47a: {  	v60 =	vld [tilespmem:s22+$0xFFFFFF70];
	[tilespmem:s26+$0xFFFFFFE0] =	vst v52;
	v56 =	vmul.f32 v41, v49  }
0x47b: {  	v1 =	vld [tilespmem:s22+$0xFFFFFFF0];
	[tilespmem:s26+$0x60] =	vst v54;
	v5 =	vmul.f32 v45, v50  }
0x47c: {  	v61 =	vmul.f32 v7, v57;
	v2 =	vld [tilespmem:s22+$0x70];
	[tilespmem:s26+$0xE0] =	vst v56  }
0x47d: {  	v3 =	vmul.f32 v30, v58;
	v62 =	vld [tilespmem:s22+$0xF0];
	[tilespmem:s26+$0x160] =	vst v5  }
0x47e: {  	[tilespmem:s18+$0x170] =	vst v61;
	v4 =	vmul.f32 v33, v59;
	v63 =	vld [tilespmem:s22+$0x170]  }
0x47f: {  	[tilespmem:s26+$0xFFFFFE70] =	vst v3;
	v3 =	vmul.f32 v35, v60  }
0x480: {  	s23 =	sadd.s32 $0x1, s23;
	[tilespmem:s26+$0xFFFFFEF0] =	vst v4;
	v1 =	vmul.f32 v37, v1  }
0x481: {  	p0 =	sne.s32 s23, $0x7D;
	[tilespmem:s26+$0xFFFFFF70] =	vst v3;
	v2 =	vmul.f32 v39, v2  }
.Ltmp3:
0x482: {  	[tilespmem:s26+$0xFFFFFFF0] =	vst v1;
	v3 =	vmul.f32 v43, v62;
	(pc) =	sbr.rel @p0 .LBB2_4-.Ltmp3, $4  }
0x483: {  	[tilespmem:s26+$0x70] =	vst v2;
	v1 =	vmul.f32 v47, v63  }
0x484: {  	[tilespmem:s26+$0xF0] =	vst v3  }
0x485: {  	s25 =	simm.s32 $0x8390;
	[tilespmem:s26+$0x170] =	vst v1;
	s26 =	simm.s32 $0x140  }
0x486: {  	[spmem:s31] =	stream.indirect.scatter.add.f32 [tilespmem:s25], [sflag:$0x9], $0x80, s26, s30, $0xb8;
	[tilespmem:$0x1EB90] =	vst v63  }
0x487: {  	_ =	swait.ge [sflag:s21], $0x2800  }
0x488: {  	[sflag:s21] =	ssyncset.done $0x0  }
0x489: {  	[sflag:s21] =	ssyncadd.s32 $0xFFFFD800  }
0x48a: {  	s0 =	stileid.u32;
	[bflag:$0x0] =	sbarrier.arrive $0xFFFF  }
0x48b: {  	s0 =	sshll.u32 s0, $0x6;
	s1 =	rddreg [dreg:$0xa]  }
0x48c: {  	s0 =	sor.u32 $0x1C0A, s0;
	s2 =	rddreg [dreg:$0x13]  }
0x48d: {  	[hbm:s1], [sflag:s0] =	dma.local [spmem:s2], $0x2800  }
0x48e: {  	_ =	swait.ge [sflag:s28], $0x2800  }
0x48f: {  	s25 =	rddreg [dreg:$0x15]  }
0x490: {  	s26 =	rddreg [dreg:$0xb];
	s1 =	sadd.s32 $0x1, s25  }
0x491: {  	p0 =	sne.s32 s1, s26  }
.Ltmp4:
0x492: {  	_ = 	snop;
	(pc) =	sbr.rel @p0 .LBB2_1-.Ltmp4, $3  }
0x493: {  	_ =	sdelay $0x1  }
0x494: {  	[sflag:s28] =	ssyncset.done $0x0  }
0x495: {  	[sflag:s28] =	ssyncadd.s32 $0xFFFFD800  }
0x496: {  	_ =	sfence.sel $0x180000  }
0x497: {  	[bflag:$0x0] =	sbarrier.arrive $0xFFFF  }
0x498: {  	_ =	strace $0x9000004A  }
0x499: {  	s0 =	stileid.u32;
	[bflag:$0x2] =	sbarrier.arrive $0xFFFF  }
0x49a: {  	p0 =	sne.s32 s0, $0x0;
	s0 =	rddreg [dreg:$0x3]  }
0x49b: {  	s0 =	sadd.s32 @!p0 $0x100000, s0  }
0x49c: {  	[sflag:s0] =	ssyncadd.tile.s32 @!p0 $0x1;
	_ =	shalt  }
.Lfunc_end2:
_tile_overlayer_lowered:
.L_overlay_start_2:
0x49d: {  	(tag) =	ssettag $0x2  }
0x49e: {  	s0 =	rddreg [dreg:$0x0];
	s2 =	stileid.u32  }
0x49f: {  	s1 =	rddreg [dreg:$0x1];
	p0 =	sne.s32 s2, $0x0  }
0x4a0: {  	s3 =	rddreg [dreg:$0x2];
	[bflag:$0x3] =	sbarrier.arrive $0xFFFF;
	s2 =	simm.s32 @!p0 $0x1C0A  }
0x4a1: {  	[timem:s3], [sflag:s2] =	dma.local @!p0 [hbm:s0], s1  }
0x4a2: {  	s0 =	simm.s32 @!p0 $0xA  }
0x4a3: {  	_ =	swait.ge @!p0 [sflag:s0], s1  }
0x4a4: {  	s1 =	ssub.s32 @!p0 $0x0, s1;
	[sflag:s0] =	ssyncset.done @!p0 $0x0  }
0x4a5: {  	[sflag:s0] =	ssyncadd.s32 @!p0 s1  }
0x4a6: {  	[bflag:$0x3] =	sbarrier.arrive $0xFFFF  }
0x4a7: {  	_ =	shalt  }

// kernel: sparse-core-data-format-call.cloned.1.call-start
scs
called_computation_lowered:
.L_overlay_start_0:
0x0: {  	s1 =	sld [smem:$0x3FD9]  }
0x1: {  	s2 =	sld [smem:$0x3FFE];
	_ =	sdelay $0x1  }
0x2: {  	s3 =	srdreg.scid  }
0x3: {  	s0 =	sand.u32 $0x1, s3  }
0x4: {  	s17 =	sshll.u32 s0, $0xA;
	s1 =	sadd.s32 s2, s1  }
0x5: {  	s1 =	sadd.s32 s1, s17  }
0x6: {  	[smem:$0x3FB7] =	sst s1  }
0x7: {  	_ = 	snop  }
0x8: {  	(tm) =	ssettm $0x1  }
0x9: {  	s18 =	sld [smem:$0x3FFB];
	_ =	sdelay $0x3  }
0xa: {  	_ =	strace s18  }
0xb: {  	s1 =	sld [smem:$0x3FFC];
	_ =	sdelay $0x3  }
0xc: {  	_ =	strace s1  }
0xd: {  	s1 =	sld [smem:$0x3FFD];
	_ =	sdelay $0x3  }
0xe: {  	_ =	strace s1  }
0xf: {  	_ =	strace $0x8FFFFFFF  }
0x10: {  	s19 =	sld [smem:$0x3FDB];
	_ =	sdelay $0x1  }
0x11: {  	s20 =	simm.s32 $_scs_section_size  }
0x12: {  	s4 =	simm.s32 $_size__tile_overlayer_lowered;
	s5 =	simm.s32 $_tile_overlayer_lowered  }
0x13: {  	s23 =	simm.s32 $0x1BFF;
	s22 =	sshll.u32 s5, $0x1;
	s1 =	sadd.s32 s20, s19  }
0x14: {  	s6 =	simm.s32 $0x0;
	s21 =	sshll.u32 s4, $0x1;
	s4 =	sadd.s32 s22, s1  }
0x15: {  	[timem:s6], [sflag:s23] =	dma.local [hbm:s4], s21  }
0x16: {  	_ =	swait.ge [sflag:s23], s21  }
0x17: {  	s2 =	ssub.s32 $0x0, s21;
	[sflag:s23] =	ssyncset.done $0x0  }
0x18: {  	[sflag:s23] =	ssyncadd.s32 s2;
	_ =	sdelay $0x1  }
0x19: {  	s24 =	simm.s32 $0x1B8B  }
0x1a: {  	_ =	swait.ge [sflag:s24], $0x1  }
0x1b: {  	[sflag:s24] =	ssyncset.done $0x0  }
0x1c: {  	s26 =	simm.s32 $0x1B8E;
	s25 =	sld [smem:$0x3FFE];
	[sflag:s24] =	ssyncadd.s32 $0xFFFFFFFF  }
0x1d: {  	s27 =	simm.s32 $execute0_lowered;
	[smem:$0x3FD2] =	sst s26  }
0x1e: {  	s4 =	sshll.u32 s27, $0x1;
	_ =	strace $0x80000046;
	[dreg:$0x1] =	wrdreg $0xFFFFFFFF  }
0x1f: {  	s28 =	simm.s32 $_size_execute0_lowered;
	s1 =	sadd.s32 s1, s4;
	[dreg:$0x0] =	wrdreg $0x0  }
0x20: {  	s4 =	sshll.u32 s28, $0x1;
	[dreg:$0x2] =	wrdreg s1  }
0x21: {  	[dreg:$0x3] =	wrdreg s4  }
0x22: {  	[dreg:$0x4] =	wrdreg $0xC0  }
0x23: {  	_ =	task [dreg:s6], $0x5FFFF  }
0x24: {  	[dreg:$0x1] =	wrdreg $0xFFFFFFFF  }
0x25: {  	[dreg:$0x0] =	wrdreg $0x60  }
0x26: {  	[dreg:$0x2] =	wrdreg s25  }
0x27: {  	[dreg:$0x3] =	wrdreg $0x9  }
0x28: {  	_ =	task.clear_ibuf [dreg:s6], $0x4FFFF;
	_ =	strace $0x90000046  }
0x29: {  	s29 =	simm.s32 $0x9;
	_ =	strace $0x80000048  }
0x2a: {  	_ =	swait.ge [sflag:s29], $0x1  }
0x2b: {  	[sflag:s29] =	ssyncadd.s32 $0xFFFFFFFF  }
0x2c: {  	_ =	strace $0x90000048  }
0x2d: {  	_ =	sfence  }
0x2e: {  	s30 =	sld [smem:$0x0];
	_ =	sdelay $0x2  }
0x2f: {  	s31 =	sshll.u32 s3, $0xD;
	s3 =	sshrl.u32 s3, $0x2  }
0x30: {  	s2 =	sand.u32 $0x4000, s31;
	s1 =	sadd.s32 s3, s30  }
0x31: {  	s0 =	sor.u32 s2, s0;
	s1 =	sshll.u32 s1, $0x11  }
0x32: {  	s0 =	sor.u32 s1, s0  }
0x33: {  	s0 =	sadd.s32 $0x8F2B, s0  }
0x34: {  	[sflag:s0] =	ssyncadd.remote.s32 $0x1  }
0x35: {  	_ =	sfence.sel $0xFFFF  }
0x36: {  	[dreg:$0x0] =	wrdreg $0xFFFFFFFF;
	(pc) =	sbr.abs _section_cstart, $3  }
0x37: {  	[dreg:$0x1] =	wrdreg $0xFFFFFFFF  }
0x38: {  	_ =	task.clear_ibuf [dreg:s6], $0x2FFFF;
	_ =	strace $0x9FFFFFFF  }
0x39: {  	(tm) =	ssettm $0x7FFFFFFF  }
tec
execute0_lowered:
.L_overlay_start_1:
0x0: {  	(tag) =	ssettag $0x1  }
0x1: {  	s0 =	srdreg.scid  }
0x2: {  	s1 =	sshll.u32 s0, $0x4  }
0x3: {  	s4 =	rddreg [dreg:$0x0];
	s0 =	stileid.u32;
	s1 =	sand.u32 $0x10, s1  }
0x4: {  	s7 =	simm.s32 $0x1;
	s8 =	simm.s32 $0x2;
	s1 =	sor.u32 s0, s1  }
0x5: {  	s9 =	simm.s32 $0x0;
	s12 =	simm.s32 $0x0;
	s2 =	sshll.u32 s1, $0x4  }
0x6: {  	s11 =	simm.s32 $0x0;
	s3 =	sadd.s32 $0x2200, s4;
	s6 =	ssub.s32 $0x4E20, s2  }
.Ltmp0:
0x7: {  	s4 =	sadd.s32 $0x273200, s4;
	s5 =	sand.u32 $0x1F0, s6;
	(pc) =	sbr.rel .LBB1_1-.Ltmp0, $4  }
0x8: {  	s1 =	rddreg [dreg:$0x1];
	_ =	strace $0x80000047;
	p0 =	sne.s32 s5, $0x0  }
0x9: {  	s6 =	sshrl.u32 s6, $0x9;
	s5 =	simm.s32 $0x1;
	s7 =	simm.s32 @!p0 $0x0  }
0xa: {  	s10 =	smov.u32 s2;
	[sflag:s5] =	ssyncpa.u1 $0x0;
	s6 =	sadd.s32 s7, s6  }
0xb: {  	[sflag:s8] =	ssyncpa.u1 $0x0;
	s8 =	simm.s32 $0x0;
	s7 =	sadd.s32 $0x1, s6  }
.LBB1_7:
0xc: {  	s14 =	sadd.s32 $0x200, s10  }
0xd: {  	p1 =	sgt.s32 s14, $0x4E1F  }
0xe: {  	s14 =	smov.u32 @p1 s2;
	p1 =	sne.s32 s11, s7  }
.Ltmp1:
0xf: {  	p0 =	slt.u32 s11, $0x2;
	(pc) =	sbr.rel @!p1 .LBB1_8-.Ltmp1, $4  }
0x10: {  	s13 =	simm.s32 @!p0 $0x2  }
0x11: {  	s15 =	sadd.s32 $0x1, s11;
	_ =	swait.ge @!p0 [sflag:s13], $0x4000  }
0x12: {  	s12 =	smov.u32 s10;
	s9 =	sadd.s32 $0x8000, s9;
	[sflag:s13] =	ssyncset.done @!p0 $0x0  }
0x13: {  	s11 =	smov.u32 s15;
	s10 =	smov.u32 s14;
	[sflag:s13] =	ssyncadd.s32 @!p0 $0xFFFFC000  }
.LBB1_1:
0x14: {  	p0 =	sge.u32 s11, s6  }
0x15: {  	s13 =	sxor.u32 @!p0 $0xFFFFFFFF, s11  }
0x16: {  	s31 =	sadd.s32 $0xFFFFFFFF, s11;
	s14 =	sshll.u32 @!p0 s10, $0x7;
	s13 =	sshll.u32 @!p0 s13, $0xE  }
0x17: {  	s15 =	simm.s32 @!p0 $0x0;
	s14 =	sadd.s32 @!p0 s3, s14;
	s13 =	sand.u32 @!p0 $0x4000, s13  }
0x18: {  	[tilespmem:s13], [sflag:$0x1] =	stream.linear.gather @!p0 [hbm4b:s14+s15], $0x4000, $0x38;
	[tilespmem:$0x10000] =	vst v63  }
0x19: {  	p0 =	sge.u32 s31, s6  }
.Ltmp2:
0x1a: {  	_ = 	snop;
	(pc) =	sbr.rel @p0 .LBB1_7-.Ltmp2, $1  }
0x1b: {  	_ =	sdelay $0x3  }
0x1c: {  	s13 =	sshrl.u32 s9, $0x1;
	_ =	swait.ge [sflag:s5], $0x4000  }
0x1d: {  	s15 =	sshll.u32 s11, $0xE;
	s16 =	simm.s32 $0x0;
	s14 =	sand.u32 $0x4000, s13  }
0x1e: {  	[sflag:s5] =	ssyncset.done $0x0;
	s15 =	sand.u32 $0x4000, s15;
	s13 =	sor.u32 $0x200, s14  }
0x1f: {  	s14 =	sor.u32 $0x8080, s14;
	[sflag:s5] =	ssyncadd.s32 $0xFFFFC000;
	s15 =	sor.u32 $0x8000, s15  }
.LBB1_3:
0x20: {  	v0 =	vld [tilespmem:s13+$0xFFFFFE70]  }
0x21: {  	v1 =	vld [tilespmem:s13+$0x70]  }
0x22: {  	v2 =	vld [tilespmem:s13+$0x0]  }
0x23: {  	v3 =	vld [tilespmem:s13+$0xFFFFFE10]  }
0x24: {  	v4 =	vld [tilespmem:s13+$0x10]  }
0x25: {  	v5 =	vld [tilespmem:s13+$0xFFFFFE20]  }
0x26: {  	v7 =	vld [tilespmem:s13+$0x20]  }
0x27: {  	v11 =	vld [tilespmem:s13+$0x30];
	v6 =	vunpack.i.l.s16.s32 v0;
	v8 =	vunpack.i.u.s16.s32 v0;
	v9 =	vunpack.i.u.s16.s32 v1  }
0x28: {  	v10 =	vunpack.i.l.s16.s32 v1;
	v0 =	vunpack.i.u.s16.s32 v2;
	v1 =	vunpack.i.l.s16.s32 v2;
	v2 =	vld [tilespmem:s13+$0xFFFFFE30]  }
0x29: {  	v8 =	vpack.i.b32.b16 v9, v8;
	v9 =	vunpack.i.u.s16.s32 v3;
	v3 =	vunpack.i.l.s16.s32 v3  }
0x2a: {  	v12 =	vld [tilespmem:s13+$0xFFFFFE40];
	v6 =	vpack.i.b32.b16 v10, v6;
	[tilespmem:s14+$0x70] =	vst v8;
	v8 =	vunpack.i.u.s16.s32 v4;
	v4 =	vunpack.i.l.s16.s32 v4  }
0x2b: {  	v13 =	vld [tilespmem:s13+$0x40];
	v10 =	vunpack.i.u.s16.s32 v5;
	v5 =	vunpack.i.l.s16.s32 v5;
	[tilespmem:s14+$0xFFFFFFF0] =	vst v6;
	v3 =	vpack.i.b32.b16 v4, v3  }
0x2c: {  	v6 =	vunpack.i.l.s16.s32 v7;
	v4 =	vld [tilespmem:s13+$0xFFFFFE50];
	[tilespmem:s14+$0xFFFFFF90] =	vst v3;
	v3 =	vpack.i.b32.b16 v8, v9;
	v8 =	vunpack.i.u.s16.s32 v7  }
0x2d: {  	v7 =	vunpack.i.l.s16.s32 v11;
	[tilespmem:s14+$0x10] =	vst v3;
	v3 =	vpack.i.b32.b16 v6, v5;
	v9 =	vunpack.i.u.s16.s32 v2;
	v6 =	vld [tilespmem:s13+$0x50]  }
0x2e: {  	v5 =	vunpack.i.l.s16.s32 v2;
	v2 =	vld [tilespmem:s13+$0xFFFFFE60];
	[tilespmem:s14+$0xFFFFFFA0] =	vst v3;
	v3 =	vpack.i.b32.b16 v8, v10;
	v10 =	vunpack.i.u.s16.s32 v11  }
0x2f: {  	s19 =	simm.s32 $0x0;
	v11 =	vpack.i.b32.b16 v7, v5;
	v7 =	vunpack.i.u.s16.s32 v12;
	v8 =	vunpack.i.l.s16.s32 v12;
	[tilespmem:s14+$0x20] =	vst v3;
	v3 =	vld [tilespmem:s13+$0x60]  }
0x30: {  	s20 =	sadd.s32 $0x80, s13;
	s18 =	smov.u32 s14;
	s17 =	smov.u32 s14;
	v5 =	vld [tilespmem:s13+$0xFFFFFE00];
	[tilespmem:s14+$0xFFFFFFB0] =	vst v11;
	v10 =	vpack.i.b32.b16 v10, v9;
	v9 =	vunpack.i.u.s16.s32 v13;
	v11 =	vunpack.i.l.s16.s32 v13  }
.LBB1_4:
0x31: {  	v12 =	vld [tilespmem:s20+$0xFFFFFE70];
	[tilespmem:s18+$0x30] =	vst v10;
	v8 =	vpack.i.b32.b16 v11, v8;
	v10 =	vunpack.i.u.s16.s32 v4;
	v4 =	vunpack.i.l.s16.s32 v4  }
0x32: {  	s19 =	sadd.s32 $0x2, s19;
	v7 =	vpack.i.b32.b16 v9, v7;
	v11 =	vld [tilespmem:s20+$0x70];
	[tilespmem:s18+$0xFFFFFFC0] =	vst v8;
	v8 =	vunpack.i.u.s16.s32 v6;
	v6 =	vunpack.i.l.s16.s32 v6  }
0x33: {  	p0 =	slt.u32 s19, $0x6;
	v9 =	vld [tilespmem:s20+$0x0];
	[tilespmem:s18+$0x40] =	vst v7;
	v4 =	vpack.i.b32.b16 v6, v4;
	v6 =	vunpack.i.u.s16.s32 v2;
	v2 =	vunpack.i.l.s16.s32 v2  }
0x34: {  	v7 =	vld [tilespmem:s20+$0xFFFFFE10];
	[tilespmem:s18+$0xFFFFFFD0] =	vst v4;
	v4 =	vpack.i.b32.b16 v8, v10;
	v8 =	vunpack.i.u.s16.s32 v3;
	v3 =	vunpack.i.l.s16.s32 v3  }
0x35: {  	v10 =	vld [tilespmem:s20+$0x10];
	v13 =	vunpack.i.u.s16.s32 v5;
	v5 =	vunpack.i.l.s16.s32 v5;
	[tilespmem:s18+$0x50] =	vst v4;
	v2 =	vpack.i.b32.b16 v3, v2  }
0x36: {  	v3 =	vld [tilespmem:s20+$0xFFFFFE20];
	v4 =	vunpack.i.l.s16.s32 v12;
	v1 =	vpack.i.b32.b16 v1, v5;
	v5 =	vpack.i.b32.b16 v0, v13;
	[tilespmem:s18+$0xFFFFFFE0] =	vst v2  }
0x37: {  	v12 =	vunpack.i.u.s16.s32 v12;
	v2 =	vld [tilespmem:s20+$0x20];
	v13 =	vunpack.i.u.s16.s32 v11;
	v11 =	vunpack.i.l.s16.s32 v11;
	[tilespmem:s18+$0xFFFFFF80] =	vst v1  }
0x38: {  	s18 =	sadd.s32 $0x100, s18;
	v0 =	vunpack.i.u.s16.s32 v9;
	v1 =	vunpack.i.l.s16.s32 v9;
	v9 =	vld [tilespmem:s20+$0xFFFFFE30];
	v12 =	vpack.i.b32.b16 v13, v12;
	[tilespmem:s17+$0x0] =	vst v5  }
0x39: {  	v6 =	vpack.i.b32.b16 v8, v6;
	v5 =	vunpack.i.u.s16.s32 v7;
	v7 =	vunpack.i.l.s16.s32 v7;
	v13 =	vld [tilespmem:s20+$0x30];
	[tilespmem:s18+$0x70] =	vst v12  }
0x3a: {  	v4 =	vpack.i.b32.b16 v11, v4;
	v8 =	vunpack.i.u.s16.s32 v10;
	v10 =	vunpack.i.l.s16.s32 v10;
	v12 =	vld [tilespmem:s20+$0xFFFFFE40];
	[tilespmem:s17+$0x60] =	vst v6;
	s17 =	smov.u32 s18  }
0x3b: {  	v6 =	vpack.i.b32.b16 v10, v7;
	v7 =	vunpack.i.u.s16.s32 v3;
	v3 =	vunpack.i.l.s16.s32 v3;
	v11 =	vld [tilespmem:s20+$0x40];
	[tilespmem:s18+$0xFFFFFFF0] =	vst v4  }
.Ltmp3:
0x3c: {  	v5 =	vpack.i.b32.b16 v8, v5;
	[tilespmem:s18+$0xFFFFFF90] =	vst v6;
	v8 =	vunpack.i.u.s16.s32 v2;
	v2 =	vunpack.i.l.s16.s32 v2;
	v4 =	vld [tilespmem:s20+$0xFFFFFE50];
	(pc) =	sbr.rel @p0 .LBB1_4-.Ltmp3, $4  }
0x3d: {  	[tilespmem:s18+$0x10] =	vst v5;
	v2 =	vpack.i.b32.b16 v2, v3;
	v10 =	vunpack.i.u.s16.s32 v9;
	v3 =	vunpack.i.l.s16.s32 v9;
	v6 =	vld [tilespmem:s20+$0x50]  }
0x3e: {  	v5 =	vpack.i.b32.b16 v8, v7;
	[tilespmem:s18+$0xFFFFFFA0] =	vst v2;
	v9 =	vunpack.i.u.s16.s32 v13;
	v7 =	vunpack.i.l.s16.s32 v13;
	v2 =	vld [tilespmem:s20+$0xFFFFFE60]  }
0x3f: {  	[tilespmem:s18+$0x20] =	vst v5;
	v13 =	vpack.i.b32.b16 v7, v3;
	v7 =	vunpack.i.u.s16.s32 v12;
	v8 =	vunpack.i.l.s16.s32 v12;
	v3 =	vld [tilespmem:s20+$0x60]  }
0x40: {  	v10 =	vpack.i.b32.b16 v9, v10;
	v5 =	vld [tilespmem:s20+$0xFFFFFE00];
	[tilespmem:s18+$0xFFFFFFB0] =	vst v13;
	v9 =	vunpack.i.u.s16.s32 v11;
	v11 =	vunpack.i.l.s16.s32 v11;
	s20 =	sadd.s32 $0x80, s20  }
0x41: {  	[tilespmem:s18+$0x30] =	vst v10;
	v8 =	vpack.i.b32.b16 v11, v8  }
0x42: {  	v51 =	vunpack.i.l.s16.s32 v4;
	v7 =	vpack.i.b32.b16 v9, v7;
	[tilespmem:s18+$0xFFFFFFC0] =	vst v8;
	v52 =	vunpack.i.l.s16.s32 v6  }
0x43: {  	v53 =	vunpack.i.u.s16.s32 v4;
	s16 =	sadd.s32 $0x1, s16;
	v54 =	vunpack.i.u.s16.s32 v6;
	[tilespmem:s18+$0x40] =	vst v7;
	v55 =	vpack.i.b32.b16 v52, v51  }
0x44: {  	p0 =	sne.s32 s16, $0x10;
	v56 =	vunpack.i.l.s16.s32 v2;
	v4 =	vpack.i.b32.b16 v54, v53;
	[tilespmem:s18+$0xFFFFFFD0] =	vst v55;
	v57 =	vunpack.i.l.s16.s32 v3  }
.Ltmp4:
0x45: {  	[tilespmem:s18+$0x50] =	vst v4;
	v58 =	vunpack.i.l.s16.s32 v5;
	v59 =	vpack.i.b32.b16 v57, v56;
	(pc) =	sbr.rel @p0 .LBB1_3-.Ltmp4, $4  }
0x46: {  	v61 =	vunpack.i.u.s16.s32 v2;
	v62 =	vunpack.i.u.s16.s32 v3;
	v1 =	vpack.i.b32.b16 v1, v58;
	[tilespmem:s18+$0xFFFFFFE0] =	vst v59  }
0x47: {  	v60 =	vunpack.i.u.s16.s32 v5;
	v63 =	vpack.i.b32.b16 v62, v61;
	[tilespmem:s18+$0xFFFFFF80] =	vst v1  }
0x48: {  	v0 =	vpack.i.b32.b16 v0, v60;
	[tilespmem:s17+$0x60] =	vst v63  }
0x49: {  	s13 =	sadd.s32 $0x400, s13;
	s14 =	sadd.s32 $0x400, s14;
	[tilespmem:s17+$0x0] =	vst v0  }
.Ltmp5:
0x4a: {  	(pc) =	sbr.rel .LBB1_7-.Ltmp5, $4  }
0x4b: {  	_ = 	snop  }
0x4c: {  	s12 =	sshll.u32 s12, $0x7  }
0x4d: {  	s12 =	sadd.s32 s4, s12  }
0x4e: {  	[hbm4b:s12+s8] =	stream.linear.scatter [tilespmem:s15], [sflag:$0x2], $0x4000, $0x38;
	[tilespmem:$0x10000] =	vst v63  }
.LBB1_8:
0x4f: {  	_ =	sfence.sel $0x180000  }
0x50: {  	s2 =	simm.s32 $0x1;
	[bflag:$0x0] =	sbarrier.arrive $0xFFFF  }
0x51: {  	s31 =	simm.s32 $0x2;
	[sflag:s2] =	ssyncpa.u1 $0x1  }
0x52: {  	[sflag:s31] =	ssyncpa.u1 $0x1  }
0x53: {  	p0 =	sne.s32 s0, $0x0;
	_ =	strace $0x90000047  }
0x54: {  	s0 =	sadd.s32 @!p0 $0x100000, s1;
	[bflag:$0x2] =	sbarrier.arrive $0xFFFF  }
0x55: {  	[sflag:s0] =	ssyncadd.tile.s32 @!p0 $0x1;
	_ =	shalt  }
.Lfunc_end1:
_tile_overlayer_lowered:
.L_overlay_start_2:
0x56: {  	(tag) =	ssettag $0x2  }
0x57: {  	s0 =	rddreg [dreg:$0x0];
	s2 =	stileid.u32  }
0x58: {  	s1 =	rddreg [dreg:$0x1];
	p0 =	sne.s32 s2, $0x0  }
0x59: {  	s3 =	rddreg [dreg:$0x2];
	[bflag:$0x3] =	sbarrier.arrive $0xFFFF;
	s2 =	simm.s32 @!p0 $0x1C01  }
0x5a: {  	[timem:s3], [sflag:s2] =	dma.local @!p0 [hbm:s0], s1  }
0x5b: {  	s0 =	simm.s32 @!p0 $0x1  }
0x5c: {  	_ =	swait.ge @!p0 [sflag:s0], s1  }
0x5d: {  	s1 =	ssub.s32 @!p0 $0x0, s1;
	[sflag:s0] =	ssyncset.done @!p0 $0x0  }
0x5e: {  	[sflag:s0] =	ssyncadd.s32 @!p0 s1  }
0x5f: {  	[bflag:$0x3] =	sbarrier.arrive $0xFFFF  }
0x60: {  	_ =	shalt  }

</sc_bundles>
